<compile_context>
chip_gen: v7x
topology: tpu7x:2x2x1
jax: 0.10.2.dev20260603
libtpu: 0.0.44.dev20260713+nightly
codegen_flags: <defaults>
</compile_context>

<pallas_src>
import functools

import jax
import jax.numpy as jnp
from jax import lax
from jax.experimental import pallas as pl
from jax.experimental.pallas import tpu as pltpu
from jax.experimental.pallas import tpu_sc as plsc

NBUF = 16


def kernel(token_ids, weight):
    B, S = token_ids.shape
    V, D = weight.shape
    SP = 56
    CW = 104

    info = plsc.get_sparse_core_info()
    NW = info.num_cores * info.num_subcores
    BPW = B // NW
    NCH = BPW // 2

    npad = CW - 2 * S
    pad_ids = (
        jnp.arange(B // 2 * npad, dtype=token_ids.dtype) * 4099
    ) % V
    idx3d = jnp.concatenate(
        [token_ids.reshape(B // 2, 2 * S), pad_ids.reshape(B // 2, npad)],
        axis=1,
    ).reshape(NW, NCH, CW)

    mesh = plsc.VectorSubcoreMesh(core_axis_name="c", subcore_axis_name="s")

    @functools.partial(
        pl.kernel,
        mesh=mesh,
        compiler_params=pltpu.CompilerParams(use_tc_tiling_on_sc=False),
        out_type=jax.ShapeDtypeStruct((B, SP, 128), jnp.float32),
        scratch_types=[
            pltpu.VMEM((NCH, CW), jnp.int32),
            pltpu.VMEM((NBUF, CW, D), jnp.float32),
            pltpu.SemaphoreType.DMA((NBUF,)),
        ],
    )
    def k(idx_hbm, table_hbm, out_hbm, idx_v, rows_v, sems):
        wid = lax.axis_index("s") * info.num_cores + lax.axis_index("c")
        b0 = wid * BPW
        pltpu.sync_copy(idx_hbm.at[wid], idx_v)

        def start(c, slot):
            pltpu.async_copy(
                table_hbm.at[idx_v.at[c]], rows_v.at[slot], sems.at[slot]
            )

        def wait(slot):
            pltpu.make_async_copy(
                table_hbm.at[idx_v.at[0]], rows_v.at[slot], sems.at[slot]
            ).wait()

        def store(c, slot):
            bg = b0 + 2 * c
            pltpu.sync_copy(
                rows_v.at[slot, pl.ds(0, S)],
                out_hbm.at[bg, pl.ds(0, S), pl.ds(0, D)],
            )
            pltpu.sync_copy(
                rows_v.at[slot, pl.ds(S, S)],
                out_hbm.at[bg + 1, pl.ds(0, S), pl.ds(0, D)],
            )

        for slot in range(NBUF):
            start(slot, slot)

        def body(r, _):
            for slot in range(NBUF):
                c = r * NBUF + slot
                wait(slot)
                store(c, slot)
                start(c + NBUF, slot)
            return 0

        lax.fori_loop(0, NCH // NBUF - 1, body, 0)
        for slot in range(NBUF):
            c = NCH - NBUF + slot
            wait(slot)
            store(c, slot)

    return k(idx3d, weight)[:, :S, :D]

# --- scband reference (transcript-rebuilt; emitter-appended) ---
"""Pipeline reference for scband-embedding-10471130268199 (READ-ONLY COPY).

The authoritative reference and input builder live on the scoring server;
editing this copy changes nothing except your own understanding.
"""

import jax, jax.numpy as jnp
import numpy as np

NUM_EMBEDDINGS = 1000000
EMBEDDING_DIM = 64

def setup_inputs(seed: int = 0) -> dict:
    key = jax.random.key(seed)
    k_idx, k_w = jax.random.split(key)
    token_ids = jax.random.randint(k_idx, (4096, 50), 0, NUM_EMBEDDINGS, dtype=jnp.int64) if jax.config.jax_enable_x64 else jax.random.randint(k_idx, (4096, 50), 0, NUM_EMBEDDINGS, dtype=jnp.int32)
    # trunc_normal(mean=0, std=1, a=-3, b=3) init for the embedding table
    weight = jax.random.truncated_normal(k_w, -3.0, 3.0, (NUM_EMBEDDINGS, EMBEDDING_DIM), dtype=jnp.float32)
    return {"token_ids": token_ids, "weight": weight}

def reference(token_ids, weight):
    # Faithful translation of Embedding.forward: embeds = self.weight[token_ids]
    embeds = jnp.take(weight, token_ids, axis=0)
    return embeds

if __name__ == "__main__":
    import jax
    _d = setup_inputs()
    print(jax.jit(kernel)(*tuple(_d.values())))

</pallas_src>

<mosaic_0001>
#map = affine_map<(d0, d1) -> (0, 0, 0)>
#map1 = affine_map<(d0, d1) -> (0, 0)>
module attributes {stable_mosaic.version = 14 : i64} {
  func.func @k(%arg0: i32, %arg1: i32, %arg2: memref<32x64x104xi32, #tpu.memory_space<hbm>>, %arg3: memref<1000000x64xf32, #tpu.memory_space<hbm>>, %arg4: memref<4096x56x128xf32, #tpu.memory_space<hbm>>, %arg5: memref<64x104xi32, #tpu.memory_space<vmem>>, %arg6: memref<16x104x64xf32, #tpu.memory_space<vmem>>, %arg7: memref<16x!tpu.dma_semaphore, #tpu.memory_space<semaphore_mem>>) attributes {dimension_semantics = [#tpu.dimension_semantics<core_parallel>, #tpu.dimension_semantics<subcore_parallel>], iteration_bounds = array<i64: 2, 16>, scalar_prefetch = 0 : i64, scratch_operands = 3 : i64, tpu.core_type = #tpu.core_type<sc_vector_subcore>, window_params = [{transform_indices = #map}, {transform_indices = #map1}, {transform_indices = #map}]} {
    %mul3A = arith.constant 2 : i32
    %mul3A_0 = arith.muli %arg1, %mul3A : i32
    %add3A = arith.addi %mul3A_0, %arg0 : i32
    %mul3A_1 = arith.constant 128 : i32
    %mul3A_2 = arith.muli %add3A, %mul3A_1 : i32
    "tpu.region"() ({
      %run_scoped3A_582 = tpu.sem_alloc : memref<!tpu.dma_semaphore, #tpu.memory_space<semaphore_mem>>
      %dma_start3A_583 = arith.constant 0 : i32
      %dma_start3A_584 = arith.constant 0 : i32
      %dma_start3A_585 = tpu.memref_slice %arg2[%add3A, %dma_start3A_583, %dma_start3A_584] : memref<32x64x104xi32, #tpu.memory_space<hbm>> -> memref<1x64x104xi32, #tpu.memory_space<hbm>>
      %dma_start3A_586 = tpu.memref_squeeze %dma_start3A_585 : memref<1x64x104xi32, #tpu.memory_space<hbm>> -> memref<64x104xi32, #tpu.memory_space<hbm>>
      %dma_start3A_587 = arith.constant 0 : i32
      %dma_start3A_588 = arith.constant 0 : i32
      %dma_start3A_589 = tpu.memref_slice %arg2[%add3A, %dma_start3A_587, %dma_start3A_588] : memref<32x64x104xi32, #tpu.memory_space<hbm>> -> memref<1x64x104xi32, #tpu.memory_space<hbm>>
      %dma_start3A_590 = tpu.memref_squeeze %dma_start3A_589 : memref<1x64x104xi32, #tpu.memory_space<hbm>> -> memref<64x104xi32, #tpu.memory_space<hbm>>
      tpu.enqueue_dma source(%dma_start3A_590 : memref<64x104xi32, #tpu.memory_space<hbm>>) target(%arg5 : memref<64x104xi32, #tpu.memory_space<vmem>>) target_semaphore(%run_scoped3A_582 : memref<!tpu.dma_semaphore, #tpu.memory_space<semaphore_mem>>)
      %dma_wait3A_591 = arith.constant 0 : i32
      %dma_wait3A_592 = arith.constant 0 : i32
      %dma_wait3A_593 = tpu.memref_slice %arg2[%add3A, %dma_wait3A_591, %dma_wait3A_592] : memref<32x64x104xi32, #tpu.memory_space<hbm>> -> memref<1x64x104xi32, #tpu.memory_space<hbm>>
      %dma_wait3A_594 = tpu.memref_squeeze %dma_wait3A_593 : memref<1x64x104xi32, #tpu.memory_space<hbm>> -> memref<64x104xi32, #tpu.memory_space<hbm>>
      %dma_wait3A_595 = arith.constant 0 : i32
      %dma_wait3A_596 = arith.constant 0 : i32
      %dma_wait3A_597 = tpu.memref_slice %arg2[%add3A, %dma_wait3A_595, %dma_wait3A_596] : memref<32x64x104xi32, #tpu.memory_space<hbm>> -> memref<1x64x104xi32, #tpu.memory_space<hbm>>
      %dma_wait3A_598 = tpu.memref_squeeze %dma_wait3A_597 : memref<1x64x104xi32, #tpu.memory_space<hbm>> -> memref<64x104xi32, #tpu.memory_space<hbm>>
      tpu.wait_dma2 semaphore(%run_scoped3A_582 : memref<!tpu.dma_semaphore, #tpu.memory_space<semaphore_mem>>) src(%dma_wait3A_598 : memref<64x104xi32, #tpu.memory_space<hbm>>) dst(%arg5 : memref<64x104xi32, #tpu.memory_space<vmem>>)
      tpu.yield
    }) : () -> ()
    %dma_start3A = arith.constant 0 : i32
    %dma_start3A_3 = arith.constant 0 : i32
    %dma_start3A_4 = arith.constant 0 : i32
    %dma_start3A_5 = arith.constant 0 : i32
    %dma_start3A_6 = arith.constant 0 : i32
    %dma_start3A_7 = tpu.memref_slice %arg6[%dma_start3A_3, %dma_start3A_5, %dma_start3A_6] : memref<16x104x64xf32, #tpu.memory_space<vmem>> -> memref<1x104x64xf32, #tpu.memory_space<vmem>>
    %dma_start3A_8 = tpu.memref_squeeze %dma_start3A_7 : memref<1x104x64xf32, #tpu.memory_space<vmem>> -> memref<104x64xf32, #tpu.memory_space<vmem>>
    %dma_start3A_9 = arith.constant 0 : i32
    %dma_start3A_10 = tpu.memref_slice %arg5[%dma_start3A, %dma_start3A_9] : memref<64x104xi32, #tpu.memory_space<vmem>> -> memref<1x104xi32, #tpu.memory_space<vmem>>
    %dma_start3A_11 = tpu.memref_squeeze %dma_start3A_10 : memref<1x104xi32, #tpu.memory_space<vmem>> -> memref<104xi32, #tpu.memory_space<vmem>>
    %dma_start3A_12 = arith.constant 0 : i32
    %dma_start3A_13 = arith.constant 0 : i32
    %dma_start3A_14 = tpu.memref_slice %arg3[%dma_start3A_12, %dma_start3A_13] : memref<1000000x64xf32, #tpu.memory_space<hbm>> -> memref<1000000x64xf32, #tpu.memory_space<hbm>>
    %dma_start3A_15 = tpu.memref_slice %arg7[%dma_start3A_4] : memref<16x!tpu.dma_semaphore, #tpu.memory_space<semaphore_mem>> -> memref<1x!tpu.dma_semaphore, #tpu.memory_space<semaphore_mem>>
    %dma_start3A_16 = tpu.memref_squeeze %dma_start3A_15 : memref<1x!tpu.dma_semaphore, #tpu.memory_space<semaphore_mem>> -> memref<!tpu.dma_semaphore, #tpu.memory_space<semaphore_mem>>
    tpu.enqueue_indirect_dma source(%dma_start3A_14 : memref<1000000x64xf32, #tpu.memory_space<hbm>>) target(%dma_start3A_8 : memref<104x64xf32, #tpu.memory_space<vmem>>) offsets(%dma_start3A_11 : memref<104xi32, #tpu.memory_space<vmem>>) semaphore(%dma_start3A_16 : memref<!tpu.dma_semaphore, #tpu.memory_space<semaphore_mem>>)
    %dma_start3A_17 = arith.constant 1 : i32
    %dma_start3A_18 = arith.constant 1 : i32
    %dma_start3A_19 = arith.constant 1 : i32
    %dma_start3A_20 = arith.constant 0 : i32
    %dma_start3A_21 = arith.constant 0 : i32
    %dma_start3A_22 = tpu.memref_slice %arg6[%dma_start3A_18, %dma_start3A_20, %dma_start3A_21] : memref<16x104x64xf32, #tpu.memory_space<vmem>> -> memref<1x104x64xf32, #tpu.memory_space<vmem>>
    %dma_start3A_23 = tpu.memref_squeeze %dma_start3A_22 : memref<1x104x64xf32, #tpu.memory_space<vmem>> -> memref<104x64xf32, #tpu.memory_space<vmem>>
    %dma_start3A_24 = arith.constant 0 : i32
    %dma_start3A_25 = tpu.memref_slice %arg5[%dma_start3A_17, %dma_start3A_24] : memref<64x104xi32, #tpu.memory_space<vmem>> -> memref<1x104xi32, #tpu.memory_space<vmem>>
    %dma_start3A_26 = tpu.memref_squeeze %dma_start3A_25 : memref<1x104xi32, #tpu.memory_space<vmem>> -> memref<104xi32, #tpu.memory_space<vmem>>
    %dma_start3A_27 = arith.constant 0 : i32
    %dma_start3A_28 = arith.constant 0 : i32
    %dma_start3A_29 = tpu.memref_slice %arg3[%dma_start3A_27, %dma_start3A_28] : memref<1000000x64xf32, #tpu.memory_space<hbm>> -> memref<1000000x64xf32, #tpu.memory_space<hbm>>
    %dma_start3A_30 = tpu.memref_slice %arg7[%dma_start3A_19] : memref<16x!tpu.dma_semaphore, #tpu.memory_space<semaphore_mem>> -> memref<1x!tpu.dma_semaphore, #tpu.memory_space<semaphore_mem>>
    %dma_start3A_31 = tpu.memref_squeeze %dma_start3A_30 : memref<1x!tpu.dma_semaphore, #tpu.memory_space<semaphore_mem>> -> memref<!tpu.dma_semaphore, #tpu.memory_space<semaphore_mem>>
    tpu.enqueue_indirect_dma source(%dma_start3A_29 : memref<1000000x64xf32, #tpu.memory_space<hbm>>) target(%dma_start3A_23 : memref<104x64xf32, #tpu.memory_space<vmem>>) offsets(%dma_start3A_26 : memref<104xi32, #tpu.memory_space<vmem>>) semaphore(%dma_start3A_31 : memref<!tpu.dma_semaphore, #tpu.memory_space<semaphore_mem>>)
    %dma_start3A_32 = arith.constant 2 : i32
    %dma_start3A_33 = arith.constant 2 : i32
    %dma_start3A_34 = arith.constant 2 : i32
    %dma_start3A_35 = arith.constant 0 : i32
    %dma_start3A_36 = arith.constant 0 : i32
    %dma_start3A_37 = tpu.memref_slice %arg6[%dma_start3A_33, %dma_start3A_35, %dma_start3A_36] : memref<16x104x64xf32, #tpu.memory_space<vmem>> -> memref<1x104x64xf32, #tpu.memory_space<vmem>>
    %dma_start3A_38 = tpu.memref_squeeze %dma_start3A_37 : memref<1x104x64xf32, #tpu.memory_space<vmem>> -> memref<104x64xf32, #tpu.memory_space<vmem>>
    %dma_start3A_39 = arith.constant 0 : i32
    %dma_start3A_40 = tpu.memref_slice %arg5[%dma_start3A_32, %dma_start3A_39] : memref<64x104xi32, #tpu.memory_space<vmem>> -> memref<1x104xi32, #tpu.memory_space<vmem>>
    %dma_start3A_41 = tpu.memref_squeeze %dma_start3A_40 : memref<1x104xi32, #tpu.memory_space<vmem>> -> memref<104xi32, #tpu.memory_space<vmem>>
    %dma_start3A_42 = arith.constant 0 : i32
    %dma_start3A_43 = arith.constant 0 : i32
    %dma_start3A_44 = tpu.memref_slice %arg3[%dma_start3A_42, %dma_start3A_43] : memref<1000000x64xf32, #tpu.memory_space<hbm>> -> memref<1000000x64xf32, #tpu.memory_space<hbm>>
    %dma_start3A_45 = tpu.memref_slice %arg7[%dma_start3A_34] : memref<16x!tpu.dma_semaphore, #tpu.memory_space<semaphore_mem>> -> memref<1x!tpu.dma_semaphore, #tpu.memory_space<semaphore_mem>>
    %dma_start3A_46 = tpu.memref_squeeze %dma_start3A_45 : memref<1x!tpu.dma_semaphore, #tpu.memory_space<semaphore_mem>> -> memref<!tpu.dma_semaphore, #tpu.memory_space<semaphore_mem>>
    tpu.enqueue_indirect_dma source(%dma_start3A_44 : memref<1000000x64xf32, #tpu.memory_space<hbm>>) target(%dma_start3A_38 : memref<104x64xf32, #tpu.memory_space<vmem>>) offsets(%dma_start3A_41 : memref<104xi32, #tpu.memory_space<vmem>>) semaphore(%dma_start3A_46 : memref<!tpu.dma_semaphore, #tpu.memory_space<semaphore_mem>>)
    %dma_start3A_47 = arith.constant 3 : i32
    %dma_start3A_48 = arith.constant 3 : i32
    %dma_start3A_49 = arith.constant 3 : i32
    %dma_start3A_50 = arith.constant 0 : i32
    %dma_start3A_51 = arith.constant 0 : i32
    %dma_start3A_52 = tpu.memref_slice %arg6[%dma_start3A_48, %dma_start3A_50, %dma_start3A_51] : memref<16x104x64xf32, #tpu.memory_space<vmem>> -> memref<1x104x64xf32, #tpu.memory_space<vmem>>
    %dma_start3A_53 = tpu.memref_squeeze %dma_start3A_52 : memref<1x104x64xf32, #tpu.memory_space<vmem>> -> memref<104x64xf32, #tpu.memory_space<vmem>>
    %dma_start3A_54 = arith.constant 0 : i32
    %dma_start3A_55 = tpu.memref_slice %arg5[%dma_start3A_47, %dma_start3A_54] : memref<64x104xi32, #tpu.memory_space<vmem>> -> memref<1x104xi32, #tpu.memory_space<vmem>>
    %dma_start3A_56 = tpu.memref_squeeze %dma_start3A_55 : memref<1x104xi32, #tpu.memory_space<vmem>> -> memref<104xi32, #tpu.memory_space<vmem>>
    %dma_start3A_57 = arith.constant 0 : i32
    %dma_start3A_58 = arith.constant 0 : i32
    %dma_start3A_59 = tpu.memref_slice %arg3[%dma_start3A_57, %dma_start3A_58] : memref<1000000x64xf32, #tpu.memory_space<hbm>> -> memref<1000000x64xf32, #tpu.memory_space<hbm>>
    %dma_start3A_60 = tpu.memref_slice %arg7[%dma_start3A_49] : memref<16x!tpu.dma_semaphore, #tpu.memory_space<semaphore_mem>> -> memref<1x!tpu.dma_semaphore, #tpu.memory_space<semaphore_mem>>
    %dma_start3A_61 = tpu.memref_squeeze %dma_start3A_60 : memref<1x!tpu.dma_semaphore, #tpu.memory_space<semaphore_mem>> -> memref<!tpu.dma_semaphore, #tpu.memory_space<semaphore_mem>>
    tpu.enqueue_indirect_dma source(%dma_start3A_59 : memref<1000000x64xf32, #tpu.memory_space<hbm>>) target(%dma_start3A_53 : memref<104x64xf32, #tpu.memory_space<vmem>>) offsets(%dma_start3A_56 : memref<104xi32, #tpu.memory_space<vmem>>) semaphore(%dma_start3A_61 : memref<!tpu.dma_semaphore, #tpu.memory_space<semaphore_mem>>)
    %dma_start3A_62 = arith.constant 4 : i32
    %dma_start3A_63 = arith.constant 4 : i32
    %dma_start3A_64 = arith.constant 4 : i32
    %dma_start3A_65 = arith.constant 0 : i32
    %dma_start3A_66 = arith.constant 0 : i32
    %dma_start3A_67 = tpu.memref_slice %arg6[%dma_start3A_63, %dma_start3A_65, %dma_start3A_66] : memref<16x104x64xf32, #tpu.memory_space<vmem>> -> memref<1x104x64xf32, #tpu.memory_space<vmem>>
    %dma_start3A_68 = tpu.memref_squeeze %dma_start3A_67 : memref<1x104x64xf32, #tpu.memory_space<vmem>> -> memref<104x64xf32, #tpu.memory_space<vmem>>
    %dma_start3A_69 = arith.constant 0 : i32
    %dma_start3A_70 = tpu.memref_slice %arg5[%dma_start3A_62, %dma_start3A_69] : memref<64x104xi32, #tpu.memory_space<vmem>> -> memref<1x104xi32, #tpu.memory_space<vmem>>
    %dma_start3A_71 = tpu.memref_squeeze %dma_start3A_70 : memref<1x104xi32, #tpu.memory_space<vmem>> -> memref<104xi32, #tpu.memory_space<vmem>>
    %dma_start3A_72 = arith.constant 0 : i32
    %dma_start3A_73 = arith.constant 0 : i32
    %dma_start3A_74 = tpu.memref_slice %arg3[%dma_start3A_72, %dma_start3A_73] : memref<1000000x64xf32, #tpu.memory_space<hbm>> -> memref<1000000x64xf32, #tpu.memory_space<hbm>>
    %dma_start3A_75 = tpu.memref_slice %arg7[%dma_start3A_64] : memref<16x!tpu.dma_semaphore, #tpu.memory_space<semaphore_mem>> -> memref<1x!tpu.dma_semaphore, #tpu.memory_space<semaphore_mem>>
    %dma_start3A_76 = tpu.memref_squeeze %dma_start3A_75 : memref<1x!tpu.dma_semaphore, #tpu.memory_space<semaphore_mem>> -> memref<!tpu.dma_semaphore, #tpu.memory_space<semaphore_mem>>
    tpu.enqueue_indirect_dma source(%dma_start3A_74 : memref<1000000x64xf32, #tpu.memory_space<hbm>>) target(%dma_start3A_68 : memref<104x64xf32, #tpu.memory_space<vmem>>) offsets(%dma_start3A_71 : memref<104xi32, #tpu.memory_space<vmem>>) semaphore(%dma_start3A_76 : memref<!tpu.dma_semaphore, #tpu.memory_space<semaphore_mem>>)
    %dma_start3A_77 = arith.constant 5 : i32
    %dma_start3A_78 = arith.constant 5 : i32
    %dma_start3A_79 = arith.constant 5 : i32
    %dma_start3A_80 = arith.constant 0 : i32
    %dma_start3A_81 = arith.constant 0 : i32
    %dma_start3A_82 = tpu.memref_slice %arg6[%dma_start3A_78, %dma_start3A_80, %dma_start3A_81] : memref<16x104x64xf32, #tpu.memory_space<vmem>> -> memref<1x104x64xf32, #tpu.memory_space<vmem>>
    %dma_start3A_83 = tpu.memref_squeeze %dma_start3A_82 : memref<1x104x64xf32, #tpu.memory_space<vmem>> -> memref<104x64xf32, #tpu.memory_space<vmem>>
    %dma_start3A_84 = arith.constant 0 : i32
    %dma_start3A_85 = tpu.memref_slice %arg5[%dma_start3A_77, %dma_start3A_84] : memref<64x104xi32, #tpu.memory_space<vmem>> -> memref<1x104xi32, #tpu.memory_space<vmem>>
    %dma_start3A_86 = tpu.memref_squeeze %dma_start3A_85 : memref<1x104xi32, #tpu.memory_space<vmem>> -> memref<104xi32, #tpu.memory_space<vmem>>
    %dma_start3A_87 = arith.constant 0 : i32
    %dma_start3A_88 = arith.constant 0 : i32
    %dma_start3A_89 = tpu.memref_slice %arg3[%dma_start3A_87, %dma_start3A_88] : memref<1000000x64xf32, #tpu.memory_space<hbm>> -> memref<1000000x64xf32, #tpu.memory_space<hbm>>
    %dma_start3A_90 = tpu.memref_slice %arg7[%dma_start3A_79] : memref<16x!tpu.dma_semaphore, #tpu.memory_space<semaphore_mem>> -> memref<1x!tpu.dma_semaphore, #tpu.memory_space<semaphore_mem>>
    %dma_start3A_91 = tpu.memref_squeeze %dma_start3A_90 : memref<1x!tpu.dma_semaphore, #tpu.memory_space<semaphore_mem>> -> memref<!tpu.dma_semaphore, #tpu.memory_space<semaphore_mem>>
    tpu.enqueue_indirect_dma source(%dma_start3A_89 : memref<1000000x64xf32, #tpu.memory_space<hbm>>) target(%dma_start3A_83 : memref<104x64xf32, #tpu.memory_space<vmem>>) offsets(%dma_start3A_86 : memref<104xi32, #tpu.memory_space<vmem>>) semaphore(%dma_start3A_91 : memref<!tpu.dma_semaphore, #tpu.memory_space<semaphore_mem>>)
    %dma_start3A_92 = arith.constant 6 : i32
    %dma_start3A_93 = arith.constant 6 : i32
    %dma_start3A_94 = arith.constant 6 : i32
    %dma_start3A_95 = arith.constant 0 : i32
    %dma_start3A_96 = arith.constant 0 : i32
    %dma_start3A_97 = tpu.memref_slice %arg6[%dma_start3A_93, %dma_start3A_95, %dma_start3A_96] : memref<16x104x64xf32, #tpu.memory_space<vmem>> -> memref<1x104x64xf32, #tpu.memory_space<vmem>>
    %dma_start3A_98 = tpu.memref_squeeze %dma_start3A_97 : memref<1x104x64xf32, #tpu.memory_space<vmem>> -> memref<104x64xf32, #tpu.memory_space<vmem>>
    %dma_start3A_99 = arith.constant 0 : i32
    %dma_start3A_100 = tpu.memref_slice %arg5[%dma_start3A_92, %dma_start3A_99] : memref<64x104xi32, #tpu.memory_space<vmem>> -> memref<1x104xi32, #tpu.memory_space<vmem>>
    %dma_start3A_101 = tpu.memref_squeeze %dma_start3A_100 : memref<1x104xi32, #tpu.memory_space<vmem>> -> memref<104xi32, #tpu.memory_space<vmem>>
    %dma_start3A_102 = arith.constant 0 : i32
    %dma_start3A_103 = arith.constant 0 : i32
    %dma_start3A_104 = tpu.memref_slice %arg3[%dma_start3A_102, %dma_start3A_103] : memref<1000000x64xf32, #tpu.memory_space<hbm>> -> memref<1000000x64xf32, #tpu.memory_space<hbm>>
    %dma_start3A_105 = tpu.memref_slice %arg7[%dma_start3A_94] : memref<16x!tpu.dma_semaphore, #tpu.memory_space<semaphore_mem>> -> memref<1x!tpu.dma_semaphore, #tpu.memory_space<semaphore_mem>>
    %dma_start3A_106 = tpu.memref_squeeze %dma_start3A_105 : memref<1x!tpu.dma_semaphore, #tpu.memory_space<semaphore_mem>> -> memref<!tpu.dma_semaphore, #tpu.memory_space<semaphore_mem>>
    tpu.enqueue_indirect_dma source(%dma_start3A_104 : memref<1000000x64xf32, #tpu.memory_space<hbm>>) target(%dma_start3A_98 : memref<104x64xf32, #tpu.memory_space<vmem>>) offsets(%dma_start3A_101 : memref<104xi32, #tpu.memory_space<vmem>>) semaphore(%dma_start3A_106 : memref<!tpu.dma_semaphore, #tpu.memory_space<semaphore_mem>>)
    %dma_start3A_107 = arith.constant 7 : i32
    %dma_start3A_108 = arith.constant 7 : i32
    %dma_start3A_109 = arith.constant 7 : i32
    %dma_start3A_110 = arith.constant 0 : i32
    %dma_start3A_111 = arith.constant 0 : i32
    %dma_start3A_112 = tpu.memref_slice %arg6[%dma_start3A_108, %dma_start3A_110, %dma_start3A_111] : memref<16x104x64xf32, #tpu.memory_space<vmem>> -> memref<1x104x64xf32, #tpu.memory_space<vmem>>
    %dma_start3A_113 = tpu.memref_squeeze %dma_start3A_112 : memref<1x104x64xf32, #tpu.memory_space<vmem>> -> memref<104x64xf32, #tpu.memory_space<vmem>>
    %dma_start3A_114 = arith.constant 0 : i32
    %dma_start3A_115 = tpu.memref_slice %arg5[%dma_start3A_107, %dma_start3A_114] : memref<64x104xi32, #tpu.memory_space<vmem>> -> memref<1x104xi32, #tpu.memory_space<vmem>>
    %dma_start3A_116 = tpu.memref_squeeze %dma_start3A_115 : memref<1x104xi32, #tpu.memory_space<vmem>> -> memref<104xi32, #tpu.memory_space<vmem>>
    %dma_start3A_117 = arith.constant 0 : i32
    %dma_start3A_118 = arith.constant 0 : i32
    %dma_start3A_119 = tpu.memref_slice %arg3[%dma_start3A_117, %dma_start3A_118] : memref<1000000x64xf32, #tpu.memory_space<hbm>> -> memref<1000000x64xf32, #tpu.memory_space<hbm>>
    %dma_start3A_120 = tpu.memref_slice %arg7[%dma_start3A_109] : memref<16x!tpu.dma_semaphore, #tpu.memory_space<semaphore_mem>> -> memref<1x!tpu.dma_semaphore, #tpu.memory_space<semaphore_mem>>
    %dma_start3A_121 = tpu.memref_squeeze %dma_start3A_120 : memref<1x!tpu.dma_semaphore, #tpu.memory_space<semaphore_mem>> -> memref<!tpu.dma_semaphore, #tpu.memory_space<semaphore_mem>>
    tpu.enqueue_indirect_dma source(%dma_start3A_119 : memref<1000000x64xf32, #tpu.memory_space<hbm>>) target(%dma_start3A_113 : memref<104x64xf32, #tpu.memory_space<vmem>>) offsets(%dma_start3A_116 : memref<104xi32, #tpu.memory_space<vmem>>) semaphore(%dma_start3A_121 : memref<!tpu.dma_semaphore, #tpu.memory_space<semaphore_mem>>)
    %dma_start3A_122 = arith.constant 8 : i32
    %dma_start3A_123 = arith.constant 8 : i32
    %dma_start3A_124 = arith.constant 8 : i32
    %dma_start3A_125 = arith.constant 0 : i32
    %dma_start3A_126 = arith.constant 0 : i32
    %dma_start3A_127 = tpu.memref_slice %arg6[%dma_start3A_123, %dma_start3A_125, %dma_start3A_126] : memref<16x104x64xf32, #tpu.memory_space<vmem>> -> memref<1x104x64xf32, #tpu.memory_space<vmem>>
    %dma_start3A_128 = tpu.memref_squeeze %dma_start3A_127 : memref<1x104x64xf32, #tpu.memory_space<vmem>> -> memref<104x64xf32, #tpu.memory_space<vmem>>
    %dma_start3A_129 = arith.constant 0 : i32
    %dma_start3A_130 = tpu.memref_slice %arg5[%dma_start3A_122, %dma_start3A_129] : memref<64x104xi32, #tpu.memory_space<vmem>> -> memref<1x104xi32, #tpu.memory_space<vmem>>
    %dma_start3A_131 = tpu.memref_squeeze %dma_start3A_130 : memref<1x104xi32, #tpu.memory_space<vmem>> -> memref<104xi32, #tpu.memory_space<vmem>>
    %dma_start3A_132 = arith.constant 0 : i32
    %dma_start3A_133 = arith.constant 0 : i32
    %dma_start3A_134 = tpu.memref_slice %arg3[%dma_start3A_132, %dma_start3A_133] : memref<1000000x64xf32, #tpu.memory_space<hbm>> -> memref<1000000x64xf32, #tpu.memory_space<hbm>>
    %dma_start3A_135 = tpu.memref_slice %arg7[%dma_start3A_124] : memref<16x!tpu.dma_semaphore, #tpu.memory_space<semaphore_mem>> -> memref<1x!tpu.dma_semaphore, #tpu.memory_space<semaphore_mem>>
    %dma_start3A_136 = tpu.memref_squeeze %dma_start3A_135 : memref<1x!tpu.dma_semaphore, #tpu.memory_space<semaphore_mem>> -> memref<!tpu.dma_semaphore, #tpu.memory_space<semaphore_mem>>
    tpu.enqueue_indirect_dma source(%dma_start3A_134 : memref<1000000x64xf32, #tpu.memory_space<hbm>>) target(%dma_start3A_128 : memref<104x64xf32, #tpu.memory_space<vmem>>) offsets(%dma_start3A_131 : memref<104xi32, #tpu.memory_space<vmem>>) semaphore(%dma_start3A_136 : memref<!tpu.dma_semaphore, #tpu.memory_space<semaphore_mem>>)
    %dma_start3A_137 = arith.constant 9 : i32
    %dma_start3A_138 = arith.constant 9 : i32
    %dma_start3A_139 = arith.constant 9 : i32
    %dma_start3A_140 = arith.constant 0 : i32
    %dma_start3A_141 = arith.constant 0 : i32
    %dma_start3A_142 = tpu.memref_slice %arg6[%dma_start3A_138, %dma_start3A_140, %dma_start3A_141] : memref<16x104x64xf32, #tpu.memory_space<vmem>> -> memref<1x104x64xf32, #tpu.memory_space<vmem>>
    %dma_start3A_143 = tpu.memref_squeeze %dma_start3A_142 : memref<1x104x64xf32, #tpu.memory_space<vmem>> -> memref<104x64xf32, #tpu.memory_space<vmem>>
    %dma_start3A_144 = arith.constant 0 : i32
    %dma_start3A_145 = tpu.memref_slice %arg5[%dma_start3A_137, %dma_start3A_144] : memref<64x104xi32, #tpu.memory_space<vmem>> -> memref<1x104xi32, #tpu.memory_space<vmem>>
    %dma_start3A_146 = tpu.memref_squeeze %dma_start3A_145 : memref<1x104xi32, #tpu.memory_space<vmem>> -> memref<104xi32, #tpu.memory_space<vmem>>
    %dma_start3A_147 = arith.constant 0 : i32
    %dma_start3A_148 = arith.constant 0 : i32
    %dma_start3A_149 = tpu.memref_slice %arg3[%dma_start3A_147, %dma_start3A_148] : memref<1000000x64xf32, #tpu.memory_space<hbm>> -> memref<1000000x64xf32, #tpu.memory_space<hbm>>
    %dma_start3A_150 = tpu.memref_slice %arg7[%dma_start3A_139] : memref<16x!tpu.dma_semaphore, #tpu.memory_space<semaphore_mem>> -> memref<1x!tpu.dma_semaphore, #tpu.memory_space<semaphore_mem>>
    %dma_start3A_151 = tpu.memref_squeeze %dma_start3A_150 : memref<1x!tpu.dma_semaphore, #tpu.memory_space<semaphore_mem>> -> memref<!tpu.dma_semaphore, #tpu.memory_space<semaphore_mem>>
    tpu.enqueue_indirect_dma source(%dma_start3A_149 : memref<1000000x64xf32, #tpu.memory_space<hbm>>) target(%dma_start3A_143 : memref<104x64xf32, #tpu.memory_space<vmem>>) offsets(%dma_start3A_146 : memref<104xi32, #tpu.memory_space<vmem>>) semaphore(%dma_start3A_151 : memref<!tpu.dma_semaphore, #tpu.memory_space<semaphore_mem>>)
    %dma_start3A_152 = arith.constant 10 : i32
    %dma_start3A_153 = arith.constant 10 : i32
    %dma_start3A_154 = arith.constant 10 : i32
    %dma_start3A_155 = arith.constant 0 : i32
    %dma_start3A_156 = arith.constant 0 : i32
    %dma_start3A_157 = tpu.memref_slice %arg6[%dma_start3A_153, %dma_start3A_155, %dma_start3A_156] : memref<16x104x64xf32, #tpu.memory_space<vmem>> -> memref<1x104x64xf32, #tpu.memory_space<vmem>>
    %dma_start3A_158 = tpu.memref_squeeze %dma_start3A_157 : memref<1x104x64xf32, #tpu.memory_space<vmem>> -> memref<104x64xf32, #tpu.memory_space<vmem>>
    %dma_start3A_159 = arith.constant 0 : i32
    %dma_start3A_160 = tpu.memref_slice %arg5[%dma_start3A_152, %dma_start3A_159] : memref<64x104xi32, #tpu.memory_space<vmem>> -> memref<1x104xi32, #tpu.memory_space<vmem>>
    %dma_start3A_161 = tpu.memref_squeeze %dma_start3A_160 : memref<1x104xi32, #tpu.memory_space<vmem>> -> memref<104xi32, #tpu.memory_space<vmem>>
    %dma_start3A_162 = arith.constant 0 : i32
    %dma_start3A_163 = arith.constant 0 : i32
    %dma_start3A_164 = tpu.memref_slice %arg3[%dma_start3A_162, %dma_start3A_163] : memref<1000000x64xf32, #tpu.memory_space<hbm>> -> memref<1000000x64xf32, #tpu.memory_space<hbm>>
    %dma_start3A_165 = tpu.memref_slice %arg7[%dma_start3A_154] : memref<16x!tpu.dma_semaphore, #tpu.memory_space<semaphore_mem>> -> memref<1x!tpu.dma_semaphore, #tpu.memory_space<semaphore_mem>>
    %dma_start3A_166 = tpu.memref_squeeze %dma_start3A_165 : memref<1x!tpu.dma_semaphore, #tpu.memory_space<semaphore_mem>> -> memref<!tpu.dma_semaphore, #tpu.memory_space<semaphore_mem>>
    tpu.enqueue_indirect_dma source(%dma_start3A_164 : memref<1000000x64xf32, #tpu.memory_space<hbm>>) target(%dma_start3A_158 : memref<104x64xf32, #tpu.memory_space<vmem>>) offsets(%dma_start3A_161 : memref<104xi32, #tpu.memory_space<vmem>>) semaphore(%dma_start3A_166 : memref<!tpu.dma_semaphore, #tpu.memory_space<semaphore_mem>>)
    %dma_start3A_167 = arith.constant 11 : i32
    %dma_start3A_168 = arith.constant 11 : i32
    %dma_start3A_169 = arith.constant 11 : i32
    %dma_start3A_170 = arith.constant 0 : i32
    %dma_start3A_171 = arith.constant 0 : i32
    %dma_start3A_172 = tpu.memref_slice %arg6[%dma_start3A_168, %dma_start3A_170, %dma_start3A_171] : memref<16x104x64xf32, #tpu.memory_space<vmem>> -> memref<1x104x64xf32, #tpu.memory_space<vmem>>
    %dma_start3A_173 = tpu.memref_squeeze %dma_start3A_172 : memref<1x104x64xf32, #tpu.memory_space<vmem>> -> memref<104x64xf32, #tpu.memory_space<vmem>>
    %dma_start3A_174 = arith.constant 0 : i32
    %dma_start3A_175 = tpu.memref_slice %arg5[%dma_start3A_167, %dma_start3A_174] : memref<64x104xi32, #tpu.memory_space<vmem>> -> memref<1x104xi32, #tpu.memory_space<vmem>>
    %dma_start3A_176 = tpu.memref_squeeze %dma_start3A_175 : memref<1x104xi32, #tpu.memory_space<vmem>> -> memref<104xi32, #tpu.memory_space<vmem>>
    %dma_start3A_177 = arith.constant 0 : i32
    %dma_start3A_178 = arith.constant 0 : i32
    %dma_start3A_179 = tpu.memref_slice %arg3[%dma_start3A_177, %dma_start3A_178] : memref<1000000x64xf32, #tpu.memory_space<hbm>> -> memref<1000000x64xf32, #tpu.memory_space<hbm>>
    %dma_start3A_180 = tpu.memref_slice %arg7[%dma_start3A_169] : memref<16x!tpu.dma_semaphore, #tpu.memory_space<semaphore_mem>> -> memref<1x!tpu.dma_semaphore, #tpu.memory_space<semaphore_mem>>
    %dma_start3A_181 = tpu.memref_squeeze %dma_start3A_180 : memref<1x!tpu.dma_semaphore, #tpu.memory_space<semaphore_mem>> -> memref<!tpu.dma_semaphore, #tpu.memory_space<semaphore_mem>>
    tpu.enqueue_indirect_dma source(%dma_start3A_179 : memref<1000000x64xf32, #tpu.memory_space<hbm>>) target(%dma_start3A_173 : memref<104x64xf32, #tpu.memory_space<vmem>>) offsets(%dma_start3A_176 : memref<104xi32, #tpu.memory_space<vmem>>) semaphore(%dma_start3A_181 : memref<!tpu.dma_semaphore, #tpu.memory_space<semaphore_mem>>)
    %dma_start3A_182 = arith.constant 12 : i32
    %dma_start3A_183 = arith.constant 12 : i32
    %dma_start3A_184 = arith.constant 12 : i32
    %dma_start3A_185 = arith.constant 0 : i32
    %dma_start3A_186 = arith.constant 0 : i32
    %dma_start3A_187 = tpu.memref_slice %arg6[%dma_start3A_183, %dma_start3A_185, %dma_start3A_186] : memref<16x104x64xf32, #tpu.memory_space<vmem>> -> memref<1x104x64xf32, #tpu.memory_space<vmem>>
    %dma_start3A_188 = tpu.memref_squeeze %dma_start3A_187 : memref<1x104x64xf32, #tpu.memory_space<vmem>> -> memref<104x64xf32, #tpu.memory_space<vmem>>
    %dma_start3A_189 = arith.constant 0 : i32
    %dma_start3A_190 = tpu.memref_slice %arg5[%dma_start3A_182, %dma_start3A_189] : memref<64x104xi32, #tpu.memory_space<vmem>> -> memref<1x104xi32, #tpu.memory_space<vmem>>
    %dma_start3A_191 = tpu.memref_squeeze %dma_start3A_190 : memref<1x104xi32, #tpu.memory_space<vmem>> -> memref<104xi32, #tpu.memory_space<vmem>>
    %dma_start3A_192 = arith.constant 0 : i32
    %dma_start3A_193 = arith.constant 0 : i32
    %dma_start3A_194 = tpu.memref_slice %arg3[%dma_start3A_192, %dma_start3A_193] : memref<1000000x64xf32, #tpu.memory_space<hbm>> -> memref<1000000x64xf32, #tpu.memory_space<hbm>>
    %dma_start3A_195 = tpu.memref_slice %arg7[%dma_start3A_184] : memref<16x!tpu.dma_semaphore, #tpu.memory_space<semaphore_mem>> -> memref<1x!tpu.dma_semaphore, #tpu.memory_space<semaphore_mem>>
    %dma_start3A_196 = tpu.memref_squeeze %dma_start3A_195 : memref<1x!tpu.dma_semaphore, #tpu.memory_space<semaphore_mem>> -> memref<!tpu.dma_semaphore, #tpu.memory_space<semaphore_mem>>
    tpu.enqueue_indirect_dma source(%dma_start3A_194 : memref<1000000x64xf32, #tpu.memory_space<hbm>>) target(%dma_start3A_188 : memref<104x64xf32, #tpu.memory_space<vmem>>) offsets(%dma_start3A_191 : memref<104xi32, #tpu.memory_space<vmem>>) semaphore(%dma_start3A_196 : memref<!tpu.dma_semaphore, #tpu.memory_space<semaphore_mem>>)
    %dma_start3A_197 = arith.constant 13 : i32
    %dma_start3A_198 = arith.constant 13 : i32
    %dma_start3A_199 = arith.constant 13 : i32
    %dma_start3A_200 = arith.constant 0 : i32
    %dma_start3A_201 = arith.constant 0 : i32
    %dma_start3A_202 = tpu.memref_slice %arg6[%dma_start3A_198, %dma_start3A_200, %dma_start3A_201] : memref<16x104x64xf32, #tpu.memory_space<vmem>> -> memref<1x104x64xf32, #tpu.memory_space<vmem>>
    %dma_start3A_203 = tpu.memref_squeeze %dma_start3A_202 : memref<1x104x64xf32, #tpu.memory_space<vmem>> -> memref<104x64xf32, #tpu.memory_space<vmem>>
    %dma_start3A_204 = arith.constant 0 : i32
    %dma_start3A_205 = tpu.memref_slice %arg5[%dma_start3A_197, %dma_start3A_204] : memref<64x104xi32, #tpu.memory_space<vmem>> -> memref<1x104xi32, #tpu.memory_space<vmem>>
    %dma_start3A_206 = tpu.memref_squeeze %dma_start3A_205 : memref<1x104xi32, #tpu.memory_space<vmem>> -> memref<104xi32, #tpu.memory_space<vmem>>
    %dma_start3A_207 = arith.constant 0 : i32
    %dma_start3A_208 = arith.constant 0 : i32
    %dma_start3A_209 = tpu.memref_slice %arg3[%dma_start3A_207, %dma_start3A_208] : memref<1000000x64xf32, #tpu.memory_space<hbm>> -> memref<1000000x64xf32, #tpu.memory_space<hbm>>
    %dma_start3A_210 = tpu.memref_slice %arg7[%dma_start3A_199] : memref<16x!tpu.dma_semaphore, #tpu.memory_space<semaphore_mem>> -> memref<1x!tpu.dma_semaphore, #tpu.memory_space<semaphore_mem>>
    %dma_start3A_211 = tpu.memref_squeeze %dma_start3A_210 : memref<1x!tpu.dma_semaphore, #tpu.memory_space<semaphore_mem>> -> memref<!tpu.dma_semaphore, #tpu.memory_space<semaphore_mem>>
    tpu.enqueue_indirect_dma source(%dma_start3A_209 : memref<1000000x64xf32, #tpu.memory_space<hbm>>) target(%dma_start3A_203 : memref<104x64xf32, #tpu.memory_space<vmem>>) offsets(%dma_start3A_206 : memref<104xi32, #tpu.memory_space<vmem>>) semaphore(%dma_start3A_211 : memref<!tpu.dma_semaphore, #tpu.memory_space<semaphore_mem>>)
    %dma_start3A_212 = arith.constant 14 : i32
    %dma_start3A_213 = arith.constant 14 : i32
    %dma_start3A_214 = arith.constant 14 : i32
    %dma_start3A_215 = arith.constant 0 : i32
    %dma_start3A_216 = arith.constant 0 : i32
    %dma_start3A_217 = tpu.memref_slice %arg6[%dma_start3A_213, %dma_start3A_215, %dma_start3A_216] : memref<16x104x64xf32, #tpu.memory_space<vmem>> -> memref<1x104x64xf32, #tpu.memory_space<vmem>>
    %dma_start3A_218 = tpu.memref_squeeze %dma_start3A_217 : memref<1x104x64xf32, #tpu.memory_space<vmem>> -> memref<104x64xf32, #tpu.memory_space<vmem>>
    %dma_start3A_219 = arith.constant 0 : i32
    %dma_start3A_220 = tpu.memref_slice %arg5[%dma_start3A_212, %dma_start3A_219] : memref<64x104xi32, #tpu.memory_space<vmem>> -> memref<1x104xi32, #tpu.memory_space<vmem>>
    %dma_start3A_221 = tpu.memref_squeeze %dma_start3A_220 : memref<1x104xi32, #tpu.memory_space<vmem>> -> memref<104xi32, #tpu.memory_space<vmem>>
    %dma_start3A_222 = arith.constant 0 : i32
    %dma_start3A_223 = arith.constant 0 : i32
    %dma_start3A_224 = tpu.memref_slice %arg3[%dma_start3A_222, %dma_start3A_223] : memref<1000000x64xf32, #tpu.memory_space<hbm>> -> memref<1000000x64xf32, #tpu.memory_space<hbm>>
    %dma_start3A_225 = tpu.memref_slice %arg7[%dma_start3A_214] : memref<16x!tpu.dma_semaphore, #tpu.memory_space<semaphore_mem>> -> memref<1x!tpu.dma_semaphore, #tpu.memory_space<semaphore_mem>>
    %dma_start3A_226 = tpu.memref_squeeze %dma_start3A_225 : memref<1x!tpu.dma_semaphore, #tpu.memory_space<semaphore_mem>> -> memref<!tpu.dma_semaphore, #tpu.memory_space<semaphore_mem>>
    tpu.enqueue_indirect_dma source(%dma_start3A_224 : memref<1000000x64xf32, #tpu.memory_space<hbm>>) target(%dma_start3A_218 : memref<104x64xf32, #tpu.memory_space<vmem>>) offsets(%dma_start3A_221 : memref<104xi32, #tpu.memory_space<vmem>>) semaphore(%dma_start3A_226 : memref<!tpu.dma_semaphore, #tpu.memory_space<semaphore_mem>>)
    %dma_start3A_227 = arith.constant 15 : i32
    %dma_start3A_228 = arith.constant 15 : i32
    %dma_start3A_229 = arith.constant 15 : i32
    %dma_start3A_230 = arith.constant 0 : i32
    %dma_start3A_231 = arith.constant 0 : i32
    %dma_start3A_232 = tpu.memref_slice %arg6[%dma_start3A_228, %dma_start3A_230, %dma_start3A_231] : memref<16x104x64xf32, #tpu.memory_space<vmem>> -> memref<1x104x64xf32, #tpu.memory_space<vmem>>
    %dma_start3A_233 = tpu.memref_squeeze %dma_start3A_232 : memref<1x104x64xf32, #tpu.memory_space<vmem>> -> memref<104x64xf32, #tpu.memory_space<vmem>>
    %dma_start3A_234 = arith.constant 0 : i32
    %dma_start3A_235 = tpu.memref_slice %arg5[%dma_start3A_227, %dma_start3A_234] : memref<64x104xi32, #tpu.memory_space<vmem>> -> memref<1x104xi32, #tpu.memory_space<vmem>>
    %dma_start3A_236 = tpu.memref_squeeze %dma_start3A_235 : memref<1x104xi32, #tpu.memory_space<vmem>> -> memref<104xi32, #tpu.memory_space<vmem>>
    %dma_start3A_237 = arith.constant 0 : i32
    %dma_start3A_238 = arith.constant 0 : i32
    %dma_start3A_239 = tpu.memref_slice %arg3[%dma_start3A_237, %dma_start3A_238] : memref<1000000x64xf32, #tpu.memory_space<hbm>> -> memref<1000000x64xf32, #tpu.memory_space<hbm>>
    %dma_start3A_240 = tpu.memref_slice %arg7[%dma_start3A_229] : memref<16x!tpu.dma_semaphore, #tpu.memory_space<semaphore_mem>> -> memref<1x!tpu.dma_semaphore, #tpu.memory_space<semaphore_mem>>
    %dma_start3A_241 = tpu.memref_squeeze %dma_start3A_240 : memref<1x!tpu.dma_semaphore, #tpu.memory_space<semaphore_mem>> -> memref<!tpu.dma_semaphore, #tpu.memory_space<semaphore_mem>>
    tpu.enqueue_indirect_dma source(%dma_start3A_239 : memref<1000000x64xf32, #tpu.memory_space<hbm>>) target(%dma_start3A_233 : memref<104x64xf32, #tpu.memory_space<vmem>>) offsets(%dma_start3A_236 : memref<104xi32, #tpu.memory_space<vmem>>) semaphore(%dma_start3A_241 : memref<!tpu.dma_semaphore, #tpu.memory_space<semaphore_mem>>)
    %scan3A = arith.constant 0 : i32
    %scan3A_242 = arith.constant 0 : i32
    %scan3A_243 = arith.constant 3 : i32
    %scan3A_244 = arith.addi %scan3A_242, %scan3A_243 : i32
    %scan3A_245 = arith.constant 1 : i32
    %scan3A_246 = scf.for %scan3A_582 = %scan3A_242 to %scan3A_244 step %scan3A_245 iter_args(%scan3A_583 = %scan3A) -> (i32)  : i32 {
      %mul3A_584 = arith.constant 16 : i32
      %mul3A_585 = arith.muli %scan3A_582, %mul3A_584 : i32
      %add3A_586 = arith.constant 0 : i32
      %add3A_587 = arith.addi %mul3A_585, %add3A_586 : i32
      %dma_wait3A_588 = arith.constant 0 : i32
      %dma_wait3A_589 = arith.constant 0 : i32
      %dma_wait3A_590 = arith.constant 0 : i32
      %dma_wait3A_591 = arith.constant 0 : i32
      %dma_wait3A_592 = arith.constant 0 : i32
      %dma_wait3A_593 = tpu.memref_slice %arg6[%dma_wait3A_589, %dma_wait3A_591, %dma_wait3A_592] : memref<16x104x64xf32, #tpu.memory_space<vmem>> -> memref<1x104x64xf32, #tpu.memory_space<vmem>>
      %dma_wait3A_594 = tpu.memref_squeeze %dma_wait3A_593 : memref<1x104x64xf32, #tpu.memory_space<vmem>> -> memref<104x64xf32, #tpu.memory_space<vmem>>
      %dma_wait3A_595 = arith.constant 0 : i32
      %dma_wait3A_596 = tpu.memref_slice %arg5[%dma_wait3A_588, %dma_wait3A_595] : memref<64x104xi32, #tpu.memory_space<vmem>> -> memref<1x104xi32, #tpu.memory_space<vmem>>
      %dma_wait3A_597 = tpu.memref_squeeze %dma_wait3A_596 : memref<1x104xi32, #tpu.memory_space<vmem>> -> memref<104xi32, #tpu.memory_space<vmem>>
      %dma_wait3A_598 = arith.constant 0 : i32
      %dma_wait3A_599 = arith.constant 0 : i32
      %dma_wait3A_600 = tpu.memref_slice %arg3[%dma_wait3A_598, %dma_wait3A_599] : memref<1000000x64xf32, #tpu.memory_space<hbm>> -> memref<1000000x64xf32, #tpu.memory_space<hbm>>
      %dma_wait3A_601 = tpu.memref_slice %arg7[%dma_wait3A_590] : memref<16x!tpu.dma_semaphore, #tpu.memory_space<semaphore_mem>> -> memref<1x!tpu.dma_semaphore, #tpu.memory_space<semaphore_mem>>
      %dma_wait3A_602 = tpu.memref_squeeze %dma_wait3A_601 : memref<1x!tpu.dma_semaphore, #tpu.memory_space<semaphore_mem>> -> memref<!tpu.dma_semaphore, #tpu.memory_space<semaphore_mem>>
      tpu.wait_indirect_dma semaphore(%dma_wait3A_602 : memref<!tpu.dma_semaphore, #tpu.memory_space<semaphore_mem>>) src(%dma_wait3A_600 : memref<1000000x64xf32, #tpu.memory_space<hbm>>) dst(%dma_wait3A_594 : memref<104x64xf32, #tpu.memory_space<vmem>>)
      %mul3A_603 = arith.constant 2 : i32
      %mul3A_604 = arith.muli %mul3A_603, %add3A_587 : i32
      %add3A_605 = arith.addi %mul3A_2, %mul3A_604 : i32
      %run_scoped3A_606 = arith.constant 0 : i32
      "tpu.region"() ({
        %run_scoped3A_1257 = tpu.sem_alloc : memref<!tpu.dma_semaphore, #tpu.memory_space<semaphore_mem>>
        %dma_start3A_1258 = arith.constant 0 : i32
        %dma_start3A_1259 = arith.constant 0 : i32
        %dma_start3A_1260 = tpu.memref_slice %arg6[%run_scoped3A_606, %dma_start3A_1258, %dma_start3A_1259] : memref<16x104x64xf32, #tpu.memory_space<vmem>> -> memref<1x50x64xf32, #tpu.memory_space<vmem>>
        %dma_start3A_1261 = tpu.memref_squeeze %dma_start3A_1260 : memref<1x50x64xf32, #tpu.memory_space<vmem>> -> memref<50x64xf32, #tpu.memory_space<vmem>>
        %dma_start3A_1262 = arith.constant 0 : i32
        %dma_start3A_1263 = arith.constant 0 : i32
        %dma_start3A_1264 = tpu.memref_slice %arg4[%add3A_605, %dma_start3A_1262, %dma_start3A_1263] : memref<4096x56x128xf32, #tpu.memory_space<hbm>> -> memref<1x50x64xf32, #tpu.memory_space<hbm>>
        %dma_start3A_1265 = tpu.memref_squeeze %dma_start3A_1264 : memref<1x50x64xf32, #tpu.memory_space<hbm>> -> memref<50x64xf32, #tpu.memory_space<hbm>>
        %dma_start3A_1266 = arith.constant 0 : i32
        %dma_start3A_1267 = arith.constant 0 : i32
        %dma_start3A_1268 = tpu.memref_slice %arg4[%add3A_605, %dma_start3A_1266, %dma_start3A_1267] : memref<4096x56x128xf32, #tpu.memory_space<hbm>> -> memref<1x50x64xf32, #tpu.memory_space<hbm>>
        %dma_start3A_1269 = tpu.memref_squeeze %dma_start3A_1268 : memref<1x50x64xf32, #tpu.memory_space<hbm>> -> memref<50x64xf32, #tpu.memory_space<hbm>>
        %dma_start3A_1270 = arith.constant 0 : i32
        %dma_start3A_1271 = arith.constant 0 : i32
        %dma_start3A_1272 = tpu.memref_slice %arg6[%run_scoped3A_606, %dma_start3A_1270, %dma_start3A_1271] : memref<16x104x64xf32, #tpu.memory_space<vmem>> -> memref<1x50x64xf32, #tpu.memory_space<vmem>>
        %dma_start3A_1273 = tpu.memref_squeeze %dma_start3A_1272 : memref<1x50x64xf32, #tpu.memory_space<vmem>> -> memref<50x64xf32, #tpu.memory_space<vmem>>
        tpu.enqueue_dma source(%dma_start3A_1273 : memref<50x64xf32, #tpu.memory_space<vmem>>) target(%dma_start3A_1269 : memref<50x64xf32, #tpu.memory_space<hbm>>) target_semaphore(%run_scoped3A_1257 : memref<!tpu.dma_semaphore, #tpu.memory_space<semaphore_mem>>)
        %dma_wait3A_1274 = arith.constant 0 : i32
        %dma_wait3A_1275 = arith.constant 0 : i32
        %dma_wait3A_1276 = tpu.memref_slice %arg6[%run_scoped3A_606, %dma_wait3A_1274, %dma_wait3A_1275] : memref<16x104x64xf32, #tpu.memory_space<vmem>> -> memref<1x50x64xf32, #tpu.memory_space<vmem>>
        %dma_wait3A_1277 = tpu.memref_squeeze %dma_wait3A_1276 : memref<1x50x64xf32, #tpu.memory_space<vmem>> -> memref<50x64xf32, #tpu.memory_space<vmem>>
        %dma_wait3A_1278 = arith.constant 0 : i32
        %dma_wait3A_1279 = arith.constant 0 : i32
        %dma_wait3A_1280 = tpu.memref_slice %arg4[%add3A_605, %dma_wait3A_1278, %dma_wait3A_1279] : memref<4096x56x128xf32, #tpu.memory_space<hbm>> -> memref<1x50x64xf32, #tpu.memory_space<hbm>>
        %dma_wait3A_1281 = tpu.memref_squeeze %dma_wait3A_1280 : memref<1x50x64xf32, #tpu.memory_space<hbm>> -> memref<50x64xf32, #tpu.memory_space<hbm>>
        %dma_wait3A_1282 = arith.constant 0 : i32
        %dma_wait3A_1283 = arith.constant 0 : i32
        %dma_wait3A_1284 = tpu.memref_slice %arg4[%add3A_605, %dma_wait3A_1282, %dma_wait3A_1283] : memref<4096x56x128xf32, #tpu.memory_space<hbm>> -> memref<1x50x64xf32, #tpu.memory_space<hbm>>
        %dma_wait3A_1285 = tpu.memref_squeeze %dma_wait3A_1284 : memref<1x50x64xf32, #tpu.memory_space<hbm>> -> memref<50x64xf32, #tpu.memory_space<hbm>>
        %dma_wait3A_1286 = arith.constant 0 : i32
        %dma_wait3A_1287 = arith.constant 0 : i32
        %dma_wait3A_1288 = tpu.memref_slice %arg6[%run_scoped3A_606, %dma_wait3A_1286, %dma_wait3A_1287] : memref<16x104x64xf32, #tpu.memory_space<vmem>> -> memref<1x50x64xf32, #tpu.memory_space<vmem>>
        %dma_wait3A_1289 = tpu.memref_squeeze %dma_wait3A_1288 : memref<1x50x64xf32, #tpu.memory_space<vmem>> -> memref<50x64xf32, #tpu.memory_space<vmem>>
        tpu.wait_dma2 semaphore(%run_scoped3A_1257 : memref<!tpu.dma_semaphore, #tpu.memory_space<semaphore_mem>>) src(%dma_wait3A_1289 : memref<50x64xf32, #tpu.memory_space<vmem>>) dst(%dma_wait3A_1285 : memref<50x64xf32, #tpu.memory_space<hbm>>)
        tpu.yield
      }) : () -> ()
      %add3A_607 = arith.constant 1 : i32
      %add3A_608 = arith.addi %add3A_605, %add3A_607 : i32
      %run_scoped3A_609 = arith.constant 0 : i32
      "tpu.region"() ({
        %run_scoped3A_1257 = tpu.sem_alloc : memref<!tpu.dma_semaphore, #tpu.memory_space<semaphore_mem>>
        %dma_start3A_1258 = arith.constant 50 : i32
        %dma_start3A_1259 = arith.constant 0 : i32
        %dma_start3A_1260 = tpu.memref_slice %arg6[%run_scoped3A_609, %dma_start3A_1258, %dma_start3A_1259] : memref<16x104x64xf32, #tpu.memory_space<vmem>> -> memref<1x50x64xf32, #tpu.memory_space<vmem>>
        %dma_start3A_1261 = tpu.memref_squeeze %dma_start3A_1260 : memref<1x50x64xf32, #tpu.memory_space<vmem>> -> memref<50x64xf32, #tpu.memory_space<vmem>>
        %dma_start3A_1262 = arith.constant 0 : i32
        %dma_start3A_1263 = arith.constant 0 : i32
        %dma_start3A_1264 = tpu.memref_slice %arg4[%add3A_608, %dma_start3A_1262, %dma_start3A_1263] : memref<4096x56x128xf32, #tpu.memory_space<hbm>> -> memref<1x50x64xf32, #tpu.memory_space<hbm>>
        %dma_start3A_1265 = tpu.memref_squeeze %dma_start3A_1264 : memref<1x50x64xf32, #tpu.memory_space<hbm>> -> memref<50x64xf32, #tpu.memory_space<hbm>>
        %dma_start3A_1266 = arith.constant 0 : i32
        %dma_start3A_1267 = arith.constant 0 : i32
        %dma_start3A_1268 = tpu.memref_slice %arg4[%add3A_608, %dma_start3A_1266, %dma_start3A_1267] : memref<4096x56x128xf32, #tpu.memory_space<hbm>> -> memref<1x50x64xf32, #tpu.memory_space<hbm>>
        %dma_start3A_1269 = tpu.memref_squeeze %dma_start3A_1268 : memref<1x50x64xf32, #tpu.memory_space<hbm>> -> memref<50x64xf32, #tpu.memory_space<hbm>>
        %dma_start3A_1270 = arith.constant 50 : i32
        %dma_start3A_1271 = arith.constant 0 : i32
        %dma_start3A_1272 = tpu.memref_slice %arg6[%run_scoped3A_609, %dma_start3A_1270, %dma_start3A_1271] : memref<16x104x64xf32, #tpu.memory_space<vmem>> -> memref<1x50x64xf32, #tpu.memory_space<vmem>>
        %dma_start3A_1273 = tpu.memref_squeeze %dma_start3A_1272 : memref<1x50x64xf32, #tpu.memory_space<vmem>> -> memref<50x64xf32, #tpu.memory_space<vmem>>
        tpu.enqueue_dma source(%dma_start3A_1273 : memref<50x64xf32, #tpu.memory_space<vmem>>) target(%dma_start3A_1269 : memref<50x64xf32, #tpu.memory_space<hbm>>) target_semaphore(%run_scoped3A_1257 : memref<!tpu.dma_semaphore, #tpu.memory_space<semaphore_mem>>)
        %dma_wait3A_1274 = arith.constant 50 : i32
        %dma_wait3A_1275 = arith.constant 0 : i32
        %dma_wait3A_1276 = tpu.memref_slice %arg6[%run_scoped3A_609, %dma_wait3A_1274, %dma_wait3A_1275] : memref<16x104x64xf32, #tpu.memory_space<vmem>> -> memref<1x50x64xf32, #tpu.memory_space<vmem>>
        %dma_wait3A_1277 = tpu.memref_squeeze %dma_wait3A_1276 : memref<1x50x64xf32, #tpu.memory_space<vmem>> -> memref<50x64xf32, #tpu.memory_space<vmem>>
        %dma_wait3A_1278 = arith.constant 0 : i32
        %dma_wait3A_1279 = arith.constant 0 : i32
        %dma_wait3A_1280 = tpu.memref_slice %arg4[%add3A_608, %dma_wait3A_1278, %dma_wait3A_1279] : memref<4096x56x128xf32, #tpu.memory_space<hbm>> -> memref<1x50x64xf32, #tpu.memory_space<hbm>>
        %dma_wait3A_1281 = tpu.memref_squeeze %dma_wait3A_1280 : memref<1x50x64xf32, #tpu.memory_space<hbm>> -> memref<50x64xf32, #tpu.memory_space<hbm>>
        %dma_wait3A_1282 = arith.constant 0 : i32
        %dma_wait3A_1283 = arith.constant 0 : i32
        %dma_wait3A_1284 = tpu.memref_slice %arg4[%add3A_608, %dma_wait3A_1282, %dma_wait3A_1283] : memref<4096x56x128xf32, #tpu.memory_space<hbm>> -> memref<1x50x64xf32, #tpu.memory_space<hbm>>
        %dma_wait3A_1285 = tpu.memref_squeeze %dma_wait3A_1284 : memref<1x50x64xf32, #tpu.memory_space<hbm>> -> memref<50x64xf32, #tpu.memory_space<hbm>>
        %dma_wait3A_1286 = arith.constant 50 : i32
        %dma_wait3A_1287 = arith.constant 0 : i32
        %dma_wait3A_1288 = tpu.memref_slice %arg6[%run_scoped3A_609, %dma_wait3A_1286, %dma_wait3A_1287] : memref<16x104x64xf32, #tpu.memory_space<vmem>> -> memref<1x50x64xf32, #tpu.memory_space<vmem>>
        %dma_wait3A_1289 = tpu.memref_squeeze %dma_wait3A_1288 : memref<1x50x64xf32, #tpu.memory_space<vmem>> -> memref<50x64xf32, #tpu.memory_space<vmem>>
        tpu.wait_dma2 semaphore(%run_scoped3A_1257 : memref<!tpu.dma_semaphore, #tpu.memory_space<semaphore_mem>>) src(%dma_wait3A_1289 : memref<50x64xf32, #tpu.memory_space<vmem>>) dst(%dma_wait3A_1285 : memref<50x64xf32, #tpu.memory_space<hbm>>)
        tpu.yield
      }) : () -> ()
      %add3A_610 = arith.constant 16 : i32
      %add3A_611 = arith.addi %add3A_587, %add3A_610 : i32
      %dma_start3A_612 = arith.constant 0 : i32
      %dma_start3A_613 = arith.constant 0 : i32
      %dma_start3A_614 = arith.constant 0 : i32
      %dma_start3A_615 = arith.constant 0 : i32
      %dma_start3A_616 = tpu.memref_slice %arg6[%dma_start3A_612, %dma_start3A_614, %dma_start3A_615] : memref<16x104x64xf32, #tpu.memory_space<vmem>> -> memref<1x104x64xf32, #tpu.memory_space<vmem>>
      %dma_start3A_617 = tpu.memref_squeeze %dma_start3A_616 : memref<1x104x64xf32, #tpu.memory_space<vmem>> -> memref<104x64xf32, #tpu.memory_space<vmem>>
      %dma_start3A_618 = arith.constant 0 : i32
      %dma_start3A_619 = tpu.memref_slice %arg5[%add3A_611, %dma_start3A_618] : memref<64x104xi32, #tpu.memory_space<vmem>> -> memref<1x104xi32, #tpu.memory_space<vmem>>
      %dma_start3A_620 = tpu.memref_squeeze %dma_start3A_619 : memref<1x104xi32, #tpu.memory_space<vmem>> -> memref<104xi32, #tpu.memory_space<vmem>>
      %dma_start3A_621 = arith.constant 0 : i32
      %dma_start3A_622 = arith.constant 0 : i32
      %dma_start3A_623 = tpu.memref_slice %arg3[%dma_start3A_621, %dma_start3A_622] : memref<1000000x64xf32, #tpu.memory_space<hbm>> -> memref<1000000x64xf32, #tpu.memory_space<hbm>>
      %dma_start3A_624 = tpu.memref_slice %arg7[%dma_start3A_613] : memref<16x!tpu.dma_semaphore, #tpu.memory_space<semaphore_mem>> -> memref<1x!tpu.dma_semaphore, #tpu.memory_space<semaphore_mem>>
      %dma_start3A_625 = tpu.memref_squeeze %dma_start3A_624 : memref<1x!tpu.dma_semaphore, #tpu.memory_space<semaphore_mem>> -> memref<!tpu.dma_semaphore, #tpu.memory_space<semaphore_mem>>
      tpu.enqueue_indirect_dma source(%dma_start3A_623 : memref<1000000x64xf32, #tpu.memory_space<hbm>>) target(%dma_start3A_617 : memref<104x64xf32, #tpu.memory_space<vmem>>) offsets(%dma_start3A_620 : memref<104xi32, #tpu.memory_space<vmem>>) semaphore(%dma_start3A_625 : memref<!tpu.dma_semaphore, #tpu.memory_space<semaphore_mem>>)
      %mul3A_626 = arith.constant 16 : i32
      %mul3A_627 = arith.muli %scan3A_582, %mul3A_626 : i32
      %add3A_628 = arith.constant 1 : i32
      %add3A_629 = arith.addi %mul3A_627, %add3A_628 : i32
      %dma_wait3A_630 = arith.constant 0 : i32
      %dma_wait3A_631 = arith.constant 1 : i32
      %dma_wait3A_632 = arith.constant 1 : i32
      %dma_wait3A_633 = arith.constant 0 : i32
      %dma_wait3A_634 = arith.constant 0 : i32
      %dma_wait3A_635 = tpu.memref_slice %arg6[%dma_wait3A_631, %dma_wait3A_633, %dma_wait3A_634] : memref<16x104x64xf32, #tpu.memory_space<vmem>> -> memref<1x104x64xf32, #tpu.memory_space<vmem>>
      %dma_wait3A_636 = tpu.memref_squeeze %dma_wait3A_635 : memref<1x104x64xf32, #tpu.memory_space<vmem>> -> memref<104x64xf32, #tpu.memory_space<vmem>>
      %dma_wait3A_637 = arith.constant 0 : i32
      %dma_wait3A_638 = tpu.memref_slice %arg5[%dma_wait3A_630, %dma_wait3A_637] : memref<64x104xi32, #tpu.memory_space<vmem>> -> memref<1x104xi32, #tpu.memory_space<vmem>>
      %dma_wait3A_639 = tpu.memref_squeeze %dma_wait3A_638 : memref<1x104xi32, #tpu.memory_space<vmem>> -> memref<104xi32, #tpu.memory_space<vmem>>
      %dma_wait3A_640 = arith.constant 0 : i32
      %dma_wait3A_641 = arith.constant 0 : i32
      %dma_wait3A_642 = tpu.memref_slice %arg3[%dma_wait3A_640, %dma_wait3A_641] : memref<1000000x64xf32, #tpu.memory_space<hbm>> -> memref<1000000x64xf32, #tpu.memory_space<hbm>>
      %dma_wait3A_643 = tpu.memref_slice %arg7[%dma_wait3A_632] : memref<16x!tpu.dma_semaphore, #tpu.memory_space<semaphore_mem>> -> memref<1x!tpu.dma_semaphore, #tpu.memory_space<semaphore_mem>>
      %dma_wait3A_644 = tpu.memref_squeeze %dma_wait3A_643 : memref<1x!tpu.dma_semaphore, #tpu.memory_space<semaphore_mem>> -> memref<!tpu.dma_semaphore, #tpu.memory_space<semaphore_mem>>
      tpu.wait_indirect_dma semaphore(%dma_wait3A_644 : memref<!tpu.dma_semaphore, #tpu.memory_space<semaphore_mem>>) src(%dma_wait3A_642 : memref<1000000x64xf32, #tpu.memory_space<hbm>>) dst(%dma_wait3A_636 : memref<104x64xf32, #tpu.memory_space<vmem>>)
      %mul3A_645 = arith.constant 2 : i32
      %mul3A_646 = arith.muli %mul3A_645, %add3A_629 : i32
      %add3A_647 = arith.addi %mul3A_2, %mul3A_646 : i32
      %run_scoped3A_648 = arith.constant 1 : i32
      "tpu.region"() ({
        %run_scoped3A_1257 = tpu.sem_alloc : memref<!tpu.dma_semaphore, #tpu.memory_space<semaphore_mem>>
        %dma_start3A_1258 = arith.constant 0 : i32
        %dma_start3A_1259 = arith.constant 0 : i32
        %dma_start3A_1260 = tpu.memref_slice %arg6[%run_scoped3A_648, %dma_start3A_1258, %dma_start3A_1259] : memref<16x104x64xf32, #tpu.memory_space<vmem>> -> memref<1x50x64xf32, #tpu.memory_space<vmem>>
        %dma_start3A_1261 = tpu.memref_squeeze %dma_start3A_1260 : memref<1x50x64xf32, #tpu.memory_space<vmem>> -> memref<50x64xf32, #tpu.memory_space<vmem>>
        %dma_start3A_1262 = arith.constant 0 : i32
        %dma_start3A_1263 = arith.constant 0 : i32
        %dma_start3A_1264 = tpu.memref_slice %arg4[%add3A_647, %dma_start3A_1262, %dma_start3A_1263] : memref<4096x56x128xf32, #tpu.memory_space<hbm>> -> memref<1x50x64xf32, #tpu.memory_space<hbm>>
        %dma_start3A_1265 = tpu.memref_squeeze %dma_start3A_1264 : memref<1x50x64xf32, #tpu.memory_space<hbm>> -> memref<50x64xf32, #tpu.memory_space<hbm>>
        %dma_start3A_1266 = arith.constant 0 : i32
        %dma_start3A_1267 = arith.constant 0 : i32
        %dma_start3A_1268 = tpu.memref_slice %arg4[%add3A_647, %dma_start3A_1266, %dma_start3A_1267] : memref<4096x56x128xf32, #tpu.memory_space<hbm>> -> memref<1x50x64xf32, #tpu.memory_space<hbm>>
        %dma_start3A_1269 = tpu.memref_squeeze %dma_start3A_1268 : memref<1x50x64xf32, #tpu.memory_space<hbm>> -> memref<50x64xf32, #tpu.memory_space<hbm>>
        %dma_start3A_1270 = arith.constant 0 : i32
        %dma_start3A_1271 = arith.constant 0 : i32
        %dma_start3A_1272 = tpu.memref_slice %arg6[%run_scoped3A_648, %dma_start3A_1270, %dma_start3A_1271] : memref<16x104x64xf32, #tpu.memory_space<vmem>> -> memref<1x50x64xf32, #tpu.memory_space<vmem>>
        %dma_start3A_1273 = tpu.memref_squeeze %dma_start3A_1272 : memref<1x50x64xf32, #tpu.memory_space<vmem>> -> memref<50x64xf32, #tpu.memory_space<vmem>>
        tpu.enqueue_dma source(%dma_start3A_1273 : memref<50x64xf32, #tpu.memory_space<vmem>>) target(%dma_start3A_1269 : memref<50x64xf32, #tpu.memory_space<hbm>>) target_semaphore(%run_scoped3A_1257 : memref<!tpu.dma_semaphore, #tpu.memory_space<semaphore_mem>>)
        %dma_wait3A_1274 = arith.constant 0 : i32
        %dma_wait3A_1275 = arith.constant 0 : i32
        %dma_wait3A_1276 = tpu.memref_slice %arg6[%run_scoped3A_648, %dma_wait3A_1274, %dma_wait3A_1275] : memref<16x104x64xf32, #tpu.memory_space<vmem>> -> memref<1x50x64xf32, #tpu.memory_space<vmem>>
        %dma_wait3A_1277 = tpu.memref_squeeze %dma_wait3A_1276 : memref<1x50x64xf32, #tpu.memory_space<vmem>> -> memref<50x64xf32, #tpu.memory_space<vmem>>
        %dma_wait3A_1278 = arith.constant 0 : i32
        %dma_wait3A_1279 = arith.constant 0 : i32
        %dma_wait3A_1280 = tpu.memref_slice %arg4[%add3A_647, %dma_wait3A_1278, %dma_wait3A_1279] : memref<4096x56x128xf32, #tpu.memory_space<hbm>> -> memref<1x50x64xf32, #tpu.memory_space<hbm>>
        %dma_wait3A_1281 = tpu.memref_squeeze %dma_wait3A_1280 : memref<1x50x64xf32, #tpu.memory_space<hbm>> -> memref<50x64xf32, #tpu.memory_space<hbm>>
        %dma_wait3A_1282 = arith.constant 0 : i32
        %dma_wait3A_1283 = arith.constant 0 : i32
        %dma_wait3A_1284 = tpu.memref_slice %arg4[%add3A_647, %dma_wait3A_1282, %dma_wait3A_1283] : memref<4096x56x128xf32, #tpu.memory_space<hbm>> -> memref<1x50x64xf32, #tpu.memory_space<hbm>>
        %dma_wait3A_1285 = tpu.memref_squeeze %dma_wait3A_1284 : memref<1x50x64xf32, #tpu.memory_space<hbm>> -> memref<50x64xf32, #tpu.memory_space<hbm>>
        %dma_wait3A_1286 = arith.constant 0 : i32
        %dma_wait3A_1287 = arith.constant 0 : i32
        %dma_wait3A_1288 = tpu.memref_slice %arg6[%run_scoped3A_648, %dma_wait3A_1286, %dma_wait3A_1287] : memref<16x104x64xf32, #tpu.memory_space<vmem>> -> memref<1x50x64xf32, #tpu.memory_space<vmem>>
        %dma_wait3A_1289 = tpu.memref_squeeze %dma_wait3A_1288 : memref<1x50x64xf32, #tpu.memory_space<vmem>> -> memref<50x64xf32, #tpu.memory_space<vmem>>
        tpu.wait_dma2 semaphore(%run_scoped3A_1257 : memref<!tpu.dma_semaphore, #tpu.memory_space<semaphore_mem>>) src(%dma_wait3A_1289 : memref<50x64xf32, #tpu.memory_space<vmem>>) dst(%dma_wait3A_1285 : memref<50x64xf32, #tpu.memory_space<hbm>>)
        tpu.yield
      }) : () -> ()
      %add3A_649 = arith.constant 1 : i32
      %add3A_650 = arith.addi %add3A_647, %add3A_649 : i32
      %run_scoped3A_651 = arith.constant 1 : i32
      "tpu.region"() ({
        %run_scoped3A_1257 = tpu.sem_alloc : memref<!tpu.dma_semaphore, #tpu.memory_space<semaphore_mem>>
        %dma_start3A_1258 = arith.constant 50 : i32
        %dma_start3A_1259 = arith.constant 0 : i32
        %dma_start3A_1260 = tpu.memref_slice %arg6[%run_scoped3A_651, %dma_start3A_1258, %dma_start3A_1259] : memref<16x104x64xf32, #tpu.memory_space<vmem>> -> memref<1x50x64xf32, #tpu.memory_space<vmem>>
        %dma_start3A_1261 = tpu.memref_squeeze %dma_start3A_1260 : memref<1x50x64xf32, #tpu.memory_space<vmem>> -> memref<50x64xf32, #tpu.memory_space<vmem>>
        %dma_start3A_1262 = arith.constant 0 : i32
        %dma_start3A_1263 = arith.constant 0 : i32
        %dma_start3A_1264 = tpu.memref_slice %arg4[%add3A_650, %dma_start3A_1262, %dma_start3A_1263] : memref<4096x56x128xf32, #tpu.memory_space<hbm>> -> memref<1x50x64xf32, #tpu.memory_space<hbm>>
        %dma_start3A_1265 = tpu.memref_squeeze %dma_start3A_1264 : memref<1x50x64xf32, #tpu.memory_space<hbm>> -> memref<50x64xf32, #tpu.memory_space<hbm>>
        %dma_start3A_1266 = arith.constant 0 : i32
        %dma_start3A_1267 = arith.constant 0 : i32
        %dma_start3A_1268 = tpu.memref_slice %arg4[%add3A_650, %dma_start3A_1266, %dma_start3A_1267] : memref<4096x56x128xf32, #tpu.memory_space<hbm>> -> memref<1x50x64xf32, #tpu.memory_space<hbm>>
        %dma_start3A_1269 = tpu.memref_squeeze %dma_start3A_1268 : memref<1x50x64xf32, #tpu.memory_space<hbm>> -> memref<50x64xf32, #tpu.memory_space<hbm>>
        %dma_start3A_1270 = arith.constant 50 : i32
        %dma_start3A_1271 = arith.constant 0 : i32
        %dma_start3A_1272 = tpu.memref_slice %arg6[%run_scoped3A_651, %dma_start3A_1270, %dma_start3A_1271] : memref<16x104x64xf32, #tpu.memory_space<vmem>> -> memref<1x50x64xf32, #tpu.memory_space<vmem>>
        %dma_start3A_1273 = tpu.memref_squeeze %dma_start3A_1272 : memref<1x50x64xf32, #tpu.memory_space<vmem>> -> memref<50x64xf32, #tpu.memory_space<vmem>>
        tpu.enqueue_dma source(%dma_start3A_1273 : memref<50x64xf32, #tpu.memory_space<vmem>>) target(%dma_start3A_1269 : memref<50x64xf32, #tpu.memory_space<hbm>>) target_semaphore(%run_scoped3A_1257 : memref<!tpu.dma_semaphore, #tpu.memory_space<semaphore_mem>>)
        %dma_wait3A_1274 = arith.constant 50 : i32
        %dma_wait3A_1275 = arith.constant 0 : i32
        %dma_wait3A_1276 = tpu.memref_slice %arg6[%run_scoped3A_651, %dma_wait3A_1274, %dma_wait3A_1275] : memref<16x104x64xf32, #tpu.memory_space<vmem>> -> memref<1x50x64xf32, #tpu.memory_space<vmem>>
        %dma_wait3A_1277 = tpu.memref_squeeze %dma_wait3A_1276 : memref<1x50x64xf32, #tpu.memory_space<vmem>> -> memref<50x64xf32, #tpu.memory_space<vmem>>
        %dma_wait3A_1278 = arith.constant 0 : i32
        %dma_wait3A_1279 = arith.constant 0 : i32
        %dma_wait3A_1280 = tpu.memref_slice %arg4[%add3A_650, %dma_wait3A_1278, %dma_wait3A_1279] : memref<4096x56x128xf32, #tpu.memory_space<hbm>> -> memref<1x50x64xf32, #tpu.memory_space<hbm>>
        %dma_wait3A_1281 = tpu.memref_squeeze %dma_wait3A_1280 : memref<1x50x64xf32, #tpu.memory_space<hbm>> -> memref<50x64xf32, #tpu.memory_space<hbm>>
        %dma_wait3A_1282 = arith.constant 0 : i32
        %dma_wait3A_1283 = arith.constant 0 : i32
        %dma_wait3A_1284 = tpu.memref_slice %arg4[%add3A_650, %dma_wait3A_1282, %dma_wait3A_1283] : memref<4096x56x128xf32, #tpu.memory_space<hbm>> -> memref<1x50x64xf32, #tpu.memory_space<hbm>>
        %dma_wait3A_1285 = tpu.memref_squeeze %dma_wait3A_1284 : memref<1x50x64xf32, #tpu.memory_space<hbm>> -> memref<50x64xf32, #tpu.memory_space<hbm>>
        %dma_wait3A_1286 = arith.constant 50 : i32
        %dma_wait3A_1287 = arith.constant 0 : i32
        %dma_wait3A_1288 = tpu.memref_slice %arg6[%run_scoped3A_651, %dma_wait3A_1286, %dma_wait3A_1287] : memref<16x104x64xf32, #tpu.memory_space<vmem>> -> memref<1x50x64xf32, #tpu.memory_space<vmem>>
        %dma_wait3A_1289 = tpu.memref_squeeze %dma_wait3A_1288 : memref<1x50x64xf32, #tpu.memory_space<vmem>> -> memref<50x64xf32, #tpu.memory_space<vmem>>
        tpu.wait_dma2 semaphore(%run_scoped3A_1257 : memref<!tpu.dma_semaphore, #tpu.memory_space<semaphore_mem>>) src(%dma_wait3A_1289 : memref<50x64xf32, #tpu.memory_space<vmem>>) dst(%dma_wait3A_1285 : memref<50x64xf32, #tpu.memory_space<hbm>>)
        tpu.yield
      }) : () -> ()
      %add3A_652 = arith.constant 16 : i32
      %add3A_653 = arith.addi %add3A_629, %add3A_652 : i32
      %dma_start3A_654 = arith.constant 1 : i32
      %dma_start3A_655 = arith.constant 1 : i32
      %dma_start3A_656 = arith.constant 0 : i32
      %dma_start3A_657 = arith.constant 0 : i32
      %dma_start3A_658 = tpu.memref_slice %arg6[%dma_start3A_654, %dma_start3A_656, %dma_start3A_657] : memref<16x104x64xf32, #tpu.memory_space<vmem>> -> memref<1x104x64xf32, #tpu.memory_space<vmem>>
      %dma_start3A_659 = tpu.memref_squeeze %dma_start3A_658 : memref<1x104x64xf32, #tpu.memory_space<vmem>> -> memref<104x64xf32, #tpu.memory_space<vmem>>
      %dma_start3A_660 = arith.constant 0 : i32
      %dma_start3A_661 = tpu.memref_slice %arg5[%add3A_653, %dma_start3A_660] : memref<64x104xi32, #tpu.memory_space<vmem>> -> memref<1x104xi32, #tpu.memory_space<vmem>>
      %dma_start3A_662 = tpu.memref_squeeze %dma_start3A_661 : memref<1x104xi32, #tpu.memory_space<vmem>> -> memref<104xi32, #tpu.memory_space<vmem>>
      %dma_start3A_663 = arith.constant 0 : i32
      %dma_start3A_664 = arith.constant 0 : i32
      %dma_start3A_665 = tpu.memref_slice %arg3[%dma_start3A_663, %dma_start3A_664] : memref<1000000x64xf32, #tpu.memory_space<hbm>> -> memref<1000000x64xf32, #tpu.memory_space<hbm>>
      %dma_start3A_666 = tpu.memref_slice %arg7[%dma_start3A_655] : memref<16x!tpu.dma_semaphore, #tpu.memory_space<semaphore_mem>> -> memref<1x!tpu.dma_semaphore, #tpu.memory_space<semaphore_mem>>
      %dma_start3A_667 = tpu.memref_squeeze %dma_start3A_666 : memref<1x!tpu.dma_semaphore, #tpu.memory_space<semaphore_mem>> -> memref<!tpu.dma_semaphore, #tpu.memory_space<semaphore_mem>>
      tpu.enqueue_indirect_dma source(%dma_start3A_665 : memref<1000000x64xf32, #tpu.memory_space<hbm>>) target(%dma_start3A_659 : memref<104x64xf32, #tpu.memory_space<vmem>>) offsets(%dma_start3A_662 : memref<104xi32, #tpu.memory_space<vmem>>) semaphore(%dma_start3A_667 : memref<!tpu.dma_semaphore, #tpu.memory_space<semaphore_mem>>)
      %mul3A_668 = arith.constant 16 : i32
      %mul3A_669 = arith.muli %scan3A_582, %mul3A_668 : i32
      %add3A_670 = arith.constant 2 : i32
      %add3A_671 = arith.addi %mul3A_669, %add3A_670 : i32
      %dma_wait3A_672 = arith.constant 0 : i32
      %dma_wait3A_673 = arith.constant 2 : i32
      %dma_wait3A_674 = arith.constant 2 : i32
      %dma_wait3A_675 = arith.constant 0 : i32
      %dma_wait3A_676 = arith.constant 0 : i32
      %dma_wait3A_677 = tpu.memref_slice %arg6[%dma_wait3A_673, %dma_wait3A_675, %dma_wait3A_676] : memref<16x104x64xf32, #tpu.memory_space<vmem>> -> memref<1x104x64xf32, #tpu.memory_space<vmem>>
      %dma_wait3A_678 = tpu.memref_squeeze %dma_wait3A_677 : memref<1x104x64xf32, #tpu.memory_space<vmem>> -> memref<104x64xf32, #tpu.memory_space<vmem>>
      %dma_wait3A_679 = arith.constant 0 : i32
      %dma_wait3A_680 = tpu.memref_slice %arg5[%dma_wait3A_672, %dma_wait3A_679] : memref<64x104xi32, #tpu.memory_space<vmem>> -> memref<1x104xi32, #tpu.memory_space<vmem>>
      %dma_wait3A_681 = tpu.memref_squeeze %dma_wait3A_680 : memref<1x104xi32, #tpu.memory_space<vmem>> -> memref<104xi32, #tpu.memory_space<vmem>>
      %dma_wait3A_682 = arith.constant 0 : i32
      %dma_wait3A_683 = arith.constant 0 : i32
      %dma_wait3A_684 = tpu.memref_slice %arg3[%dma_wait3A_682, %dma_wait3A_683] : memref<1000000x64xf32, #tpu.memory_space<hbm>> -> memref<1000000x64xf32, #tpu.memory_space<hbm>>
      %dma_wait3A_685 = tpu.memref_slice %arg7[%dma_wait3A_674] : memref<16x!tpu.dma_semaphore, #tpu.memory_space<semaphore_mem>> -> memref<1x!tpu.dma_semaphore, #tpu.memory_space<semaphore_mem>>
      %dma_wait3A_686 = tpu.memref_squeeze %dma_wait3A_685 : memref<1x!tpu.dma_semaphore, #tpu.memory_space<semaphore_mem>> -> memref<!tpu.dma_semaphore, #tpu.memory_space<semaphore_mem>>
      tpu.wait_indirect_dma semaphore(%dma_wait3A_686 : memref<!tpu.dma_semaphore, #tpu.memory_space<semaphore_mem>>) src(%dma_wait3A_684 : memref<1000000x64xf32, #tpu.memory_space<hbm>>) dst(%dma_wait3A_678 : memref<104x64xf32, #tpu.memory_space<vmem>>)
      %mul3A_687 = arith.constant 2 : i32
      %mul3A_688 = arith.muli %mul3A_687, %add3A_671 : i32
      %add3A_689 = arith.addi %mul3A_2, %mul3A_688 : i32
      %run_scoped3A_690 = arith.constant 2 : i32
      "tpu.region"() ({
        %run_scoped3A_1257 = tpu.sem_alloc : memref<!tpu.dma_semaphore, #tpu.memory_space<semaphore_mem>>
        %dma_start3A_1258 = arith.constant 0 : i32
        %dma_start3A_1259 = arith.constant 0 : i32
        %dma_start3A_1260 = tpu.memref_slice %arg6[%run_scoped3A_690, %dma_start3A_1258, %dma_start3A_1259] : memref<16x104x64xf32, #tpu.memory_space<vmem>> -> memref<1x50x64xf32, #tpu.memory_space<vmem>>
        %dma_start3A_1261 = tpu.memref_squeeze %dma_start3A_1260 : memref<1x50x64xf32, #tpu.memory_space<vmem>> -> memref<50x64xf32, #tpu.memory_space<vmem>>
        %dma_start3A_1262 = arith.constant 0 : i32
        %dma_start3A_1263 = arith.constant 0 : i32
        %dma_start3A_1264 = tpu.memref_slice %arg4[%add3A_689, %dma_start3A_1262, %dma_start3A_1263] : memref<4096x56x128xf32, #tpu.memory_space<hbm>> -> memref<1x50x64xf32, #tpu.memory_space<hbm>>
        %dma_start3A_1265 = tpu.memref_squeeze %dma_start3A_1264 : memref<1x50x64xf32, #tpu.memory_space<hbm>> -> memref<50x64xf32, #tpu.memory_space<hbm>>
        %dma_start3A_1266 = arith.constant 0 : i32
        %dma_start3A_1267 = arith.constant 0 : i32
        %dma_start3A_1268 = tpu.memref_slice %arg4[%add3A_689, %dma_start3A_1266, %dma_start3A_1267] : memref<4096x56x128xf32, #tpu.memory_space<hbm>> -> memref<1x50x64xf32, #tpu.memory_space<hbm>>
        %dma_start3A_1269 = tpu.memref_squeeze %dma_start3A_1268 : memref<1x50x64xf32, #tpu.memory_space<hbm>> -> memref<50x64xf32, #tpu.memory_space<hbm>>
        %dma_start3A_1270 = arith.constant 0 : i32
        %dma_start3A_1271 = arith.constant 0 : i32
        %dma_start3A_1272 = tpu.memref_slice %arg6[%run_scoped3A_690, %dma_start3A_1270, %dma_start3A_1271] : memref<16x104x64xf32, #tpu.memory_space<vmem>> -> memref<1x50x64xf32, #tpu.memory_space<vmem>>
        %dma_start3A_1273 = tpu.memref_squeeze %dma_start3A_1272 : memref<1x50x64xf32, #tpu.memory_space<vmem>> -> memref<50x64xf32, #tpu.memory_space<vmem>>
        tpu.enqueue_dma source(%dma_start3A_1273 : memref<50x64xf32, #tpu.memory_space<vmem>>) target(%dma_start3A_1269 : memref<50x64xf32, #tpu.memory_space<hbm>>) target_semaphore(%run_scoped3A_1257 : memref<!tpu.dma_semaphore, #tpu.memory_space<semaphore_mem>>)
        %dma_wait3A_1274 = arith.constant 0 : i32
        %dma_wait3A_1275 = arith.constant 0 : i32
        %dma_wait3A_1276 = tpu.memref_slice %arg6[%run_scoped3A_690, %dma_wait3A_1274, %dma_wait3A_1275] : memref<16x104x64xf32, #tpu.memory_space<vmem>> -> memref<1x50x64xf32, #tpu.memory_space<vmem>>
        %dma_wait3A_1277 = tpu.memref_squeeze %dma_wait3A_1276 : memref<1x50x64xf32, #tpu.memory_space<vmem>> -> memref<50x64xf32, #tpu.memory_space<vmem>>
        %dma_wait3A_1278 = arith.constant 0 : i32
        %dma_wait3A_1279 = arith.constant 0 : i32
        %dma_wait3A_1280 = tpu.memref_slice %arg4[%add3A_689, %dma_wait3A_1278, %dma_wait3A_1279] : memref<4096x56x128xf32, #tpu.memory_space<hbm>> -> memref<1x50x64xf32, #tpu.memory_space<hbm>>
        %dma_wait3A_1281 = tpu.memref_squeeze %dma_wait3A_1280 : memref<1x50x64xf32, #tpu.memory_space<hbm>> -> memref<50x64xf32, #tpu.memory_space<hbm>>
        %dma_wait3A_1282 = arith.constant 0 : i32
        %dma_wait3A_1283 = arith.constant 0 : i32
        %dma_wait3A_1284 = tpu.memref_slice %arg4[%add3A_689, %dma_wait3A_1282, %dma_wait3A_1283] : memref<4096x56x128xf32, #tpu.memory_space<hbm>> -> memref<1x50x64xf32, #tpu.memory_space<hbm>>
        %dma_wait3A_1285 = tpu.memref_squeeze %dma_wait3A_1284 : memref<1x50x64xf32, #tpu.memory_space<hbm>> -> memref<50x64xf32, #tpu.memory_space<hbm>>
        %dma_wait3A_1286 = arith.constant 0 : i32
        %dma_wait3A_1287 = arith.constant 0 : i32
        %dma_wait3A_1288 = tpu.memref_slice %arg6[%run_scoped3A_690, %dma_wait3A_1286, %dma_wait3A_1287] : memref<16x104x64xf32, #tpu.memory_space<vmem>> -> memref<1x50x64xf32, #tpu.memory_space<vmem>>
        %dma_wait3A_1289 = tpu.memref_squeeze %dma_wait3A_1288 : memref<1x50x64xf32, #tpu.memory_space<vmem>> -> memref<50x64xf32, #tpu.memory_space<vmem>>
        tpu.wait_dma2 semaphore(%run_scoped3A_1257 : memref<!tpu.dma_semaphore, #tpu.memory_space<semaphore_mem>>) src(%dma_wait3A_1289 : memref<50x64xf32, #tpu.memory_space<vmem>>) dst(%dma_wait3A_1285 : memref<50x64xf32, #tpu.memory_space<hbm>>)
        tpu.yield
      }) : () -> ()
      %add3A_691 = arith.constant 1 : i32
      %add3A_692 = arith.addi %add3A_689, %add3A_691 : i32
      %run_scoped3A_693 = arith.constant 2 : i32
      "tpu.region"() ({
        %run_scoped3A_1257 = tpu.sem_alloc : memref<!tpu.dma_semaphore, #tpu.memory_space<semaphore_mem>>
        %dma_start3A_1258 = arith.constant 50 : i32
        %dma_start3A_1259 = arith.constant 0 : i32
        %dma_start3A_1260 = tpu.memref_slice %arg6[%run_scoped3A_693, %dma_start3A_1258, %dma_start3A_1259] : memref<16x104x64xf32, #tpu.memory_space<vmem>> -> memref<1x50x64xf32, #tpu.memory_space<vmem>>
        %dma_start3A_1261 = tpu.memref_squeeze %dma_start3A_1260 : memref<1x50x64xf32, #tpu.memory_space<vmem>> -> memref<50x64xf32, #tpu.memory_space<vmem>>
        %dma_start3A_1262 = arith.constant 0 : i32
        %dma_start3A_1263 = arith.constant 0 : i32
        %dma_start3A_1264 = tpu.memref_slice %arg4[%add3A_692, %dma_start3A_1262, %dma_start3A_1263] : memref<4096x56x128xf32, #tpu.memory_space<hbm>> -> memref<1x50x64xf32, #tpu.memory_space<hbm>>
        %dma_start3A_1265 = tpu.memref_squeeze %dma_start3A_1264 : memref<1x50x64xf32, #tpu.memory_space<hbm>> -> memref<50x64xf32, #tpu.memory_space<hbm>>
        %dma_start3A_1266 = arith.constant 0 : i32
        %dma_start3A_1267 = arith.constant 0 : i32
        %dma_start3A_1268 = tpu.memref_slice %arg4[%add3A_692, %dma_start3A_1266, %dma_start3A_1267] : memref<4096x56x128xf32, #tpu.memory_space<hbm>> -> memref<1x50x64xf32, #tpu.memory_space<hbm>>
        %dma_start3A_1269 = tpu.memref_squeeze %dma_start3A_1268 : memref<1x50x64xf32, #tpu.memory_space<hbm>> -> memref<50x64xf32, #tpu.memory_space<hbm>>
        %dma_start3A_1270 = arith.constant 50 : i32
        %dma_start3A_1271 = arith.constant 0 : i32
        %dma_start3A_1272 = tpu.memref_slice %arg6[%run_scoped3A_693, %dma_start3A_1270, %dma_start3A_1271] : memref<16x104x64xf32, #tpu.memory_space<vmem>> -> memref<1x50x64xf32, #tpu.memory_space<vmem>>
        %dma_start3A_1273 = tpu.memref_squeeze %dma_start3A_1272 : memref<1x50x64xf32, #tpu.memory_space<vmem>> -> memref<50x64xf32, #tpu.memory_space<vmem>>
        tpu.enqueue_dma source(%dma_start3A_1273 : memref<50x64xf32, #tpu.memory_space<vmem>>) target(%dma_start3A_1269 : memref<50x64xf32, #tpu.memory_space<hbm>>) target_semaphore(%run_scoped3A_1257 : memref<!tpu.dma_semaphore, #tpu.memory_space<semaphore_mem>>)
        %dma_wait3A_1274 = arith.constant 50 : i32
        %dma_wait3A_1275 = arith.constant 0 : i32
        %dma_wait3A_1276 = tpu.memref_slice %arg6[%run_scoped3A_693, %dma_wait3A_1274, %dma_wait3A_1275] : memref<16x104x64xf32, #tpu.memory_space<vmem>> -> memref<1x50x64xf32, #tpu.memory_space<vmem>>
        %dma_wait3A_1277 = tpu.memref_squeeze %dma_wait3A_1276 : memref<1x50x64xf32, #tpu.memory_space<vmem>> -> memref<50x64xf32, #tpu.memory_space<vmem>>
        %dma_wait3A_1278 = arith.constant 0 : i32
        %dma_wait3A_1279 = arith.constant 0 : i32
        %dma_wait3A_1280 = tpu.memref_slice %arg4[%add3A_692, %dma_wait3A_1278, %dma_wait3A_1279] : memref<4096x56x128xf32, #tpu.memory_space<hbm>> -> memref<1x50x64xf32, #tpu.memory_space<hbm>>
        %dma_wait3A_1281 = tpu.memref_squeeze %dma_wait3A_1280 : memref<1x50x64xf32, #tpu.memory_space<hbm>> -> memref<50x64xf32, #tpu.memory_space<hbm>>
        %dma_wait3A_1282 = arith.constant 0 : i32
        %dma_wait3A_1283 = arith.constant 0 : i32
        %dma_wait3A_1284 = tpu.memref_slice %arg4[%add3A_692, %dma_wait3A_1282, %dma_wait3A_1283] : memref<4096x56x128xf32, #tpu.memory_space<hbm>> -> memref<1x50x64xf32, #tpu.memory_space<hbm>>
        %dma_wait3A_1285 = tpu.memref_squeeze %dma_wait3A_1284 : memref<1x50x64xf32, #tpu.memory_space<hbm>> -> memref<50x64xf32, #tpu.memory_space<hbm>>
        %dma_wait3A_1286 = arith.constant 50 : i32
        %dma_wait3A_1287 = arith.constant 0 : i32
        %dma_wait3A_1288 = tpu.memref_slice %arg6[%run_scoped3A_693, %dma_wait3A_1286, %dma_wait3A_1287] : memref<16x104x64xf32, #tpu.memory_space<vmem>> -> memref<1x50x64xf32, #tpu.memory_space<vmem>>
        %dma_wait3A_1289 = tpu.memref_squeeze %dma_wait3A_1288 : memref<1x50x64xf32, #tpu.memory_space<vmem>> -> memref<50x64xf32, #tpu.memory_space<vmem>>
        tpu.wait_dma2 semaphore(%run_scoped3A_1257 : memref<!tpu.dma_semaphore, #tpu.memory_space<semaphore_mem>>) src(%dma_wait3A_1289 : memref<50x64xf32, #tpu.memory_space<vmem>>) dst(%dma_wait3A_1285 : memref<50x64xf32, #tpu.memory_space<hbm>>)
        tpu.yield
      }) : () -> ()
      %add3A_694 = arith.constant 16 : i32
      %add3A_695 = arith.addi %add3A_671, %add3A_694 : i32
      %dma_start3A_696 = arith.constant 2 : i32
      %dma_start3A_697 = arith.constant 2 : i32
      %dma_start3A_698 = arith.constant 0 : i32
      %dma_start3A_699 = arith.constant 0 : i32
      %dma_start3A_700 = tpu.memref_slice %arg6[%dma_start3A_696, %dma_start3A_698, %dma_start3A_699] : memref<16x104x64xf32, #tpu.memory_space<vmem>> -> memref<1x104x64xf32, #tpu.memory_space<vmem>>
      %dma_start3A_701 = tpu.memref_squeeze %dma_start3A_700 : memref<1x104x64xf32, #tpu.memory_space<vmem>> -> memref<104x64xf32, #tpu.memory_space<vmem>>
      %dma_start3A_702 = arith.constant 0 : i32
      %dma_start3A_703 = tpu.memref_slice %arg5[%add3A_695, %dma_start3A_702] : memref<64x104xi32, #tpu.memory_space<vmem>> -> memref<1x104xi32, #tpu.memory_space<vmem>>
      %dma_start3A_704 = tpu.memref_squeeze %dma_start3A_703 : memref<1x104xi32, #tpu.memory_space<vmem>> -> memref<104xi32, #tpu.memory_space<vmem>>
      %dma_start3A_705 = arith.constant 0 : i32
      %dma_start3A_706 = arith.constant 0 : i32
      %dma_start3A_707 = tpu.memref_slice %arg3[%dma_start3A_705, %dma_start3A_706] : memref<1000000x64xf32, #tpu.memory_space<hbm>> -> memref<1000000x64xf32, #tpu.memory_space<hbm>>
      %dma_start3A_708 = tpu.memref_slice %arg7[%dma_start3A_697] : memref<16x!tpu.dma_semaphore, #tpu.memory_space<semaphore_mem>> -> memref<1x!tpu.dma_semaphore, #tpu.memory_space<semaphore_mem>>
      %dma_start3A_709 = tpu.memref_squeeze %dma_start3A_708 : memref<1x!tpu.dma_semaphore, #tpu.memory_space<semaphore_mem>> -> memref<!tpu.dma_semaphore, #tpu.memory_space<semaphore_mem>>
      tpu.enqueue_indirect_dma source(%dma_start3A_707 : memref<1000000x64xf32, #tpu.memory_space<hbm>>) target(%dma_start3A_701 : memref<104x64xf32, #tpu.memory_space<vmem>>) offsets(%dma_start3A_704 : memref<104xi32, #tpu.memory_space<vmem>>) semaphore(%dma_start3A_709 : memref<!tpu.dma_semaphore, #tpu.memory_space<semaphore_mem>>)
      %mul3A_710 = arith.constant 16 : i32
      %mul3A_711 = arith.muli %scan3A_582, %mul3A_710 : i32
      %add3A_712 = arith.constant 3 : i32
      %add3A_713 = arith.addi %mul3A_711, %add3A_712 : i32
      %dma_wait3A_714 = arith.constant 0 : i32
      %dma_wait3A_715 = arith.constant 3 : i32
      %dma_wait3A_716 = arith.constant 3 : i32
      %dma_wait3A_717 = arith.constant 0 : i32
      %dma_wait3A_718 = arith.constant 0 : i32
      %dma_wait3A_719 = tpu.memref_slice %arg6[%dma_wait3A_715, %dma_wait3A_717, %dma_wait3A_718] : memref<16x104x64xf32, #tpu.memory_space<vmem>> -> memref<1x104x64xf32, #tpu.memory_space<vmem>>
      %dma_wait3A_720 = tpu.memref_squeeze %dma_wait3A_719 : memref<1x104x64xf32, #tpu.memory_space<vmem>> -> memref<104x64xf32, #tpu.memory_space<vmem>>
      %dma_wait3A_721 = arith.constant 0 : i32
      %dma_wait3A_722 = tpu.memref_slice %arg5[%dma_wait3A_714, %dma_wait3A_721] : memref<64x104xi32, #tpu.memory_space<vmem>> -> memref<1x104xi32, #tpu.memory_space<vmem>>
      %dma_wait3A_723 = tpu.memref_squeeze %dma_wait3A_722 : memref<1x104xi32, #tpu.memory_space<vmem>> -> memref<104xi32, #tpu.memory_space<vmem>>
      %dma_wait3A_724 = arith.constant 0 : i32
      %dma_wait3A_725 = arith.constant 0 : i32
      %dma_wait3A_726 = tpu.memref_slice %arg3[%dma_wait3A_724, %dma_wait3A_725] : memref<1000000x64xf32, #tpu.memory_space<hbm>> -> memref<1000000x64xf32, #tpu.memory_space<hbm>>
      %dma_wait3A_727 = tpu.memref_slice %arg7[%dma_wait3A_716] : memref<16x!tpu.dma_semaphore, #tpu.memory_space<semaphore_mem>> -> memref<1x!tpu.dma_semaphore, #tpu.memory_space<semaphore_mem>>
      %dma_wait3A_728 = tpu.memref_squeeze %dma_wait3A_727 : memref<1x!tpu.dma_semaphore, #tpu.memory_space<semaphore_mem>> -> memref<!tpu.dma_semaphore, #tpu.memory_space<semaphore_mem>>
      tpu.wait_indirect_dma semaphore(%dma_wait3A_728 : memref<!tpu.dma_semaphore, #tpu.memory_space<semaphore_mem>>) src(%dma_wait3A_726 : memref<1000000x64xf32, #tpu.memory_space<hbm>>) dst(%dma_wait3A_720 : memref<104x64xf32, #tpu.memory_space<vmem>>)
      %mul3A_729 = arith.constant 2 : i32
      %mul3A_730 = arith.muli %mul3A_729, %add3A_713 : i32
      %add3A_731 = arith.addi %mul3A_2, %mul3A_730 : i32
      %run_scoped3A_732 = arith.constant 3 : i32
      "tpu.region"() ({
        %run_scoped3A_1257 = tpu.sem_alloc : memref<!tpu.dma_semaphore, #tpu.memory_space<semaphore_mem>>
        %dma_start3A_1258 = arith.constant 0 : i32
        %dma_start3A_1259 = arith.constant 0 : i32
        %dma_start3A_1260 = tpu.memref_slice %arg6[%run_scoped3A_732, %dma_start3A_1258, %dma_start3A_1259] : memref<16x104x64xf32, #tpu.memory_space<vmem>> -> memref<1x50x64xf32, #tpu.memory_space<vmem>>
        %dma_start3A_1261 = tpu.memref_squeeze %dma_start3A_1260 : memref<1x50x64xf32, #tpu.memory_space<vmem>> -> memref<50x64xf32, #tpu.memory_space<vmem>>
        %dma_start3A_1262 = arith.constant 0 : i32
        %dma_start3A_1263 = arith.constant 0 : i32
        %dma_start3A_1264 = tpu.memref_slice %arg4[%add3A_731, %dma_start3A_1262, %dma_start3A_1263] : memref<4096x56x128xf32, #tpu.memory_space<hbm>> -> memref<1x50x64xf32, #tpu.memory_space<hbm>>
        %dma_start3A_1265 = tpu.memref_squeeze %dma_start3A_1264 : memref<1x50x64xf32, #tpu.memory_space<hbm>> -> memref<50x64xf32, #tpu.memory_space<hbm>>
        %dma_start3A_1266 = arith.constant 0 : i32
        %dma_start3A_1267 = arith.constant 0 : i32
        %dma_start3A_1268 = tpu.memref_slice %arg4[%add3A_731, %dma_start3A_1266, %dma_start3A_1267] : memref<4096x56x128xf32, #tpu.memory_space<hbm>> -> memref<1x50x64xf32, #tpu.memory_space<hbm>>
        %dma_start3A_1269 = tpu.memref_squeeze %dma_start3A_1268 : memref<1x50x64xf32, #tpu.memory_space<hbm>> -> memref<50x64xf32, #tpu.memory_space<hbm>>
        %dma_start3A_1270 = arith.constant 0 : i32
        %dma_start3A_1271 = arith.constant 0 : i32
        %dma_start3A_1272 = tpu.memref_slice %arg6[%run_scoped3A_732, %dma_start3A_1270, %dma_start3A_1271] : memref<16x104x64xf32, #tpu.memory_space<vmem>> -> memref<1x50x64xf32, #tpu.memory_space<vmem>>
        %dma_start3A_1273 = tpu.memref_squeeze %dma_start3A_1272 : memref<1x50x64xf32, #tpu.memory_space<vmem>> -> memref<50x64xf32, #tpu.memory_space<vmem>>
        tpu.enqueue_dma source(%dma_start3A_1273 : memref<50x64xf32, #tpu.memory_space<vmem>>) target(%dma_start3A_1269 : memref<50x64xf32, #tpu.memory_space<hbm>>) target_semaphore(%run_scoped3A_1257 : memref<!tpu.dma_semaphore, #tpu.memory_space<semaphore_mem>>)
        %dma_wait3A_1274 = arith.constant 0 : i32
        %dma_wait3A_1275 = arith.constant 0 : i32
        %dma_wait3A_1276 = tpu.memref_slice %arg6[%run_scoped3A_732, %dma_wait3A_1274, %dma_wait3A_1275] : memref<16x104x64xf32, #tpu.memory_space<vmem>> -> memref<1x50x64xf32, #tpu.memory_space<vmem>>
        %dma_wait3A_1277 = tpu.memref_squeeze %dma_wait3A_1276 : memref<1x50x64xf32, #tpu.memory_space<vmem>> -> memref<50x64xf32, #tpu.memory_space<vmem>>
        %dma_wait3A_1278 = arith.constant 0 : i32
        %dma_wait3A_1279 = arith.constant 0 : i32
        %dma_wait3A_1280 = tpu.memref_slice %arg4[%add3A_731, %dma_wait3A_1278, %dma_wait3A_1279] : memref<4096x56x128xf32, #tpu.memory_space<hbm>> -> memref<1x50x64xf32, #tpu.memory_space<hbm>>
        %dma_wait3A_1281 = tpu.memref_squeeze %dma_wait3A_1280 : memref<1x50x64xf32, #tpu.memory_space<hbm>> -> memref<50x64xf32, #tpu.memory_space<hbm>>
        %dma_wait3A_1282 = arith.constant 0 : i32
        %dma_wait3A_1283 = arith.constant 0 : i32
        %dma_wait3A_1284 = tpu.memref_slice %arg4[%add3A_731, %dma_wait3A_1282, %dma_wait3A_1283] : memref<4096x56x128xf32, #tpu.memory_space<hbm>> -> memref<1x50x64xf32, #tpu.memory_space<hbm>>
        %dma_wait3A_1285 = tpu.memref_squeeze %dma_wait3A_1284 : memref<1x50x64xf32, #tpu.memory_space<hbm>> -> memref<50x64xf32, #tpu.memory_space<hbm>>
        %dma_wait3A_1286 = arith.constant 0 : i32
        %dma_wait3A_1287 = arith.constant 0 : i32
        %dma_wait3A_1288 = tpu.memref_slice %arg6[%run_scoped3A_732, %dma_wait3A_1286, %dma_wait3A_1287] : memref<16x104x64xf32, #tpu.memory_space<vmem>> -> memref<1x50x64xf32, #tpu.memory_space<vmem>>
        %dma_wait3A_1289 = tpu.memref_squeeze %dma_wait3A_1288 : memref<1x50x64xf32, #tpu.memory_space<vmem>> -> memref<50x64xf32, #tpu.memory_space<vmem>>
        tpu.wait_dma2 semaphore(%run_scoped3A_1257 : memref<!tpu.dma_semaphore, #tpu.memory_space<semaphore_mem>>) src(%dma_wait3A_1289 : memref<50x64xf32, #tpu.memory_space<vmem>>) dst(%dma_wait3A_1285 : memref<50x64xf32, #tpu.memory_space<hbm>>)
        tpu.yield
      }) : () -> ()
      %add3A_733 = arith.constant 1 : i32
      %add3A_734 = arith.addi %add3A_731, %add3A_733 : i32
      %run_scoped3A_735 = arith.constant 3 : i32
      "tpu.region"() ({
        %run_scoped3A_1257 = tpu.sem_alloc : memref<!tpu.dma_semaphore, #tpu.memory_space<semaphore_mem>>
        %dma_start3A_1258 = arith.constant 50 : i32
        %dma_start3A_1259 = arith.constant 0 : i32
        %dma_start3A_1260 = tpu.memref_slice %arg6[%run_scoped3A_735, %dma_start3A_1258, %dma_start3A_1259] : memref<16x104x64xf32, #tpu.memory_space<vmem>> -> memref<1x50x64xf32, #tpu.memory_space<vmem>>
        %dma_start3A_1261 = tpu.memref_squeeze %dma_start3A_1260 : memref<1x50x64xf32, #tpu.memory_space<vmem>> -> memref<50x64xf32, #tpu.memory_space<vmem>>
        %dma_start3A_1262 = arith.constant 0 : i32
        %dma_start3A_1263 = arith.constant 0 : i32
        %dma_start3A_1264 = tpu.memref_slice %arg4[%add3A_734, %dma_start3A_1262, %dma_start3A_1263] : memref<4096x56x128xf32, #tpu.memory_space<hbm>> -> memref<1x50x64xf32, #tpu.memory_space<hbm>>
        %dma_start3A_1265 = tpu.memref_squeeze %dma_start3A_1264 : memref<1x50x64xf32, #tpu.memory_space<hbm>> -> memref<50x64xf32, #tpu.memory_space<hbm>>
        %dma_start3A_1266 = arith.constant 0 : i32
        %dma_start3A_1267 = arith.constant 0 : i32
        %dma_start3A_1268 = tpu.memref_slice %arg4[%add3A_734, %dma_start3A_1266, %dma_start3A_1267] : memref<4096x56x128xf32, #tpu.memory_space<hbm>> -> memref<1x50x64xf32, #tpu.memory_space<hbm>>
        %dma_start3A_1269 = tpu.memref_squeeze %dma_start3A_1268 : memref<1x50x64xf32, #tpu.memory_space<hbm>> -> memref<50x64xf32, #tpu.memory_space<hbm>>
        %dma_start3A_1270 = arith.constant 50 : i32
        %dma_start3A_1271 = arith.constant 0 : i32
        %dma_start3A_1272 = tpu.memref_slice %arg6[%run_scoped3A_735, %dma_start3A_1270, %dma_start3A_1271] : memref<16x104x64xf32, #tpu.memory_space<vmem>> -> memref<1x50x64xf32, #tpu.memory_space<vmem>>
        %dma_start3A_1273 = tpu.memref_squeeze %dma_start3A_1272 : memref<1x50x64xf32, #tpu.memory_space<vmem>> -> memref<50x64xf32, #tpu.memory_space<vmem>>
        tpu.enqueue_dma source(%dma_start3A_1273 : memref<50x64xf32, #tpu.memory_space<vmem>>) target(%dma_start3A_1269 : memref<50x64xf32, #tpu.memory_space<hbm>>) target_semaphore(%run_scoped3A_1257 : memref<!tpu.dma_semaphore, #tpu.memory_space<semaphore_mem>>)
        %dma_wait3A_1274 = arith.constant 50 : i32
        %dma_wait3A_1275 = arith.constant 0 : i32
        %dma_wait3A_1276 = tpu.memref_slice %arg6[%run_scoped3A_735, %dma_wait3A_1274, %dma_wait3A_1275] : memref<16x104x64xf32, #tpu.memory_space<vmem>> -> memref<1x50x64xf32, #tpu.memory_space<vmem>>
        %dma_wait3A_1277 = tpu.memref_squeeze %dma_wait3A_1276 : memref<1x50x64xf32, #tpu.memory_space<vmem>> -> memref<50x64xf32, #tpu.memory_space<vmem>>
        %dma_wait3A_1278 = arith.constant 0 : i32
        %dma_wait3A_1279 = arith.constant 0 : i32
        %dma_wait3A_1280 = tpu.memref_slice %arg4[%add3A_734, %dma_wait3A_1278, %dma_wait3A_1279] : memref<4096x56x128xf32, #tpu.memory_space<hbm>> -> memref<1x50x64xf32, #tpu.memory_space<hbm>>
        %dma_wait3A_1281 = tpu.memref_squeeze %dma_wait3A_1280 : memref<1x50x64xf32, #tpu.memory_space<hbm>> -> memref<50x64xf32, #tpu.memory_space<hbm>>
        %dma_wait3A_1282 = arith.constant 0 : i32
        %dma_wait3A_1283 = arith.constant 0 : i32
        %dma_wait3A_1284 = tpu.memref_slice %arg4[%add3A_734, %dma_wait3A_1282, %dma_wait3A_1283] : memref<4096x56x128xf32, #tpu.memory_space<hbm>> -> memref<1x50x64xf32, #tpu.memory_space<hbm>>
        %dma_wait3A_1285 = tpu.memref_squeeze %dma_wait3A_1284 : memref<1x50x64xf32, #tpu.memory_space<hbm>> -> memref<50x64xf32, #tpu.memory_space<hbm>>
        %dma_wait3A_1286 = arith.constant 50 : i32
        %dma_wait3A_1287 = arith.constant 0 : i32
        %dma_wait3A_1288 = tpu.memref_slice %arg6[%run_scoped3A_735, %dma_wait3A_1286, %dma_wait3A_1287] : memref<16x104x64xf32, #tpu.memory_space<vmem>> -> memref<1x50x64xf32, #tpu.memory_space<vmem>>
        %dma_wait3A_1289 = tpu.memref_squeeze %dma_wait3A_1288 : memref<1x50x64xf32, #tpu.memory_space<vmem>> -> memref<50x64xf32, #tpu.memory_space<vmem>>
        tpu.wait_dma2 semaphore(%run_scoped3A_1257 : memref<!tpu.dma_semaphore, #tpu.memory_space<semaphore_mem>>) src(%dma_wait3A_1289 : memref<50x64xf32, #tpu.memory_space<vmem>>) dst(%dma_wait3A_1285 : memref<50x64xf32, #tpu.memory_space<hbm>>)
        tpu.yield
      }) : () -> ()
      %add3A_736 = arith.constant 16 : i32
      %add3A_737 = arith.addi %add3A_713, %add3A_736 : i32
      %dma_start3A_738 = arith.constant 3 : i32
      %dma_start3A_739 = arith.constant 3 : i32
      %dma_start3A_740 = arith.constant 0 : i32
      %dma_start3A_741 = arith.constant 0 : i32
      %dma_start3A_742 = tpu.memref_slice %arg6[%dma_start3A_738, %dma_start3A_740, %dma_start3A_741] : memref<16x104x64xf32, #tpu.memory_space<vmem>> -> memref<1x104x64xf32, #tpu.memory_space<vmem>>
      %dma_start3A_743 = tpu.memref_squeeze %dma_start3A_742 : memref<1x104x64xf32, #tpu.memory_space<vmem>> -> memref<104x64xf32, #tpu.memory_space<vmem>>
      %dma_start3A_744 = arith.constant 0 : i32
      %dma_start3A_745 = tpu.memref_slice %arg5[%add3A_737, %dma_start3A_744] : memref<64x104xi32, #tpu.memory_space<vmem>> -> memref<1x104xi32, #tpu.memory_space<vmem>>
      %dma_start3A_746 = tpu.memref_squeeze %dma_start3A_745 : memref<1x104xi32, #tpu.memory_space<vmem>> -> memref<104xi32, #tpu.memory_space<vmem>>
      %dma_start3A_747 = arith.constant 0 : i32
      %dma_start3A_748 = arith.constant 0 : i32
      %dma_start3A_749 = tpu.memref_slice %arg3[%dma_start3A_747, %dma_start3A_748] : memref<1000000x64xf32, #tpu.memory_space<hbm>> -> memref<1000000x64xf32, #tpu.memory_space<hbm>>
      %dma_start3A_750 = tpu.memref_slice %arg7[%dma_start3A_739] : memref<16x!tpu.dma_semaphore, #tpu.memory_space<semaphore_mem>> -> memref<1x!tpu.dma_semaphore, #tpu.memory_space<semaphore_mem>>
      %dma_start3A_751 = tpu.memref_squeeze %dma_start3A_750 : memref<1x!tpu.dma_semaphore, #tpu.memory_space<semaphore_mem>> -> memref<!tpu.dma_semaphore, #tpu.memory_space<semaphore_mem>>
      tpu.enqueue_indirect_dma source(%dma_start3A_749 : memref<1000000x64xf32, #tpu.memory_space<hbm>>) target(%dma_start3A_743 : memref<104x64xf32, #tpu.memory_space<vmem>>) offsets(%dma_start3A_746 : memref<104xi32, #tpu.memory_space<vmem>>) semaphore(%dma_start3A_751 : memref<!tpu.dma_semaphore, #tpu.memory_space<semaphore_mem>>)
      %mul3A_752 = arith.constant 16 : i32
      %mul3A_753 = arith.muli %scan3A_582, %mul3A_752 : i32
      %add3A_754 = arith.constant 4 : i32
      %add3A_755 = arith.addi %mul3A_753, %add3A_754 : i32
      %dma_wait3A_756 = arith.constant 0 : i32
      %dma_wait3A_757 = arith.constant 4 : i32
      %dma_wait3A_758 = arith.constant 4 : i32
      %dma_wait3A_759 = arith.constant 0 : i32
      %dma_wait3A_760 = arith.constant 0 : i32
      %dma_wait3A_761 = tpu.memref_slice %arg6[%dma_wait3A_757, %dma_wait3A_759, %dma_wait3A_760] : memref<16x104x64xf32, #tpu.memory_space<vmem>> -> memref<1x104x64xf32, #tpu.memory_space<vmem>>
      %dma_wait3A_762 = tpu.memref_squeeze %dma_wait3A_761 : memref<1x104x64xf32, #tpu.memory_space<vmem>> -> memref<104x64xf32, #tpu.memory_space<vmem>>
      %dma_wait3A_763 = arith.constant 0 : i32
      %dma_wait3A_764 = tpu.memref_slice %arg5[%dma_wait3A_756, %dma_wait3A_763] : memref<64x104xi32, #tpu.memory_space<vmem>> -> memref<1x104xi32, #tpu.memory_space<vmem>>
      %dma_wait3A_765 = tpu.memref_squeeze %dma_wait3A_764 : memref<1x104xi32, #tpu.memory_space<vmem>> -> memref<104xi32, #tpu.memory_space<vmem>>
      %dma_wait3A_766 = arith.constant 0 : i32
      %dma_wait3A_767 = arith.constant 0 : i32
      %dma_wait3A_768 = tpu.memref_slice %arg3[%dma_wait3A_766, %dma_wait3A_767] : memref<1000000x64xf32, #tpu.memory_space<hbm>> -> memref<1000000x64xf32, #tpu.memory_space<hbm>>
      %dma_wait3A_769 = tpu.memref_slice %arg7[%dma_wait3A_758] : memref<16x!tpu.dma_semaphore, #tpu.memory_space<semaphore_mem>> -> memref<1x!tpu.dma_semaphore, #tpu.memory_space<semaphore_mem>>
      %dma_wait3A_770 = tpu.memref_squeeze %dma_wait3A_769 : memref<1x!tpu.dma_semaphore, #tpu.memory_space<semaphore_mem>> -> memref<!tpu.dma_semaphore, #tpu.memory_space<semaphore_mem>>
      tpu.wait_indirect_dma semaphore(%dma_wait3A_770 : memref<!tpu.dma_semaphore, #tpu.memory_space<semaphore_mem>>) src(%dma_wait3A_768 : memref<1000000x64xf32, #tpu.memory_space<hbm>>) dst(%dma_wait3A_762 : memref<104x64xf32, #tpu.memory_space<vmem>>)
      %mul3A_771 = arith.constant 2 : i32
      %mul3A_772 = arith.muli %mul3A_771, %add3A_755 : i32
      %add3A_773 = arith.addi %mul3A_2, %mul3A_772 : i32
      %run_scoped3A_774 = arith.constant 4 : i32
      "tpu.region"() ({
        %run_scoped3A_1257 = tpu.sem_alloc : memref<!tpu.dma_semaphore, #tpu.memory_space<semaphore_mem>>
        %dma_start3A_1258 = arith.constant 0 : i32
        %dma_start3A_1259 = arith.constant 0 : i32
        %dma_start3A_1260 = tpu.memref_slice %arg6[%run_scoped3A_774, %dma_start3A_1258, %dma_start3A_1259] : memref<16x104x64xf32, #tpu.memory_space<vmem>> -> memref<1x50x64xf32, #tpu.memory_space<vmem>>
        %dma_start3A_1261 = tpu.memref_squeeze %dma_start3A_1260 : memref<1x50x64xf32, #tpu.memory_space<vmem>> -> memref<50x64xf32, #tpu.memory_space<vmem>>
        %dma_start3A_1262 = arith.constant 0 : i32
        %dma_start3A_1263 = arith.constant 0 : i32
        %dma_start3A_1264 = tpu.memref_slice %arg4[%add3A_773, %dma_start3A_1262, %dma_start3A_1263] : memref<4096x56x128xf32, #tpu.memory_space<hbm>> -> memref<1x50x64xf32, #tpu.memory_space<hbm>>
        %dma_start3A_1265 = tpu.memref_squeeze %dma_start3A_1264 : memref<1x50x64xf32, #tpu.memory_space<hbm>> -> memref<50x64xf32, #tpu.memory_space<hbm>>
        %dma_start3A_1266 = arith.constant 0 : i32
        %dma_start3A_1267 = arith.constant 0 : i32
        %dma_start3A_1268 = tpu.memref_slice %arg4[%add3A_773, %dma_start3A_1266, %dma_start3A_1267] : memref<4096x56x128xf32, #tpu.memory_space<hbm>> -> memref<1x50x64xf32, #tpu.memory_space<hbm>>
        %dma_start3A_1269 = tpu.memref_squeeze %dma_start3A_1268 : memref<1x50x64xf32, #tpu.memory_space<hbm>> -> memref<50x64xf32, #tpu.memory_space<hbm>>
        %dma_start3A_1270 = arith.constant 0 : i32
        %dma_start3A_1271 = arith.constant 0 : i32
        %dma_start3A_1272 = tpu.memref_slice %arg6[%run_scoped3A_774, %dma_start3A_1270, %dma_start3A_1271] : memref<16x104x64xf32, #tpu.memory_space<vmem>> -> memref<1x50x64xf32, #tpu.memory_space<vmem>>
        %dma_start3A_1273 = tpu.memref_squeeze %dma_start3A_1272 : memref<1x50x64xf32, #tpu.memory_space<vmem>> -> memref<50x64xf32, #tpu.memory_space<vmem>>
        tpu.enqueue_dma source(%dma_start3A_1273 : memref<50x64xf32, #tpu.memory_space<vmem>>) target(%dma_start3A_1269 : memref<50x64xf32, #tpu.memory_space<hbm>>) target_semaphore(%run_scoped3A_1257 : memref<!tpu.dma_semaphore, #tpu.memory_space<semaphore_mem>>)
        %dma_wait3A_1274 = arith.constant 0 : i32
        %dma_wait3A_1275 = arith.constant 0 : i32
        %dma_wait3A_1276 = tpu.memref_slice %arg6[%run_scoped3A_774, %dma_wait3A_1274, %dma_wait3A_1275] : memref<16x104x64xf32, #tpu.memory_space<vmem>> -> memref<1x50x64xf32, #tpu.memory_space<vmem>>
        %dma_wait3A_1277 = tpu.memref_squeeze %dma_wait3A_1276 : memref<1x50x64xf32, #tpu.memory_space<vmem>> -> memref<50x64xf32, #tpu.memory_space<vmem>>
        %dma_wait3A_1278 = arith.constant 0 : i32
        %dma_wait3A_1279 = arith.constant 0 : i32
        %dma_wait3A_1280 = tpu.memref_slice %arg4[%add3A_773, %dma_wait3A_1278, %dma_wait3A_1279] : memref<4096x56x128xf32, #tpu.memory_space<hbm>> -> memref<1x50x64xf32, #tpu.memory_space<hbm>>
        %dma_wait3A_1281 = tpu.memref_squeeze %dma_wait3A_1280 : memref<1x50x64xf32, #tpu.memory_space<hbm>> -> memref<50x64xf32, #tpu.memory_space<hbm>>
        %dma_wait3A_1282 = arith.constant 0 : i32
        %dma_wait3A_1283 = arith.constant 0 : i32
        %dma_wait3A_1284 = tpu.memref_slice %arg4[%add3A_773, %dma_wait3A_1282, %dma_wait3A_1283] : memref<4096x56x128xf32, #tpu.memory_space<hbm>> -> memref<1x50x64xf32, #tpu.memory_space<hbm>>
        %dma_wait3A_1285 = tpu.memref_squeeze %dma_wait3A_1284 : memref<1x50x64xf32, #tpu.memory_space<hbm>> -> memref<50x64xf32, #tpu.memory_space<hbm>>
        %dma_wait3A_1286 = arith.constant 0 : i32
        %dma_wait3A_1287 = arith.constant 0 : i32
        %dma_wait3A_1288 = tpu.memref_slice %arg6[%run_scoped3A_774, %dma_wait3A_1286, %dma_wait3A_1287] : memref<16x104x64xf32, #tpu.memory_space<vmem>> -> memref<1x50x64xf32, #tpu.memory_space<vmem>>
        %dma_wait3A_1289 = tpu.memref_squeeze %dma_wait3A_1288 : memref<1x50x64xf32, #tpu.memory_space<vmem>> -> memref<50x64xf32, #tpu.memory_space<vmem>>
        tpu.wait_dma2 semaphore(%run_scoped3A_1257 : memref<!tpu.dma_semaphore, #tpu.memory_space<semaphore_mem>>) src(%dma_wait3A_1289 : memref<50x64xf32, #tpu.memory_space<vmem>>) dst(%dma_wait3A_1285 : memref<50x64xf32, #tpu.memory_space<hbm>>)
        tpu.yield
      }) : () -> ()
      %add3A_775 = arith.constant 1 : i32
      %add3A_776 = arith.addi %add3A_773, %add3A_775 : i32
      %run_scoped3A_777 = arith.constant 4 : i32
      "tpu.region"() ({
        %run_scoped3A_1257 = tpu.sem_alloc : memref<!tpu.dma_semaphore, #tpu.memory_space<semaphore_mem>>
        %dma_start3A_1258 = arith.constant 50 : i32
        %dma_start3A_1259 = arith.constant 0 : i32
        %dma_start3A_1260 = tpu.memref_slice %arg6[%run_scoped3A_777, %dma_start3A_1258, %dma_start3A_1259] : memref<16x104x64xf32, #tpu.memory_space<vmem>> -> memref<1x50x64xf32, #tpu.memory_space<vmem>>
        %dma_start3A_1261 = tpu.memref_squeeze %dma_start3A_1260 : memref<1x50x64xf32, #tpu.memory_space<vmem>> -> memref<50x64xf32, #tpu.memory_space<vmem>>
        %dma_start3A_1262 = arith.constant 0 : i32
        %dma_start3A_1263 = arith.constant 0 : i32
        %dma_start3A_1264 = tpu.memref_slice %arg4[%add3A_776, %dma_start3A_1262, %dma_start3A_1263] : memref<4096x56x128xf32, #tpu.memory_space<hbm>> -> memref<1x50x64xf32, #tpu.memory_space<hbm>>
        %dma_start3A_1265 = tpu.memref_squeeze %dma_start3A_1264 : memref<1x50x64xf32, #tpu.memory_space<hbm>> -> memref<50x64xf32, #tpu.memory_space<hbm>>
        %dma_start3A_1266 = arith.constant 0 : i32
        %dma_start3A_1267 = arith.constant 0 : i32
        %dma_start3A_1268 = tpu.memref_slice %arg4[%add3A_776, %dma_start3A_1266, %dma_start3A_1267] : memref<4096x56x128xf32, #tpu.memory_space<hbm>> -> memref<1x50x64xf32, #tpu.memory_space<hbm>>
        %dma_start3A_1269 = tpu.memref_squeeze %dma_start3A_1268 : memref<1x50x64xf32, #tpu.memory_space<hbm>> -> memref<50x64xf32, #tpu.memory_space<hbm>>
        %dma_start3A_1270 = arith.constant 50 : i32
        %dma_start3A_1271 = arith.constant 0 : i32
        %dma_start3A_1272 = tpu.memref_slice %arg6[%run_scoped3A_777, %dma_start3A_1270, %dma_start3A_1271] : memref<16x104x64xf32, #tpu.memory_space<vmem>> -> memref<1x50x64xf32, #tpu.memory_space<vmem>>
        %dma_start3A_1273 = tpu.memref_squeeze %dma_start3A_1272 : memref<1x50x64xf32, #tpu.memory_space<vmem>> -> memref<50x64xf32, #tpu.memory_space<vmem>>
        tpu.enqueue_dma source(%dma_start3A_1273 : memref<50x64xf32, #tpu.memory_space<vmem>>) target(%dma_start3A_1269 : memref<50x64xf32, #tpu.memory_space<hbm>>) target_semaphore(%run_scoped3A_1257 : memref<!tpu.dma_semaphore, #tpu.memory_space<semaphore_mem>>)
        %dma_wait3A_1274 = arith.constant 50 : i32
        %dma_wait3A_1275 = arith.constant 0 : i32
        %dma_wait3A_1276 = tpu.memref_slice %arg6[%run_scoped3A_777, %dma_wait3A_1274, %dma_wait3A_1275] : memref<16x104x64xf32, #tpu.memory_space<vmem>> -> memref<1x50x64xf32, #tpu.memory_space<vmem>>
        %dma_wait3A_1277 = tpu.memref_squeeze %dma_wait3A_1276 : memref<1x50x64xf32, #tpu.memory_space<vmem>> -> memref<50x64xf32, #tpu.memory_space<vmem>>
        %dma_wait3A_1278 = arith.constant 0 : i32
        %dma_wait3A_1279 = arith.constant 0 : i32
        %dma_wait3A_1280 = tpu.memref_slice %arg4[%add3A_776, %dma_wait3A_1278, %dma_wait3A_1279] : memref<4096x56x128xf32, #tpu.memory_space<hbm>> -> memref<1x50x64xf32, #tpu.memory_space<hbm>>
        %dma_wait3A_1281 = tpu.memref_squeeze %dma_wait3A_1280 : memref<1x50x64xf32, #tpu.memory_space<hbm>> -> memref<50x64xf32, #tpu.memory_space<hbm>>
        %dma_wait3A_1282 = arith.constant 0 : i32
        %dma_wait3A_1283 = arith.constant 0 : i32
        %dma_wait3A_1284 = tpu.memref_slice %arg4[%add3A_776, %dma_wait3A_1282, %dma_wait3A_1283] : memref<4096x56x128xf32, #tpu.memory_space<hbm>> -> memref<1x50x64xf32, #tpu.memory_space<hbm>>
        %dma_wait3A_1285 = tpu.memref_squeeze %dma_wait3A_1284 : memref<1x50x64xf32, #tpu.memory_space<hbm>> -> memref<50x64xf32, #tpu.memory_space<hbm>>
        %dma_wait3A_1286 = arith.constant 50 : i32
        %dma_wait3A_1287 = arith.constant 0 : i32
        %dma_wait3A_1288 = tpu.memref_slice %arg6[%run_scoped3A_777, %dma_wait3A_1286, %dma_wait3A_1287] : memref<16x104x64xf32, #tpu.memory_space<vmem>> -> memref<1x50x64xf32, #tpu.memory_space<vmem>>
        %dma_wait3A_1289 = tpu.memref_squeeze %dma_wait3A_1288 : memref<1x50x64xf32, #tpu.memory_space<vmem>> -> memref<50x64xf32, #tpu.memory_space<vmem>>
        tpu.wait_dma2 semaphore(%run_scoped3A_1257 : memref<!tpu.dma_semaphore, #tpu.memory_space<semaphore_mem>>) src(%dma_wait3A_1289 : memref<50x64xf32, #tpu.memory_space<vmem>>) dst(%dma_wait3A_1285 : memref<50x64xf32, #tpu.memory_space<hbm>>)
        tpu.yield
      }) : () -> ()
      %add3A_778 = arith.constant 16 : i32
      %add3A_779 = arith.addi %add3A_755, %add3A_778 : i32
      %dma_start3A_780 = arith.constant 4 : i32
      %dma_start3A_781 = arith.constant 4 : i32
      %dma_start3A_782 = arith.constant 0 : i32
      %dma_start3A_783 = arith.constant 0 : i32
      %dma_start3A_784 = tpu.memref_slice %arg6[%dma_start3A_780, %dma_start3A_782, %dma_start3A_783] : memref<16x104x64xf32, #tpu.memory_space<vmem>> -> memref<1x104x64xf32, #tpu.memory_space<vmem>>
      %dma_start3A_785 = tpu.memref_squeeze %dma_start3A_784 : memref<1x104x64xf32, #tpu.memory_space<vmem>> -> memref<104x64xf32, #tpu.memory_space<vmem>>
      %dma_start3A_786 = arith.constant 0 : i32
      %dma_start3A_787 = tpu.memref_slice %arg5[%add3A_779, %dma_start3A_786] : memref<64x104xi32, #tpu.memory_space<vmem>> -> memref<1x104xi32, #tpu.memory_space<vmem>>
      %dma_start3A_788 = tpu.memref_squeeze %dma_start3A_787 : memref<1x104xi32, #tpu.memory_space<vmem>> -> memref<104xi32, #tpu.memory_space<vmem>>
      %dma_start3A_789 = arith.constant 0 : i32
      %dma_start3A_790 = arith.constant 0 : i32
      %dma_start3A_791 = tpu.memref_slice %arg3[%dma_start3A_789, %dma_start3A_790] : memref<1000000x64xf32, #tpu.memory_space<hbm>> -> memref<1000000x64xf32, #tpu.memory_space<hbm>>
      %dma_start3A_792 = tpu.memref_slice %arg7[%dma_start3A_781] : memref<16x!tpu.dma_semaphore, #tpu.memory_space<semaphore_mem>> -> memref<1x!tpu.dma_semaphore, #tpu.memory_space<semaphore_mem>>
      %dma_start3A_793 = tpu.memref_squeeze %dma_start3A_792 : memref<1x!tpu.dma_semaphore, #tpu.memory_space<semaphore_mem>> -> memref<!tpu.dma_semaphore, #tpu.memory_space<semaphore_mem>>
      tpu.enqueue_indirect_dma source(%dma_start3A_791 : memref<1000000x64xf32, #tpu.memory_space<hbm>>) target(%dma_start3A_785 : memref<104x64xf32, #tpu.memory_space<vmem>>) offsets(%dma_start3A_788 : memref<104xi32, #tpu.memory_space<vmem>>) semaphore(%dma_start3A_793 : memref<!tpu.dma_semaphore, #tpu.memory_space<semaphore_mem>>)
      %mul3A_794 = arith.constant 16 : i32
      %mul3A_795 = arith.muli %scan3A_582, %mul3A_794 : i32
      %add3A_796 = arith.constant 5 : i32
      %add3A_797 = arith.addi %mul3A_795, %add3A_796 : i32
      %dma_wait3A_798 = arith.constant 0 : i32
      %dma_wait3A_799 = arith.constant 5 : i32
      %dma_wait3A_800 = arith.constant 5 : i32
      %dma_wait3A_801 = arith.constant 0 : i32
      %dma_wait3A_802 = arith.constant 0 : i32
      %dma_wait3A_803 = tpu.memref_slice %arg6[%dma_wait3A_799, %dma_wait3A_801, %dma_wait3A_802] : memref<16x104x64xf32, #tpu.memory_space<vmem>> -> memref<1x104x64xf32, #tpu.memory_space<vmem>>
      %dma_wait3A_804 = tpu.memref_squeeze %dma_wait3A_803 : memref<1x104x64xf32, #tpu.memory_space<vmem>> -> memref<104x64xf32, #tpu.memory_space<vmem>>
      %dma_wait3A_805 = arith.constant 0 : i32
      %dma_wait3A_806 = tpu.memref_slice %arg5[%dma_wait3A_798, %dma_wait3A_805] : memref<64x104xi32, #tpu.memory_space<vmem>> -> memref<1x104xi32, #tpu.memory_space<vmem>>
      %dma_wait3A_807 = tpu.memref_squeeze %dma_wait3A_806 : memref<1x104xi32, #tpu.memory_space<vmem>> -> memref<104xi32, #tpu.memory_space<vmem>>
      %dma_wait3A_808 = arith.constant 0 : i32
      %dma_wait3A_809 = arith.constant 0 : i32
      %dma_wait3A_810 = tpu.memref_slice %arg3[%dma_wait3A_808, %dma_wait3A_809] : memref<1000000x64xf32, #tpu.memory_space<hbm>> -> memref<1000000x64xf32, #tpu.memory_space<hbm>>
      %dma_wait3A_811 = tpu.memref_slice %arg7[%dma_wait3A_800] : memref<16x!tpu.dma_semaphore, #tpu.memory_space<semaphore_mem>> -> memref<1x!tpu.dma_semaphore, #tpu.memory_space<semaphore_mem>>
      %dma_wait3A_812 = tpu.memref_squeeze %dma_wait3A_811 : memref<1x!tpu.dma_semaphore, #tpu.memory_space<semaphore_mem>> -> memref<!tpu.dma_semaphore, #tpu.memory_space<semaphore_mem>>
      tpu.wait_indirect_dma semaphore(%dma_wait3A_812 : memref<!tpu.dma_semaphore, #tpu.memory_space<semaphore_mem>>) src(%dma_wait3A_810 : memref<1000000x64xf32, #tpu.memory_space<hbm>>) dst(%dma_wait3A_804 : memref<104x64xf32, #tpu.memory_space<vmem>>)
      %mul3A_813 = arith.constant 2 : i32
      %mul3A_814 = arith.muli %mul3A_813, %add3A_797 : i32
      %add3A_815 = arith.addi %mul3A_2, %mul3A_814 : i32
      %run_scoped3A_816 = arith.constant 5 : i32
      "tpu.region"() ({
        %run_scoped3A_1257 = tpu.sem_alloc : memref<!tpu.dma_semaphore, #tpu.memory_space<semaphore_mem>>
        %dma_start3A_1258 = arith.constant 0 : i32
        %dma_start3A_1259 = arith.constant 0 : i32
        %dma_start3A_1260 = tpu.memref_slice %arg6[%run_scoped3A_816, %dma_start3A_1258, %dma_start3A_1259] : memref<16x104x64xf32, #tpu.memory_space<vmem>> -> memref<1x50x64xf32, #tpu.memory_space<vmem>>
        %dma_start3A_1261 = tpu.memref_squeeze %dma_start3A_1260 : memref<1x50x64xf32, #tpu.memory_space<vmem>> -> memref<50x64xf32, #tpu.memory_space<vmem>>
        %dma_start3A_1262 = arith.constant 0 : i32
        %dma_start3A_1263 = arith.constant 0 : i32
        %dma_start3A_1264 = tpu.memref_slice %arg4[%add3A_815, %dma_start3A_1262, %dma_start3A_1263] : memref<4096x56x128xf32, #tpu.memory_space<hbm>> -> memref<1x50x64xf32, #tpu.memory_space<hbm>>
        %dma_start3A_1265 = tpu.memref_squeeze %dma_start3A_1264 : memref<1x50x64xf32, #tpu.memory_space<hbm>> -> memref<50x64xf32, #tpu.memory_space<hbm>>
        %dma_start3A_1266 = arith.constant 0 : i32
        %dma_start3A_1267 = arith.constant 0 : i32
        %dma_start3A_1268 = tpu.memref_slice %arg4[%add3A_815, %dma_start3A_1266, %dma_start3A_1267] : memref<4096x56x128xf32, #tpu.memory_space<hbm>> -> memref<1x50x64xf32, #tpu.memory_space<hbm>>
        %dma_start3A_1269 = tpu.memref_squeeze %dma_start3A_1268 : memref<1x50x64xf32, #tpu.memory_space<hbm>> -> memref<50x64xf32, #tpu.memory_space<hbm>>
        %dma_start3A_1270 = arith.constant 0 : i32
        %dma_start3A_1271 = arith.constant 0 : i32
        %dma_start3A_1272 = tpu.memref_slice %arg6[%run_scoped3A_816, %dma_start3A_1270, %dma_start3A_1271] : memref<16x104x64xf32, #tpu.memory_space<vmem>> -> memref<1x50x64xf32, #tpu.memory_space<vmem>>
        %dma_start3A_1273 = tpu.memref_squeeze %dma_start3A_1272 : memref<1x50x64xf32, #tpu.memory_space<vmem>> -> memref<50x64xf32, #tpu.memory_space<vmem>>
        tpu.enqueue_dma source(%dma_start3A_1273 : memref<50x64xf32, #tpu.memory_space<vmem>>) target(%dma_start3A_1269 : memref<50x64xf32, #tpu.memory_space<hbm>>) target_semaphore(%run_scoped3A_1257 : memref<!tpu.dma_semaphore, #tpu.memory_space<semaphore_mem>>)
        %dma_wait3A_1274 = arith.constant 0 : i32
        %dma_wait3A_1275 = arith.constant 0 : i32
        %dma_wait3A_1276 = tpu.memref_slice %arg6[%run_scoped3A_816, %dma_wait3A_1274, %dma_wait3A_1275] : memref<16x104x64xf32, #tpu.memory_space<vmem>> -> memref<1x50x64xf32, #tpu.memory_space<vmem>>
        %dma_wait3A_1277 = tpu.memref_squeeze %dma_wait3A_1276 : memref<1x50x64xf32, #tpu.memory_space<vmem>> -> memref<50x64xf32, #tpu.memory_space<vmem>>
        %dma_wait3A_1278 = arith.constant 0 : i32
        %dma_wait3A_1279 = arith.constant 0 : i32
        %dma_wait3A_1280 = tpu.memref_slice %arg4[%add3A_815, %dma_wait3A_1278, %dma_wait3A_1279] : memref<4096x56x128xf32, #tpu.memory_space<hbm>> -> memref<1x50x64xf32, #tpu.memory_space<hbm>>
        %dma_wait3A_1281 = tpu.memref_squeeze %dma_wait3A_1280 : memref<1x50x64xf32, #tpu.memory_space<hbm>> -> memref<50x64xf32, #tpu.memory_space<hbm>>
        %dma_wait3A_1282 = arith.constant 0 : i32
        %dma_wait3A_1283 = arith.constant 0 : i32
        %dma_wait3A_1284 = tpu.memref_slice %arg4[%add3A_815, %dma_wait3A_1282, %dma_wait3A_1283] : memref<4096x56x128xf32, #tpu.memory_space<hbm>> -> memref<1x50x64xf32, #tpu.memory_space<hbm>>
        %dma_wait3A_1285 = tpu.memref_squeeze %dma_wait3A_1284 : memref<1x50x64xf32, #tpu.memory_space<hbm>> -> memref<50x64xf32, #tpu.memory_space<hbm>>
        %dma_wait3A_1286 = arith.constant 0 : i32
        %dma_wait3A_1287 = arith.constant 0 : i32
        %dma_wait3A_1288 = tpu.memref_slice %arg6[%run_scoped3A_816, %dma_wait3A_1286, %dma_wait3A_1287] : memref<16x104x64xf32, #tpu.memory_space<vmem>> -> memref<1x50x64xf32, #tpu.memory_space<vmem>>
        %dma_wait3A_1289 = tpu.memref_squeeze %dma_wait3A_1288 : memref<1x50x64xf32, #tpu.memory_space<vmem>> -> memref<50x64xf32, #tpu.memory_space<vmem>>
        tpu.wait_dma2 semaphore(%run_scoped3A_1257 : memref<!tpu.dma_semaphore, #tpu.memory_space<semaphore_mem>>) src(%dma_wait3A_1289 : memref<50x64xf32, #tpu.memory_space<vmem>>) dst(%dma_wait3A_1285 : memref<50x64xf32, #tpu.memory_space<hbm>>)
        tpu.yield
      }) : () -> ()
      %add3A_817 = arith.constant 1 : i32
      %add3A_818 = arith.addi %add3A_815, %add3A_817 : i32
      %run_scoped3A_819 = arith.constant 5 : i32
      "tpu.region"() ({
        %run_scoped3A_1257 = tpu.sem_alloc : memref<!tpu.dma_semaphore, #tpu.memory_space<semaphore_mem>>
        %dma_start3A_1258 = arith.constant 50 : i32
        %dma_start3A_1259 = arith.constant 0 : i32
        %dma_start3A_1260 = tpu.memref_slice %arg6[%run_scoped3A_819, %dma_start3A_1258, %dma_start3A_1259] : memref<16x104x64xf32, #tpu.memory_space<vmem>> -> memref<1x50x64xf32, #tpu.memory_space<vmem>>
        %dma_start3A_1261 = tpu.memref_squeeze %dma_start3A_1260 : memref<1x50x64xf32, #tpu.memory_space<vmem>> -> memref<50x64xf32, #tpu.memory_space<vmem>>
        %dma_start3A_1262 = arith.constant 0 : i32
        %dma_start3A_1263 = arith.constant 0 : i32
        %dma_start3A_1264 = tpu.memref_slice %arg4[%add3A_818, %dma_start3A_1262, %dma_start3A_1263] : memref<4096x56x128xf32, #tpu.memory_space<hbm>> -> memref<1x50x64xf32, #tpu.memory_space<hbm>>
        %dma_start3A_1265 = tpu.memref_squeeze %dma_start3A_1264 : memref<1x50x64xf32, #tpu.memory_space<hbm>> -> memref<50x64xf32, #tpu.memory_space<hbm>>
        %dma_start3A_1266 = arith.constant 0 : i32
        %dma_start3A_1267 = arith.constant 0 : i32
        %dma_start3A_1268 = tpu.memref_slice %arg4[%add3A_818, %dma_start3A_1266, %dma_start3A_1267] : memref<4096x56x128xf32, #tpu.memory_space<hbm>> -> memref<1x50x64xf32, #tpu.memory_space<hbm>>
        %dma_start3A_1269 = tpu.memref_squeeze %dma_start3A_1268 : memref<1x50x64xf32, #tpu.memory_space<hbm>> -> memref<50x64xf32, #tpu.memory_space<hbm>>
        %dma_start3A_1270 = arith.constant 50 : i32
        %dma_start3A_1271 = arith.constant 0 : i32
        %dma_start3A_1272 = tpu.memref_slice %arg6[%run_scoped3A_819, %dma_start3A_1270, %dma_start3A_1271] : memref<16x104x64xf32, #tpu.memory_space<vmem>> -> memref<1x50x64xf32, #tpu.memory_space<vmem>>
        %dma_start3A_1273 = tpu.memref_squeeze %dma_start3A_1272 : memref<1x50x64xf32, #tpu.memory_space<vmem>> -> memref<50x64xf32, #tpu.memory_space<vmem>>
        tpu.enqueue_dma source(%dma_start3A_1273 : memref<50x64xf32, #tpu.memory_space<vmem>>) target(%dma_start3A_1269 : memref<50x64xf32, #tpu.memory_space<hbm>>) target_semaphore(%run_scoped3A_1257 : memref<!tpu.dma_semaphore, #tpu.memory_space<semaphore_mem>>)
        %dma_wait3A_1274 = arith.constant 50 : i32
        %dma_wait3A_1275 = arith.constant 0 : i32
        %dma_wait3A_1276 = tpu.memref_slice %arg6[%run_scoped3A_819, %dma_wait3A_1274, %dma_wait3A_1275] : memref<16x104x64xf32, #tpu.memory_space<vmem>> -> memref<1x50x64xf32, #tpu.memory_space<vmem>>
        %dma_wait3A_1277 = tpu.memref_squeeze %dma_wait3A_1276 : memref<1x50x64xf32, #tpu.memory_space<vmem>> -> memref<50x64xf32, #tpu.memory_space<vmem>>
        %dma_wait3A_1278 = arith.constant 0 : i32
        %dma_wait3A_1279 = arith.constant 0 : i32
        %dma_wait3A_1280 = tpu.memref_slice %arg4[%add3A_818, %dma_wait3A_1278, %dma_wait3A_1279] : memref<4096x56x128xf32, #tpu.memory_space<hbm>> -> memref<1x50x64xf32, #tpu.memory_space<hbm>>
        %dma_wait3A_1281 = tpu.memref_squeeze %dma_wait3A_1280 : memref<1x50x64xf32, #tpu.memory_space<hbm>> -> memref<50x64xf32, #tpu.memory_space<hbm>>
        %dma_wait3A_1282 = arith.constant 0 : i32
        %dma_wait3A_1283 = arith.constant 0 : i32
        %dma_wait3A_1284 = tpu.memref_slice %arg4[%add3A_818, %dma_wait3A_1282, %dma_wait3A_1283] : memref<4096x56x128xf32, #tpu.memory_space<hbm>> -> memref<1x50x64xf32, #tpu.memory_space<hbm>>
        %dma_wait3A_1285 = tpu.memref_squeeze %dma_wait3A_1284 : memref<1x50x64xf32, #tpu.memory_space<hbm>> -> memref<50x64xf32, #tpu.memory_space<hbm>>
        %dma_wait3A_1286 = arith.constant 50 : i32
        %dma_wait3A_1287 = arith.constant 0 : i32
        %dma_wait3A_1288 = tpu.memref_slice %arg6[%run_scoped3A_819, %dma_wait3A_1286, %dma_wait3A_1287] : memref<16x104x64xf32, #tpu.memory_space<vmem>> -> memref<1x50x64xf32, #tpu.memory_space<vmem>>
        %dma_wait3A_1289 = tpu.memref_squeeze %dma_wait3A_1288 : memref<1x50x64xf32, #tpu.memory_space<vmem>> -> memref<50x64xf32, #tpu.memory_space<vmem>>
        tpu.wait_dma2 semaphore(%run_scoped3A_1257 : memref<!tpu.dma_semaphore, #tpu.memory_space<semaphore_mem>>) src(%dma_wait3A_1289 : memref<50x64xf32, #tpu.memory_space<vmem>>) dst(%dma_wait3A_1285 : memref<50x64xf32, #tpu.memory_space<hbm>>)
        tpu.yield
      }) : () -> ()
      %add3A_820 = arith.constant 16 : i32
      %add3A_821 = arith.addi %add3A_797, %add3A_820 : i32
      %dma_start3A_822 = arith.constant 5 : i32
      %dma_start3A_823 = arith.constant 5 : i32
      %dma_start3A_824 = arith.constant 0 : i32
      %dma_start3A_825 = arith.constant 0 : i32
      %dma_start3A_826 = tpu.memref_slice %arg6[%dma_start3A_822, %dma_start3A_824, %dma_start3A_825] : memref<16x104x64xf32, #tpu.memory_space<vmem>> -> memref<1x104x64xf32, #tpu.memory_space<vmem>>
      %dma_start3A_827 = tpu.memref_squeeze %dma_start3A_826 : memref<1x104x64xf32, #tpu.memory_space<vmem>> -> memref<104x64xf32, #tpu.memory_space<vmem>>
      %dma_start3A_828 = arith.constant 0 : i32
      %dma_start3A_829 = tpu.memref_slice %arg5[%add3A_821, %dma_start3A_828] : memref<64x104xi32, #tpu.memory_space<vmem>> -> memref<1x104xi32, #tpu.memory_space<vmem>>
      %dma_start3A_830 = tpu.memref_squeeze %dma_start3A_829 : memref<1x104xi32, #tpu.memory_space<vmem>> -> memref<104xi32, #tpu.memory_space<vmem>>
      %dma_start3A_831 = arith.constant 0 : i32
      %dma_start3A_832 = arith.constant 0 : i32
      %dma_start3A_833 = tpu.memref_slice %arg3[%dma_start3A_831, %dma_start3A_832] : memref<1000000x64xf32, #tpu.memory_space<hbm>> -> memref<1000000x64xf32, #tpu.memory_space<hbm>>
      %dma_start3A_834 = tpu.memref_slice %arg7[%dma_start3A_823] : memref<16x!tpu.dma_semaphore, #tpu.memory_space<semaphore_mem>> -> memref<1x!tpu.dma_semaphore, #tpu.memory_space<semaphore_mem>>
      %dma_start3A_835 = tpu.memref_squeeze %dma_start3A_834 : memref<1x!tpu.dma_semaphore, #tpu.memory_space<semaphore_mem>> -> memref<!tpu.dma_semaphore, #tpu.memory_space<semaphore_mem>>
      tpu.enqueue_indirect_dma source(%dma_start3A_833 : memref<1000000x64xf32, #tpu.memory_space<hbm>>) target(%dma_start3A_827 : memref<104x64xf32, #tpu.memory_space<vmem>>) offsets(%dma_start3A_830 : memref<104xi32, #tpu.memory_space<vmem>>) semaphore(%dma_start3A_835 : memref<!tpu.dma_semaphore, #tpu.memory_space<semaphore_mem>>)
      %mul3A_836 = arith.constant 16 : i32
      %mul3A_837 = arith.muli %scan3A_582, %mul3A_836 : i32
      %add3A_838 = arith.constant 6 : i32
      %add3A_839 = arith.addi %mul3A_837, %add3A_838 : i32
      %dma_wait3A_840 = arith.constant 0 : i32
      %dma_wait3A_841 = arith.constant 6 : i32
      %dma_wait3A_842 = arith.constant 6 : i32
      %dma_wait3A_843 = arith.constant 0 : i32
      %dma_wait3A_844 = arith.constant 0 : i32
      %dma_wait3A_845 = tpu.memref_slice %arg6[%dma_wait3A_841, %dma_wait3A_843, %dma_wait3A_844] : memref<16x104x64xf32, #tpu.memory_space<vmem>> -> memref<1x104x64xf32, #tpu.memory_space<vmem>>
      %dma_wait3A_846 = tpu.memref_squeeze %dma_wait3A_845 : memref<1x104x64xf32, #tpu.memory_space<vmem>> -> memref<104x64xf32, #tpu.memory_space<vmem>>
      %dma_wait3A_847 = arith.constant 0 : i32
      %dma_wait3A_848 = tpu.memref_slice %arg5[%dma_wait3A_840, %dma_wait3A_847] : memref<64x104xi32, #tpu.memory_space<vmem>> -> memref<1x104xi32, #tpu.memory_space<vmem>>
      %dma_wait3A_849 = tpu.memref_squeeze %dma_wait3A_848 : memref<1x104xi32, #tpu.memory_space<vmem>> -> memref<104xi32, #tpu.memory_space<vmem>>
      %dma_wait3A_850 = arith.constant 0 : i32
      %dma_wait3A_851 = arith.constant 0 : i32
      %dma_wait3A_852 = tpu.memref_slice %arg3[%dma_wait3A_850, %dma_wait3A_851] : memref<1000000x64xf32, #tpu.memory_space<hbm>> -> memref<1000000x64xf32, #tpu.memory_space<hbm>>
      %dma_wait3A_853 = tpu.memref_slice %arg7[%dma_wait3A_842] : memref<16x!tpu.dma_semaphore, #tpu.memory_space<semaphore_mem>> -> memref<1x!tpu.dma_semaphore, #tpu.memory_space<semaphore_mem>>
      %dma_wait3A_854 = tpu.memref_squeeze %dma_wait3A_853 : memref<1x!tpu.dma_semaphore, #tpu.memory_space<semaphore_mem>> -> memref<!tpu.dma_semaphore, #tpu.memory_space<semaphore_mem>>
      tpu.wait_indirect_dma semaphore(%dma_wait3A_854 : memref<!tpu.dma_semaphore, #tpu.memory_space<semaphore_mem>>) src(%dma_wait3A_852 : memref<1000000x64xf32, #tpu.memory_space<hbm>>) dst(%dma_wait3A_846 : memref<104x64xf32, #tpu.memory_space<vmem>>)
      %mul3A_855 = arith.constant 2 : i32
      %mul3A_856 = arith.muli %mul3A_855, %add3A_839 : i32
      %add3A_857 = arith.addi %mul3A_2, %mul3A_856 : i32
      %run_scoped3A_858 = arith.constant 6 : i32
      "tpu.region"() ({
        %run_scoped3A_1257 = tpu.sem_alloc : memref<!tpu.dma_semaphore, #tpu.memory_space<semaphore_mem>>
        %dma_start3A_1258 = arith.constant 0 : i32
        %dma_start3A_1259 = arith.constant 0 : i32
        %dma_start3A_1260 = tpu.memref_slice %arg6[%run_scoped3A_858, %dma_start3A_1258, %dma_start3A_1259] : memref<16x104x64xf32, #tpu.memory_space<vmem>> -> memref<1x50x64xf32, #tpu.memory_space<vmem>>
        %dma_start3A_1261 = tpu.memref_squeeze %dma_start3A_1260 : memref<1x50x64xf32, #tpu.memory_space<vmem>> -> memref<50x64xf32, #tpu.memory_space<vmem>>
        %dma_start3A_1262 = arith.constant 0 : i32
        %dma_start3A_1263 = arith.constant 0 : i32
        %dma_start3A_1264 = tpu.memref_slice %arg4[%add3A_857, %dma_start3A_1262, %dma_start3A_1263] : memref<4096x56x128xf32, #tpu.memory_space<hbm>> -> memref<1x50x64xf32, #tpu.memory_space<hbm>>
        %dma_start3A_1265 = tpu.memref_squeeze %dma_start3A_1264 : memref<1x50x64xf32, #tpu.memory_space<hbm>> -> memref<50x64xf32, #tpu.memory_space<hbm>>
        %dma_start3A_1266 = arith.constant 0 : i32
        %dma_start3A_1267 = arith.constant 0 : i32
        %dma_start3A_1268 = tpu.memref_slice %arg4[%add3A_857, %dma_start3A_1266, %dma_start3A_1267] : memref<4096x56x128xf32, #tpu.memory_space<hbm>> -> memref<1x50x64xf32, #tpu.memory_space<hbm>>
        %dma_start3A_1269 = tpu.memref_squeeze %dma_start3A_1268 : memref<1x50x64xf32, #tpu.memory_space<hbm>> -> memref<50x64xf32, #tpu.memory_space<hbm>>
        %dma_start3A_1270 = arith.constant 0 : i32
        %dma_start3A_1271 = arith.constant 0 : i32
        %dma_start3A_1272 = tpu.memref_slice %arg6[%run_scoped3A_858, %dma_start3A_1270, %dma_start3A_1271] : memref<16x104x64xf32, #tpu.memory_space<vmem>> -> memref<1x50x64xf32, #tpu.memory_space<vmem>>
        %dma_start3A_1273 = tpu.memref_squeeze %dma_start3A_1272 : memref<1x50x64xf32, #tpu.memory_space<vmem>> -> memref<50x64xf32, #tpu.memory_space<vmem>>
        tpu.enqueue_dma source(%dma_start3A_1273 : memref<50x64xf32, #tpu.memory_space<vmem>>) target(%dma_start3A_1269 : memref<50x64xf32, #tpu.memory_space<hbm>>) target_semaphore(%run_scoped3A_1257 : memref<!tpu.dma_semaphore, #tpu.memory_space<semaphore_mem>>)
        %dma_wait3A_1274 = arith.constant 0 : i32
        %dma_wait3A_1275 = arith.constant 0 : i32
        %dma_wait3A_1276 = tpu.memref_slice %arg6[%run_scoped3A_858, %dma_wait3A_1274, %dma_wait3A_1275] : memref<16x104x64xf32, #tpu.memory_space<vmem>> -> memref<1x50x64xf32, #tpu.memory_space<vmem>>
        %dma_wait3A_1277 = tpu.memref_squeeze %dma_wait3A_1276 : memref<1x50x64xf32, #tpu.memory_space<vmem>> -> memref<50x64xf32, #tpu.memory_space<vmem>>
        %dma_wait3A_1278 = arith.constant 0 : i32
        %dma_wait3A_1279 = arith.constant 0 : i32
        %dma_wait3A_1280 = tpu.memref_slice %arg4[%add3A_857, %dma_wait3A_1278, %dma_wait3A_1279] : memref<4096x56x128xf32, #tpu.memory_space<hbm>> -> memref<1x50x64xf32, #tpu.memory_space<hbm>>
        %dma_wait3A_1281 = tpu.memref_squeeze %dma_wait3A_1280 : memref<1x50x64xf32, #tpu.memory_space<hbm>> -> memref<50x64xf32, #tpu.memory_space<hbm>>
        %dma_wait3A_1282 = arith.constant 0 : i32
        %dma_wait3A_1283 = arith.constant 0 : i32
        %dma_wait3A_1284 = tpu.memref_slice %arg4[%add3A_857, %dma_wait3A_1282, %dma_wait3A_1283] : memref<4096x56x128xf32, #tpu.memory_space<hbm>> -> memref<1x50x64xf32, #tpu.memory_space<hbm>>
        %dma_wait3A_1285 = tpu.memref_squeeze %dma_wait3A_1284 : memref<1x50x64xf32, #tpu.memory_space<hbm>> -> memref<50x64xf32, #tpu.memory_space<hbm>>
        %dma_wait3A_1286 = arith.constant 0 : i32
        %dma_wait3A_1287 = arith.constant 0 : i32
        %dma_wait3A_1288 = tpu.memref_slice %arg6[%run_scoped3A_858, %dma_wait3A_1286, %dma_wait3A_1287] : memref<16x104x64xf32, #tpu.memory_space<vmem>> -> memref<1x50x64xf32, #tpu.memory_space<vmem>>
        %dma_wait3A_1289 = tpu.memref_squeeze %dma_wait3A_1288 : memref<1x50x64xf32, #tpu.memory_space<vmem>> -> memref<50x64xf32, #tpu.memory_space<vmem>>
        tpu.wait_dma2 semaphore(%run_scoped3A_1257 : memref<!tpu.dma_semaphore, #tpu.memory_space<semaphore_mem>>) src(%dma_wait3A_1289 : memref<50x64xf32, #tpu.memory_space<vmem>>) dst(%dma_wait3A_1285 : memref<50x64xf32, #tpu.memory_space<hbm>>)
        tpu.yield
      }) : () -> ()
      %add3A_859 = arith.constant 1 : i32
      %add3A_860 = arith.addi %add3A_857, %add3A_859 : i32
      %run_scoped3A_861 = arith.constant 6 : i32
      "tpu.region"() ({
        %run_scoped3A_1257 = tpu.sem_alloc : memref<!tpu.dma_semaphore, #tpu.memory_space<semaphore_mem>>
        %dma_start3A_1258 = arith.constant 50 : i32
        %dma_start3A_1259 = arith.constant 0 : i32
        %dma_start3A_1260 = tpu.memref_slice %arg6[%run_scoped3A_861, %dma_start3A_1258, %dma_start3A_1259] : memref<16x104x64xf32, #tpu.memory_space<vmem>> -> memref<1x50x64xf32, #tpu.memory_space<vmem>>
        %dma_start3A_1261 = tpu.memref_squeeze %dma_start3A_1260 : memref<1x50x64xf32, #tpu.memory_space<vmem>> -> memref<50x64xf32, #tpu.memory_space<vmem>>
        %dma_start3A_1262 = arith.constant 0 : i32
        %dma_start3A_1263 = arith.constant 0 : i32
        %dma_start3A_1264 = tpu.memref_slice %arg4[%add3A_860, %dma_start3A_1262, %dma_start3A_1263] : memref<4096x56x128xf32, #tpu.memory_space<hbm>> -> memref<1x50x64xf32, #tpu.memory_space<hbm>>
        %dma_start3A_1265 = tpu.memref_squeeze %dma_start3A_1264 : memref<1x50x64xf32, #tpu.memory_space<hbm>> -> memref<50x64xf32, #tpu.memory_space<hbm>>
        %dma_start3A_1266 = arith.constant 0 : i32
        %dma_start3A_1267 = arith.constant 0 : i32
        %dma_start3A_1268 = tpu.memref_slice %arg4[%add3A_860, %dma_start3A_1266, %dma_start3A_1267] : memref<4096x56x128xf32, #tpu.memory_space<hbm>> -> memref<1x50x64xf32, #tpu.memory_space<hbm>>
        %dma_start3A_1269 = tpu.memref_squeeze %dma_start3A_1268 : memref<1x50x64xf32, #tpu.memory_space<hbm>> -> memref<50x64xf32, #tpu.memory_space<hbm>>
        %dma_start3A_1270 = arith.constant 50 : i32
        %dma_start3A_1271 = arith.constant 0 : i32
        %dma_start3A_1272 = tpu.memref_slice %arg6[%run_scoped3A_861, %dma_start3A_1270, %dma_start3A_1271] : memref<16x104x64xf32, #tpu.memory_space<vmem>> -> memref<1x50x64xf32, #tpu.memory_space<vmem>>
        %dma_start3A_1273 = tpu.memref_squeeze %dma_start3A_1272 : memref<1x50x64xf32, #tpu.memory_space<vmem>> -> memref<50x64xf32, #tpu.memory_space<vmem>>
        tpu.enqueue_dma source(%dma_start3A_1273 : memref<50x64xf32, #tpu.memory_space<vmem>>) target(%dma_start3A_1269 : memref<50x64xf32, #tpu.memory_space<hbm>>) target_semaphore(%run_scoped3A_1257 : memref<!tpu.dma_semaphore, #tpu.memory_space<semaphore_mem>>)
        %dma_wait3A_1274 = arith.constant 50 : i32
        %dma_wait3A_1275 = arith.constant 0 : i32
        %dma_wait3A_1276 = tpu.memref_slice %arg6[%run_scoped3A_861, %dma_wait3A_1274, %dma_wait3A_1275] : memref<16x104x64xf32, #tpu.memory_space<vmem>> -> memref<1x50x64xf32, #tpu.memory_space<vmem>>
        %dma_wait3A_1277 = tpu.memref_squeeze %dma_wait3A_1276 : memref<1x50x64xf32, #tpu.memory_space<vmem>> -> memref<50x64xf32, #tpu.memory_space<vmem>>
        %dma_wait3A_1278 = arith.constant 0 : i32
        %dma_wait3A_1279 = arith.constant 0 : i32
        %dma_wait3A_1280 = tpu.memref_slice %arg4[%add3A_860, %dma_wait3A_1278, %dma_wait3A_1279] : memref<4096x56x128xf32, #tpu.memory_space<hbm>> -> memref<1x50x64xf32, #tpu.memory_space<hbm>>
        %dma_wait3A_1281 = tpu.memref_squeeze %dma_wait3A_1280 : memref<1x50x64xf32, #tpu.memory_space<hbm>> -> memref<50x64xf32, #tpu.memory_space<hbm>>
        %dma_wait3A_1282 = arith.constant 0 : i32
        %dma_wait3A_1283 = arith.constant 0 : i32
        %dma_wait3A_1284 = tpu.memref_slice %arg4[%add3A_860, %dma_wait3A_1282, %dma_wait3A_1283] : memref<4096x56x128xf32, #tpu.memory_space<hbm>> -> memref<1x50x64xf32, #tpu.memory_space<hbm>>
        %dma_wait3A_1285 = tpu.memref_squeeze %dma_wait3A_1284 : memref<1x50x64xf32, #tpu.memory_space<hbm>> -> memref<50x64xf32, #tpu.memory_space<hbm>>
        %dma_wait3A_1286 = arith.constant 50 : i32
        %dma_wait3A_1287 = arith.constant 0 : i32
        %dma_wait3A_1288 = tpu.memref_slice %arg6[%run_scoped3A_861, %dma_wait3A_1286, %dma_wait3A_1287] : memref<16x104x64xf32, #tpu.memory_space<vmem>> -> memref<1x50x64xf32, #tpu.memory_space<vmem>>
        %dma_wait3A_1289 = tpu.memref_squeeze %dma_wait3A_1288 : memref<1x50x64xf32, #tpu.memory_space<vmem>> -> memref<50x64xf32, #tpu.memory_space<vmem>>
        tpu.wait_dma2 semaphore(%run_scoped3A_1257 : memref<!tpu.dma_semaphore, #tpu.memory_space<semaphore_mem>>) src(%dma_wait3A_1289 : memref<50x64xf32, #tpu.memory_space<vmem>>) dst(%dma_wait3A_1285 : memref<50x64xf32, #tpu.memory_space<hbm>>)
        tpu.yield
      }) : () -> ()
      %add3A_862 = arith.constant 16 : i32
      %add3A_863 = arith.addi %add3A_839, %add3A_862 : i32
      %dma_start3A_864 = arith.constant 6 : i32
      %dma_start3A_865 = arith.constant 6 : i32
      %dma_start3A_866 = arith.constant 0 : i32
      %dma_start3A_867 = arith.constant 0 : i32
      %dma_start3A_868 = tpu.memref_slice %arg6[%dma_start3A_864, %dma_start3A_866, %dma_start3A_867] : memref<16x104x64xf32, #tpu.memory_space<vmem>> -> memref<1x104x64xf32, #tpu.memory_space<vmem>>
      %dma_start3A_869 = tpu.memref_squeeze %dma_start3A_868 : memref<1x104x64xf32, #tpu.memory_space<vmem>> -> memref<104x64xf32, #tpu.memory_space<vmem>>
      %dma_start3A_870 = arith.constant 0 : i32
      %dma_start3A_871 = tpu.memref_slice %arg5[%add3A_863, %dma_start3A_870] : memref<64x104xi32, #tpu.memory_space<vmem>> -> memref<1x104xi32, #tpu.memory_space<vmem>>
      %dma_start3A_872 = tpu.memref_squeeze %dma_start3A_871 : memref<1x104xi32, #tpu.memory_space<vmem>> -> memref<104xi32, #tpu.memory_space<vmem>>
      %dma_start3A_873 = arith.constant 0 : i32
      %dma_start3A_874 = arith.constant 0 : i32
      %dma_start3A_875 = tpu.memref_slice %arg3[%dma_start3A_873, %dma_start3A_874] : memref<1000000x64xf32, #tpu.memory_space<hbm>> -> memref<1000000x64xf32, #tpu.memory_space<hbm>>
      %dma_start3A_876 = tpu.memref_slice %arg7[%dma_start3A_865] : memref<16x!tpu.dma_semaphore, #tpu.memory_space<semaphore_mem>> -> memref<1x!tpu.dma_semaphore, #tpu.memory_space<semaphore_mem>>
      %dma_start3A_877 = tpu.memref_squeeze %dma_start3A_876 : memref<1x!tpu.dma_semaphore, #tpu.memory_space<semaphore_mem>> -> memref<!tpu.dma_semaphore, #tpu.memory_space<semaphore_mem>>
      tpu.enqueue_indirect_dma source(%dma_start3A_875 : memref<1000000x64xf32, #tpu.memory_space<hbm>>) target(%dma_start3A_869 : memref<104x64xf32, #tpu.memory_space<vmem>>) offsets(%dma_start3A_872 : memref<104xi32, #tpu.memory_space<vmem>>) semaphore(%dma_start3A_877 : memref<!tpu.dma_semaphore, #tpu.memory_space<semaphore_mem>>)
      %mul3A_878 = arith.constant 16 : i32
      %mul3A_879 = arith.muli %scan3A_582, %mul3A_878 : i32
      %add3A_880 = arith.constant 7 : i32
      %add3A_881 = arith.addi %mul3A_879, %add3A_880 : i32
      %dma_wait3A_882 = arith.constant 0 : i32
      %dma_wait3A_883 = arith.constant 7 : i32
      %dma_wait3A_884 = arith.constant 7 : i32
      %dma_wait3A_885 = arith.constant 0 : i32
      %dma_wait3A_886 = arith.constant 0 : i32
      %dma_wait3A_887 = tpu.memref_slice %arg6[%dma_wait3A_883, %dma_wait3A_885, %dma_wait3A_886] : memref<16x104x64xf32, #tpu.memory_space<vmem>> -> memref<1x104x64xf32, #tpu.memory_space<vmem>>
      %dma_wait3A_888 = tpu.memref_squeeze %dma_wait3A_887 : memref<1x104x64xf32, #tpu.memory_space<vmem>> -> memref<104x64xf32, #tpu.memory_space<vmem>>
      %dma_wait3A_889 = arith.constant 0 : i32
      %dma_wait3A_890 = tpu.memref_slice %arg5[%dma_wait3A_882, %dma_wait3A_889] : memref<64x104xi32, #tpu.memory_space<vmem>> -> memref<1x104xi32, #tpu.memory_space<vmem>>
      %dma_wait3A_891 = tpu.memref_squeeze %dma_wait3A_890 : memref<1x104xi32, #tpu.memory_space<vmem>> -> memref<104xi32, #tpu.memory_space<vmem>>
      %dma_wait3A_892 = arith.constant 0 : i32
      %dma_wait3A_893 = arith.constant 0 : i32
      %dma_wait3A_894 = tpu.memref_slice %arg3[%dma_wait3A_892, %dma_wait3A_893] : memref<1000000x64xf32, #tpu.memory_space<hbm>> -> memref<1000000x64xf32, #tpu.memory_space<hbm>>
      %dma_wait3A_895 = tpu.memref_slice %arg7[%dma_wait3A_884] : memref<16x!tpu.dma_semaphore, #tpu.memory_space<semaphore_mem>> -> memref<1x!tpu.dma_semaphore, #tpu.memory_space<semaphore_mem>>
      %dma_wait3A_896 = tpu.memref_squeeze %dma_wait3A_895 : memref<1x!tpu.dma_semaphore, #tpu.memory_space<semaphore_mem>> -> memref<!tpu.dma_semaphore, #tpu.memory_space<semaphore_mem>>
      tpu.wait_indirect_dma semaphore(%dma_wait3A_896 : memref<!tpu.dma_semaphore, #tpu.memory_space<semaphore_mem>>) src(%dma_wait3A_894 : memref<1000000x64xf32, #tpu.memory_space<hbm>>) dst(%dma_wait3A_888 : memref<104x64xf32, #tpu.memory_space<vmem>>)
      %mul3A_897 = arith.constant 2 : i32
      %mul3A_898 = arith.muli %mul3A_897, %add3A_881 : i32
      %add3A_899 = arith.addi %mul3A_2, %mul3A_898 : i32
      %run_scoped3A_900 = arith.constant 7 : i32
      "tpu.region"() ({
        %run_scoped3A_1257 = tpu.sem_alloc : memref<!tpu.dma_semaphore, #tpu.memory_space<semaphore_mem>>
        %dma_start3A_1258 = arith.constant 0 : i32
        %dma_start3A_1259 = arith.constant 0 : i32
        %dma_start3A_1260 = tpu.memref_slice %arg6[%run_scoped3A_900, %dma_start3A_1258, %dma_start3A_1259] : memref<16x104x64xf32, #tpu.memory_space<vmem>> -> memref<1x50x64xf32, #tpu.memory_space<vmem>>
        %dma_start3A_1261 = tpu.memref_squeeze %dma_start3A_1260 : memref<1x50x64xf32, #tpu.memory_space<vmem>> -> memref<50x64xf32, #tpu.memory_space<vmem>>
        %dma_start3A_1262 = arith.constant 0 : i32
        %dma_start3A_1263 = arith.constant 0 : i32
        %dma_start3A_1264 = tpu.memref_slice %arg4[%add3A_899, %dma_start3A_1262, %dma_start3A_1263] : memref<4096x56x128xf32, #tpu.memory_space<hbm>> -> memref<1x50x64xf32, #tpu.memory_space<hbm>>
        %dma_start3A_1265 = tpu.memref_squeeze %dma_start3A_1264 : memref<1x50x64xf32, #tpu.memory_space<hbm>> -> memref<50x64xf32, #tpu.memory_space<hbm>>
        %dma_start3A_1266 = arith.constant 0 : i32
        %dma_start3A_1267 = arith.constant 0 : i32
        %dma_start3A_1268 = tpu.memref_slice %arg4[%add3A_899, %dma_start3A_1266, %dma_start3A_1267] : memref<4096x56x128xf32, #tpu.memory_space<hbm>> -> memref<1x50x64xf32, #tpu.memory_space<hbm>>
        %dma_start3A_1269 = tpu.memref_squeeze %dma_start3A_1268 : memref<1x50x64xf32, #tpu.memory_space<hbm>> -> memref<50x64xf32, #tpu.memory_space<hbm>>
        %dma_start3A_1270 = arith.constant 0 : i32
        %dma_start3A_1271 = arith.constant 0 : i32
        %dma_start3A_1272 = tpu.memref_slice %arg6[%run_scoped3A_900, %dma_start3A_1270, %dma_start3A_1271] : memref<16x104x64xf32, #tpu.memory_space<vmem>> -> memref<1x50x64xf32, #tpu.memory_space<vmem>>
        %dma_start3A_1273 = tpu.memref_squeeze %dma_start3A_1272 : memref<1x50x64xf32, #tpu.memory_space<vmem>> -> memref<50x64xf32, #tpu.memory_space<vmem>>
        tpu.enqueue_dma source(%dma_start3A_1273 : memref<50x64xf32, #tpu.memory_space<vmem>>) target(%dma_start3A_1269 : memref<50x64xf32, #tpu.memory_space<hbm>>) target_semaphore(%run_scoped3A_1257 : memref<!tpu.dma_semaphore, #tpu.memory_space<semaphore_mem>>)
        %dma_wait3A_1274 = arith.constant 0 : i32
        %dma_wait3A_1275 = arith.constant 0 : i32
        %dma_wait3A_1276 = tpu.memref_slice %arg6[%run_scoped3A_900, %dma_wait3A_1274, %dma_wait3A_1275] : memref<16x104x64xf32, #tpu.memory_space<vmem>> -> memref<1x50x64xf32, #tpu.memory_space<vmem>>
        %dma_wait3A_1277 = tpu.memref_squeeze %dma_wait3A_1276 : memref<1x50x64xf32, #tpu.memory_space<vmem>> -> memref<50x64xf32, #tpu.memory_space<vmem>>
        %dma_wait3A_1278 = arith.constant 0 : i32
        %dma_wait3A_1279 = arith.constant 0 : i32
        %dma_wait3A_1280 = tpu.memref_slice %arg4[%add3A_899, %dma_wait3A_1278, %dma_wait3A_1279] : memref<4096x56x128xf32, #tpu.memory_space<hbm>> -> memref<1x50x64xf32, #tpu.memory_space<hbm>>
        %dma_wait3A_1281 = tpu.memref_squeeze %dma_wait3A_1280 : memref<1x50x64xf32, #tpu.memory_space<hbm>> -> memref<50x64xf32, #tpu.memory_space<hbm>>
        %dma_wait3A_1282 = arith.constant 0 : i32
        %dma_wait3A_1283 = arith.constant 0 : i32
        %dma_wait3A_1284 = tpu.memref_slice %arg4[%add3A_899, %dma_wait3A_1282, %dma_wait3A_1283] : memref<4096x56x128xf32, #tpu.memory_space<hbm>> -> memref<1x50x64xf32, #tpu.memory_space<hbm>>
        %dma_wait3A_1285 = tpu.memref_squeeze %dma_wait3A_1284 : memref<1x50x64xf32, #tpu.memory_space<hbm>> -> memref<50x64xf32, #tpu.memory_space<hbm>>
        %dma_wait3A_1286 = arith.constant 0 : i32
        %dma_wait3A_1287 = arith.constant 0 : i32
        %dma_wait3A_1288 = tpu.memref_slice %arg6[%run_scoped3A_900, %dma_wait3A_1286, %dma_wait3A_1287] : memref<16x104x64xf32, #tpu.memory_space<vmem>> -> memref<1x50x64xf32, #tpu.memory_space<vmem>>
        %dma_wait3A_1289 = tpu.memref_squeeze %dma_wait3A_1288 : memref<1x50x64xf32, #tpu.memory_space<vmem>> -> memref<50x64xf32, #tpu.memory_space<vmem>>
        tpu.wait_dma2 semaphore(%run_scoped3A_1257 : memref<!tpu.dma_semaphore, #tpu.memory_space<semaphore_mem>>) src(%dma_wait3A_1289 : memref<50x64xf32, #tpu.memory_space<vmem>>) dst(%dma_wait3A_1285 : memref<50x64xf32, #tpu.memory_space<hbm>>)
        tpu.yield
      }) : () -> ()
      %add3A_901 = arith.constant 1 : i32
      %add3A_902 = arith.addi %add3A_899, %add3A_901 : i32
      %run_scoped3A_903 = arith.constant 7 : i32
      "tpu.region"() ({
        %run_scoped3A_1257 = tpu.sem_alloc : memref<!tpu.dma_semaphore, #tpu.memory_space<semaphore_mem>>
        %dma_start3A_1258 = arith.constant 50 : i32
        %dma_start3A_1259 = arith.constant 0 : i32
        %dma_start3A_1260 = tpu.memref_slice %arg6[%run_scoped3A_903, %dma_start3A_1258, %dma_start3A_1259] : memref<16x104x64xf32, #tpu.memory_space<vmem>> -> memref<1x50x64xf32, #tpu.memory_space<vmem>>
        %dma_start3A_1261 = tpu.memref_squeeze %dma_start3A_1260 : memref<1x50x64xf32, #tpu.memory_space<vmem>> -> memref<50x64xf32, #tpu.memory_space<vmem>>
        %dma_start3A_1262 = arith.constant 0 : i32
        %dma_start3A_1263 = arith.constant 0 : i32
        %dma_start3A_1264 = tpu.memref_slice %arg4[%add3A_902, %dma_start3A_1262, %dma_start3A_1263] : memref<4096x56x128xf32, #tpu.memory_space<hbm>> -> memref<1x50x64xf32, #tpu.memory_space<hbm>>
        %dma_start3A_1265 = tpu.memref_squeeze %dma_start3A_1264 : memref<1x50x64xf32, #tpu.memory_space<hbm>> -> memref<50x64xf32, #tpu.memory_space<hbm>>
        %dma_start3A_1266 = arith.constant 0 : i32
        %dma_start3A_1267 = arith.constant 0 : i32
        %dma_start3A_1268 = tpu.memref_slice %arg4[%add3A_902, %dma_start3A_1266, %dma_start3A_1267] : memref<4096x56x128xf32, #tpu.memory_space<hbm>> -> memref<1x50x64xf32, #tpu.memory_space<hbm>>
        %dma_start3A_1269 = tpu.memref_squeeze %dma_start3A_1268 : memref<1x50x64xf32, #tpu.memory_space<hbm>> -> memref<50x64xf32, #tpu.memory_space<hbm>>
        %dma_start3A_1270 = arith.constant 50 : i32
        %dma_start3A_1271 = arith.constant 0 : i32
        %dma_start3A_1272 = tpu.memref_slice %arg6[%run_scoped3A_903, %dma_start3A_1270, %dma_start3A_1271] : memref<16x104x64xf32, #tpu.memory_space<vmem>> -> memref<1x50x64xf32, #tpu.memory_space<vmem>>
        %dma_start3A_1273 = tpu.memref_squeeze %dma_start3A_1272 : memref<1x50x64xf32, #tpu.memory_space<vmem>> -> memref<50x64xf32, #tpu.memory_space<vmem>>
        tpu.enqueue_dma source(%dma_start3A_1273 : memref<50x64xf32, #tpu.memory_space<vmem>>) target(%dma_start3A_1269 : memref<50x64xf32, #tpu.memory_space<hbm>>) target_semaphore(%run_scoped3A_1257 : memref<!tpu.dma_semaphore, #tpu.memory_space<semaphore_mem>>)
        %dma_wait3A_1274 = arith.constant 50 : i32
        %dma_wait3A_1275 = arith.constant 0 : i32
        %dma_wait3A_1276 = tpu.memref_slice %arg6[%run_scoped3A_903, %dma_wait3A_1274, %dma_wait3A_1275] : memref<16x104x64xf32, #tpu.memory_space<vmem>> -> memref<1x50x64xf32, #tpu.memory_space<vmem>>
        %dma_wait3A_1277 = tpu.memref_squeeze %dma_wait3A_1276 : memref<1x50x64xf32, #tpu.memory_space<vmem>> -> memref<50x64xf32, #tpu.memory_space<vmem>>
        %dma_wait3A_1278 = arith.constant 0 : i32
        %dma_wait3A_1279 = arith.constant 0 : i32
        %dma_wait3A_1280 = tpu.memref_slice %arg4[%add3A_902, %dma_wait3A_1278, %dma_wait3A_1279] : memref<4096x56x128xf32, #tpu.memory_space<hbm>> -> memref<1x50x64xf32, #tpu.memory_space<hbm>>
        %dma_wait3A_1281 = tpu.memref_squeeze %dma_wait3A_1280 : memref<1x50x64xf32, #tpu.memory_space<hbm>> -> memref<50x64xf32, #tpu.memory_space<hbm>>
        %dma_wait3A_1282 = arith.constant 0 : i32
        %dma_wait3A_1283 = arith.constant 0 : i32
        %dma_wait3A_1284 = tpu.memref_slice %arg4[%add3A_902, %dma_wait3A_1282, %dma_wait3A_1283] : memref<4096x56x128xf32, #tpu.memory_space<hbm>> -> memref<1x50x64xf32, #tpu.memory_space<hbm>>
        %dma_wait3A_1285 = tpu.memref_squeeze %dma_wait3A_1284 : memref<1x50x64xf32, #tpu.memory_space<hbm>> -> memref<50x64xf32, #tpu.memory_space<hbm>>
        %dma_wait3A_1286 = arith.constant 50 : i32
        %dma_wait3A_1287 = arith.constant 0 : i32
        %dma_wait3A_1288 = tpu.memref_slice %arg6[%run_scoped3A_903, %dma_wait3A_1286, %dma_wait3A_1287] : memref<16x104x64xf32, #tpu.memory_space<vmem>> -> memref<1x50x64xf32, #tpu.memory_space<vmem>>
        %dma_wait3A_1289 = tpu.memref_squeeze %dma_wait3A_1288 : memref<1x50x64xf32, #tpu.memory_space<vmem>> -> memref<50x64xf32, #tpu.memory_space<vmem>>
        tpu.wait_dma2 semaphore(%run_scoped3A_1257 : memref<!tpu.dma_semaphore, #tpu.memory_space<semaphore_mem>>) src(%dma_wait3A_1289 : memref<50x64xf32, #tpu.memory_space<vmem>>) dst(%dma_wait3A_1285 : memref<50x64xf32, #tpu.memory_space<hbm>>)
        tpu.yield
      }) : () -> ()
      %add3A_904 = arith.constant 16 : i32
      %add3A_905 = arith.addi %add3A_881, %add3A_904 : i32
      %dma_start3A_906 = arith.constant 7 : i32
      %dma_start3A_907 = arith.constant 7 : i32
      %dma_start3A_908 = arith.constant 0 : i32
      %dma_start3A_909 = arith.constant 0 : i32
      %dma_start3A_910 = tpu.memref_slice %arg6[%dma_start3A_906, %dma_start3A_908, %dma_start3A_909] : memref<16x104x64xf32, #tpu.memory_space<vmem>> -> memref<1x104x64xf32, #tpu.memory_space<vmem>>
      %dma_start3A_911 = tpu.memref_squeeze %dma_start3A_910 : memref<1x104x64xf32, #tpu.memory_space<vmem>> -> memref<104x64xf32, #tpu.memory_space<vmem>>
      %dma_start3A_912 = arith.constant 0 : i32
      %dma_start3A_913 = tpu.memref_slice %arg5[%add3A_905, %dma_start3A_912] : memref<64x104xi32, #tpu.memory_space<vmem>> -> memref<1x104xi32, #tpu.memory_space<vmem>>
      %dma_start3A_914 = tpu.memref_squeeze %dma_start3A_913 : memref<1x104xi32, #tpu.memory_space<vmem>> -> memref<104xi32, #tpu.memory_space<vmem>>
      %dma_start3A_915 = arith.constant 0 : i32
      %dma_start3A_916 = arith.constant 0 : i32
      %dma_start3A_917 = tpu.memref_slice %arg3[%dma_start3A_915, %dma_start3A_916] : memref<1000000x64xf32, #tpu.memory_space<hbm>> -> memref<1000000x64xf32, #tpu.memory_space<hbm>>
      %dma_start3A_918 = tpu.memref_slice %arg7[%dma_start3A_907] : memref<16x!tpu.dma_semaphore, #tpu.memory_space<semaphore_mem>> -> memref<1x!tpu.dma_semaphore, #tpu.memory_space<semaphore_mem>>
      %dma_start3A_919 = tpu.memref_squeeze %dma_start3A_918 : memref<1x!tpu.dma_semaphore, #tpu.memory_space<semaphore_mem>> -> memref<!tpu.dma_semaphore, #tpu.memory_space<semaphore_mem>>
      tpu.enqueue_indirect_dma source(%dma_start3A_917 : memref<1000000x64xf32, #tpu.memory_space<hbm>>) target(%dma_start3A_911 : memref<104x64xf32, #tpu.memory_space<vmem>>) offsets(%dma_start3A_914 : memref<104xi32, #tpu.memory_space<vmem>>) semaphore(%dma_start3A_919 : memref<!tpu.dma_semaphore, #tpu.memory_space<semaphore_mem>>)
      %mul3A_920 = arith.constant 16 : i32
      %mul3A_921 = arith.muli %scan3A_582, %mul3A_920 : i32
      %add3A_922 = arith.constant 8 : i32
      %add3A_923 = arith.addi %mul3A_921, %add3A_922 : i32
      %dma_wait3A_924 = arith.constant 0 : i32
      %dma_wait3A_925 = arith.constant 8 : i32
      %dma_wait3A_926 = arith.constant 8 : i32
      %dma_wait3A_927 = arith.constant 0 : i32
      %dma_wait3A_928 = arith.constant 0 : i32
      %dma_wait3A_929 = tpu.memref_slice %arg6[%dma_wait3A_925, %dma_wait3A_927, %dma_wait3A_928] : memref<16x104x64xf32, #tpu.memory_space<vmem>> -> memref<1x104x64xf32, #tpu.memory_space<vmem>>
      %dma_wait3A_930 = tpu.memref_squeeze %dma_wait3A_929 : memref<1x104x64xf32, #tpu.memory_space<vmem>> -> memref<104x64xf32, #tpu.memory_space<vmem>>
      %dma_wait3A_931 = arith.constant 0 : i32
      %dma_wait3A_932 = tpu.memref_slice %arg5[%dma_wait3A_924, %dma_wait3A_931] : memref<64x104xi32, #tpu.memory_space<vmem>> -> memref<1x104xi32, #tpu.memory_space<vmem>>
      %dma_wait3A_933 = tpu.memref_squeeze %dma_wait3A_932 : memref<1x104xi32, #tpu.memory_space<vmem>> -> memref<104xi32, #tpu.memory_space<vmem>>
      %dma_wait3A_934 = arith.constant 0 : i32
      %dma_wait3A_935 = arith.constant 0 : i32
      %dma_wait3A_936 = tpu.memref_slice %arg3[%dma_wait3A_934, %dma_wait3A_935] : memref<1000000x64xf32, #tpu.memory_space<hbm>> -> memref<1000000x64xf32, #tpu.memory_space<hbm>>
      %dma_wait3A_937 = tpu.memref_slice %arg7[%dma_wait3A_926] : memref<16x!tpu.dma_semaphore, #tpu.memory_space<semaphore_mem>> -> memref<1x!tpu.dma_semaphore, #tpu.memory_space<semaphore_mem>>
      %dma_wait3A_938 = tpu.memref_squeeze %dma_wait3A_937 : memref<1x!tpu.dma_semaphore, #tpu.memory_space<semaphore_mem>> -> memref<!tpu.dma_semaphore, #tpu.memory_space<semaphore_mem>>
      tpu.wait_indirect_dma semaphore(%dma_wait3A_938 : memref<!tpu.dma_semaphore, #tpu.memory_space<semaphore_mem>>) src(%dma_wait3A_936 : memref<1000000x64xf32, #tpu.memory_space<hbm>>) dst(%dma_wait3A_930 : memref<104x64xf32, #tpu.memory_space<vmem>>)
      %mul3A_939 = arith.constant 2 : i32
      %mul3A_940 = arith.muli %mul3A_939, %add3A_923 : i32
      %add3A_941 = arith.addi %mul3A_2, %mul3A_940 : i32
      %run_scoped3A_942 = arith.constant 8 : i32
      "tpu.region"() ({
        %run_scoped3A_1257 = tpu.sem_alloc : memref<!tpu.dma_semaphore, #tpu.memory_space<semaphore_mem>>
        %dma_start3A_1258 = arith.constant 0 : i32
        %dma_start3A_1259 = arith.constant 0 : i32
        %dma_start3A_1260 = tpu.memref_slice %arg6[%run_scoped3A_942, %dma_start3A_1258, %dma_start3A_1259] : memref<16x104x64xf32, #tpu.memory_space<vmem>> -> memref<1x50x64xf32, #tpu.memory_space<vmem>>
        %dma_start3A_1261 = tpu.memref_squeeze %dma_start3A_1260 : memref<1x50x64xf32, #tpu.memory_space<vmem>> -> memref<50x64xf32, #tpu.memory_space<vmem>>
        %dma_start3A_1262 = arith.constant 0 : i32
        %dma_start3A_1263 = arith.constant 0 : i32
        %dma_start3A_1264 = tpu.memref_slice %arg4[%add3A_941, %dma_start3A_1262, %dma_start3A_1263] : memref<4096x56x128xf32, #tpu.memory_space<hbm>> -> memref<1x50x64xf32, #tpu.memory_space<hbm>>
        %dma_start3A_1265 = tpu.memref_squeeze %dma_start3A_1264 : memref<1x50x64xf32, #tpu.memory_space<hbm>> -> memref<50x64xf32, #tpu.memory_space<hbm>>
        %dma_start3A_1266 = arith.constant 0 : i32
        %dma_start3A_1267 = arith.constant 0 : i32
        %dma_start3A_1268 = tpu.memref_slice %arg4[%add3A_941, %dma_start3A_1266, %dma_start3A_1267] : memref<4096x56x128xf32, #tpu.memory_space<hbm>> -> memref<1x50x64xf32, #tpu.memory_space<hbm>>
        %dma_start3A_1269 = tpu.memref_squeeze %dma_start3A_1268 : memref<1x50x64xf32, #tpu.memory_space<hbm>> -> memref<50x64xf32, #tpu.memory_space<hbm>>
        %dma_start3A_1270 = arith.constant 0 : i32
        %dma_start3A_1271 = arith.constant 0 : i32
        %dma_start3A_1272 = tpu.memref_slice %arg6[%run_scoped3A_942, %dma_start3A_1270, %dma_start3A_1271] : memref<16x104x64xf32, #tpu.memory_space<vmem>> -> memref<1x50x64xf32, #tpu.memory_space<vmem>>
        %dma_start3A_1273 = tpu.memref_squeeze %dma_start3A_1272 : memref<1x50x64xf32, #tpu.memory_space<vmem>> -> memref<50x64xf32, #tpu.memory_space<vmem>>
        tpu.enqueue_dma source(%dma_start3A_1273 : memref<50x64xf32, #tpu.memory_space<vmem>>) target(%dma_start3A_1269 : memref<50x64xf32, #tpu.memory_space<hbm>>) target_semaphore(%run_scoped3A_1257 : memref<!tpu.dma_semaphore, #tpu.memory_space<semaphore_mem>>)
        %dma_wait3A_1274 = arith.constant 0 : i32
        %dma_wait3A_1275 = arith.constant 0 : i32
        %dma_wait3A_1276 = tpu.memref_slice %arg6[%run_scoped3A_942, %dma_wait3A_1274, %dma_wait3A_1275] : memref<16x104x64xf32, #tpu.memory_space<vmem>> -> memref<1x50x64xf32, #tpu.memory_space<vmem>>
        %dma_wait3A_1277 = tpu.memref_squeeze %dma_wait3A_1276 : memref<1x50x64xf32, #tpu.memory_space<vmem>> -> memref<50x64xf32, #tpu.memory_space<vmem>>
        %dma_wait3A_1278 = arith.constant 0 : i32
        %dma_wait3A_1279 = arith.constant 0 : i32
        %dma_wait3A_1280 = tpu.memref_slice %arg4[%add3A_941, %dma_wait3A_1278, %dma_wait3A_1279] : memref<4096x56x128xf32, #tpu.memory_space<hbm>> -> memref<1x50x64xf32, #tpu.memory_space<hbm>>
        %dma_wait3A_1281 = tpu.memref_squeeze %dma_wait3A_1280 : memref<1x50x64xf32, #tpu.memory_space<hbm>> -> memref<50x64xf32, #tpu.memory_space<hbm>>
        %dma_wait3A_1282 = arith.constant 0 : i32
        %dma_wait3A_1283 = arith.constant 0 : i32
        %dma_wait3A_1284 = tpu.memref_slice %arg4[%add3A_941, %dma_wait3A_1282, %dma_wait3A_1283] : memref<4096x56x128xf32, #tpu.memory_space<hbm>> -> memref<1x50x64xf32, #tpu.memory_space<hbm>>
        %dma_wait3A_1285 = tpu.memref_squeeze %dma_wait3A_1284 : memref<1x50x64xf32, #tpu.memory_space<hbm>> -> memref<50x64xf32, #tpu.memory_space<hbm>>
        %dma_wait3A_1286 = arith.constant 0 : i32
        %dma_wait3A_1287 = arith.constant 0 : i32
        %dma_wait3A_1288 = tpu.memref_slice %arg6[%run_scoped3A_942, %dma_wait3A_1286, %dma_wait3A_1287] : memref<16x104x64xf32, #tpu.memory_space<vmem>> -> memref<1x50x64xf32, #tpu.memory_space<vmem>>
        %dma_wait3A_1289 = tpu.memref_squeeze %dma_wait3A_1288 : memref<1x50x64xf32, #tpu.memory_space<vmem>> -> memref<50x64xf32, #tpu.memory_space<vmem>>
        tpu.wait_dma2 semaphore(%run_scoped3A_1257 : memref<!tpu.dma_semaphore, #tpu.memory_space<semaphore_mem>>) src(%dma_wait3A_1289 : memref<50x64xf32, #tpu.memory_space<vmem>>) dst(%dma_wait3A_1285 : memref<50x64xf32, #tpu.memory_space<hbm>>)
        tpu.yield
      }) : () -> ()
      %add3A_943 = arith.constant 1 : i32
      %add3A_944 = arith.addi %add3A_941, %add3A_943 : i32
      %run_scoped3A_945 = arith.constant 8 : i32
      "tpu.region"() ({
        %run_scoped3A_1257 = tpu.sem_alloc : memref<!tpu.dma_semaphore, #tpu.memory_space<semaphore_mem>>
        %dma_start3A_1258 = arith.constant 50 : i32
        %dma_start3A_1259 = arith.constant 0 : i32
        %dma_start3A_1260 = tpu.memref_slice %arg6[%run_scoped3A_945, %dma_start3A_1258, %dma_start3A_1259] : memref<16x104x64xf32, #tpu.memory_space<vmem>> -> memref<1x50x64xf32, #tpu.memory_space<vmem>>
        %dma_start3A_1261 = tpu.memref_squeeze %dma_start3A_1260 : memref<1x50x64xf32, #tpu.memory_space<vmem>> -> memref<50x64xf32, #tpu.memory_space<vmem>>
        %dma_start3A_1262 = arith.constant 0 : i32
        %dma_start3A_1263 = arith.constant 0 : i32
        %dma_start3A_1264 = tpu.memref_slice %arg4[%add3A_944, %dma_start3A_1262, %dma_start3A_1263] : memref<4096x56x128xf32, #tpu.memory_space<hbm>> -> memref<1x50x64xf32, #tpu.memory_space<hbm>>
        %dma_start3A_1265 = tpu.memref_squeeze %dma_start3A_1264 : memref<1x50x64xf32, #tpu.memory_space<hbm>> -> memref<50x64xf32, #tpu.memory_space<hbm>>
        %dma_start3A_1266 = arith.constant 0 : i32
        %dma_start3A_1267 = arith.constant 0 : i32
        %dma_start3A_1268 = tpu.memref_slice %arg4[%add3A_944, %dma_start3A_1266, %dma_start3A_1267] : memref<4096x56x128xf32, #tpu.memory_space<hbm>> -> memref<1x50x64xf32, #tpu.memory_space<hbm>>
        %dma_start3A_1269 = tpu.memref_squeeze %dma_start3A_1268 : memref<1x50x64xf32, #tpu.memory_space<hbm>> -> memref<50x64xf32, #tpu.memory_space<hbm>>
        %dma_start3A_1270 = arith.constant 50 : i32
        %dma_start3A_1271 = arith.constant 0 : i32
        %dma_start3A_1272 = tpu.memref_slice %arg6[%run_scoped3A_945, %dma_start3A_1270, %dma_start3A_1271] : memref<16x104x64xf32, #tpu.memory_space<vmem>> -> memref<1x50x64xf32, #tpu.memory_space<vmem>>
        %dma_start3A_1273 = tpu.memref_squeeze %dma_start3A_1272 : memref<1x50x64xf32, #tpu.memory_space<vmem>> -> memref<50x64xf32, #tpu.memory_space<vmem>>
        tpu.enqueue_dma source(%dma_start3A_1273 : memref<50x64xf32, #tpu.memory_space<vmem>>) target(%dma_start3A_1269 : memref<50x64xf32, #tpu.memory_space<hbm>>) target_semaphore(%run_scoped3A_1257 : memref<!tpu.dma_semaphore, #tpu.memory_space<semaphore_mem>>)
        %dma_wait3A_1274 = arith.constant 50 : i32
        %dma_wait3A_1275 = arith.constant 0 : i32
        %dma_wait3A_1276 = tpu.memref_slice %arg6[%run_scoped3A_945, %dma_wait3A_1274, %dma_wait3A_1275] : memref<16x104x64xf32, #tpu.memory_space<vmem>> -> memref<1x50x64xf32, #tpu.memory_space<vmem>>
        %dma_wait3A_1277 = tpu.memref_squeeze %dma_wait3A_1276 : memref<1x50x64xf32, #tpu.memory_space<vmem>> -> memref<50x64xf32, #tpu.memory_space<vmem>>
        %dma_wait3A_1278 = arith.constant 0 : i32
        %dma_wait3A_1279 = arith.constant 0 : i32
        %dma_wait3A_1280 = tpu.memref_slice %arg4[%add3A_944, %dma_wait3A_1278, %dma_wait3A_1279] : memref<4096x56x128xf32, #tpu.memory_space<hbm>> -> memref<1x50x64xf32, #tpu.memory_space<hbm>>
        %dma_wait3A_1281 = tpu.memref_squeeze %dma_wait3A_1280 : memref<1x50x64xf32, #tpu.memory_space<hbm>> -> memref<50x64xf32, #tpu.memory_space<hbm>>
        %dma_wait3A_1282 = arith.constant 0 : i32
        %dma_wait3A_1283 = arith.constant 0 : i32
        %dma_wait3A_1284 = tpu.memref_slice %arg4[%add3A_944, %dma_wait3A_1282, %dma_wait3A_1283] : memref<4096x56x128xf32, #tpu.memory_space<hbm>> -> memref<1x50x64xf32, #tpu.memory_space<hbm>>
        %dma_wait3A_1285 = tpu.memref_squeeze %dma_wait3A_1284 : memref<1x50x64xf32, #tpu.memory_space<hbm>> -> memref<50x64xf32, #tpu.memory_space<hbm>>
        %dma_wait3A_1286 = arith.constant 50 : i32
        %dma_wait3A_1287 = arith.constant 0 : i32
        %dma_wait3A_1288 = tpu.memref_slice %arg6[%run_scoped3A_945, %dma_wait3A_1286, %dma_wait3A_1287] : memref<16x104x64xf32, #tpu.memory_space<vmem>> -> memref<1x50x64xf32, #tpu.memory_space<vmem>>
        %dma_wait3A_1289 = tpu.memref_squeeze %dma_wait3A_1288 : memref<1x50x64xf32, #tpu.memory_space<vmem>> -> memref<50x64xf32, #tpu.memory_space<vmem>>
        tpu.wait_dma2 semaphore(%run_scoped3A_1257 : memref<!tpu.dma_semaphore, #tpu.memory_space<semaphore_mem>>) src(%dma_wait3A_1289 : memref<50x64xf32, #tpu.memory_space<vmem>>) dst(%dma_wait3A_1285 : memref<50x64xf32, #tpu.memory_space<hbm>>)
        tpu.yield
      }) : () -> ()
      %add3A_946 = arith.constant 16 : i32
      %add3A_947 = arith.addi %add3A_923, %add3A_946 : i32
      %dma_start3A_948 = arith.constant 8 : i32
      %dma_start3A_949 = arith.constant 8 : i32
      %dma_start3A_950 = arith.constant 0 : i32
      %dma_start3A_951 = arith.constant 0 : i32
      %dma_start3A_952 = tpu.memref_slice %arg6[%dma_start3A_948, %dma_start3A_950, %dma_start3A_951] : memref<16x104x64xf32, #tpu.memory_space<vmem>> -> memref<1x104x64xf32, #tpu.memory_space<vmem>>
      %dma_start3A_953 = tpu.memref_squeeze %dma_start3A_952 : memref<1x104x64xf32, #tpu.memory_space<vmem>> -> memref<104x64xf32, #tpu.memory_space<vmem>>
      %dma_start3A_954 = arith.constant 0 : i32
      %dma_start3A_955 = tpu.memref_slice %arg5[%add3A_947, %dma_start3A_954] : memref<64x104xi32, #tpu.memory_space<vmem>> -> memref<1x104xi32, #tpu.memory_space<vmem>>
      %dma_start3A_956 = tpu.memref_squeeze %dma_start3A_955 : memref<1x104xi32, #tpu.memory_space<vmem>> -> memref<104xi32, #tpu.memory_space<vmem>>
      %dma_start3A_957 = arith.constant 0 : i32
      %dma_start3A_958 = arith.constant 0 : i32
      %dma_start3A_959 = tpu.memref_slice %arg3[%dma_start3A_957, %dma_start3A_958] : memref<1000000x64xf32, #tpu.memory_space<hbm>> -> memref<1000000x64xf32, #tpu.memory_space<hbm>>
      %dma_start3A_960 = tpu.memref_slice %arg7[%dma_start3A_949] : memref<16x!tpu.dma_semaphore, #tpu.memory_space<semaphore_mem>> -> memref<1x!tpu.dma_semaphore, #tpu.memory_space<semaphore_mem>>
      %dma_start3A_961 = tpu.memref_squeeze %dma_start3A_960 : memref<1x!tpu.dma_semaphore, #tpu.memory_space<semaphore_mem>> -> memref<!tpu.dma_semaphore, #tpu.memory_space<semaphore_mem>>
      tpu.enqueue_indirect_dma source(%dma_start3A_959 : memref<1000000x64xf32, #tpu.memory_space<hbm>>) target(%dma_start3A_953 : memref<104x64xf32, #tpu.memory_space<vmem>>) offsets(%dma_start3A_956 : memref<104xi32, #tpu.memory_space<vmem>>) semaphore(%dma_start3A_961 : memref<!tpu.dma_semaphore, #tpu.memory_space<semaphore_mem>>)
      %mul3A_962 = arith.constant 16 : i32
      %mul3A_963 = arith.muli %scan3A_582, %mul3A_962 : i32
      %add3A_964 = arith.constant 9 : i32
      %add3A_965 = arith.addi %mul3A_963, %add3A_964 : i32
      %dma_wait3A_966 = arith.constant 0 : i32
      %dma_wait3A_967 = arith.constant 9 : i32
      %dma_wait3A_968 = arith.constant 9 : i32
      %dma_wait3A_969 = arith.constant 0 : i32
      %dma_wait3A_970 = arith.constant 0 : i32
      %dma_wait3A_971 = tpu.memref_slice %arg6[%dma_wait3A_967, %dma_wait3A_969, %dma_wait3A_970] : memref<16x104x64xf32, #tpu.memory_space<vmem>> -> memref<1x104x64xf32, #tpu.memory_space<vmem>>
      %dma_wait3A_972 = tpu.memref_squeeze %dma_wait3A_971 : memref<1x104x64xf32, #tpu.memory_space<vmem>> -> memref<104x64xf32, #tpu.memory_space<vmem>>
      %dma_wait3A_973 = arith.constant 0 : i32
      %dma_wait3A_974 = tpu.memref_slice %arg5[%dma_wait3A_966, %dma_wait3A_973] : memref<64x104xi32, #tpu.memory_space<vmem>> -> memref<1x104xi32, #tpu.memory_space<vmem>>
      %dma_wait3A_975 = tpu.memref_squeeze %dma_wait3A_974 : memref<1x104xi32, #tpu.memory_space<vmem>> -> memref<104xi32, #tpu.memory_space<vmem>>
      %dma_wait3A_976 = arith.constant 0 : i32
      %dma_wait3A_977 = arith.constant 0 : i32
      %dma_wait3A_978 = tpu.memref_slice %arg3[%dma_wait3A_976, %dma_wait3A_977] : memref<1000000x64xf32, #tpu.memory_space<hbm>> -> memref<1000000x64xf32, #tpu.memory_space<hbm>>
      %dma_wait3A_979 = tpu.memref_slice %arg7[%dma_wait3A_968] : memref<16x!tpu.dma_semaphore, #tpu.memory_space<semaphore_mem>> -> memref<1x!tpu.dma_semaphore, #tpu.memory_space<semaphore_mem>>
      %dma_wait3A_980 = tpu.memref_squeeze %dma_wait3A_979 : memref<1x!tpu.dma_semaphore, #tpu.memory_space<semaphore_mem>> -> memref<!tpu.dma_semaphore, #tpu.memory_space<semaphore_mem>>
      tpu.wait_indirect_dma semaphore(%dma_wait3A_980 : memref<!tpu.dma_semaphore, #tpu.memory_space<semaphore_mem>>) src(%dma_wait3A_978 : memref<1000000x64xf32, #tpu.memory_space<hbm>>) dst(%dma_wait3A_972 : memref<104x64xf32, #tpu.memory_space<vmem>>)
      %mul3A_981 = arith.constant 2 : i32
      %mul3A_982 = arith.muli %mul3A_981, %add3A_965 : i32
      %add3A_983 = arith.addi %mul3A_2, %mul3A_982 : i32
      %run_scoped3A_984 = arith.constant 9 : i32
      "tpu.region"() ({
        %run_scoped3A_1257 = tpu.sem_alloc : memref<!tpu.dma_semaphore, #tpu.memory_space<semaphore_mem>>
        %dma_start3A_1258 = arith.constant 0 : i32
        %dma_start3A_1259 = arith.constant 0 : i32
        %dma_start3A_1260 = tpu.memref_slice %arg6[%run_scoped3A_984, %dma_start3A_1258, %dma_start3A_1259] : memref<16x104x64xf32, #tpu.memory_space<vmem>> -> memref<1x50x64xf32, #tpu.memory_space<vmem>>
        %dma_start3A_1261 = tpu.memref_squeeze %dma_start3A_1260 : memref<1x50x64xf32, #tpu.memory_space<vmem>> -> memref<50x64xf32, #tpu.memory_space<vmem>>
        %dma_start3A_1262 = arith.constant 0 : i32
        %dma_start3A_1263 = arith.constant 0 : i32
        %dma_start3A_1264 = tpu.memref_slice %arg4[%add3A_983, %dma_start3A_1262, %dma_start3A_1263] : memref<4096x56x128xf32, #tpu.memory_space<hbm>> -> memref<1x50x64xf32, #tpu.memory_space<hbm>>
        %dma_start3A_1265 = tpu.memref_squeeze %dma_start3A_1264 : memref<1x50x64xf32, #tpu.memory_space<hbm>> -> memref<50x64xf32, #tpu.memory_space<hbm>>
        %dma_start3A_1266 = arith.constant 0 : i32
        %dma_start3A_1267 = arith.constant 0 : i32
        %dma_start3A_1268 = tpu.memref_slice %arg4[%add3A_983, %dma_start3A_1266, %dma_start3A_1267] : memref<4096x56x128xf32, #tpu.memory_space<hbm>> -> memref<1x50x64xf32, #tpu.memory_space<hbm>>
        %dma_start3A_1269 = tpu.memref_squeeze %dma_start3A_1268 : memref<1x50x64xf32, #tpu.memory_space<hbm>> -> memref<50x64xf32, #tpu.memory_space<hbm>>
        %dma_start3A_1270 = arith.constant 0 : i32
        %dma_start3A_1271 = arith.constant 0 : i32
        %dma_start3A_1272 = tpu.memref_slice %arg6[%run_scoped3A_984, %dma_start3A_1270, %dma_start3A_1271] : memref<16x104x64xf32, #tpu.memory_space<vmem>> -> memref<1x50x64xf32, #tpu.memory_space<vmem>>
        %dma_start3A_1273 = tpu.memref_squeeze %dma_start3A_1272 : memref<1x50x64xf32, #tpu.memory_space<vmem>> -> memref<50x64xf32, #tpu.memory_space<vmem>>
        tpu.enqueue_dma source(%dma_start3A_1273 : memref<50x64xf32, #tpu.memory_space<vmem>>) target(%dma_start3A_1269 : memref<50x64xf32, #tpu.memory_space<hbm>>) target_semaphore(%run_scoped3A_1257 : memref<!tpu.dma_semaphore, #tpu.memory_space<semaphore_mem>>)
        %dma_wait3A_1274 = arith.constant 0 : i32
        %dma_wait3A_1275 = arith.constant 0 : i32
        %dma_wait3A_1276 = tpu.memref_slice %arg6[%run_scoped3A_984, %dma_wait3A_1274, %dma_wait3A_1275] : memref<16x104x64xf32, #tpu.memory_space<vmem>> -> memref<1x50x64xf32, #tpu.memory_space<vmem>>
        %dma_wait3A_1277 = tpu.memref_squeeze %dma_wait3A_1276 : memref<1x50x64xf32, #tpu.memory_space<vmem>> -> memref<50x64xf32, #tpu.memory_space<vmem>>
        %dma_wait3A_1278 = arith.constant 0 : i32
        %dma_wait3A_1279 = arith.constant 0 : i32
        %dma_wait3A_1280 = tpu.memref_slice %arg4[%add3A_983, %dma_wait3A_1278, %dma_wait3A_1279] : memref<4096x56x128xf32, #tpu.memory_space<hbm>> -> memref<1x50x64xf32, #tpu.memory_space<hbm>>
        %dma_wait3A_1281 = tpu.memref_squeeze %dma_wait3A_1280 : memref<1x50x64xf32, #tpu.memory_space<hbm>> -> memref<50x64xf32, #tpu.memory_space<hbm>>
        %dma_wait3A_1282 = arith.constant 0 : i32
        %dma_wait3A_1283 = arith.constant 0 : i32
        %dma_wait3A_1284 = tpu.memref_slice %arg4[%add3A_983, %dma_wait3A_1282, %dma_wait3A_1283] : memref<4096x56x128xf32, #tpu.memory_space<hbm>> -> memref<1x50x64xf32, #tpu.memory_space<hbm>>
        %dma_wait3A_1285 = tpu.memref_squeeze %dma_wait3A_1284 : memref<1x50x64xf32, #tpu.memory_space<hbm>> -> memref<50x64xf32, #tpu.memory_space<hbm>>
        %dma_wait3A_1286 = arith.constant 0 : i32
        %dma_wait3A_1287 = arith.constant 0 : i32
        %dma_wait3A_1288 = tpu.memref_slice %arg6[%run_scoped3A_984, %dma_wait3A_1286, %dma_wait3A_1287] : memref<16x104x64xf32, #tpu.memory_space<vmem>> -> memref<1x50x64xf32, #tpu.memory_space<vmem>>
        %dma_wait3A_1289 = tpu.memref_squeeze %dma_wait3A_1288 : memref<1x50x64xf32, #tpu.memory_space<vmem>> -> memref<50x64xf32, #tpu.memory_space<vmem>>
        tpu.wait_dma2 semaphore(%run_scoped3A_1257 : memref<!tpu.dma_semaphore, #tpu.memory_space<semaphore_mem>>) src(%dma_wait3A_1289 : memref<50x64xf32, #tpu.memory_space<vmem>>) dst(%dma_wait3A_1285 : memref<50x64xf32, #tpu.memory_space<hbm>>)
        tpu.yield
      }) : () -> ()
      %add3A_985 = arith.constant 1 : i32
      %add3A_986 = arith.addi %add3A_983, %add3A_985 : i32
      %run_scoped3A_987 = arith.constant 9 : i32
      "tpu.region"() ({
        %run_scoped3A_1257 = tpu.sem_alloc : memref<!tpu.dma_semaphore, #tpu.memory_space<semaphore_mem>>
        %dma_start3A_1258 = arith.constant 50 : i32
        %dma_start3A_1259 = arith.constant 0 : i32
        %dma_start3A_1260 = tpu.memref_slice %arg6[%run_scoped3A_987, %dma_start3A_1258, %dma_start3A_1259] : memref<16x104x64xf32, #tpu.memory_space<vmem>> -> memref<1x50x64xf32, #tpu.memory_space<vmem>>
        %dma_start3A_1261 = tpu.memref_squeeze %dma_start3A_1260 : memref<1x50x64xf32, #tpu.memory_space<vmem>> -> memref<50x64xf32, #tpu.memory_space<vmem>>
        %dma_start3A_1262 = arith.constant 0 : i32
        %dma_start3A_1263 = arith.constant 0 : i32
        %dma_start3A_1264 = tpu.memref_slice %arg4[%add3A_986, %dma_start3A_1262, %dma_start3A_1263] : memref<4096x56x128xf32, #tpu.memory_space<hbm>> -> memref<1x50x64xf32, #tpu.memory_space<hbm>>
        %dma_start3A_1265 = tpu.memref_squeeze %dma_start3A_1264 : memref<1x50x64xf32, #tpu.memory_space<hbm>> -> memref<50x64xf32, #tpu.memory_space<hbm>>
        %dma_start3A_1266 = arith.constant 0 : i32
        %dma_start3A_1267 = arith.constant 0 : i32
        %dma_start3A_1268 = tpu.memref_slice %arg4[%add3A_986, %dma_start3A_1266, %dma_start3A_1267] : memref<4096x56x128xf32, #tpu.memory_space<hbm>> -> memref<1x50x64xf32, #tpu.memory_space<hbm>>
        %dma_start3A_1269 = tpu.memref_squeeze %dma_start3A_1268 : memref<1x50x64xf32, #tpu.memory_space<hbm>> -> memref<50x64xf32, #tpu.memory_space<hbm>>
        %dma_start3A_1270 = arith.constant 50 : i32
        %dma_start3A_1271 = arith.constant 0 : i32
        %dma_start3A_1272 = tpu.memref_slice %arg6[%run_scoped3A_987, %dma_start3A_1270, %dma_start3A_1271] : memref<16x104x64xf32, #tpu.memory_space<vmem>> -> memref<1x50x64xf32, #tpu.memory_space<vmem>>
        %dma_start3A_1273 = tpu.memref_squeeze %dma_start3A_1272 : memref<1x50x64xf32, #tpu.memory_space<vmem>> -> memref<50x64xf32, #tpu.memory_space<vmem>>
        tpu.enqueue_dma source(%dma_start3A_1273 : memref<50x64xf32, #tpu.memory_space<vmem>>) target(%dma_start3A_1269 : memref<50x64xf32, #tpu.memory_space<hbm>>) target_semaphore(%run_scoped3A_1257 : memref<!tpu.dma_semaphore, #tpu.memory_space<semaphore_mem>>)
        %dma_wait3A_1274 = arith.constant 50 : i32
        %dma_wait3A_1275 = arith.constant 0 : i32
        %dma_wait3A_1276 = tpu.memref_slice %arg6[%run_scoped3A_987, %dma_wait3A_1274, %dma_wait3A_1275] : memref<16x104x64xf32, #tpu.memory_space<vmem>> -> memref<1x50x64xf32, #tpu.memory_space<vmem>>
        %dma_wait3A_1277 = tpu.memref_squeeze %dma_wait3A_1276 : memref<1x50x64xf32, #tpu.memory_space<vmem>> -> memref<50x64xf32, #tpu.memory_space<vmem>>
        %dma_wait3A_1278 = arith.constant 0 : i32
        %dma_wait3A_1279 = arith.constant 0 : i32
        %dma_wait3A_1280 = tpu.memref_slice %arg4[%add3A_986, %dma_wait3A_1278, %dma_wait3A_1279] : memref<4096x56x128xf32, #tpu.memory_space<hbm>> -> memref<1x50x64xf32, #tpu.memory_space<hbm>>
        %dma_wait3A_1281 = tpu.memref_squeeze %dma_wait3A_1280 : memref<1x50x64xf32, #tpu.memory_space<hbm>> -> memref<50x64xf32, #tpu.memory_space<hbm>>
        %dma_wait3A_1282 = arith.constant 0 : i32
        %dma_wait3A_1283 = arith.constant 0 : i32
        %dma_wait3A_1284 = tpu.memref_slice %arg4[%add3A_986, %dma_wait3A_1282, %dma_wait3A_1283] : memref<4096x56x128xf32, #tpu.memory_space<hbm>> -> memref<1x50x64xf32, #tpu.memory_space<hbm>>
        %dma_wait3A_1285 = tpu.memref_squeeze %dma_wait3A_1284 : memref<1x50x64xf32, #tpu.memory_space<hbm>> -> memref<50x64xf32, #tpu.memory_space<hbm>>
        %dma_wait3A_1286 = arith.constant 50 : i32
        %dma_wait3A_1287 = arith.constant 0 : i32
        %dma_wait3A_1288 = tpu.memref_slice %arg6[%run_scoped3A_987, %dma_wait3A_1286, %dma_wait3A_1287] : memref<16x104x64xf32, #tpu.memory_space<vmem>> -> memref<1x50x64xf32, #tpu.memory_space<vmem>>
        %dma_wait3A_1289 = tpu.memref_squeeze %dma_wait3A_1288 : memref<1x50x64xf32, #tpu.memory_space<vmem>> -> memref<50x64xf32, #tpu.memory_space<vmem>>
        tpu.wait_dma2 semaphore(%run_scoped3A_1257 : memref<!tpu.dma_semaphore, #tpu.memory_space<semaphore_mem>>) src(%dma_wait3A_1289 : memref<50x64xf32, #tpu.memory_space<vmem>>) dst(%dma_wait3A_1285 : memref<50x64xf32, #tpu.memory_space<hbm>>)
        tpu.yield
      }) : () -> ()
      %add3A_988 = arith.constant 16 : i32
      %add3A_989 = arith.addi %add3A_965, %add3A_988 : i32
      %dma_start3A_990 = arith.constant 9 : i32
      %dma_start3A_991 = arith.constant 9 : i32
      %dma_start3A_992 = arith.constant 0 : i32
      %dma_start3A_993 = arith.constant 0 : i32
      %dma_start3A_994 = tpu.memref_slice %arg6[%dma_start3A_990, %dma_start3A_992, %dma_start3A_993] : memref<16x104x64xf32, #tpu.memory_space<vmem>> -> memref<1x104x64xf32, #tpu.memory_space<vmem>>
      %dma_start3A_995 = tpu.memref_squeeze %dma_start3A_994 : memref<1x104x64xf32, #tpu.memory_space<vmem>> -> memref<104x64xf32, #tpu.memory_space<vmem>>
      %dma_start3A_996 = arith.constant 0 : i32
      %dma_start3A_997 = tpu.memref_slice %arg5[%add3A_989, %dma_start3A_996] : memref<64x104xi32, #tpu.memory_space<vmem>> -> memref<1x104xi32, #tpu.memory_space<vmem>>
      %dma_start3A_998 = tpu.memref_squeeze %dma_start3A_997 : memref<1x104xi32, #tpu.memory_space<vmem>> -> memref<104xi32, #tpu.memory_space<vmem>>
      %dma_start3A_999 = arith.constant 0 : i32
      %dma_start3A_1000 = arith.constant 0 : i32
      %dma_start3A_1001 = tpu.memref_slice %arg3[%dma_start3A_999, %dma_start3A_1000] : memref<1000000x64xf32, #tpu.memory_space<hbm>> -> memref<1000000x64xf32, #tpu.memory_space<hbm>>
      %dma_start3A_1002 = tpu.memref_slice %arg7[%dma_start3A_991] : memref<16x!tpu.dma_semaphore, #tpu.memory_space<semaphore_mem>> -> memref<1x!tpu.dma_semaphore, #tpu.memory_space<semaphore_mem>>
      %dma_start3A_1003 = tpu.memref_squeeze %dma_start3A_1002 : memref<1x!tpu.dma_semaphore, #tpu.memory_space<semaphore_mem>> -> memref<!tpu.dma_semaphore, #tpu.memory_space<semaphore_mem>>
      tpu.enqueue_indirect_dma source(%dma_start3A_1001 : memref<1000000x64xf32, #tpu.memory_space<hbm>>) target(%dma_start3A_995 : memref<104x64xf32, #tpu.memory_space<vmem>>) offsets(%dma_start3A_998 : memref<104xi32, #tpu.memory_space<vmem>>) semaphore(%dma_start3A_1003 : memref<!tpu.dma_semaphore, #tpu.memory_space<semaphore_mem>>)
      %mul3A_1004 = arith.constant 16 : i32
      %mul3A_1005 = arith.muli %scan3A_582, %mul3A_1004 : i32
      %add3A_1006 = arith.constant 10 : i32
      %add3A_1007 = arith.addi %mul3A_1005, %add3A_1006 : i32
      %dma_wait3A_1008 = arith.constant 0 : i32
      %dma_wait3A_1009 = arith.constant 10 : i32
      %dma_wait3A_1010 = arith.constant 10 : i32
      %dma_wait3A_1011 = arith.constant 0 : i32
      %dma_wait3A_1012 = arith.constant 0 : i32
      %dma_wait3A_1013 = tpu.memref_slice %arg6[%dma_wait3A_1009, %dma_wait3A_1011, %dma_wait3A_1012] : memref<16x104x64xf32, #tpu.memory_space<vmem>> -> memref<1x104x64xf32, #tpu.memory_space<vmem>>
      %dma_wait3A_1014 = tpu.memref_squeeze %dma_wait3A_1013 : memref<1x104x64xf32, #tpu.memory_space<vmem>> -> memref<104x64xf32, #tpu.memory_space<vmem>>
      %dma_wait3A_1015 = arith.constant 0 : i32
      %dma_wait3A_1016 = tpu.memref_slice %arg5[%dma_wait3A_1008, %dma_wait3A_1015] : memref<64x104xi32, #tpu.memory_space<vmem>> -> memref<1x104xi32, #tpu.memory_space<vmem>>
      %dma_wait3A_1017 = tpu.memref_squeeze %dma_wait3A_1016 : memref<1x104xi32, #tpu.memory_space<vmem>> -> memref<104xi32, #tpu.memory_space<vmem>>
      %dma_wait3A_1018 = arith.constant 0 : i32
      %dma_wait3A_1019 = arith.constant 0 : i32
      %dma_wait3A_1020 = tpu.memref_slice %arg3[%dma_wait3A_1018, %dma_wait3A_1019] : memref<1000000x64xf32, #tpu.memory_space<hbm>> -> memref<1000000x64xf32, #tpu.memory_space<hbm>>
      %dma_wait3A_1021 = tpu.memref_slice %arg7[%dma_wait3A_1010] : memref<16x!tpu.dma_semaphore, #tpu.memory_space<semaphore_mem>> -> memref<1x!tpu.dma_semaphore, #tpu.memory_space<semaphore_mem>>
      %dma_wait3A_1022 = tpu.memref_squeeze %dma_wait3A_1021 : memref<1x!tpu.dma_semaphore, #tpu.memory_space<semaphore_mem>> -> memref<!tpu.dma_semaphore, #tpu.memory_space<semaphore_mem>>
      tpu.wait_indirect_dma semaphore(%dma_wait3A_1022 : memref<!tpu.dma_semaphore, #tpu.memory_space<semaphore_mem>>) src(%dma_wait3A_1020 : memref<1000000x64xf32, #tpu.memory_space<hbm>>) dst(%dma_wait3A_1014 : memref<104x64xf32, #tpu.memory_space<vmem>>)
      %mul3A_1023 = arith.constant 2 : i32
      %mul3A_1024 = arith.muli %mul3A_1023, %add3A_1007 : i32
      %add3A_1025 = arith.addi %mul3A_2, %mul3A_1024 : i32
      %run_scoped3A_1026 = arith.constant 10 : i32
      "tpu.region"() ({
        %run_scoped3A_1257 = tpu.sem_alloc : memref<!tpu.dma_semaphore, #tpu.memory_space<semaphore_mem>>
        %dma_start3A_1258 = arith.constant 0 : i32
        %dma_start3A_1259 = arith.constant 0 : i32
        %dma_start3A_1260 = tpu.memref_slice %arg6[%run_scoped3A_1026, %dma_start3A_1258, %dma_start3A_1259] : memref<16x104x64xf32, #tpu.memory_space<vmem>> -> memref<1x50x64xf32, #tpu.memory_space<vmem>>
        %dma_start3A_1261 = tpu.memref_squeeze %dma_start3A_1260 : memref<1x50x64xf32, #tpu.memory_space<vmem>> -> memref<50x64xf32, #tpu.memory_space<vmem>>
        %dma_start3A_1262 = arith.constant 0 : i32
        %dma_start3A_1263 = arith.constant 0 : i32
        %dma_start3A_1264 = tpu.memref_slice %arg4[%add3A_1025, %dma_start3A_1262, %dma_start3A_1263] : memref<4096x56x128xf32, #tpu.memory_space<hbm>> -> memref<1x50x64xf32, #tpu.memory_space<hbm>>
        %dma_start3A_1265 = tpu.memref_squeeze %dma_start3A_1264 : memref<1x50x64xf32, #tpu.memory_space<hbm>> -> memref<50x64xf32, #tpu.memory_space<hbm>>
        %dma_start3A_1266 = arith.constant 0 : i32
        %dma_start3A_1267 = arith.constant 0 : i32
        %dma_start3A_1268 = tpu.memref_slice %arg4[%add3A_1025, %dma_start3A_1266, %dma_start3A_1267] : memref<4096x56x128xf32, #tpu.memory_space<hbm>> -> memref<1x50x64xf32, #tpu.memory_space<hbm>>
        %dma_start3A_1269 = tpu.memref_squeeze %dma_start3A_1268 : memref<1x50x64xf32, #tpu.memory_space<hbm>> -> memref<50x64xf32, #tpu.memory_space<hbm>>
        %dma_start3A_1270 = arith.constant 0 : i32
        %dma_start3A_1271 = arith.constant 0 : i32
        %dma_start3A_1272 = tpu.memref_slice %arg6[%run_scoped3A_1026, %dma_start3A_1270, %dma_start3A_1271] : memref<16x104x64xf32, #tpu.memory_space<vmem>> -> memref<1x50x64xf32, #tpu.memory_space<vmem>>
        %dma_start3A_1273 = tpu.memref_squeeze %dma_start3A_1272 : memref<1x50x64xf32, #tpu.memory_space<vmem>> -> memref<50x64xf32, #tpu.memory_space<vmem>>
        tpu.enqueue_dma source(%dma_start3A_1273 : memref<50x64xf32, #tpu.memory_space<vmem>>) target(%dma_start3A_1269 : memref<50x64xf32, #tpu.memory_space<hbm>>) target_semaphore(%run_scoped3A_1257 : memref<!tpu.dma_semaphore, #tpu.memory_space<semaphore_mem>>)
        %dma_wait3A_1274 = arith.constant 0 : i32
        %dma_wait3A_1275 = arith.constant 0 : i32
        %dma_wait3A_1276 = tpu.memref_slice %arg6[%run_scoped3A_1026, %dma_wait3A_1274, %dma_wait3A_1275] : memref<16x104x64xf32, #tpu.memory_space<vmem>> -> memref<1x50x64xf32, #tpu.memory_space<vmem>>
        %dma_wait3A_1277 = tpu.memref_squeeze %dma_wait3A_1276 : memref<1x50x64xf32, #tpu.memory_space<vmem>> -> memref<50x64xf32, #tpu.memory_space<vmem>>
        %dma_wait3A_1278 = arith.constant 0 : i32
        %dma_wait3A_1279 = arith.constant 0 : i32
        %dma_wait3A_1280 = tpu.memref_slice %arg4[%add3A_1025, %dma_wait3A_1278, %dma_wait3A_1279] : memref<4096x56x128xf32, #tpu.memory_space<hbm>> -> memref<1x50x64xf32, #tpu.memory_space<hbm>>
        %dma_wait3A_1281 = tpu.memref_squeeze %dma_wait3A_1280 : memref<1x50x64xf32, #tpu.memory_space<hbm>> -> memref<50x64xf32, #tpu.memory_space<hbm>>
        %dma_wait3A_1282 = arith.constant 0 : i32
        %dma_wait3A_1283 = arith.constant 0 : i32
        %dma_wait3A_1284 = tpu.memref_slice %arg4[%add3A_1025, %dma_wait3A_1282, %dma_wait3A_1283] : memref<4096x56x128xf32, #tpu.memory_space<hbm>> -> memref<1x50x64xf32, #tpu.memory_space<hbm>>
        %dma_wait3A_1285 = tpu.memref_squeeze %dma_wait3A_1284 : memref<1x50x64xf32, #tpu.memory_space<hbm>> -> memref<50x64xf32, #tpu.memory_space<hbm>>
        %dma_wait3A_1286 = arith.constant 0 : i32
        %dma_wait3A_1287 = arith.constant 0 : i32
        %dma_wait3A_1288 = tpu.memref_slice %arg6[%run_scoped3A_1026, %dma_wait3A_1286, %dma_wait3A_1287] : memref<16x104x64xf32, #tpu.memory_space<vmem>> -> memref<1x50x64xf32, #tpu.memory_space<vmem>>
        %dma_wait3A_1289 = tpu.memref_squeeze %dma_wait3A_1288 : memref<1x50x64xf32, #tpu.memory_space<vmem>> -> memref<50x64xf32, #tpu.memory_space<vmem>>
        tpu.wait_dma2 semaphore(%run_scoped3A_1257 : memref<!tpu.dma_semaphore, #tpu.memory_space<semaphore_mem>>) src(%dma_wait3A_1289 : memref<50x64xf32, #tpu.memory_space<vmem>>) dst(%dma_wait3A_1285 : memref<50x64xf32, #tpu.memory_space<hbm>>)
        tpu.yield
      }) : () -> ()
      %add3A_1027 = arith.constant 1 : i32
      %add3A_1028 = arith.addi %add3A_1025, %add3A_1027 : i32
      %run_scoped3A_1029 = arith.constant 10 : i32
      "tpu.region"() ({
        %run_scoped3A_1257 = tpu.sem_alloc : memref<!tpu.dma_semaphore, #tpu.memory_space<semaphore_mem>>
        %dma_start3A_1258 = arith.constant 50 : i32
        %dma_start3A_1259 = arith.constant 0 : i32
        %dma_start3A_1260 = tpu.memref_slice %arg6[%run_scoped3A_1029, %dma_start3A_1258, %dma_start3A_1259] : memref<16x104x64xf32, #tpu.memory_space<vmem>> -> memref<1x50x64xf32, #tpu.memory_space<vmem>>
        %dma_start3A_1261 = tpu.memref_squeeze %dma_start3A_1260 : memref<1x50x64xf32, #tpu.memory_space<vmem>> -> memref<50x64xf32, #tpu.memory_space<vmem>>
        %dma_start3A_1262 = arith.constant 0 : i32
        %dma_start3A_1263 = arith.constant 0 : i32
        %dma_start3A_1264 = tpu.memref_slice %arg4[%add3A_1028, %dma_start3A_1262, %dma_start3A_1263] : memref<4096x56x128xf32, #tpu.memory_space<hbm>> -> memref<1x50x64xf32, #tpu.memory_space<hbm>>
        %dma_start3A_1265 = tpu.memref_squeeze %dma_start3A_1264 : memref<1x50x64xf32, #tpu.memory_space<hbm>> -> memref<50x64xf32, #tpu.memory_space<hbm>>
        %dma_start3A_1266 = arith.constant 0 : i32
        %dma_start3A_1267 = arith.constant 0 : i32
        %dma_start3A_1268 = tpu.memref_slice %arg4[%add3A_1028, %dma_start3A_1266, %dma_start3A_1267] : memref<4096x56x128xf32, #tpu.memory_space<hbm>> -> memref<1x50x64xf32, #tpu.memory_space<hbm>>
        %dma_start3A_1269 = tpu.memref_squeeze %dma_start3A_1268 : memref<1x50x64xf32, #tpu.memory_space<hbm>> -> memref<50x64xf32, #tpu.memory_space<hbm>>
        %dma_start3A_1270 = arith.constant 50 : i32
        %dma_start3A_1271 = arith.constant 0 : i32
        %dma_start3A_1272 = tpu.memref_slice %arg6[%run_scoped3A_1029, %dma_start3A_1270, %dma_start3A_1271] : memref<16x104x64xf32, #tpu.memory_space<vmem>> -> memref<1x50x64xf32, #tpu.memory_space<vmem>>
        %dma_start3A_1273 = tpu.memref_squeeze %dma_start3A_1272 : memref<1x50x64xf32, #tpu.memory_space<vmem>> -> memref<50x64xf32, #tpu.memory_space<vmem>>
        tpu.enqueue_dma source(%dma_start3A_1273 : memref<50x64xf32, #tpu.memory_space<vmem>>) target(%dma_start3A_1269 : memref<50x64xf32, #tpu.memory_space<hbm>>) target_semaphore(%run_scoped3A_1257 : memref<!tpu.dma_semaphore, #tpu.memory_space<semaphore_mem>>)
        %dma_wait3A_1274 = arith.constant 50 : i32
        %dma_wait3A_1275 = arith.constant 0 : i32
        %dma_wait3A_1276 = tpu.memref_slice %arg6[%run_scoped3A_1029, %dma_wait3A_1274, %dma_wait3A_1275] : memref<16x104x64xf32, #tpu.memory_space<vmem>> -> memref<1x50x64xf32, #tpu.memory_space<vmem>>
        %dma_wait3A_1277 = tpu.memref_squeeze %dma_wait3A_1276 : memref<1x50x64xf32, #tpu.memory_space<vmem>> -> memref<50x64xf32, #tpu.memory_space<vmem>>
        %dma_wait3A_1278 = arith.constant 0 : i32
        %dma_wait3A_1279 = arith.constant 0 : i32
        %dma_wait3A_1280 = tpu.memref_slice %arg4[%add3A_1028, %dma_wait3A_1278, %dma_wait3A_1279] : memref<4096x56x128xf32, #tpu.memory_space<hbm>> -> memref<1x50x64xf32, #tpu.memory_space<hbm>>
        %dma_wait3A_1281 = tpu.memref_squeeze %dma_wait3A_1280 : memref<1x50x64xf32, #tpu.memory_space<hbm>> -> memref<50x64xf32, #tpu.memory_space<hbm>>
        %dma_wait3A_1282 = arith.constant 0 : i32
        %dma_wait3A_1283 = arith.constant 0 : i32
        %dma_wait3A_1284 = tpu.memref_slice %arg4[%add3A_1028, %dma_wait3A_1282, %dma_wait3A_1283] : memref<4096x56x128xf32, #tpu.memory_space<hbm>> -> memref<1x50x64xf32, #tpu.memory_space<hbm>>
        %dma_wait3A_1285 = tpu.memref_squeeze %dma_wait3A_1284 : memref<1x50x64xf32, #tpu.memory_space<hbm>> -> memref<50x64xf32, #tpu.memory_space<hbm>>
        %dma_wait3A_1286 = arith.constant 50 : i32
        %dma_wait3A_1287 = arith.constant 0 : i32
        %dma_wait3A_1288 = tpu.memref_slice %arg6[%run_scoped3A_1029, %dma_wait3A_1286, %dma_wait3A_1287] : memref<16x104x64xf32, #tpu.memory_space<vmem>> -> memref<1x50x64xf32, #tpu.memory_space<vmem>>
        %dma_wait3A_1289 = tpu.memref_squeeze %dma_wait3A_1288 : memref<1x50x64xf32, #tpu.memory_space<vmem>> -> memref<50x64xf32, #tpu.memory_space<vmem>>
        tpu.wait_dma2 semaphore(%run_scoped3A_1257 : memref<!tpu.dma_semaphore, #tpu.memory_space<semaphore_mem>>) src(%dma_wait3A_1289 : memref<50x64xf32, #tpu.memory_space<vmem>>) dst(%dma_wait3A_1285 : memref<50x64xf32, #tpu.memory_space<hbm>>)
        tpu.yield
      }) : () -> ()
      %add3A_1030 = arith.constant 16 : i32
      %add3A_1031 = arith.addi %add3A_1007, %add3A_1030 : i32
      %dma_start3A_1032 = arith.constant 10 : i32
      %dma_start3A_1033 = arith.constant 10 : i32
      %dma_start3A_1034 = arith.constant 0 : i32
      %dma_start3A_1035 = arith.constant 0 : i32
      %dma_start3A_1036 = tpu.memref_slice %arg6[%dma_start3A_1032, %dma_start3A_1034, %dma_start3A_1035] : memref<16x104x64xf32, #tpu.memory_space<vmem>> -> memref<1x104x64xf32, #tpu.memory_space<vmem>>
      %dma_start3A_1037 = tpu.memref_squeeze %dma_start3A_1036 : memref<1x104x64xf32, #tpu.memory_space<vmem>> -> memref<104x64xf32, #tpu.memory_space<vmem>>
      %dma_start3A_1038 = arith.constant 0 : i32
      %dma_start3A_1039 = tpu.memref_slice %arg5[%add3A_1031, %dma_start3A_1038] : memref<64x104xi32, #tpu.memory_space<vmem>> -> memref<1x104xi32, #tpu.memory_space<vmem>>
      %dma_start3A_1040 = tpu.memref_squeeze %dma_start3A_1039 : memref<1x104xi32, #tpu.memory_space<vmem>> -> memref<104xi32, #tpu.memory_space<vmem>>
      %dma_start3A_1041 = arith.constant 0 : i32
      %dma_start3A_1042 = arith.constant 0 : i32
      %dma_start3A_1043 = tpu.memref_slice %arg3[%dma_start3A_1041, %dma_start3A_1042] : memref<1000000x64xf32, #tpu.memory_space<hbm>> -> memref<1000000x64xf32, #tpu.memory_space<hbm>>
      %dma_start3A_1044 = tpu.memref_slice %arg7[%dma_start3A_1033] : memref<16x!tpu.dma_semaphore, #tpu.memory_space<semaphore_mem>> -> memref<1x!tpu.dma_semaphore, #tpu.memory_space<semaphore_mem>>
      %dma_start3A_1045 = tpu.memref_squeeze %dma_start3A_1044 : memref<1x!tpu.dma_semaphore, #tpu.memory_space<semaphore_mem>> -> memref<!tpu.dma_semaphore, #tpu.memory_space<semaphore_mem>>
      tpu.enqueue_indirect_dma source(%dma_start3A_1043 : memref<1000000x64xf32, #tpu.memory_space<hbm>>) target(%dma_start3A_1037 : memref<104x64xf32, #tpu.memory_space<vmem>>) offsets(%dma_start3A_1040 : memref<104xi32, #tpu.memory_space<vmem>>) semaphore(%dma_start3A_1045 : memref<!tpu.dma_semaphore, #tpu.memory_space<semaphore_mem>>)
      %mul3A_1046 = arith.constant 16 : i32
      %mul3A_1047 = arith.muli %scan3A_582, %mul3A_1046 : i32
      %add3A_1048 = arith.constant 11 : i32
      %add3A_1049 = arith.addi %mul3A_1047, %add3A_1048 : i32
      %dma_wait3A_1050 = arith.constant 0 : i32
      %dma_wait3A_1051 = arith.constant 11 : i32
      %dma_wait3A_1052 = arith.constant 11 : i32
      %dma_wait3A_1053 = arith.constant 0 : i32
      %dma_wait3A_1054 = arith.constant 0 : i32
      %dma_wait3A_1055 = tpu.memref_slice %arg6[%dma_wait3A_1051, %dma_wait3A_1053, %dma_wait3A_1054] : memref<16x104x64xf32, #tpu.memory_space<vmem>> -> memref<1x104x64xf32, #tpu.memory_space<vmem>>
      %dma_wait3A_1056 = tpu.memref_squeeze %dma_wait3A_1055 : memref<1x104x64xf32, #tpu.memory_space<vmem>> -> memref<104x64xf32, #tpu.memory_space<vmem>>
      %dma_wait3A_1057 = arith.constant 0 : i32
      %dma_wait3A_1058 = tpu.memref_slice %arg5[%dma_wait3A_1050, %dma_wait3A_1057] : memref<64x104xi32, #tpu.memory_space<vmem>> -> memref<1x104xi32, #tpu.memory_space<vmem>>
      %dma_wait3A_1059 = tpu.memref_squeeze %dma_wait3A_1058 : memref<1x104xi32, #tpu.memory_space<vmem>> -> memref<104xi32, #tpu.memory_space<vmem>>
      %dma_wait3A_1060 = arith.constant 0 : i32
      %dma_wait3A_1061 = arith.constant 0 : i32
      %dma_wait3A_1062 = tpu.memref_slice %arg3[%dma_wait3A_1060, %dma_wait3A_1061] : memref<1000000x64xf32, #tpu.memory_space<hbm>> -> memref<1000000x64xf32, #tpu.memory_space<hbm>>
      %dma_wait3A_1063 = tpu.memref_slice %arg7[%dma_wait3A_1052] : memref<16x!tpu.dma_semaphore, #tpu.memory_space<semaphore_mem>> -> memref<1x!tpu.dma_semaphore, #tpu.memory_space<semaphore_mem>>
      %dma_wait3A_1064 = tpu.memref_squeeze %dma_wait3A_1063 : memref<1x!tpu.dma_semaphore, #tpu.memory_space<semaphore_mem>> -> memref<!tpu.dma_semaphore, #tpu.memory_space<semaphore_mem>>
      tpu.wait_indirect_dma semaphore(%dma_wait3A_1064 : memref<!tpu.dma_semaphore, #tpu.memory_space<semaphore_mem>>) src(%dma_wait3A_1062 : memref<1000000x64xf32, #tpu.memory_space<hbm>>) dst(%dma_wait3A_1056 : memref<104x64xf32, #tpu.memory_space<vmem>>)
      %mul3A_1065 = arith.constant 2 : i32
      %mul3A_1066 = arith.muli %mul3A_1065, %add3A_1049 : i32
      %add3A_1067 = arith.addi %mul3A_2, %mul3A_1066 : i32
      %run_scoped3A_1068 = arith.constant 11 : i32
      "tpu.region"() ({
        %run_scoped3A_1257 = tpu.sem_alloc : memref<!tpu.dma_semaphore, #tpu.memory_space<semaphore_mem>>
        %dma_start3A_1258 = arith.constant 0 : i32
        %dma_start3A_1259 = arith.constant 0 : i32
        %dma_start3A_1260 = tpu.memref_slice %arg6[%run_scoped3A_1068, %dma_start3A_1258, %dma_start3A_1259] : memref<16x104x64xf32, #tpu.memory_space<vmem>> -> memref<1x50x64xf32, #tpu.memory_space<vmem>>
        %dma_start3A_1261 = tpu.memref_squeeze %dma_start3A_1260 : memref<1x50x64xf32, #tpu.memory_space<vmem>> -> memref<50x64xf32, #tpu.memory_space<vmem>>
        %dma_start3A_1262 = arith.constant 0 : i32
        %dma_start3A_1263 = arith.constant 0 : i32
        %dma_start3A_1264 = tpu.memref_slice %arg4[%add3A_1067, %dma_start3A_1262, %dma_start3A_1263] : memref<4096x56x128xf32, #tpu.memory_space<hbm>> -> memref<1x50x64xf32, #tpu.memory_space<hbm>>
        %dma_start3A_1265 = tpu.memref_squeeze %dma_start3A_1264 : memref<1x50x64xf32, #tpu.memory_space<hbm>> -> memref<50x64xf32, #tpu.memory_space<hbm>>
        %dma_start3A_1266 = arith.constant 0 : i32
        %dma_start3A_1267 = arith.constant 0 : i32
        %dma_start3A_1268 = tpu.memref_slice %arg4[%add3A_1067, %dma_start3A_1266, %dma_start3A_1267] : memref<4096x56x128xf32, #tpu.memory_space<hbm>> -> memref<1x50x64xf32, #tpu.memory_space<hbm>>
        %dma_start3A_1269 = tpu.memref_squeeze %dma_start3A_1268 : memref<1x50x64xf32, #tpu.memory_space<hbm>> -> memref<50x64xf32, #tpu.memory_space<hbm>>
        %dma_start3A_1270 = arith.constant 0 : i32
        %dma_start3A_1271 = arith.constant 0 : i32
        %dma_start3A_1272 = tpu.memref_slice %arg6[%run_scoped3A_1068, %dma_start3A_1270, %dma_start3A_1271] : memref<16x104x64xf32, #tpu.memory_space<vmem>> -> memref<1x50x64xf32, #tpu.memory_space<vmem>>
        %dma_start3A_1273 = tpu.memref_squeeze %dma_start3A_1272 : memref<1x50x64xf32, #tpu.memory_space<vmem>> -> memref<50x64xf32, #tpu.memory_space<vmem>>
        tpu.enqueue_dma source(%dma_start3A_1273 : memref<50x64xf32, #tpu.memory_space<vmem>>) target(%dma_start3A_1269 : memref<50x64xf32, #tpu.memory_space<hbm>>) target_semaphore(%run_scoped3A_1257 : memref<!tpu.dma_semaphore, #tpu.memory_space<semaphore_mem>>)
        %dma_wait3A_1274 = arith.constant 0 : i32
        %dma_wait3A_1275 = arith.constant 0 : i32
        %dma_wait3A_1276 = tpu.memref_slice %arg6[%run_scoped3A_1068, %dma_wait3A_1274, %dma_wait3A_1275] : memref<16x104x64xf32, #tpu.memory_space<vmem>> -> memref<1x50x64xf32, #tpu.memory_space<vmem>>
        %dma_wait3A_1277 = tpu.memref_squeeze %dma_wait3A_1276 : memref<1x50x64xf32, #tpu.memory_space<vmem>> -> memref<50x64xf32, #tpu.memory_space<vmem>>
        %dma_wait3A_1278 = arith.constant 0 : i32
        %dma_wait3A_1279 = arith.constant 0 : i32
        %dma_wait3A_1280 = tpu.memref_slice %arg4[%add3A_1067, %dma_wait3A_1278, %dma_wait3A_1279] : memref<4096x56x128xf32, #tpu.memory_space<hbm>> -> memref<1x50x64xf32, #tpu.memory_space<hbm>>
        %dma_wait3A_1281 = tpu.memref_squeeze %dma_wait3A_1280 : memref<1x50x64xf32, #tpu.memory_space<hbm>> -> memref<50x64xf32, #tpu.memory_space<hbm>>
        %dma_wait3A_1282 = arith.constant 0 : i32
        %dma_wait3A_1283 = arith.constant 0 : i32
        %dma_wait3A_1284 = tpu.memref_slice %arg4[%add3A_1067, %dma_wait3A_1282, %dma_wait3A_1283] : memref<4096x56x128xf32, #tpu.memory_space<hbm>> -> memref<1x50x64xf32, #tpu.memory_space<hbm>>
        %dma_wait3A_1285 = tpu.memref_squeeze %dma_wait3A_1284 : memref<1x50x64xf32, #tpu.memory_space<hbm>> -> memref<50x64xf32, #tpu.memory_space<hbm>>
        %dma_wait3A_1286 = arith.constant 0 : i32
        %dma_wait3A_1287 = arith.constant 0 : i32
        %dma_wait3A_1288 = tpu.memref_slice %arg6[%run_scoped3A_1068, %dma_wait3A_1286, %dma_wait3A_1287] : memref<16x104x64xf32, #tpu.memory_space<vmem>> -> memref<1x50x64xf32, #tpu.memory_space<vmem>>
        %dma_wait3A_1289 = tpu.memref_squeeze %dma_wait3A_1288 : memref<1x50x64xf32, #tpu.memory_space<vmem>> -> memref<50x64xf32, #tpu.memory_space<vmem>>
        tpu.wait_dma2 semaphore(%run_scoped3A_1257 : memref<!tpu.dma_semaphore, #tpu.memory_space<semaphore_mem>>) src(%dma_wait3A_1289 : memref<50x64xf32, #tpu.memory_space<vmem>>) dst(%dma_wait3A_1285 : memref<50x64xf32, #tpu.memory_space<hbm>>)
        tpu.yield
      }) : () -> ()
      %add3A_1069 = arith.constant 1 : i32
      %add3A_1070 = arith.addi %add3A_1067, %add3A_1069 : i32
      %run_scoped3A_1071 = arith.constant 11 : i32
      "tpu.region"() ({
        %run_scoped3A_1257 = tpu.sem_alloc : memref<!tpu.dma_semaphore, #tpu.memory_space<semaphore_mem>>
        %dma_start3A_1258 = arith.constant 50 : i32
        %dma_start3A_1259 = arith.constant 0 : i32
        %dma_start3A_1260 = tpu.memref_slice %arg6[%run_scoped3A_1071, %dma_start3A_1258, %dma_start3A_1259] : memref<16x104x64xf32, #tpu.memory_space<vmem>> -> memref<1x50x64xf32, #tpu.memory_space<vmem>>
        %dma_start3A_1261 = tpu.memref_squeeze %dma_start3A_1260 : memref<1x50x64xf32, #tpu.memory_space<vmem>> -> memref<50x64xf32, #tpu.memory_space<vmem>>
        %dma_start3A_1262 = arith.constant 0 : i32
        %dma_start3A_1263 = arith.constant 0 : i32
        %dma_start3A_1264 = tpu.memref_slice %arg4[%add3A_1070, %dma_start3A_1262, %dma_start3A_1263] : memref<4096x56x128xf32, #tpu.memory_space<hbm>> -> memref<1x50x64xf32, #tpu.memory_space<hbm>>
        %dma_start3A_1265 = tpu.memref_squeeze %dma_start3A_1264 : memref<1x50x64xf32, #tpu.memory_space<hbm>> -> memref<50x64xf32, #tpu.memory_space<hbm>>
        %dma_start3A_1266 = arith.constant 0 : i32
        %dma_start3A_1267 = arith.constant 0 : i32
        %dma_start3A_1268 = tpu.memref_slice %arg4[%add3A_1070, %dma_start3A_1266, %dma_start3A_1267] : memref<4096x56x128xf32, #tpu.memory_space<hbm>> -> memref<1x50x64xf32, #tpu.memory_space<hbm>>
        %dma_start3A_1269 = tpu.memref_squeeze %dma_start3A_1268 : memref<1x50x64xf32, #tpu.memory_space<hbm>> -> memref<50x64xf32, #tpu.memory_space<hbm>>
        %dma_start3A_1270 = arith.constant 50 : i32
        %dma_start3A_1271 = arith.constant 0 : i32
        %dma_start3A_1272 = tpu.memref_slice %arg6[%run_scoped3A_1071, %dma_start3A_1270, %dma_start3A_1271] : memref<16x104x64xf32, #tpu.memory_space<vmem>> -> memref<1x50x64xf32, #tpu.memory_space<vmem>>
        %dma_start3A_1273 = tpu.memref_squeeze %dma_start3A_1272 : memref<1x50x64xf32, #tpu.memory_space<vmem>> -> memref<50x64xf32, #tpu.memory_space<vmem>>
        tpu.enqueue_dma source(%dma_start3A_1273 : memref<50x64xf32, #tpu.memory_space<vmem>>) target(%dma_start3A_1269 : memref<50x64xf32, #tpu.memory_space<hbm>>) target_semaphore(%run_scoped3A_1257 : memref<!tpu.dma_semaphore, #tpu.memory_space<semaphore_mem>>)
        %dma_wait3A_1274 = arith.constant 50 : i32
        %dma_wait3A_1275 = arith.constant 0 : i32
        %dma_wait3A_1276 = tpu.memref_slice %arg6[%run_scoped3A_1071, %dma_wait3A_1274, %dma_wait3A_1275] : memref<16x104x64xf32, #tpu.memory_space<vmem>> -> memref<1x50x64xf32, #tpu.memory_space<vmem>>
        %dma_wait3A_1277 = tpu.memref_squeeze %dma_wait3A_1276 : memref<1x50x64xf32, #tpu.memory_space<vmem>> -> memref<50x64xf32, #tpu.memory_space<vmem>>
        %dma_wait3A_1278 = arith.constant 0 : i32
        %dma_wait3A_1279 = arith.constant 0 : i32
        %dma_wait3A_1280 = tpu.memref_slice %arg4[%add3A_1070, %dma_wait3A_1278, %dma_wait3A_1279] : memref<4096x56x128xf32, #tpu.memory_space<hbm>> -> memref<1x50x64xf32, #tpu.memory_space<hbm>>
        %dma_wait3A_1281 = tpu.memref_squeeze %dma_wait3A_1280 : memref<1x50x64xf32, #tpu.memory_space<hbm>> -> memref<50x64xf32, #tpu.memory_space<hbm>>
        %dma_wait3A_1282 = arith.constant 0 : i32
        %dma_wait3A_1283 = arith.constant 0 : i32
        %dma_wait3A_1284 = tpu.memref_slice %arg4[%add3A_1070, %dma_wait3A_1282, %dma_wait3A_1283] : memref<4096x56x128xf32, #tpu.memory_space<hbm>> -> memref<1x50x64xf32, #tpu.memory_space<hbm>>
        %dma_wait3A_1285 = tpu.memref_squeeze %dma_wait3A_1284 : memref<1x50x64xf32, #tpu.memory_space<hbm>> -> memref<50x64xf32, #tpu.memory_space<hbm>>
        %dma_wait3A_1286 = arith.constant 50 : i32
        %dma_wait3A_1287 = arith.constant 0 : i32
        %dma_wait3A_1288 = tpu.memref_slice %arg6[%run_scoped3A_1071, %dma_wait3A_1286, %dma_wait3A_1287] : memref<16x104x64xf32, #tpu.memory_space<vmem>> -> memref<1x50x64xf32, #tpu.memory_space<vmem>>
        %dma_wait3A_1289 = tpu.memref_squeeze %dma_wait3A_1288 : memref<1x50x64xf32, #tpu.memory_space<vmem>> -> memref<50x64xf32, #tpu.memory_space<vmem>>
        tpu.wait_dma2 semaphore(%run_scoped3A_1257 : memref<!tpu.dma_semaphore, #tpu.memory_space<semaphore_mem>>) src(%dma_wait3A_1289 : memref<50x64xf32, #tpu.memory_space<vmem>>) dst(%dma_wait3A_1285 : memref<50x64xf32, #tpu.memory_space<hbm>>)
        tpu.yield
      }) : () -> ()
      %add3A_1072 = arith.constant 16 : i32
      %add3A_1073 = arith.addi %add3A_1049, %add3A_1072 : i32
      %dma_start3A_1074 = arith.constant 11 : i32
      %dma_start3A_1075 = arith.constant 11 : i32
      %dma_start3A_1076 = arith.constant 0 : i32
      %dma_start3A_1077 = arith.constant 0 : i32
      %dma_start3A_1078 = tpu.memref_slice %arg6[%dma_start3A_1074, %dma_start3A_1076, %dma_start3A_1077] : memref<16x104x64xf32, #tpu.memory_space<vmem>> -> memref<1x104x64xf32, #tpu.memory_space<vmem>>
      %dma_start3A_1079 = tpu.memref_squeeze %dma_start3A_1078 : memref<1x104x64xf32, #tpu.memory_space<vmem>> -> memref<104x64xf32, #tpu.memory_space<vmem>>
      %dma_start3A_1080 = arith.constant 0 : i32
      %dma_start3A_1081 = tpu.memref_slice %arg5[%add3A_1073, %dma_start3A_1080] : memref<64x104xi32, #tpu.memory_space<vmem>> -> memref<1x104xi32, #tpu.memory_space<vmem>>
      %dma_start3A_1082 = tpu.memref_squeeze %dma_start3A_1081 : memref<1x104xi32, #tpu.memory_space<vmem>> -> memref<104xi32, #tpu.memory_space<vmem>>
      %dma_start3A_1083 = arith.constant 0 : i32
      %dma_start3A_1084 = arith.constant 0 : i32
      %dma_start3A_1085 = tpu.memref_slice %arg3[%dma_start3A_1083, %dma_start3A_1084] : memref<1000000x64xf32, #tpu.memory_space<hbm>> -> memref<1000000x64xf32, #tpu.memory_space<hbm>>
      %dma_start3A_1086 = tpu.memref_slice %arg7[%dma_start3A_1075] : memref<16x!tpu.dma_semaphore, #tpu.memory_space<semaphore_mem>> -> memref<1x!tpu.dma_semaphore, #tpu.memory_space<semaphore_mem>>
      %dma_start3A_1087 = tpu.memref_squeeze %dma_start3A_1086 : memref<1x!tpu.dma_semaphore, #tpu.memory_space<semaphore_mem>> -> memref<!tpu.dma_semaphore, #tpu.memory_space<semaphore_mem>>
      tpu.enqueue_indirect_dma source(%dma_start3A_1085 : memref<1000000x64xf32, #tpu.memory_space<hbm>>) target(%dma_start3A_1079 : memref<104x64xf32, #tpu.memory_space<vmem>>) offsets(%dma_start3A_1082 : memref<104xi32, #tpu.memory_space<vmem>>) semaphore(%dma_start3A_1087 : memref<!tpu.dma_semaphore, #tpu.memory_space<semaphore_mem>>)
      %mul3A_1088 = arith.constant 16 : i32
      %mul3A_1089 = arith.muli %scan3A_582, %mul3A_1088 : i32
      %add3A_1090 = arith.constant 12 : i32
      %add3A_1091 = arith.addi %mul3A_1089, %add3A_1090 : i32
      %dma_wait3A_1092 = arith.constant 0 : i32
      %dma_wait3A_1093 = arith.constant 12 : i32
      %dma_wait3A_1094 = arith.constant 12 : i32
      %dma_wait3A_1095 = arith.constant 0 : i32
      %dma_wait3A_1096 = arith.constant 0 : i32
      %dma_wait3A_1097 = tpu.memref_slice %arg6[%dma_wait3A_1093, %dma_wait3A_1095, %dma_wait3A_1096] : memref<16x104x64xf32, #tpu.memory_space<vmem>> -> memref<1x104x64xf32, #tpu.memory_space<vmem>>
      %dma_wait3A_1098 = tpu.memref_squeeze %dma_wait3A_1097 : memref<1x104x64xf32, #tpu.memory_space<vmem>> -> memref<104x64xf32, #tpu.memory_space<vmem>>
      %dma_wait3A_1099 = arith.constant 0 : i32
      %dma_wait3A_1100 = tpu.memref_slice %arg5[%dma_wait3A_1092, %dma_wait3A_1099] : memref<64x104xi32, #tpu.memory_space<vmem>> -> memref<1x104xi32, #tpu.memory_space<vmem>>
      %dma_wait3A_1101 = tpu.memref_squeeze %dma_wait3A_1100 : memref<1x104xi32, #tpu.memory_space<vmem>> -> memref<104xi32, #tpu.memory_space<vmem>>
      %dma_wait3A_1102 = arith.constant 0 : i32
      %dma_wait3A_1103 = arith.constant 0 : i32
      %dma_wait3A_1104 = tpu.memref_slice %arg3[%dma_wait3A_1102, %dma_wait3A_1103] : memref<1000000x64xf32, #tpu.memory_space<hbm>> -> memref<1000000x64xf32, #tpu.memory_space<hbm>>
      %dma_wait3A_1105 = tpu.memref_slice %arg7[%dma_wait3A_1094] : memref<16x!tpu.dma_semaphore, #tpu.memory_space<semaphore_mem>> -> memref<1x!tpu.dma_semaphore, #tpu.memory_space<semaphore_mem>>
      %dma_wait3A_1106 = tpu.memref_squeeze %dma_wait3A_1105 : memref<1x!tpu.dma_semaphore, #tpu.memory_space<semaphore_mem>> -> memref<!tpu.dma_semaphore, #tpu.memory_space<semaphore_mem>>
      tpu.wait_indirect_dma semaphore(%dma_wait3A_1106 : memref<!tpu.dma_semaphore, #tpu.memory_space<semaphore_mem>>) src(%dma_wait3A_1104 : memref<1000000x64xf32, #tpu.memory_space<hbm>>) dst(%dma_wait3A_1098 : memref<104x64xf32, #tpu.memory_space<vmem>>)
      %mul3A_1107 = arith.constant 2 : i32
      %mul3A_1108 = arith.muli %mul3A_1107, %add3A_1091 : i32
      %add3A_1109 = arith.addi %mul3A_2, %mul3A_1108 : i32
      %run_scoped3A_1110 = arith.constant 12 : i32
      "tpu.region"() ({
        %run_scoped3A_1257 = tpu.sem_alloc : memref<!tpu.dma_semaphore, #tpu.memory_space<semaphore_mem>>
        %dma_start3A_1258 = arith.constant 0 : i32
        %dma_start3A_1259 = arith.constant 0 : i32
        %dma_start3A_1260 = tpu.memref_slice %arg6[%run_scoped3A_1110, %dma_start3A_1258, %dma_start3A_1259] : memref<16x104x64xf32, #tpu.memory_space<vmem>> -> memref<1x50x64xf32, #tpu.memory_space<vmem>>
        %dma_start3A_1261 = tpu.memref_squeeze %dma_start3A_1260 : memref<1x50x64xf32, #tpu.memory_space<vmem>> -> memref<50x64xf32, #tpu.memory_space<vmem>>
        %dma_start3A_1262 = arith.constant 0 : i32
        %dma_start3A_1263 = arith.constant 0 : i32
        %dma_start3A_1264 = tpu.memref_slice %arg4[%add3A_1109, %dma_start3A_1262, %dma_start3A_1263] : memref<4096x56x128xf32, #tpu.memory_space<hbm>> -> memref<1x50x64xf32, #tpu.memory_space<hbm>>
        %dma_start3A_1265 = tpu.memref_squeeze %dma_start3A_1264 : memref<1x50x64xf32, #tpu.memory_space<hbm>> -> memref<50x64xf32, #tpu.memory_space<hbm>>
        %dma_start3A_1266 = arith.constant 0 : i32
        %dma_start3A_1267 = arith.constant 0 : i32
        %dma_start3A_1268 = tpu.memref_slice %arg4[%add3A_1109, %dma_start3A_1266, %dma_start3A_1267] : memref<4096x56x128xf32, #tpu.memory_space<hbm>> -> memref<1x50x64xf32, #tpu.memory_space<hbm>>
        %dma_start3A_1269 = tpu.memref_squeeze %dma_start3A_1268 : memref<1x50x64xf32, #tpu.memory_space<hbm>> -> memref<50x64xf32, #tpu.memory_space<hbm>>
        %dma_start3A_1270 = arith.constant 0 : i32
        %dma_start3A_1271 = arith.constant 0 : i32
        %dma_start3A_1272 = tpu.memref_slice %arg6[%run_scoped3A_1110, %dma_start3A_1270, %dma_start3A_1271] : memref<16x104x64xf32, #tpu.memory_space<vmem>> -> memref<1x50x64xf32, #tpu.memory_space<vmem>>
        %dma_start3A_1273 = tpu.memref_squeeze %dma_start3A_1272 : memref<1x50x64xf32, #tpu.memory_space<vmem>> -> memref<50x64xf32, #tpu.memory_space<vmem>>
        tpu.enqueue_dma source(%dma_start3A_1273 : memref<50x64xf32, #tpu.memory_space<vmem>>) target(%dma_start3A_1269 : memref<50x64xf32, #tpu.memory_space<hbm>>) target_semaphore(%run_scoped3A_1257 : memref<!tpu.dma_semaphore, #tpu.memory_space<semaphore_mem>>)
        %dma_wait3A_1274 = arith.constant 0 : i32
        %dma_wait3A_1275 = arith.constant 0 : i32
        %dma_wait3A_1276 = tpu.memref_slice %arg6[%run_scoped3A_1110, %dma_wait3A_1274, %dma_wait3A_1275] : memref<16x104x64xf32, #tpu.memory_space<vmem>> -> memref<1x50x64xf32, #tpu.memory_space<vmem>>
        %dma_wait3A_1277 = tpu.memref_squeeze %dma_wait3A_1276 : memref<1x50x64xf32, #tpu.memory_space<vmem>> -> memref<50x64xf32, #tpu.memory_space<vmem>>
        %dma_wait3A_1278 = arith.constant 0 : i32
        %dma_wait3A_1279 = arith.constant 0 : i32
        %dma_wait3A_1280 = tpu.memref_slice %arg4[%add3A_1109, %dma_wait3A_1278, %dma_wait3A_1279] : memref<4096x56x128xf32, #tpu.memory_space<hbm>> -> memref<1x50x64xf32, #tpu.memory_space<hbm>>
        %dma_wait3A_1281 = tpu.memref_squeeze %dma_wait3A_1280 : memref<1x50x64xf32, #tpu.memory_space<hbm>> -> memref<50x64xf32, #tpu.memory_space<hbm>>
        %dma_wait3A_1282 = arith.constant 0 : i32
        %dma_wait3A_1283 = arith.constant 0 : i32
        %dma_wait3A_1284 = tpu.memref_slice %arg4[%add3A_1109, %dma_wait3A_1282, %dma_wait3A_1283] : memref<4096x56x128xf32, #tpu.memory_space<hbm>> -> memref<1x50x64xf32, #tpu.memory_space<hbm>>
        %dma_wait3A_1285 = tpu.memref_squeeze %dma_wait3A_1284 : memref<1x50x64xf32, #tpu.memory_space<hbm>> -> memref<50x64xf32, #tpu.memory_space<hbm>>
        %dma_wait3A_1286 = arith.constant 0 : i32
        %dma_wait3A_1287 = arith.constant 0 : i32
        %dma_wait3A_1288 = tpu.memref_slice %arg6[%run_scoped3A_1110, %dma_wait3A_1286, %dma_wait3A_1287] : memref<16x104x64xf32, #tpu.memory_space<vmem>> -> memref<1x50x64xf32, #tpu.memory_space<vmem>>
        %dma_wait3A_1289 = tpu.memref_squeeze %dma_wait3A_1288 : memref<1x50x64xf32, #tpu.memory_space<vmem>> -> memref<50x64xf32, #tpu.memory_space<vmem>>
        tpu.wait_dma2 semaphore(%run_scoped3A_1257 : memref<!tpu.dma_semaphore, #tpu.memory_space<semaphore_mem>>) src(%dma_wait3A_1289 : memref<50x64xf32, #tpu.memory_space<vmem>>) dst(%dma_wait3A_1285 : memref<50x64xf32, #tpu.memory_space<hbm>>)
        tpu.yield
      }) : () -> ()
      %add3A_1111 = arith.constant 1 : i32
      %add3A_1112 = arith.addi %add3A_1109, %add3A_1111 : i32
      %run_scoped3A_1113 = arith.constant 12 : i32
      "tpu.region"() ({
        %run_scoped3A_1257 = tpu.sem_alloc : memref<!tpu.dma_semaphore, #tpu.memory_space<semaphore_mem>>
        %dma_start3A_1258 = arith.constant 50 : i32
        %dma_start3A_1259 = arith.constant 0 : i32
        %dma_start3A_1260 = tpu.memref_slice %arg6[%run_scoped3A_1113, %dma_start3A_1258, %dma_start3A_1259] : memref<16x104x64xf32, #tpu.memory_space<vmem>> -> memref<1x50x64xf32, #tpu.memory_space<vmem>>
        %dma_start3A_1261 = tpu.memref_squeeze %dma_start3A_1260 : memref<1x50x64xf32, #tpu.memory_space<vmem>> -> memref<50x64xf32, #tpu.memory_space<vmem>>
        %dma_start3A_1262 = arith.constant 0 : i32
        %dma_start3A_1263 = arith.constant 0 : i32
        %dma_start3A_1264 = tpu.memref_slice %arg4[%add3A_1112, %dma_start3A_1262, %dma_start3A_1263] : memref<4096x56x128xf32, #tpu.memory_space<hbm>> -> memref<1x50x64xf32, #tpu.memory_space<hbm>>
        %dma_start3A_1265 = tpu.memref_squeeze %dma_start3A_1264 : memref<1x50x64xf32, #tpu.memory_space<hbm>> -> memref<50x64xf32, #tpu.memory_space<hbm>>
        %dma_start3A_1266 = arith.constant 0 : i32
        %dma_start3A_1267 = arith.constant 0 : i32
        %dma_start3A_1268 = tpu.memref_slice %arg4[%add3A_1112, %dma_start3A_1266, %dma_start3A_1267] : memref<4096x56x128xf32, #tpu.memory_space<hbm>> -> memref<1x50x64xf32, #tpu.memory_space<hbm>>
        %dma_start3A_1269 = tpu.memref_squeeze %dma_start3A_1268 : memref<1x50x64xf32, #tpu.memory_space<hbm>> -> memref<50x64xf32, #tpu.memory_space<hbm>>
        %dma_start3A_1270 = arith.constant 50 : i32
        %dma_start3A_1271 = arith.constant 0 : i32
        %dma_start3A_1272 = tpu.memref_slice %arg6[%run_scoped3A_1113, %dma_start3A_1270, %dma_start3A_1271] : memref<16x104x64xf32, #tpu.memory_space<vmem>> -> memref<1x50x64xf32, #tpu.memory_space<vmem>>
        %dma_start3A_1273 = tpu.memref_squeeze %dma_start3A_1272 : memref<1x50x64xf32, #tpu.memory_space<vmem>> -> memref<50x64xf32, #tpu.memory_space<vmem>>
        tpu.enqueue_dma source(%dma_start3A_1273 : memref<50x64xf32, #tpu.memory_space<vmem>>) target(%dma_start3A_1269 : memref<50x64xf32, #tpu.memory_space<hbm>>) target_semaphore(%run_scoped3A_1257 : memref<!tpu.dma_semaphore, #tpu.memory_space<semaphore_mem>>)
        %dma_wait3A_1274 = arith.constant 50 : i32
        %dma_wait3A_1275 = arith.constant 0 : i32
        %dma_wait3A_1276 = tpu.memref_slice %arg6[%run_scoped3A_1113, %dma_wait3A_1274, %dma_wait3A_1275] : memref<16x104x64xf32, #tpu.memory_space<vmem>> -> memref<1x50x64xf32, #tpu.memory_space<vmem>>
        %dma_wait3A_1277 = tpu.memref_squeeze %dma_wait3A_1276 : memref<1x50x64xf32, #tpu.memory_space<vmem>> -> memref<50x64xf32, #tpu.memory_space<vmem>>
        %dma_wait3A_1278 = arith.constant 0 : i32
        %dma_wait3A_1279 = arith.constant 0 : i32
        %dma_wait3A_1280 = tpu.memref_slice %arg4[%add3A_1112, %dma_wait3A_1278, %dma_wait3A_1279] : memref<4096x56x128xf32, #tpu.memory_space<hbm>> -> memref<1x50x64xf32, #tpu.memory_space<hbm>>
        %dma_wait3A_1281 = tpu.memref_squeeze %dma_wait3A_1280 : memref<1x50x64xf32, #tpu.memory_space<hbm>> -> memref<50x64xf32, #tpu.memory_space<hbm>>
        %dma_wait3A_1282 = arith.constant 0 : i32
        %dma_wait3A_1283 = arith.constant 0 : i32
        %dma_wait3A_1284 = tpu.memref_slice %arg4[%add3A_1112, %dma_wait3A_1282, %dma_wait3A_1283] : memref<4096x56x128xf32, #tpu.memory_space<hbm>> -> memref<1x50x64xf32, #tpu.memory_space<hbm>>
        %dma_wait3A_1285 = tpu.memref_squeeze %dma_wait3A_1284 : memref<1x50x64xf32, #tpu.memory_space<hbm>> -> memref<50x64xf32, #tpu.memory_space<hbm>>
        %dma_wait3A_1286 = arith.constant 50 : i32
        %dma_wait3A_1287 = arith.constant 0 : i32
        %dma_wait3A_1288 = tpu.memref_slice %arg6[%run_scoped3A_1113, %dma_wait3A_1286, %dma_wait3A_1287] : memref<16x104x64xf32, #tpu.memory_space<vmem>> -> memref<1x50x64xf32, #tpu.memory_space<vmem>>
        %dma_wait3A_1289 = tpu.memref_squeeze %dma_wait3A_1288 : memref<1x50x64xf32, #tpu.memory_space<vmem>> -> memref<50x64xf32, #tpu.memory_space<vmem>>
        tpu.wait_dma2 semaphore(%run_scoped3A_1257 : memref<!tpu.dma_semaphore, #tpu.memory_space<semaphore_mem>>) src(%dma_wait3A_1289 : memref<50x64xf32, #tpu.memory_space<vmem>>) dst(%dma_wait3A_1285 : memref<50x64xf32, #tpu.memory_space<hbm>>)
        tpu.yield
      }) : () -> ()
      %add3A_1114 = arith.constant 16 : i32
      %add3A_1115 = arith.addi %add3A_1091, %add3A_1114 : i32
      %dma_start3A_1116 = arith.constant 12 : i32
      %dma_start3A_1117 = arith.constant 12 : i32
      %dma_start3A_1118 = arith.constant 0 : i32
      %dma_start3A_1119 = arith.constant 0 : i32
      %dma_start3A_1120 = tpu.memref_slice %arg6[%dma_start3A_1116, %dma_start3A_1118, %dma_start3A_1119] : memref<16x104x64xf32, #tpu.memory_space<vmem>> -> memref<1x104x64xf32, #tpu.memory_space<vmem>>
      %dma_start3A_1121 = tpu.memref_squeeze %dma_start3A_1120 : memref<1x104x64xf32, #tpu.memory_space<vmem>> -> memref<104x64xf32, #tpu.memory_space<vmem>>
      %dma_start3A_1122 = arith.constant 0 : i32
      %dma_start3A_1123 = tpu.memref_slice %arg5[%add3A_1115, %dma_start3A_1122] : memref<64x104xi32, #tpu.memory_space<vmem>> -> memref<1x104xi32, #tpu.memory_space<vmem>>
      %dma_start3A_1124 = tpu.memref_squeeze %dma_start3A_1123 : memref<1x104xi32, #tpu.memory_space<vmem>> -> memref<104xi32, #tpu.memory_space<vmem>>
      %dma_start3A_1125 = arith.constant 0 : i32
      %dma_start3A_1126 = arith.constant 0 : i32
      %dma_start3A_1127 = tpu.memref_slice %arg3[%dma_start3A_1125, %dma_start3A_1126] : memref<1000000x64xf32, #tpu.memory_space<hbm>> -> memref<1000000x64xf32, #tpu.memory_space<hbm>>
      %dma_start3A_1128 = tpu.memref_slice %arg7[%dma_start3A_1117] : memref<16x!tpu.dma_semaphore, #tpu.memory_space<semaphore_mem>> -> memref<1x!tpu.dma_semaphore, #tpu.memory_space<semaphore_mem>>
      %dma_start3A_1129 = tpu.memref_squeeze %dma_start3A_1128 : memref<1x!tpu.dma_semaphore, #tpu.memory_space<semaphore_mem>> -> memref<!tpu.dma_semaphore, #tpu.memory_space<semaphore_mem>>
      tpu.enqueue_indirect_dma source(%dma_start3A_1127 : memref<1000000x64xf32, #tpu.memory_space<hbm>>) target(%dma_start3A_1121 : memref<104x64xf32, #tpu.memory_space<vmem>>) offsets(%dma_start3A_1124 : memref<104xi32, #tpu.memory_space<vmem>>) semaphore(%dma_start3A_1129 : memref<!tpu.dma_semaphore, #tpu.memory_space<semaphore_mem>>)
      %mul3A_1130 = arith.constant 16 : i32
      %mul3A_1131 = arith.muli %scan3A_582, %mul3A_1130 : i32
      %add3A_1132 = arith.constant 13 : i32
      %add3A_1133 = arith.addi %mul3A_1131, %add3A_1132 : i32
      %dma_wait3A_1134 = arith.constant 0 : i32
      %dma_wait3A_1135 = arith.constant 13 : i32
      %dma_wait3A_1136 = arith.constant 13 : i32
      %dma_wait3A_1137 = arith.constant 0 : i32
      %dma_wait3A_1138 = arith.constant 0 : i32
      %dma_wait3A_1139 = tpu.memref_slice %arg6[%dma_wait3A_1135, %dma_wait3A_1137, %dma_wait3A_1138] : memref<16x104x64xf32, #tpu.memory_space<vmem>> -> memref<1x104x64xf32, #tpu.memory_space<vmem>>
      %dma_wait3A_1140 = tpu.memref_squeeze %dma_wait3A_1139 : memref<1x104x64xf32, #tpu.memory_space<vmem>> -> memref<104x64xf32, #tpu.memory_space<vmem>>
      %dma_wait3A_1141 = arith.constant 0 : i32
      %dma_wait3A_1142 = tpu.memref_slice %arg5[%dma_wait3A_1134, %dma_wait3A_1141] : memref<64x104xi32, #tpu.memory_space<vmem>> -> memref<1x104xi32, #tpu.memory_space<vmem>>
      %dma_wait3A_1143 = tpu.memref_squeeze %dma_wait3A_1142 : memref<1x104xi32, #tpu.memory_space<vmem>> -> memref<104xi32, #tpu.memory_space<vmem>>
      %dma_wait3A_1144 = arith.constant 0 : i32
      %dma_wait3A_1145 = arith.constant 0 : i32
      %dma_wait3A_1146 = tpu.memref_slice %arg3[%dma_wait3A_1144, %dma_wait3A_1145] : memref<1000000x64xf32, #tpu.memory_space<hbm>> -> memref<1000000x64xf32, #tpu.memory_space<hbm>>
      %dma_wait3A_1147 = tpu.memref_slice %arg7[%dma_wait3A_1136] : memref<16x!tpu.dma_semaphore, #tpu.memory_space<semaphore_mem>> -> memref<1x!tpu.dma_semaphore, #tpu.memory_space<semaphore_mem>>
      %dma_wait3A_1148 = tpu.memref_squeeze %dma_wait3A_1147 : memref<1x!tpu.dma_semaphore, #tpu.memory_space<semaphore_mem>> -> memref<!tpu.dma_semaphore, #tpu.memory_space<semaphore_mem>>
      tpu.wait_indirect_dma semaphore(%dma_wait3A_1148 : memref<!tpu.dma_semaphore, #tpu.memory_space<semaphore_mem>>) src(%dma_wait3A_1146 : memref<1000000x64xf32, #tpu.memory_space<hbm>>) dst(%dma_wait3A_1140 : memref<104x64xf32, #tpu.memory_space<vmem>>)
      %mul3A_1149 = arith.constant 2 : i32
      %mul3A_1150 = arith.muli %mul3A_1149, %add3A_1133 : i32
      %add3A_1151 = arith.addi %mul3A_2, %mul3A_1150 : i32
      %run_scoped3A_1152 = arith.constant 13 : i32
      "tpu.region"() ({
        %run_scoped3A_1257 = tpu.sem_alloc : memref<!tpu.dma_semaphore, #tpu.memory_space<semaphore_mem>>
        %dma_start3A_1258 = arith.constant 0 : i32
        %dma_start3A_1259 = arith.constant 0 : i32
        %dma_start3A_1260 = tpu.memref_slice %arg6[%run_scoped3A_1152, %dma_start3A_1258, %dma_start3A_1259] : memref<16x104x64xf32, #tpu.memory_space<vmem>> -> memref<1x50x64xf32, #tpu.memory_space<vmem>>
        %dma_start3A_1261 = tpu.memref_squeeze %dma_start3A_1260 : memref<1x50x64xf32, #tpu.memory_space<vmem>> -> memref<50x64xf32, #tpu.memory_space<vmem>>
        %dma_start3A_1262 = arith.constant 0 : i32
        %dma_start3A_1263 = arith.constant 0 : i32
        %dma_start3A_1264 = tpu.memref_slice %arg4[%add3A_1151, %dma_start3A_1262, %dma_start3A_1263] : memref<4096x56x128xf32, #tpu.memory_space<hbm>> -> memref<1x50x64xf32, #tpu.memory_space<hbm>>
        %dma_start3A_1265 = tpu.memref_squeeze %dma_start3A_1264 : memref<1x50x64xf32, #tpu.memory_space<hbm>> -> memref<50x64xf32, #tpu.memory_space<hbm>>
        %dma_start3A_1266 = arith.constant 0 : i32
        %dma_start3A_1267 = arith.constant 0 : i32
        %dma_start3A_1268 = tpu.memref_slice %arg4[%add3A_1151, %dma_start3A_1266, %dma_start3A_1267] : memref<4096x56x128xf32, #tpu.memory_space<hbm>> -> memref<1x50x64xf32, #tpu.memory_space<hbm>>
        %dma_start3A_1269 = tpu.memref_squeeze %dma_start3A_1268 : memref<1x50x64xf32, #tpu.memory_space<hbm>> -> memref<50x64xf32, #tpu.memory_space<hbm>>
        %dma_start3A_1270 = arith.constant 0 : i32
        %dma_start3A_1271 = arith.constant 0 : i32
        %dma_start3A_1272 = tpu.memref_slice %arg6[%run_scoped3A_1152, %dma_start3A_1270, %dma_start3A_1271] : memref<16x104x64xf32, #tpu.memory_space<vmem>> -> memref<1x50x64xf32, #tpu.memory_space<vmem>>
        %dma_start3A_1273 = tpu.memref_squeeze %dma_start3A_1272 : memref<1x50x64xf32, #tpu.memory_space<vmem>> -> memref<50x64xf32, #tpu.memory_space<vmem>>
        tpu.enqueue_dma source(%dma_start3A_1273 : memref<50x64xf32, #tpu.memory_space<vmem>>) target(%dma_start3A_1269 : memref<50x64xf32, #tpu.memory_space<hbm>>) target_semaphore(%run_scoped3A_1257 : memref<!tpu.dma_semaphore, #tpu.memory_space<semaphore_mem>>)
        %dma_wait3A_1274 = arith.constant 0 : i32
        %dma_wait3A_1275 = arith.constant 0 : i32
        %dma_wait3A_1276 = tpu.memref_slice %arg6[%run_scoped3A_1152, %dma_wait3A_1274, %dma_wait3A_1275] : memref<16x104x64xf32, #tpu.memory_space<vmem>> -> memref<1x50x64xf32, #tpu.memory_space<vmem>>
        %dma_wait3A_1277 = tpu.memref_squeeze %dma_wait3A_1276 : memref<1x50x64xf32, #tpu.memory_space<vmem>> -> memref<50x64xf32, #tpu.memory_space<vmem>>
        %dma_wait3A_1278 = arith.constant 0 : i32
        %dma_wait3A_1279 = arith.constant 0 : i32
        %dma_wait3A_1280 = tpu.memref_slice %arg4[%add3A_1151, %dma_wait3A_1278, %dma_wait3A_1279] : memref<4096x56x128xf32, #tpu.memory_space<hbm>> -> memref<1x50x64xf32, #tpu.memory_space<hbm>>
        %dma_wait3A_1281 = tpu.memref_squeeze %dma_wait3A_1280 : memref<1x50x64xf32, #tpu.memory_space<hbm>> -> memref<50x64xf32, #tpu.memory_space<hbm>>
        %dma_wait3A_1282 = arith.constant 0 : i32
        %dma_wait3A_1283 = arith.constant 0 : i32
        %dma_wait3A_1284 = tpu.memref_slice %arg4[%add3A_1151, %dma_wait3A_1282, %dma_wait3A_1283] : memref<4096x56x128xf32, #tpu.memory_space<hbm>> -> memref<1x50x64xf32, #tpu.memory_space<hbm>>
        %dma_wait3A_1285 = tpu.memref_squeeze %dma_wait3A_1284 : memref<1x50x64xf32, #tpu.memory_space<hbm>> -> memref<50x64xf32, #tpu.memory_space<hbm>>
        %dma_wait3A_1286 = arith.constant 0 : i32
        %dma_wait3A_1287 = arith.constant 0 : i32
        %dma_wait3A_1288 = tpu.memref_slice %arg6[%run_scoped3A_1152, %dma_wait3A_1286, %dma_wait3A_1287] : memref<16x104x64xf32, #tpu.memory_space<vmem>> -> memref<1x50x64xf32, #tpu.memory_space<vmem>>
        %dma_wait3A_1289 = tpu.memref_squeeze %dma_wait3A_1288 : memref<1x50x64xf32, #tpu.memory_space<vmem>> -> memref<50x64xf32, #tpu.memory_space<vmem>>
        tpu.wait_dma2 semaphore(%run_scoped3A_1257 : memref<!tpu.dma_semaphore, #tpu.memory_space<semaphore_mem>>) src(%dma_wait3A_1289 : memref<50x64xf32, #tpu.memory_space<vmem>>) dst(%dma_wait3A_1285 : memref<50x64xf32, #tpu.memory_space<hbm>>)
        tpu.yield
      }) : () -> ()
      %add3A_1153 = arith.constant 1 : i32
      %add3A_1154 = arith.addi %add3A_1151, %add3A_1153 : i32
      %run_scoped3A_1155 = arith.constant 13 : i32
      "tpu.region"() ({
        %run_scoped3A_1257 = tpu.sem_alloc : memref<!tpu.dma_semaphore, #tpu.memory_space<semaphore_mem>>
        %dma_start3A_1258 = arith.constant 50 : i32
        %dma_start3A_1259 = arith.constant 0 : i32
        %dma_start3A_1260 = tpu.memref_slice %arg6[%run_scoped3A_1155, %dma_start3A_1258, %dma_start3A_1259] : memref<16x104x64xf32, #tpu.memory_space<vmem>> -> memref<1x50x64xf32, #tpu.memory_space<vmem>>
        %dma_start3A_1261 = tpu.memref_squeeze %dma_start3A_1260 : memref<1x50x64xf32, #tpu.memory_space<vmem>> -> memref<50x64xf32, #tpu.memory_space<vmem>>
        %dma_start3A_1262 = arith.constant 0 : i32
        %dma_start3A_1263 = arith.constant 0 : i32
        %dma_start3A_1264 = tpu.memref_slice %arg4[%add3A_1154, %dma_start3A_1262, %dma_start3A_1263] : memref<4096x56x128xf32, #tpu.memory_space<hbm>> -> memref<1x50x64xf32, #tpu.memory_space<hbm>>
        %dma_start3A_1265 = tpu.memref_squeeze %dma_start3A_1264 : memref<1x50x64xf32, #tpu.memory_space<hbm>> -> memref<50x64xf32, #tpu.memory_space<hbm>>
        %dma_start3A_1266 = arith.constant 0 : i32
        %dma_start3A_1267 = arith.constant 0 : i32
        %dma_start3A_1268 = tpu.memref_slice %arg4[%add3A_1154, %dma_start3A_1266, %dma_start3A_1267] : memref<4096x56x128xf32, #tpu.memory_space<hbm>> -> memref<1x50x64xf32, #tpu.memory_space<hbm>>
        %dma_start3A_1269 = tpu.memref_squeeze %dma_start3A_1268 : memref<1x50x64xf32, #tpu.memory_space<hbm>> -> memref<50x64xf32, #tpu.memory_space<hbm>>
        %dma_start3A_1270 = arith.constant 50 : i32
        %dma_start3A_1271 = arith.constant 0 : i32
        %dma_start3A_1272 = tpu.memref_slice %arg6[%run_scoped3A_1155, %dma_start3A_1270, %dma_start3A_1271] : memref<16x104x64xf32, #tpu.memory_space<vmem>> -> memref<1x50x64xf32, #tpu.memory_space<vmem>>
        %dma_start3A_1273 = tpu.memref_squeeze %dma_start3A_1272 : memref<1x50x64xf32, #tpu.memory_space<vmem>> -> memref<50x64xf32, #tpu.memory_space<vmem>>
        tpu.enqueue_dma source(%dma_start3A_1273 : memref<50x64xf32, #tpu.memory_space<vmem>>) target(%dma_start3A_1269 : memref<50x64xf32, #tpu.memory_space<hbm>>) target_semaphore(%run_scoped3A_1257 : memref<!tpu.dma_semaphore, #tpu.memory_space<semaphore_mem>>)
        %dma_wait3A_1274 = arith.constant 50 : i32
        %dma_wait3A_1275 = arith.constant 0 : i32
        %dma_wait3A_1276 = tpu.memref_slice %arg6[%run_scoped3A_1155, %dma_wait3A_1274, %dma_wait3A_1275] : memref<16x104x64xf32, #tpu.memory_space<vmem>> -> memref<1x50x64xf32, #tpu.memory_space<vmem>>
        %dma_wait3A_1277 = tpu.memref_squeeze %dma_wait3A_1276 : memref<1x50x64xf32, #tpu.memory_space<vmem>> -> memref<50x64xf32, #tpu.memory_space<vmem>>
        %dma_wait3A_1278 = arith.constant 0 : i32
        %dma_wait3A_1279 = arith.constant 0 : i32
        %dma_wait3A_1280 = tpu.memref_slice %arg4[%add3A_1154, %dma_wait3A_1278, %dma_wait3A_1279] : memref<4096x56x128xf32, #tpu.memory_space<hbm>> -> memref<1x50x64xf32, #tpu.memory_space<hbm>>
        %dma_wait3A_1281 = tpu.memref_squeeze %dma_wait3A_1280 : memref<1x50x64xf32, #tpu.memory_space<hbm>> -> memref<50x64xf32, #tpu.memory_space<hbm>>
        %dma_wait3A_1282 = arith.constant 0 : i32
        %dma_wait3A_1283 = arith.constant 0 : i32
        %dma_wait3A_1284 = tpu.memref_slice %arg4[%add3A_1154, %dma_wait3A_1282, %dma_wait3A_1283] : memref<4096x56x128xf32, #tpu.memory_space<hbm>> -> memref<1x50x64xf32, #tpu.memory_space<hbm>>
        %dma_wait3A_1285 = tpu.memref_squeeze %dma_wait3A_1284 : memref<1x50x64xf32, #tpu.memory_space<hbm>> -> memref<50x64xf32, #tpu.memory_space<hbm>>
        %dma_wait3A_1286 = arith.constant 50 : i32
        %dma_wait3A_1287 = arith.constant 0 : i32
        %dma_wait3A_1288 = tpu.memref_slice %arg6[%run_scoped3A_1155, %dma_wait3A_1286, %dma_wait3A_1287] : memref<16x104x64xf32, #tpu.memory_space<vmem>> -> memref<1x50x64xf32, #tpu.memory_space<vmem>>
        %dma_wait3A_1289 = tpu.memref_squeeze %dma_wait3A_1288 : memref<1x50x64xf32, #tpu.memory_space<vmem>> -> memref<50x64xf32, #tpu.memory_space<vmem>>
        tpu.wait_dma2 semaphore(%run_scoped3A_1257 : memref<!tpu.dma_semaphore, #tpu.memory_space<semaphore_mem>>) src(%dma_wait3A_1289 : memref<50x64xf32, #tpu.memory_space<vmem>>) dst(%dma_wait3A_1285 : memref<50x64xf32, #tpu.memory_space<hbm>>)
        tpu.yield
      }) : () -> ()
      %add3A_1156 = arith.constant 16 : i32
      %add3A_1157 = arith.addi %add3A_1133, %add3A_1156 : i32
      %dma_start3A_1158 = arith.constant 13 : i32
      %dma_start3A_1159 = arith.constant 13 : i32
      %dma_start3A_1160 = arith.constant 0 : i32
      %dma_start3A_1161 = arith.constant 0 : i32
      %dma_start3A_1162 = tpu.memref_slice %arg6[%dma_start3A_1158, %dma_start3A_1160, %dma_start3A_1161] : memref<16x104x64xf32, #tpu.memory_space<vmem>> -> memref<1x104x64xf32, #tpu.memory_space<vmem>>
      %dma_start3A_1163 = tpu.memref_squeeze %dma_start3A_1162 : memref<1x104x64xf32, #tpu.memory_space<vmem>> -> memref<104x64xf32, #tpu.memory_space<vmem>>
      %dma_start3A_1164 = arith.constant 0 : i32
      %dma_start3A_1165 = tpu.memref_slice %arg5[%add3A_1157, %dma_start3A_1164] : memref<64x104xi32, #tpu.memory_space<vmem>> -> memref<1x104xi32, #tpu.memory_space<vmem>>
      %dma_start3A_1166 = tpu.memref_squeeze %dma_start3A_1165 : memref<1x104xi32, #tpu.memory_space<vmem>> -> memref<104xi32, #tpu.memory_space<vmem>>
      %dma_start3A_1167 = arith.constant 0 : i32
      %dma_start3A_1168 = arith.constant 0 : i32
      %dma_start3A_1169 = tpu.memref_slice %arg3[%dma_start3A_1167, %dma_start3A_1168] : memref<1000000x64xf32, #tpu.memory_space<hbm>> -> memref<1000000x64xf32, #tpu.memory_space<hbm>>
      %dma_start3A_1170 = tpu.memref_slice %arg7[%dma_start3A_1159] : memref<16x!tpu.dma_semaphore, #tpu.memory_space<semaphore_mem>> -> memref<1x!tpu.dma_semaphore, #tpu.memory_space<semaphore_mem>>
      %dma_start3A_1171 = tpu.memref_squeeze %dma_start3A_1170 : memref<1x!tpu.dma_semaphore, #tpu.memory_space<semaphore_mem>> -> memref<!tpu.dma_semaphore, #tpu.memory_space<semaphore_mem>>
      tpu.enqueue_indirect_dma source(%dma_start3A_1169 : memref<1000000x64xf32, #tpu.memory_space<hbm>>) target(%dma_start3A_1163 : memref<104x64xf32, #tpu.memory_space<vmem>>) offsets(%dma_start3A_1166 : memref<104xi32, #tpu.memory_space<vmem>>) semaphore(%dma_start3A_1171 : memref<!tpu.dma_semaphore, #tpu.memory_space<semaphore_mem>>)
      %mul3A_1172 = arith.constant 16 : i32
      %mul3A_1173 = arith.muli %scan3A_582, %mul3A_1172 : i32
      %add3A_1174 = arith.constant 14 : i32
      %add3A_1175 = arith.addi %mul3A_1173, %add3A_1174 : i32
      %dma_wait3A_1176 = arith.constant 0 : i32
      %dma_wait3A_1177 = arith.constant 14 : i32
      %dma_wait3A_1178 = arith.constant 14 : i32
      %dma_wait3A_1179 = arith.constant 0 : i32
      %dma_wait3A_1180 = arith.constant 0 : i32
      %dma_wait3A_1181 = tpu.memref_slice %arg6[%dma_wait3A_1177, %dma_wait3A_1179, %dma_wait3A_1180] : memref<16x104x64xf32, #tpu.memory_space<vmem>> -> memref<1x104x64xf32, #tpu.memory_space<vmem>>
      %dma_wait3A_1182 = tpu.memref_squeeze %dma_wait3A_1181 : memref<1x104x64xf32, #tpu.memory_space<vmem>> -> memref<104x64xf32, #tpu.memory_space<vmem>>
      %dma_wait3A_1183 = arith.constant 0 : i32
      %dma_wait3A_1184 = tpu.memref_slice %arg5[%dma_wait3A_1176, %dma_wait3A_1183] : memref<64x104xi32, #tpu.memory_space<vmem>> -> memref<1x104xi32, #tpu.memory_space<vmem>>
      %dma_wait3A_1185 = tpu.memref_squeeze %dma_wait3A_1184 : memref<1x104xi32, #tpu.memory_space<vmem>> -> memref<104xi32, #tpu.memory_space<vmem>>
      %dma_wait3A_1186 = arith.constant 0 : i32
      %dma_wait3A_1187 = arith.constant 0 : i32
      %dma_wait3A_1188 = tpu.memref_slice %arg3[%dma_wait3A_1186, %dma_wait3A_1187] : memref<1000000x64xf32, #tpu.memory_space<hbm>> -> memref<1000000x64xf32, #tpu.memory_space<hbm>>
      %dma_wait3A_1189 = tpu.memref_slice %arg7[%dma_wait3A_1178] : memref<16x!tpu.dma_semaphore, #tpu.memory_space<semaphore_mem>> -> memref<1x!tpu.dma_semaphore, #tpu.memory_space<semaphore_mem>>
      %dma_wait3A_1190 = tpu.memref_squeeze %dma_wait3A_1189 : memref<1x!tpu.dma_semaphore, #tpu.memory_space<semaphore_mem>> -> memref<!tpu.dma_semaphore, #tpu.memory_space<semaphore_mem>>
      tpu.wait_indirect_dma semaphore(%dma_wait3A_1190 : memref<!tpu.dma_semaphore, #tpu.memory_space<semaphore_mem>>) src(%dma_wait3A_1188 : memref<1000000x64xf32, #tpu.memory_space<hbm>>) dst(%dma_wait3A_1182 : memref<104x64xf32, #tpu.memory_space<vmem>>)
      %mul3A_1191 = arith.constant 2 : i32
      %mul3A_1192 = arith.muli %mul3A_1191, %add3A_1175 : i32
      %add3A_1193 = arith.addi %mul3A_2, %mul3A_1192 : i32
      %run_scoped3A_1194 = arith.constant 14 : i32
      "tpu.region"() ({
        %run_scoped3A_1257 = tpu.sem_alloc : memref<!tpu.dma_semaphore, #tpu.memory_space<semaphore_mem>>
        %dma_start3A_1258 = arith.constant 0 : i32
        %dma_start3A_1259 = arith.constant 0 : i32
        %dma_start3A_1260 = tpu.memref_slice %arg6[%run_scoped3A_1194, %dma_start3A_1258, %dma_start3A_1259] : memref<16x104x64xf32, #tpu.memory_space<vmem>> -> memref<1x50x64xf32, #tpu.memory_space<vmem>>
        %dma_start3A_1261 = tpu.memref_squeeze %dma_start3A_1260 : memref<1x50x64xf32, #tpu.memory_space<vmem>> -> memref<50x64xf32, #tpu.memory_space<vmem>>
        %dma_start3A_1262 = arith.constant 0 : i32
        %dma_start3A_1263 = arith.constant 0 : i32
        %dma_start3A_1264 = tpu.memref_slice %arg4[%add3A_1193, %dma_start3A_1262, %dma_start3A_1263] : memref<4096x56x128xf32, #tpu.memory_space<hbm>> -> memref<1x50x64xf32, #tpu.memory_space<hbm>>
        %dma_start3A_1265 = tpu.memref_squeeze %dma_start3A_1264 : memref<1x50x64xf32, #tpu.memory_space<hbm>> -> memref<50x64xf32, #tpu.memory_space<hbm>>
        %dma_start3A_1266 = arith.constant 0 : i32
        %dma_start3A_1267 = arith.constant 0 : i32
        %dma_start3A_1268 = tpu.memref_slice %arg4[%add3A_1193, %dma_start3A_1266, %dma_start3A_1267] : memref<4096x56x128xf32, #tpu.memory_space<hbm>> -> memref<1x50x64xf32, #tpu.memory_space<hbm>>
        %dma_start3A_1269 = tpu.memref_squeeze %dma_start3A_1268 : memref<1x50x64xf32, #tpu.memory_space<hbm>> -> memref<50x64xf32, #tpu.memory_space<hbm>>
        %dma_start3A_1270 = arith.constant 0 : i32
        %dma_start3A_1271 = arith.constant 0 : i32
        %dma_start3A_1272 = tpu.memref_slice %arg6[%run_scoped3A_1194, %dma_start3A_1270, %dma_start3A_1271] : memref<16x104x64xf32, #tpu.memory_space<vmem>> -> memref<1x50x64xf32, #tpu.memory_space<vmem>>
        %dma_start3A_1273 = tpu.memref_squeeze %dma_start3A_1272 : memref<1x50x64xf32, #tpu.memory_space<vmem>> -> memref<50x64xf32, #tpu.memory_space<vmem>>
        tpu.enqueue_dma source(%dma_start3A_1273 : memref<50x64xf32, #tpu.memory_space<vmem>>) target(%dma_start3A_1269 : memref<50x64xf32, #tpu.memory_space<hbm>>) target_semaphore(%run_scoped3A_1257 : memref<!tpu.dma_semaphore, #tpu.memory_space<semaphore_mem>>)
        %dma_wait3A_1274 = arith.constant 0 : i32
        %dma_wait3A_1275 = arith.constant 0 : i32
        %dma_wait3A_1276 = tpu.memref_slice %arg6[%run_scoped3A_1194, %dma_wait3A_1274, %dma_wait3A_1275] : memref<16x104x64xf32, #tpu.memory_space<vmem>> -> memref<1x50x64xf32, #tpu.memory_space<vmem>>
        %dma_wait3A_1277 = tpu.memref_squeeze %dma_wait3A_1276 : memref<1x50x64xf32, #tpu.memory_space<vmem>> -> memref<50x64xf32, #tpu.memory_space<vmem>>
        %dma_wait3A_1278 = arith.constant 0 : i32
        %dma_wait3A_1279 = arith.constant 0 : i32
        %dma_wait3A_1280 = tpu.memref_slice %arg4[%add3A_1193, %dma_wait3A_1278, %dma_wait3A_1279] : memref<4096x56x128xf32, #tpu.memory_space<hbm>> -> memref<1x50x64xf32, #tpu.memory_space<hbm>>
        %dma_wait3A_1281 = tpu.memref_squeeze %dma_wait3A_1280 : memref<1x50x64xf32, #tpu.memory_space<hbm>> -> memref<50x64xf32, #tpu.memory_space<hbm>>
        %dma_wait3A_1282 = arith.constant 0 : i32
        %dma_wait3A_1283 = arith.constant 0 : i32
        %dma_wait3A_1284 = tpu.memref_slice %arg4[%add3A_1193, %dma_wait3A_1282, %dma_wait3A_1283] : memref<4096x56x128xf32, #tpu.memory_space<hbm>> -> memref<1x50x64xf32, #tpu.memory_space<hbm>>
        %dma_wait3A_1285 = tpu.memref_squeeze %dma_wait3A_1284 : memref<1x50x64xf32, #tpu.memory_space<hbm>> -> memref<50x64xf32, #tpu.memory_space<hbm>>
        %dma_wait3A_1286 = arith.constant 0 : i32
        %dma_wait3A_1287 = arith.constant 0 : i32
        %dma_wait3A_1288 = tpu.memref_slice %arg6[%run_scoped3A_1194, %dma_wait3A_1286, %dma_wait3A_1287] : memref<16x104x64xf32, #tpu.memory_space<vmem>> -> memref<1x50x64xf32, #tpu.memory_space<vmem>>
        %dma_wait3A_1289 = tpu.memref_squeeze %dma_wait3A_1288 : memref<1x50x64xf32, #tpu.memory_space<vmem>> -> memref<50x64xf32, #tpu.memory_space<vmem>>
        tpu.wait_dma2 semaphore(%run_scoped3A_1257 : memref<!tpu.dma_semaphore, #tpu.memory_space<semaphore_mem>>) src(%dma_wait3A_1289 : memref<50x64xf32, #tpu.memory_space<vmem>>) dst(%dma_wait3A_1285 : memref<50x64xf32, #tpu.memory_space<hbm>>)
        tpu.yield
      }) : () -> ()
      %add3A_1195 = arith.constant 1 : i32
      %add3A_1196 = arith.addi %add3A_1193, %add3A_1195 : i32
      %run_scoped3A_1197 = arith.constant 14 : i32
      "tpu.region"() ({
        %run_scoped3A_1257 = tpu.sem_alloc : memref<!tpu.dma_semaphore, #tpu.memory_space<semaphore_mem>>
        %dma_start3A_1258 = arith.constant 50 : i32
        %dma_start3A_1259 = arith.constant 0 : i32
        %dma_start3A_1260 = tpu.memref_slice %arg6[%run_scoped3A_1197, %dma_start3A_1258, %dma_start3A_1259] : memref<16x104x64xf32, #tpu.memory_space<vmem>> -> memref<1x50x64xf32, #tpu.memory_space<vmem>>
        %dma_start3A_1261 = tpu.memref_squeeze %dma_start3A_1260 : memref<1x50x64xf32, #tpu.memory_space<vmem>> -> memref<50x64xf32, #tpu.memory_space<vmem>>
        %dma_start3A_1262 = arith.constant 0 : i32
        %dma_start3A_1263 = arith.constant 0 : i32
        %dma_start3A_1264 = tpu.memref_slice %arg4[%add3A_1196, %dma_start3A_1262, %dma_start3A_1263] : memref<4096x56x128xf32, #tpu.memory_space<hbm>> -> memref<1x50x64xf32, #tpu.memory_space<hbm>>
        %dma_start3A_1265 = tpu.memref_squeeze %dma_start3A_1264 : memref<1x50x64xf32, #tpu.memory_space<hbm>> -> memref<50x64xf32, #tpu.memory_space<hbm>>
        %dma_start3A_1266 = arith.constant 0 : i32
        %dma_start3A_1267 = arith.constant 0 : i32
        %dma_start3A_1268 = tpu.memref_slice %arg4[%add3A_1196, %dma_start3A_1266, %dma_start3A_1267] : memref<4096x56x128xf32, #tpu.memory_space<hbm>> -> memref<1x50x64xf32, #tpu.memory_space<hbm>>
        %dma_start3A_1269 = tpu.memref_squeeze %dma_start3A_1268 : memref<1x50x64xf32, #tpu.memory_space<hbm>> -> memref<50x64xf32, #tpu.memory_space<hbm>>
        %dma_start3A_1270 = arith.constant 50 : i32
        %dma_start3A_1271 = arith.constant 0 : i32
        %dma_start3A_1272 = tpu.memref_slice %arg6[%run_scoped3A_1197, %dma_start3A_1270, %dma_start3A_1271] : memref<16x104x64xf32, #tpu.memory_space<vmem>> -> memref<1x50x64xf32, #tpu.memory_space<vmem>>
        %dma_start3A_1273 = tpu.memref_squeeze %dma_start3A_1272 : memref<1x50x64xf32, #tpu.memory_space<vmem>> -> memref<50x64xf32, #tpu.memory_space<vmem>>
        tpu.enqueue_dma source(%dma_start3A_1273 : memref<50x64xf32, #tpu.memory_space<vmem>>) target(%dma_start3A_1269 : memref<50x64xf32, #tpu.memory_space<hbm>>) target_semaphore(%run_scoped3A_1257 : memref<!tpu.dma_semaphore, #tpu.memory_space<semaphore_mem>>)
        %dma_wait3A_1274 = arith.constant 50 : i32
        %dma_wait3A_1275 = arith.constant 0 : i32
        %dma_wait3A_1276 = tpu.memref_slice %arg6[%run_scoped3A_1197, %dma_wait3A_1274, %dma_wait3A_1275] : memref<16x104x64xf32, #tpu.memory_space<vmem>> -> memref<1x50x64xf32, #tpu.memory_space<vmem>>
        %dma_wait3A_1277 = tpu.memref_squeeze %dma_wait3A_1276 : memref<1x50x64xf32, #tpu.memory_space<vmem>> -> memref<50x64xf32, #tpu.memory_space<vmem>>
        %dma_wait3A_1278 = arith.constant 0 : i32
        %dma_wait3A_1279 = arith.constant 0 : i32
        %dma_wait3A_1280 = tpu.memref_slice %arg4[%add3A_1196, %dma_wait3A_1278, %dma_wait3A_1279] : memref<4096x56x128xf32, #tpu.memory_space<hbm>> -> memref<1x50x64xf32, #tpu.memory_space<hbm>>
        %dma_wait3A_1281 = tpu.memref_squeeze %dma_wait3A_1280 : memref<1x50x64xf32, #tpu.memory_space<hbm>> -> memref<50x64xf32, #tpu.memory_space<hbm>>
        %dma_wait3A_1282 = arith.constant 0 : i32
        %dma_wait3A_1283 = arith.constant 0 : i32
        %dma_wait3A_1284 = tpu.memref_slice %arg4[%add3A_1196, %dma_wait3A_1282, %dma_wait3A_1283] : memref<4096x56x128xf32, #tpu.memory_space<hbm>> -> memref<1x50x64xf32, #tpu.memory_space<hbm>>
        %dma_wait3A_1285 = tpu.memref_squeeze %dma_wait3A_1284 : memref<1x50x64xf32, #tpu.memory_space<hbm>> -> memref<50x64xf32, #tpu.memory_space<hbm>>
        %dma_wait3A_1286 = arith.constant 50 : i32
        %dma_wait3A_1287 = arith.constant 0 : i32
        %dma_wait3A_1288 = tpu.memref_slice %arg6[%run_scoped3A_1197, %dma_wait3A_1286, %dma_wait3A_1287] : memref<16x104x64xf32, #tpu.memory_space<vmem>> -> memref<1x50x64xf32, #tpu.memory_space<vmem>>
        %dma_wait3A_1289 = tpu.memref_squeeze %dma_wait3A_1288 : memref<1x50x64xf32, #tpu.memory_space<vmem>> -> memref<50x64xf32, #tpu.memory_space<vmem>>
        tpu.wait_dma2 semaphore(%run_scoped3A_1257 : memref<!tpu.dma_semaphore, #tpu.memory_space<semaphore_mem>>) src(%dma_wait3A_1289 : memref<50x64xf32, #tpu.memory_space<vmem>>) dst(%dma_wait3A_1285 : memref<50x64xf32, #tpu.memory_space<hbm>>)
        tpu.yield
      }) : () -> ()
      %add3A_1198 = arith.constant 16 : i32
      %add3A_1199 = arith.addi %add3A_1175, %add3A_1198 : i32
      %dma_start3A_1200 = arith.constant 14 : i32
      %dma_start3A_1201 = arith.constant 14 : i32
      %dma_start3A_1202 = arith.constant 0 : i32
      %dma_start3A_1203 = arith.constant 0 : i32
      %dma_start3A_1204 = tpu.memref_slice %arg6[%dma_start3A_1200, %dma_start3A_1202, %dma_start3A_1203] : memref<16x104x64xf32, #tpu.memory_space<vmem>> -> memref<1x104x64xf32, #tpu.memory_space<vmem>>
      %dma_start3A_1205 = tpu.memref_squeeze %dma_start3A_1204 : memref<1x104x64xf32, #tpu.memory_space<vmem>> -> memref<104x64xf32, #tpu.memory_space<vmem>>
      %dma_start3A_1206 = arith.constant 0 : i32
      %dma_start3A_1207 = tpu.memref_slice %arg5[%add3A_1199, %dma_start3A_1206] : memref<64x104xi32, #tpu.memory_space<vmem>> -> memref<1x104xi32, #tpu.memory_space<vmem>>
      %dma_start3A_1208 = tpu.memref_squeeze %dma_start3A_1207 : memref<1x104xi32, #tpu.memory_space<vmem>> -> memref<104xi32, #tpu.memory_space<vmem>>
      %dma_start3A_1209 = arith.constant 0 : i32
      %dma_start3A_1210 = arith.constant 0 : i32
      %dma_start3A_1211 = tpu.memref_slice %arg3[%dma_start3A_1209, %dma_start3A_1210] : memref<1000000x64xf32, #tpu.memory_space<hbm>> -> memref<1000000x64xf32, #tpu.memory_space<hbm>>
      %dma_start3A_1212 = tpu.memref_slice %arg7[%dma_start3A_1201] : memref<16x!tpu.dma_semaphore, #tpu.memory_space<semaphore_mem>> -> memref<1x!tpu.dma_semaphore, #tpu.memory_space<semaphore_mem>>
      %dma_start3A_1213 = tpu.memref_squeeze %dma_start3A_1212 : memref<1x!tpu.dma_semaphore, #tpu.memory_space<semaphore_mem>> -> memref<!tpu.dma_semaphore, #tpu.memory_space<semaphore_mem>>
      tpu.enqueue_indirect_dma source(%dma_start3A_1211 : memref<1000000x64xf32, #tpu.memory_space<hbm>>) target(%dma_start3A_1205 : memref<104x64xf32, #tpu.memory_space<vmem>>) offsets(%dma_start3A_1208 : memref<104xi32, #tpu.memory_space<vmem>>) semaphore(%dma_start3A_1213 : memref<!tpu.dma_semaphore, #tpu.memory_space<semaphore_mem>>)
      %mul3A_1214 = arith.constant 16 : i32
      %mul3A_1215 = arith.muli %scan3A_582, %mul3A_1214 : i32
      %add3A_1216 = arith.constant 15 : i32
      %add3A_1217 = arith.addi %mul3A_1215, %add3A_1216 : i32
      %dma_wait3A_1218 = arith.constant 0 : i32
      %dma_wait3A_1219 = arith.constant 15 : i32
      %dma_wait3A_1220 = arith.constant 15 : i32
      %dma_wait3A_1221 = arith.constant 0 : i32
      %dma_wait3A_1222 = arith.constant 0 : i32
      %dma_wait3A_1223 = tpu.memref_slice %arg6[%dma_wait3A_1219, %dma_wait3A_1221, %dma_wait3A_1222] : memref<16x104x64xf32, #tpu.memory_space<vmem>> -> memref<1x104x64xf32, #tpu.memory_space<vmem>>
      %dma_wait3A_1224 = tpu.memref_squeeze %dma_wait3A_1223 : memref<1x104x64xf32, #tpu.memory_space<vmem>> -> memref<104x64xf32, #tpu.memory_space<vmem>>
      %dma_wait3A_1225 = arith.constant 0 : i32
      %dma_wait3A_1226 = tpu.memref_slice %arg5[%dma_wait3A_1218, %dma_wait3A_1225] : memref<64x104xi32, #tpu.memory_space<vmem>> -> memref<1x104xi32, #tpu.memory_space<vmem>>
      %dma_wait3A_1227 = tpu.memref_squeeze %dma_wait3A_1226 : memref<1x104xi32, #tpu.memory_space<vmem>> -> memref<104xi32, #tpu.memory_space<vmem>>
      %dma_wait3A_1228 = arith.constant 0 : i32
      %dma_wait3A_1229 = arith.constant 0 : i32
      %dma_wait3A_1230 = tpu.memref_slice %arg3[%dma_wait3A_1228, %dma_wait3A_1229] : memref<1000000x64xf32, #tpu.memory_space<hbm>> -> memref<1000000x64xf32, #tpu.memory_space<hbm>>
      %dma_wait3A_1231 = tpu.memref_slice %arg7[%dma_wait3A_1220] : memref<16x!tpu.dma_semaphore, #tpu.memory_space<semaphore_mem>> -> memref<1x!tpu.dma_semaphore, #tpu.memory_space<semaphore_mem>>
      %dma_wait3A_1232 = tpu.memref_squeeze %dma_wait3A_1231 : memref<1x!tpu.dma_semaphore, #tpu.memory_space<semaphore_mem>> -> memref<!tpu.dma_semaphore, #tpu.memory_space<semaphore_mem>>
      tpu.wait_indirect_dma semaphore(%dma_wait3A_1232 : memref<!tpu.dma_semaphore, #tpu.memory_space<semaphore_mem>>) src(%dma_wait3A_1230 : memref<1000000x64xf32, #tpu.memory_space<hbm>>) dst(%dma_wait3A_1224 : memref<104x64xf32, #tpu.memory_space<vmem>>)
      %mul3A_1233 = arith.constant 2 : i32
      %mul3A_1234 = arith.muli %mul3A_1233, %add3A_1217 : i32
      %add3A_1235 = arith.addi %mul3A_2, %mul3A_1234 : i32
      %run_scoped3A_1236 = arith.constant 15 : i32
      "tpu.region"() ({
        %run_scoped3A_1257 = tpu.sem_alloc : memref<!tpu.dma_semaphore, #tpu.memory_space<semaphore_mem>>
        %dma_start3A_1258 = arith.constant 0 : i32
        %dma_start3A_1259 = arith.constant 0 : i32
        %dma_start3A_1260 = tpu.memref_slice %arg6[%run_scoped3A_1236, %dma_start3A_1258, %dma_start3A_1259] : memref<16x104x64xf32, #tpu.memory_space<vmem>> -> memref<1x50x64xf32, #tpu.memory_space<vmem>>
        %dma_start3A_1261 = tpu.memref_squeeze %dma_start3A_1260 : memref<1x50x64xf32, #tpu.memory_space<vmem>> -> memref<50x64xf32, #tpu.memory_space<vmem>>
        %dma_start3A_1262 = arith.constant 0 : i32
        %dma_start3A_1263 = arith.constant 0 : i32
        %dma_start3A_1264 = tpu.memref_slice %arg4[%add3A_1235, %dma_start3A_1262, %dma_start3A_1263] : memref<4096x56x128xf32, #tpu.memory_space<hbm>> -> memref<1x50x64xf32, #tpu.memory_space<hbm>>
        %dma_start3A_1265 = tpu.memref_squeeze %dma_start3A_1264 : memref<1x50x64xf32, #tpu.memory_space<hbm>> -> memref<50x64xf32, #tpu.memory_space<hbm>>
        %dma_start3A_1266 = arith.constant 0 : i32
        %dma_start3A_1267 = arith.constant 0 : i32
        %dma_start3A_1268 = tpu.memref_slice %arg4[%add3A_1235, %dma_start3A_1266, %dma_start3A_1267] : memref<4096x56x128xf32, #tpu.memory_space<hbm>> -> memref<1x50x64xf32, #tpu.memory_space<hbm>>
        %dma_start3A_1269 = tpu.memref_squeeze %dma_start3A_1268 : memref<1x50x64xf32, #tpu.memory_space<hbm>> -> memref<50x64xf32, #tpu.memory_space<hbm>>
        %dma_start3A_1270 = arith.constant 0 : i32
        %dma_start3A_1271 = arith.constant 0 : i32
        %dma_start3A_1272 = tpu.memref_slice %arg6[%run_scoped3A_1236, %dma_start3A_1270, %dma_start3A_1271] : memref<16x104x64xf32, #tpu.memory_space<vmem>> -> memref<1x50x64xf32, #tpu.memory_space<vmem>>
        %dma_start3A_1273 = tpu.memref_squeeze %dma_start3A_1272 : memref<1x50x64xf32, #tpu.memory_space<vmem>> -> memref<50x64xf32, #tpu.memory_space<vmem>>
        tpu.enqueue_dma source(%dma_start3A_1273 : memref<50x64xf32, #tpu.memory_space<vmem>>) target(%dma_start3A_1269 : memref<50x64xf32, #tpu.memory_space<hbm>>) target_semaphore(%run_scoped3A_1257 : memref<!tpu.dma_semaphore, #tpu.memory_space<semaphore_mem>>)
        %dma_wait3A_1274 = arith.constant 0 : i32
        %dma_wait3A_1275 = arith.constant 0 : i32
        %dma_wait3A_1276 = tpu.memref_slice %arg6[%run_scoped3A_1236, %dma_wait3A_1274, %dma_wait3A_1275] : memref<16x104x64xf32, #tpu.memory_space<vmem>> -> memref<1x50x64xf32, #tpu.memory_space<vmem>>
        %dma_wait3A_1277 = tpu.memref_squeeze %dma_wait3A_1276 : memref<1x50x64xf32, #tpu.memory_space<vmem>> -> memref<50x64xf32, #tpu.memory_space<vmem>>
        %dma_wait3A_1278 = arith.constant 0 : i32
        %dma_wait3A_1279 = arith.constant 0 : i32
        %dma_wait3A_1280 = tpu.memref_slice %arg4[%add3A_1235, %dma_wait3A_1278, %dma_wait3A_1279] : memref<4096x56x128xf32, #tpu.memory_space<hbm>> -> memref<1x50x64xf32, #tpu.memory_space<hbm>>
        %dma_wait3A_1281 = tpu.memref_squeeze %dma_wait3A_1280 : memref<1x50x64xf32, #tpu.memory_space<hbm>> -> memref<50x64xf32, #tpu.memory_space<hbm>>
        %dma_wait3A_1282 = arith.constant 0 : i32
        %dma_wait3A_1283 = arith.constant 0 : i32
        %dma_wait3A_1284 = tpu.memref_slice %arg4[%add3A_1235, %dma_wait3A_1282, %dma_wait3A_1283] : memref<4096x56x128xf32, #tpu.memory_space<hbm>> -> memref<1x50x64xf32, #tpu.memory_space<hbm>>
        %dma_wait3A_1285 = tpu.memref_squeeze %dma_wait3A_1284 : memref<1x50x64xf32, #tpu.memory_space<hbm>> -> memref<50x64xf32, #tpu.memory_space<hbm>>
        %dma_wait3A_1286 = arith.constant 0 : i32
        %dma_wait3A_1287 = arith.constant 0 : i32
        %dma_wait3A_1288 = tpu.memref_slice %arg6[%run_scoped3A_1236, %dma_wait3A_1286, %dma_wait3A_1287] : memref<16x104x64xf32, #tpu.memory_space<vmem>> -> memref<1x50x64xf32, #tpu.memory_space<vmem>>
        %dma_wait3A_1289 = tpu.memref_squeeze %dma_wait3A_1288 : memref<1x50x64xf32, #tpu.memory_space<vmem>> -> memref<50x64xf32, #tpu.memory_space<vmem>>
        tpu.wait_dma2 semaphore(%run_scoped3A_1257 : memref<!tpu.dma_semaphore, #tpu.memory_space<semaphore_mem>>) src(%dma_wait3A_1289 : memref<50x64xf32, #tpu.memory_space<vmem>>) dst(%dma_wait3A_1285 : memref<50x64xf32, #tpu.memory_space<hbm>>)
        tpu.yield
      }) : () -> ()
      %add3A_1237 = arith.constant 1 : i32
      %add3A_1238 = arith.addi %add3A_1235, %add3A_1237 : i32
      %run_scoped3A_1239 = arith.constant 15 : i32
      "tpu.region"() ({
        %run_scoped3A_1257 = tpu.sem_alloc : memref<!tpu.dma_semaphore, #tpu.memory_space<semaphore_mem>>
        %dma_start3A_1258 = arith.constant 50 : i32
        %dma_start3A_1259 = arith.constant 0 : i32
        %dma_start3A_1260 = tpu.memref_slice %arg6[%run_scoped3A_1239, %dma_start3A_1258, %dma_start3A_1259] : memref<16x104x64xf32, #tpu.memory_space<vmem>> -> memref<1x50x64xf32, #tpu.memory_space<vmem>>
        %dma_start3A_1261 = tpu.memref_squeeze %dma_start3A_1260 : memref<1x50x64xf32, #tpu.memory_space<vmem>> -> memref<50x64xf32, #tpu.memory_space<vmem>>
        %dma_start3A_1262 = arith.constant 0 : i32
        %dma_start3A_1263 = arith.constant 0 : i32
        %dma_start3A_1264 = tpu.memref_slice %arg4[%add3A_1238, %dma_start3A_1262, %dma_start3A_1263] : memref<4096x56x128xf32, #tpu.memory_space<hbm>> -> memref<1x50x64xf32, #tpu.memory_space<hbm>>
        %dma_start3A_1265 = tpu.memref_squeeze %dma_start3A_1264 : memref<1x50x64xf32, #tpu.memory_space<hbm>> -> memref<50x64xf32, #tpu.memory_space<hbm>>
        %dma_start3A_1266 = arith.constant 0 : i32
        %dma_start3A_1267 = arith.constant 0 : i32
        %dma_start3A_1268 = tpu.memref_slice %arg4[%add3A_1238, %dma_start3A_1266, %dma_start3A_1267] : memref<4096x56x128xf32, #tpu.memory_space<hbm>> -> memref<1x50x64xf32, #tpu.memory_space<hbm>>
        %dma_start3A_1269 = tpu.memref_squeeze %dma_start3A_1268 : memref<1x50x64xf32, #tpu.memory_space<hbm>> -> memref<50x64xf32, #tpu.memory_space<hbm>>
        %dma_start3A_1270 = arith.constant 50 : i32
        %dma_start3A_1271 = arith.constant 0 : i32
        %dma_start3A_1272 = tpu.memref_slice %arg6[%run_scoped3A_1239, %dma_start3A_1270, %dma_start3A_1271] : memref<16x104x64xf32, #tpu.memory_space<vmem>> -> memref<1x50x64xf32, #tpu.memory_space<vmem>>
        %dma_start3A_1273 = tpu.memref_squeeze %dma_start3A_1272 : memref<1x50x64xf32, #tpu.memory_space<vmem>> -> memref<50x64xf32, #tpu.memory_space<vmem>>
        tpu.enqueue_dma source(%dma_start3A_1273 : memref<50x64xf32, #tpu.memory_space<vmem>>) target(%dma_start3A_1269 : memref<50x64xf32, #tpu.memory_space<hbm>>) target_semaphore(%run_scoped3A_1257 : memref<!tpu.dma_semaphore, #tpu.memory_space<semaphore_mem>>)
        %dma_wait3A_1274 = arith.constant 50 : i32
        %dma_wait3A_1275 = arith.constant 0 : i32
        %dma_wait3A_1276 = tpu.memref_slice %arg6[%run_scoped3A_1239, %dma_wait3A_1274, %dma_wait3A_1275] : memref<16x104x64xf32, #tpu.memory_space<vmem>> -> memref<1x50x64xf32, #tpu.memory_space<vmem>>
        %dma_wait3A_1277 = tpu.memref_squeeze %dma_wait3A_1276 : memref<1x50x64xf32, #tpu.memory_space<vmem>> -> memref<50x64xf32, #tpu.memory_space<vmem>>
        %dma_wait3A_1278 = arith.constant 0 : i32
        %dma_wait3A_1279 = arith.constant 0 : i32
        %dma_wait3A_1280 = tpu.memref_slice %arg4[%add3A_1238, %dma_wait3A_1278, %dma_wait3A_1279] : memref<4096x56x128xf32, #tpu.memory_space<hbm>> -> memref<1x50x64xf32, #tpu.memory_space<hbm>>
        %dma_wait3A_1281 = tpu.memref_squeeze %dma_wait3A_1280 : memref<1x50x64xf32, #tpu.memory_space<hbm>> -> memref<50x64xf32, #tpu.memory_space<hbm>>
        %dma_wait3A_1282 = arith.constant 0 : i32
        %dma_wait3A_1283 = arith.constant 0 : i32
        %dma_wait3A_1284 = tpu.memref_slice %arg4[%add3A_1238, %dma_wait3A_1282, %dma_wait3A_1283] : memref<4096x56x128xf32, #tpu.memory_space<hbm>> -> memref<1x50x64xf32, #tpu.memory_space<hbm>>
        %dma_wait3A_1285 = tpu.memref_squeeze %dma_wait3A_1284 : memref<1x50x64xf32, #tpu.memory_space<hbm>> -> memref<50x64xf32, #tpu.memory_space<hbm>>
        %dma_wait3A_1286 = arith.constant 50 : i32
        %dma_wait3A_1287 = arith.constant 0 : i32
        %dma_wait3A_1288 = tpu.memref_slice %arg6[%run_scoped3A_1239, %dma_wait3A_1286, %dma_wait3A_1287] : memref<16x104x64xf32, #tpu.memory_space<vmem>> -> memref<1x50x64xf32, #tpu.memory_space<vmem>>
        %dma_wait3A_1289 = tpu.memref_squeeze %dma_wait3A_1288 : memref<1x50x64xf32, #tpu.memory_space<vmem>> -> memref<50x64xf32, #tpu.memory_space<vmem>>
        tpu.wait_dma2 semaphore(%run_scoped3A_1257 : memref<!tpu.dma_semaphore, #tpu.memory_space<semaphore_mem>>) src(%dma_wait3A_1289 : memref<50x64xf32, #tpu.memory_space<vmem>>) dst(%dma_wait3A_1285 : memref<50x64xf32, #tpu.memory_space<hbm>>)
        tpu.yield
      }) : () -> ()
      %add3A_1240 = arith.constant 16 : i32
      %add3A_1241 = arith.addi %add3A_1217, %add3A_1240 : i32
      %dma_start3A_1242 = arith.constant 15 : i32
      %dma_start3A_1243 = arith.constant 15 : i32
      %dma_start3A_1244 = arith.constant 0 : i32
      %dma_start3A_1245 = arith.constant 0 : i32
      %dma_start3A_1246 = tpu.memref_slice %arg6[%dma_start3A_1242, %dma_start3A_1244, %dma_start3A_1245] : memref<16x104x64xf32, #tpu.memory_space<vmem>> -> memref<1x104x64xf32, #tpu.memory_space<vmem>>
      %dma_start3A_1247 = tpu.memref_squeeze %dma_start3A_1246 : memref<1x104x64xf32, #tpu.memory_space<vmem>> -> memref<104x64xf32, #tpu.memory_space<vmem>>
      %dma_start3A_1248 = arith.constant 0 : i32
      %dma_start3A_1249 = tpu.memref_slice %arg5[%add3A_1241, %dma_start3A_1248] : memref<64x104xi32, #tpu.memory_space<vmem>> -> memref<1x104xi32, #tpu.memory_space<vmem>>
      %dma_start3A_1250 = tpu.memref_squeeze %dma_start3A_1249 : memref<1x104xi32, #tpu.memory_space<vmem>> -> memref<104xi32, #tpu.memory_space<vmem>>
      %dma_start3A_1251 = arith.constant 0 : i32
      %dma_start3A_1252 = arith.constant 0 : i32
      %dma_start3A_1253 = tpu.memref_slice %arg3[%dma_start3A_1251, %dma_start3A_1252] : memref<1000000x64xf32, #tpu.memory_space<hbm>> -> memref<1000000x64xf32, #tpu.memory_space<hbm>>
      %dma_start3A_1254 = tpu.memref_slice %arg7[%dma_start3A_1243] : memref<16x!tpu.dma_semaphore, #tpu.memory_space<semaphore_mem>> -> memref<1x!tpu.dma_semaphore, #tpu.memory_space<semaphore_mem>>
      %dma_start3A_1255 = tpu.memref_squeeze %dma_start3A_1254 : memref<1x!tpu.dma_semaphore, #tpu.memory_space<semaphore_mem>> -> memref<!tpu.dma_semaphore, #tpu.memory_space<semaphore_mem>>
      tpu.enqueue_indirect_dma source(%dma_start3A_1253 : memref<1000000x64xf32, #tpu.memory_space<hbm>>) target(%dma_start3A_1247 : memref<104x64xf32, #tpu.memory_space<vmem>>) offsets(%dma_start3A_1250 : memref<104xi32, #tpu.memory_space<vmem>>) semaphore(%dma_start3A_1255 : memref<!tpu.dma_semaphore, #tpu.memory_space<semaphore_mem>>)
      %scan3A_1256 = arith.constant 0 : i32
      scf.yield %scan3A_1256 : i32
    }
    %scan3A_247 = arith.constant 3 : i32
    %dma_wait3A = arith.constant 0 : i32
    %dma_wait3A_248 = arith.constant 0 : i32
    %dma_wait3A_249 = arith.constant 0 : i32
    %dma_wait3A_250 = arith.constant 0 : i32
    %dma_wait3A_251 = arith.constant 0 : i32
    %dma_wait3A_252 = tpu.memref_slice %arg6[%dma_wait3A_248, %dma_wait3A_250, %dma_wait3A_251] : memref<16x104x64xf32, #tpu.memory_space<vmem>> -> memref<1x104x64xf32, #tpu.memory_space<vmem>>
    %dma_wait3A_253 = tpu.memref_squeeze %dma_wait3A_252 : memref<1x104x64xf32, #tpu.memory_space<vmem>> -> memref<104x64xf32, #tpu.memory_space<vmem>>
    %dma_wait3A_254 = arith.constant 0 : i32
    %dma_wait3A_255 = tpu.memref_slice %arg5[%dma_wait3A, %dma_wait3A_254] : memref<64x104xi32, #tpu.memory_space<vmem>> -> memref<1x104xi32, #tpu.memory_space<vmem>>
    %dma_wait3A_256 = tpu.memref_squeeze %dma_wait3A_255 : memref<1x104xi32, #tpu.memory_space<vmem>> -> memref<104xi32, #tpu.memory_space<vmem>>
    %dma_wait3A_257 = arith.constant 0 : i32
    %dma_wait3A_258 = arith.constant 0 : i32
    %dma_wait3A_259 = tpu.memref_slice %arg3[%dma_wait3A_257, %dma_wait3A_258] : memref<1000000x64xf32, #tpu.memory_space<hbm>> -> memref<1000000x64xf32, #tpu.memory_space<hbm>>
    %dma_wait3A_260 = tpu.memref_slice %arg7[%dma_wait3A_249] : memref<16x!tpu.dma_semaphore, #tpu.memory_space<semaphore_mem>> -> memref<1x!tpu.dma_semaphore, #tpu.memory_space<semaphore_mem>>
    %dma_wait3A_261 = tpu.memref_squeeze %dma_wait3A_260 : memref<1x!tpu.dma_semaphore, #tpu.memory_space<semaphore_mem>> -> memref<!tpu.dma_semaphore, #tpu.memory_space<semaphore_mem>>
    tpu.wait_indirect_dma semaphore(%dma_wait3A_261 : memref<!tpu.dma_semaphore, #tpu.memory_space<semaphore_mem>>) src(%dma_wait3A_259 : memref<1000000x64xf32, #tpu.memory_space<hbm>>) dst(%dma_wait3A_253 : memref<104x64xf32, #tpu.memory_space<vmem>>)
    %add3A_262 = arith.constant 96 : i32
    %add3A_263 = arith.addi %mul3A_2, %add3A_262 : i32
    %run_scoped3A = arith.constant 0 : i32
    "tpu.region"() ({
      %run_scoped3A_582 = tpu.sem_alloc : memref<!tpu.dma_semaphore, #tpu.memory_space<semaphore_mem>>
      %dma_start3A_583 = arith.constant 0 : i32
      %dma_start3A_584 = arith.constant 0 : i32
      %dma_start3A_585 = tpu.memref_slice %arg6[%run_scoped3A, %dma_start3A_583, %dma_start3A_584] : memref<16x104x64xf32, #tpu.memory_space<vmem>> -> memref<1x50x64xf32, #tpu.memory_space<vmem>>
      %dma_start3A_586 = tpu.memref_squeeze %dma_start3A_585 : memref<1x50x64xf32, #tpu.memory_space<vmem>> -> memref<50x64xf32, #tpu.memory_space<vmem>>
      %dma_start3A_587 = arith.constant 0 : i32
      %dma_start3A_588 = arith.constant 0 : i32
      %dma_start3A_589 = tpu.memref_slice %arg4[%add3A_263, %dma_start3A_587, %dma_start3A_588] : memref<4096x56x128xf32, #tpu.memory_space<hbm>> -> memref<1x50x64xf32, #tpu.memory_space<hbm>>
      %dma_start3A_590 = tpu.memref_squeeze %dma_start3A_589 : memref<1x50x64xf32, #tpu.memory_space<hbm>> -> memref<50x64xf32, #tpu.memory_space<hbm>>
      %dma_start3A_591 = arith.constant 0 : i32
      %dma_start3A_592 = arith.constant 0 : i32
      %dma_start3A_593 = tpu.memref_slice %arg4[%add3A_263, %dma_start3A_591, %dma_start3A_592] : memref<4096x56x128xf32, #tpu.memory_space<hbm>> -> memref<1x50x64xf32, #tpu.memory_space<hbm>>
      %dma_start3A_594 = tpu.memref_squeeze %dma_start3A_593 : memref<1x50x64xf32, #tpu.memory_space<hbm>> -> memref<50x64xf32, #tpu.memory_space<hbm>>
      %dma_start3A_595 = arith.constant 0 : i32
      %dma_start3A_596 = arith.constant 0 : i32
      %dma_start3A_597 = tpu.memref_slice %arg6[%run_scoped3A, %dma_start3A_595, %dma_start3A_596] : memref<16x104x64xf32, #tpu.memory_space<vmem>> -> memref<1x50x64xf32, #tpu.memory_space<vmem>>
      %dma_start3A_598 = tpu.memref_squeeze %dma_start3A_597 : memref<1x50x64xf32, #tpu.memory_space<vmem>> -> memref<50x64xf32, #tpu.memory_space<vmem>>
      tpu.enqueue_dma source(%dma_start3A_598 : memref<50x64xf32, #tpu.memory_space<vmem>>) target(%dma_start3A_594 : memref<50x64xf32, #tpu.memory_space<hbm>>) target_semaphore(%run_scoped3A_582 : memref<!tpu.dma_semaphore, #tpu.memory_space<semaphore_mem>>)
      %dma_wait3A_599 = arith.constant 0 : i32
      %dma_wait3A_600 = arith.constant 0 : i32
      %dma_wait3A_601 = tpu.memref_slice %arg6[%run_scoped3A, %dma_wait3A_599, %dma_wait3A_600] : memref<16x104x64xf32, #tpu.memory_space<vmem>> -> memref<1x50x64xf32, #tpu.memory_space<vmem>>
      %dma_wait3A_602 = tpu.memref_squeeze %dma_wait3A_601 : memref<1x50x64xf32, #tpu.memory_space<vmem>> -> memref<50x64xf32, #tpu.memory_space<vmem>>
      %dma_wait3A_603 = arith.constant 0 : i32
      %dma_wait3A_604 = arith.constant 0 : i32
      %dma_wait3A_605 = tpu.memref_slice %arg4[%add3A_263, %dma_wait3A_603, %dma_wait3A_604] : memref<4096x56x128xf32, #tpu.memory_space<hbm>> -> memref<1x50x64xf32, #tpu.memory_space<hbm>>
      %dma_wait3A_606 = tpu.memref_squeeze %dma_wait3A_605 : memref<1x50x64xf32, #tpu.memory_space<hbm>> -> memref<50x64xf32, #tpu.memory_space<hbm>>
      %dma_wait3A_607 = arith.constant 0 : i32
      %dma_wait3A_608 = arith.constant 0 : i32
      %dma_wait3A_609 = tpu.memref_slice %arg4[%add3A_263, %dma_wait3A_607, %dma_wait3A_608] : memref<4096x56x128xf32, #tpu.memory_space<hbm>> -> memref<1x50x64xf32, #tpu.memory_space<hbm>>
      %dma_wait3A_610 = tpu.memref_squeeze %dma_wait3A_609 : memref<1x50x64xf32, #tpu.memory_space<hbm>> -> memref<50x64xf32, #tpu.memory_space<hbm>>
      %dma_wait3A_611 = arith.constant 0 : i32
      %dma_wait3A_612 = arith.constant 0 : i32
      %dma_wait3A_613 = tpu.memref_slice %arg6[%run_scoped3A, %dma_wait3A_611, %dma_wait3A_612] : memref<16x104x64xf32, #tpu.memory_space<vmem>> -> memref<1x50x64xf32, #tpu.memory_space<vmem>>
      %dma_wait3A_614 = tpu.memref_squeeze %dma_wait3A_613 : memref<1x50x64xf32, #tpu.memory_space<vmem>> -> memref<50x64xf32, #tpu.memory_space<vmem>>
      tpu.wait_dma2 semaphore(%run_scoped3A_582 : memref<!tpu.dma_semaphore, #tpu.memory_space<semaphore_mem>>) src(%dma_wait3A_614 : memref<50x64xf32, #tpu.memory_space<vmem>>) dst(%dma_wait3A_610 : memref<50x64xf32, #tpu.memory_space<hbm>>)
      tpu.yield
    }) : () -> ()
    %add3A_264 = arith.constant 1 : i32
    %add3A_265 = arith.addi %add3A_263, %add3A_264 : i32
    %run_scoped3A_266 = arith.constant 0 : i32
    "tpu.region"() ({
      %run_scoped3A_582 = tpu.sem_alloc : memref<!tpu.dma_semaphore, #tpu.memory_space<semaphore_mem>>
      %dma_start3A_583 = arith.constant 50 : i32
      %dma_start3A_584 = arith.constant 0 : i32
      %dma_start3A_585 = tpu.memref_slice %arg6[%run_scoped3A_266, %dma_start3A_583, %dma_start3A_584] : memref<16x104x64xf32, #tpu.memory_space<vmem>> -> memref<1x50x64xf32, #tpu.memory_space<vmem>>
      %dma_start3A_586 = tpu.memref_squeeze %dma_start3A_585 : memref<1x50x64xf32, #tpu.memory_space<vmem>> -> memref<50x64xf32, #tpu.memory_space<vmem>>
      %dma_start3A_587 = arith.constant 0 : i32
      %dma_start3A_588 = arith.constant 0 : i32
      %dma_start3A_589 = tpu.memref_slice %arg4[%add3A_265, %dma_start3A_587, %dma_start3A_588] : memref<4096x56x128xf32, #tpu.memory_space<hbm>> -> memref<1x50x64xf32, #tpu.memory_space<hbm>>
      %dma_start3A_590 = tpu.memref_squeeze %dma_start3A_589 : memref<1x50x64xf32, #tpu.memory_space<hbm>> -> memref<50x64xf32, #tpu.memory_space<hbm>>
      %dma_start3A_591 = arith.constant 0 : i32
      %dma_start3A_592 = arith.constant 0 : i32
      %dma_start3A_593 = tpu.memref_slice %arg4[%add3A_265, %dma_start3A_591, %dma_start3A_592] : memref<4096x56x128xf32, #tpu.memory_space<hbm>> -> memref<1x50x64xf32, #tpu.memory_space<hbm>>
      %dma_start3A_594 = tpu.memref_squeeze %dma_start3A_593 : memref<1x50x64xf32, #tpu.memory_space<hbm>> -> memref<50x64xf32, #tpu.memory_space<hbm>>
      %dma_start3A_595 = arith.constant 50 : i32
      %dma_start3A_596 = arith.constant 0 : i32
      %dma_start3A_597 = tpu.memref_slice %arg6[%run_scoped3A_266, %dma_start3A_595, %dma_start3A_596] : memref<16x104x64xf32, #tpu.memory_space<vmem>> -> memref<1x50x64xf32, #tpu.memory_space<vmem>>
      %dma_start3A_598 = tpu.memref_squeeze %dma_start3A_597 : memref<1x50x64xf32, #tpu.memory_space<vmem>> -> memref<50x64xf32, #tpu.memory_space<vmem>>
      tpu.enqueue_dma source(%dma_start3A_598 : memref<50x64xf32, #tpu.memory_space<vmem>>) target(%dma_start3A_594 : memref<50x64xf32, #tpu.memory_space<hbm>>) target_semaphore(%run_scoped3A_582 : memref<!tpu.dma_semaphore, #tpu.memory_space<semaphore_mem>>)
      %dma_wait3A_599 = arith.constant 50 : i32
      %dma_wait3A_600 = arith.constant 0 : i32
      %dma_wait3A_601 = tpu.memref_slice %arg6[%run_scoped3A_266, %dma_wait3A_599, %dma_wait3A_600] : memref<16x104x64xf32, #tpu.memory_space<vmem>> -> memref<1x50x64xf32, #tpu.memory_space<vmem>>
      %dma_wait3A_602 = tpu.memref_squeeze %dma_wait3A_601 : memref<1x50x64xf32, #tpu.memory_space<vmem>> -> memref<50x64xf32, #tpu.memory_space<vmem>>
      %dma_wait3A_603 = arith.constant 0 : i32
      %dma_wait3A_604 = arith.constant 0 : i32
      %dma_wait3A_605 = tpu.memref_slice %arg4[%add3A_265, %dma_wait3A_603, %dma_wait3A_604] : memref<4096x56x128xf32, #tpu.memory_space<hbm>> -> memref<1x50x64xf32, #tpu.memory_space<hbm>>
      %dma_wait3A_606 = tpu.memref_squeeze %dma_wait3A_605 : memref<1x50x64xf32, #tpu.memory_space<hbm>> -> memref<50x64xf32, #tpu.memory_space<hbm>>
      %dma_wait3A_607 = arith.constant 0 : i32
      %dma_wait3A_608 = arith.constant 0 : i32
      %dma_wait3A_609 = tpu.memref_slice %arg4[%add3A_265, %dma_wait3A_607, %dma_wait3A_608] : memref<4096x56x128xf32, #tpu.memory_space<hbm>> -> memref<1x50x64xf32, #tpu.memory_space<hbm>>
      %dma_wait3A_610 = tpu.memref_squeeze %dma_wait3A_609 : memref<1x50x64xf32, #tpu.memory_space<hbm>> -> memref<50x64xf32, #tpu.memory_space<hbm>>
      %dma_wait3A_611 = arith.constant 50 : i32
      %dma_wait3A_612 = arith.constant 0 : i32
      %dma_wait3A_613 = tpu.memref_slice %arg6[%run_scoped3A_266, %dma_wait3A_611, %dma_wait3A_612] : memref<16x104x64xf32, #tpu.memory_space<vmem>> -> memref<1x50x64xf32, #tpu.memory_space<vmem>>
      %dma_wait3A_614 = tpu.memref_squeeze %dma_wait3A_613 : memref<1x50x64xf32, #tpu.memory_space<vmem>> -> memref<50x64xf32, #tpu.memory_space<vmem>>
      tpu.wait_dma2 semaphore(%run_scoped3A_582 : memref<!tpu.dma_semaphore, #tpu.memory_space<semaphore_mem>>) src(%dma_wait3A_614 : memref<50x64xf32, #tpu.memory_space<vmem>>) dst(%dma_wait3A_610 : memref<50x64xf32, #tpu.memory_space<hbm>>)
      tpu.yield
    }) : () -> ()
    %dma_wait3A_267 = arith.constant 0 : i32
    %dma_wait3A_268 = arith.constant 1 : i32
    %dma_wait3A_269 = arith.constant 1 : i32
    %dma_wait3A_270 = arith.constant 0 : i32
    %dma_wait3A_271 = arith.constant 0 : i32
    %dma_wait3A_272 = tpu.memref_slice %arg6[%dma_wait3A_268, %dma_wait3A_270, %dma_wait3A_271] : memref<16x104x64xf32, #tpu.memory_space<vmem>> -> memref<1x104x64xf32, #tpu.memory_space<vmem>>
    %dma_wait3A_273 = tpu.memref_squeeze %dma_wait3A_272 : memref<1x104x64xf32, #tpu.memory_space<vmem>> -> memref<104x64xf32, #tpu.memory_space<vmem>>
    %dma_wait3A_274 = arith.constant 0 : i32
    %dma_wait3A_275 = tpu.memref_slice %arg5[%dma_wait3A_267, %dma_wait3A_274] : memref<64x104xi32, #tpu.memory_space<vmem>> -> memref<1x104xi32, #tpu.memory_space<vmem>>
    %dma_wait3A_276 = tpu.memref_squeeze %dma_wait3A_275 : memref<1x104xi32, #tpu.memory_space<vmem>> -> memref<104xi32, #tpu.memory_space<vmem>>
    %dma_wait3A_277 = arith.constant 0 : i32
    %dma_wait3A_278 = arith.constant 0 : i32
    %dma_wait3A_279 = tpu.memref_slice %arg3[%dma_wait3A_277, %dma_wait3A_278] : memref<1000000x64xf32, #tpu.memory_space<hbm>> -> memref<1000000x64xf32, #tpu.memory_space<hbm>>
    %dma_wait3A_280 = tpu.memref_slice %arg7[%dma_wait3A_269] : memref<16x!tpu.dma_semaphore, #tpu.memory_space<semaphore_mem>> -> memref<1x!tpu.dma_semaphore, #tpu.memory_space<semaphore_mem>>
    %dma_wait3A_281 = tpu.memref_squeeze %dma_wait3A_280 : memref<1x!tpu.dma_semaphore, #tpu.memory_space<semaphore_mem>> -> memref<!tpu.dma_semaphore, #tpu.memory_space<semaphore_mem>>
    tpu.wait_indirect_dma semaphore(%dma_wait3A_281 : memref<!tpu.dma_semaphore, #tpu.memory_space<semaphore_mem>>) src(%dma_wait3A_279 : memref<1000000x64xf32, #tpu.memory_space<hbm>>) dst(%dma_wait3A_273 : memref<104x64xf32, #tpu.memory_space<vmem>>)
    %add3A_282 = arith.constant 98 : i32
    %add3A_283 = arith.addi %mul3A_2, %add3A_282 : i32
    %run_scoped3A_284 = arith.constant 1 : i32
    "tpu.region"() ({
      %run_scoped3A_582 = tpu.sem_alloc : memref<!tpu.dma_semaphore, #tpu.memory_space<semaphore_mem>>
      %dma_start3A_583 = arith.constant 0 : i32
      %dma_start3A_584 = arith.constant 0 : i32
      %dma_start3A_585 = tpu.memref_slice %arg6[%run_scoped3A_284, %dma_start3A_583, %dma_start3A_584] : memref<16x104x64xf32, #tpu.memory_space<vmem>> -> memref<1x50x64xf32, #tpu.memory_space<vmem>>
      %dma_start3A_586 = tpu.memref_squeeze %dma_start3A_585 : memref<1x50x64xf32, #tpu.memory_space<vmem>> -> memref<50x64xf32, #tpu.memory_space<vmem>>
      %dma_start3A_587 = arith.constant 0 : i32
      %dma_start3A_588 = arith.constant 0 : i32
      %dma_start3A_589 = tpu.memref_slice %arg4[%add3A_283, %dma_start3A_587, %dma_start3A_588] : memref<4096x56x128xf32, #tpu.memory_space<hbm>> -> memref<1x50x64xf32, #tpu.memory_space<hbm>>
      %dma_start3A_590 = tpu.memref_squeeze %dma_start3A_589 : memref<1x50x64xf32, #tpu.memory_space<hbm>> -> memref<50x64xf32, #tpu.memory_space<hbm>>
      %dma_start3A_591 = arith.constant 0 : i32
      %dma_start3A_592 = arith.constant 0 : i32
      %dma_start3A_593 = tpu.memref_slice %arg4[%add3A_283, %dma_start3A_591, %dma_start3A_592] : memref<4096x56x128xf32, #tpu.memory_space<hbm>> -> memref<1x50x64xf32, #tpu.memory_space<hbm>>
      %dma_start3A_594 = tpu.memref_squeeze %dma_start3A_593 : memref<1x50x64xf32, #tpu.memory_space<hbm>> -> memref<50x64xf32, #tpu.memory_space<hbm>>
      %dma_start3A_595 = arith.constant 0 : i32
      %dma_start3A_596 = arith.constant 0 : i32
      %dma_start3A_597 = tpu.memref_slice %arg6[%run_scoped3A_284, %dma_start3A_595, %dma_start3A_596] : memref<16x104x64xf32, #tpu.memory_space<vmem>> -> memref<1x50x64xf32, #tpu.memory_space<vmem>>
      %dma_start3A_598 = tpu.memref_squeeze %dma_start3A_597 : memref<1x50x64xf32, #tpu.memory_space<vmem>> -> memref<50x64xf32, #tpu.memory_space<vmem>>
      tpu.enqueue_dma source(%dma_start3A_598 : memref<50x64xf32, #tpu.memory_space<vmem>>) target(%dma_start3A_594 : memref<50x64xf32, #tpu.memory_space<hbm>>) target_semaphore(%run_scoped3A_582 : memref<!tpu.dma_semaphore, #tpu.memory_space<semaphore_mem>>)
      %dma_wait3A_599 = arith.constant 0 : i32
      %dma_wait3A_600 = arith.constant 0 : i32
      %dma_wait3A_601 = tpu.memref_slice %arg6[%run_scoped3A_284, %dma_wait3A_599, %dma_wait3A_600] : memref<16x104x64xf32, #tpu.memory_space<vmem>> -> memref<1x50x64xf32, #tpu.memory_space<vmem>>
      %dma_wait3A_602 = tpu.memref_squeeze %dma_wait3A_601 : memref<1x50x64xf32, #tpu.memory_space<vmem>> -> memref<50x64xf32, #tpu.memory_space<vmem>>
      %dma_wait3A_603 = arith.constant 0 : i32
      %dma_wait3A_604 = arith.constant 0 : i32
      %dma_wait3A_605 = tpu.memref_slice %arg4[%add3A_283, %dma_wait3A_603, %dma_wait3A_604] : memref<4096x56x128xf32, #tpu.memory_space<hbm>> -> memref<1x50x64xf32, #tpu.memory_space<hbm>>
      %dma_wait3A_606 = tpu.memref_squeeze %dma_wait3A_605 : memref<1x50x64xf32, #tpu.memory_space<hbm>> -> memref<50x64xf32, #tpu.memory_space<hbm>>
      %dma_wait3A_607 = arith.constant 0 : i32
      %dma_wait3A_608 = arith.constant 0 : i32
      %dma_wait3A_609 = tpu.memref_slice %arg4[%add3A_283, %dma_wait3A_607, %dma_wait3A_608] : memref<4096x56x128xf32, #tpu.memory_space<hbm>> -> memref<1x50x64xf32, #tpu.memory_space<hbm>>
      %dma_wait3A_610 = tpu.memref_squeeze %dma_wait3A_609 : memref<1x50x64xf32, #tpu.memory_space<hbm>> -> memref<50x64xf32, #tpu.memory_space<hbm>>
      %dma_wait3A_611 = arith.constant 0 : i32
      %dma_wait3A_612 = arith.constant 0 : i32
      %dma_wait3A_613 = tpu.memref_slice %arg6[%run_scoped3A_284, %dma_wait3A_611, %dma_wait3A_612] : memref<16x104x64xf32, #tpu.memory_space<vmem>> -> memref<1x50x64xf32, #tpu.memory_space<vmem>>
      %dma_wait3A_614 = tpu.memref_squeeze %dma_wait3A_613 : memref<1x50x64xf32, #tpu.memory_space<vmem>> -> memref<50x64xf32, #tpu.memory_space<vmem>>
      tpu.wait_dma2 semaphore(%run_scoped3A_582 : memref<!tpu.dma_semaphore, #tpu.memory_space<semaphore_mem>>) src(%dma_wait3A_614 : memref<50x64xf32, #tpu.memory_space<vmem>>) dst(%dma_wait3A_610 : memref<50x64xf32, #tpu.memory_space<hbm>>)
      tpu.yield
    }) : () -> ()
    %add3A_285 = arith.constant 1 : i32
    %add3A_286 = arith.addi %add3A_283, %add3A_285 : i32
    %run_scoped3A_287 = arith.constant 1 : i32
    "tpu.region"() ({
      %run_scoped3A_582 = tpu.sem_alloc : memref<!tpu.dma_semaphore, #tpu.memory_space<semaphore_mem>>
      %dma_start3A_583 = arith.constant 50 : i32
      %dma_start3A_584 = arith.constant 0 : i32
      %dma_start3A_585 = tpu.memref_slice %arg6[%run_scoped3A_287, %dma_start3A_583, %dma_start3A_584] : memref<16x104x64xf32, #tpu.memory_space<vmem>> -> memref<1x50x64xf32, #tpu.memory_space<vmem>>
      %dma_start3A_586 = tpu.memref_squeeze %dma_start3A_585 : memref<1x50x64xf32, #tpu.memory_space<vmem>> -> memref<50x64xf32, #tpu.memory_space<vmem>>
      %dma_start3A_587 = arith.constant 0 : i32
      %dma_start3A_588 = arith.constant 0 : i32
      %dma_start3A_589 = tpu.memref_slice %arg4[%add3A_286, %dma_start3A_587, %dma_start3A_588] : memref<4096x56x128xf32, #tpu.memory_space<hbm>> -> memref<1x50x64xf32, #tpu.memory_space<hbm>>
      %dma_start3A_590 = tpu.memref_squeeze %dma_start3A_589 : memref<1x50x64xf32, #tpu.memory_space<hbm>> -> memref<50x64xf32, #tpu.memory_space<hbm>>
      %dma_start3A_591 = arith.constant 0 : i32
      %dma_start3A_592 = arith.constant 0 : i32
      %dma_start3A_593 = tpu.memref_slice %arg4[%add3A_286, %dma_start3A_591, %dma_start3A_592] : memref<4096x56x128xf32, #tpu.memory_space<hbm>> -> memref<1x50x64xf32, #tpu.memory_space<hbm>>
      %dma_start3A_594 = tpu.memref_squeeze %dma_start3A_593 : memref<1x50x64xf32, #tpu.memory_space<hbm>> -> memref<50x64xf32, #tpu.memory_space<hbm>>
      %dma_start3A_595 = arith.constant 50 : i32
      %dma_start3A_596 = arith.constant 0 : i32
      %dma_start3A_597 = tpu.memref_slice %arg6[%run_scoped3A_287, %dma_start3A_595, %dma_start3A_596] : memref<16x104x64xf32, #tpu.memory_space<vmem>> -> memref<1x50x64xf32, #tpu.memory_space<vmem>>
      %dma_start3A_598 = tpu.memref_squeeze %dma_start3A_597 : memref<1x50x64xf32, #tpu.memory_space<vmem>> -> memref<50x64xf32, #tpu.memory_space<vmem>>
      tpu.enqueue_dma source(%dma_start3A_598 : memref<50x64xf32, #tpu.memory_space<vmem>>) target(%dma_start3A_594 : memref<50x64xf32, #tpu.memory_space<hbm>>) target_semaphore(%run_scoped3A_582 : memref<!tpu.dma_semaphore, #tpu.memory_space<semaphore_mem>>)
      %dma_wait3A_599 = arith.constant 50 : i32
      %dma_wait3A_600 = arith.constant 0 : i32
      %dma_wait3A_601 = tpu.memref_slice %arg6[%run_scoped3A_287, %dma_wait3A_599, %dma_wait3A_600] : memref<16x104x64xf32, #tpu.memory_space<vmem>> -> memref<1x50x64xf32, #tpu.memory_space<vmem>>
      %dma_wait3A_602 = tpu.memref_squeeze %dma_wait3A_601 : memref<1x50x64xf32, #tpu.memory_space<vmem>> -> memref<50x64xf32, #tpu.memory_space<vmem>>
      %dma_wait3A_603 = arith.constant 0 : i32
      %dma_wait3A_604 = arith.constant 0 : i32
      %dma_wait3A_605 = tpu.memref_slice %arg4[%add3A_286, %dma_wait3A_603, %dma_wait3A_604] : memref<4096x56x128xf32, #tpu.memory_space<hbm>> -> memref<1x50x64xf32, #tpu.memory_space<hbm>>
      %dma_wait3A_606 = tpu.memref_squeeze %dma_wait3A_605 : memref<1x50x64xf32, #tpu.memory_space<hbm>> -> memref<50x64xf32, #tpu.memory_space<hbm>>
      %dma_wait3A_607 = arith.constant 0 : i32
      %dma_wait3A_608 = arith.constant 0 : i32
      %dma_wait3A_609 = tpu.memref_slice %arg4[%add3A_286, %dma_wait3A_607, %dma_wait3A_608] : memref<4096x56x128xf32, #tpu.memory_space<hbm>> -> memref<1x50x64xf32, #tpu.memory_space<hbm>>
      %dma_wait3A_610 = tpu.memref_squeeze %dma_wait3A_609 : memref<1x50x64xf32, #tpu.memory_space<hbm>> -> memref<50x64xf32, #tpu.memory_space<hbm>>
      %dma_wait3A_611 = arith.constant 50 : i32
      %dma_wait3A_612 = arith.constant 0 : i32
      %dma_wait3A_613 = tpu.memref_slice %arg6[%run_scoped3A_287, %dma_wait3A_611, %dma_wait3A_612] : memref<16x104x64xf32, #tpu.memory_space<vmem>> -> memref<1x50x64xf32, #tpu.memory_space<vmem>>
      %dma_wait3A_614 = tpu.memref_squeeze %dma_wait3A_613 : memref<1x50x64xf32, #tpu.memory_space<vmem>> -> memref<50x64xf32, #tpu.memory_space<vmem>>
      tpu.wait_dma2 semaphore(%run_scoped3A_582 : memref<!tpu.dma_semaphore, #tpu.memory_space<semaphore_mem>>) src(%dma_wait3A_614 : memref<50x64xf32, #tpu.memory_space<vmem>>) dst(%dma_wait3A_610 : memref<50x64xf32, #tpu.memory_space<hbm>>)
      tpu.yield
    }) : () -> ()
    %dma_wait3A_288 = arith.constant 0 : i32
    %dma_wait3A_289 = arith.constant 2 : i32
    %dma_wait3A_290 = arith.constant 2 : i32
    %dma_wait3A_291 = arith.constant 0 : i32
    %dma_wait3A_292 = arith.constant 0 : i32
    %dma_wait3A_293 = tpu.memref_slice %arg6[%dma_wait3A_289, %dma_wait3A_291, %dma_wait3A_292] : memref<16x104x64xf32, #tpu.memory_space<vmem>> -> memref<1x104x64xf32, #tpu.memory_space<vmem>>
    %dma_wait3A_294 = tpu.memref_squeeze %dma_wait3A_293 : memref<1x104x64xf32, #tpu.memory_space<vmem>> -> memref<104x64xf32, #tpu.memory_space<vmem>>
    %dma_wait3A_295 = arith.constant 0 : i32
    %dma_wait3A_296 = tpu.memref_slice %arg5[%dma_wait3A_288, %dma_wait3A_295] : memref<64x104xi32, #tpu.memory_space<vmem>> -> memref<1x104xi32, #tpu.memory_space<vmem>>
    %dma_wait3A_297 = tpu.memref_squeeze %dma_wait3A_296 : memref<1x104xi32, #tpu.memory_space<vmem>> -> memref<104xi32, #tpu.memory_space<vmem>>
    %dma_wait3A_298 = arith.constant 0 : i32
    %dma_wait3A_299 = arith.constant 0 : i32
    %dma_wait3A_300 = tpu.memref_slice %arg3[%dma_wait3A_298, %dma_wait3A_299] : memref<1000000x64xf32, #tpu.memory_space<hbm>> -> memref<1000000x64xf32, #tpu.memory_space<hbm>>
    %dma_wait3A_301 = tpu.memref_slice %arg7[%dma_wait3A_290] : memref<16x!tpu.dma_semaphore, #tpu.memory_space<semaphore_mem>> -> memref<1x!tpu.dma_semaphore, #tpu.memory_space<semaphore_mem>>
    %dma_wait3A_302 = tpu.memref_squeeze %dma_wait3A_301 : memref<1x!tpu.dma_semaphore, #tpu.memory_space<semaphore_mem>> -> memref<!tpu.dma_semaphore, #tpu.memory_space<semaphore_mem>>
    tpu.wait_indirect_dma semaphore(%dma_wait3A_302 : memref<!tpu.dma_semaphore, #tpu.memory_space<semaphore_mem>>) src(%dma_wait3A_300 : memref<1000000x64xf32, #tpu.memory_space<hbm>>) dst(%dma_wait3A_294 : memref<104x64xf32, #tpu.memory_space<vmem>>)
    %add3A_303 = arith.constant 100 : i32
    %add3A_304 = arith.addi %mul3A_2, %add3A_303 : i32
    %run_scoped3A_305 = arith.constant 2 : i32
    "tpu.region"() ({
      %run_scoped3A_582 = tpu.sem_alloc : memref<!tpu.dma_semaphore, #tpu.memory_space<semaphore_mem>>
      %dma_start3A_583 = arith.constant 0 : i32
      %dma_start3A_584 = arith.constant 0 : i32
      %dma_start3A_585 = tpu.memref_slice %arg6[%run_scoped3A_305, %dma_start3A_583, %dma_start3A_584] : memref<16x104x64xf32, #tpu.memory_space<vmem>> -> memref<1x50x64xf32, #tpu.memory_space<vmem>>
      %dma_start3A_586 = tpu.memref_squeeze %dma_start3A_585 : memref<1x50x64xf32, #tpu.memory_space<vmem>> -> memref<50x64xf32, #tpu.memory_space<vmem>>
      %dma_start3A_587 = arith.constant 0 : i32
      %dma_start3A_588 = arith.constant 0 : i32
      %dma_start3A_589 = tpu.memref_slice %arg4[%add3A_304, %dma_start3A_587, %dma_start3A_588] : memref<4096x56x128xf32, #tpu.memory_space<hbm>> -> memref<1x50x64xf32, #tpu.memory_space<hbm>>
      %dma_start3A_590 = tpu.memref_squeeze %dma_start3A_589 : memref<1x50x64xf32, #tpu.memory_space<hbm>> -> memref<50x64xf32, #tpu.memory_space<hbm>>
      %dma_start3A_591 = arith.constant 0 : i32
      %dma_start3A_592 = arith.constant 0 : i32
      %dma_start3A_593 = tpu.memref_slice %arg4[%add3A_304, %dma_start3A_591, %dma_start3A_592] : memref<4096x56x128xf32, #tpu.memory_space<hbm>> -> memref<1x50x64xf32, #tpu.memory_space<hbm>>
      %dma_start3A_594 = tpu.memref_squeeze %dma_start3A_593 : memref<1x50x64xf32, #tpu.memory_space<hbm>> -> memref<50x64xf32, #tpu.memory_space<hbm>>
      %dma_start3A_595 = arith.constant 0 : i32
      %dma_start3A_596 = arith.constant 0 : i32
      %dma_start3A_597 = tpu.memref_slice %arg6[%run_scoped3A_305, %dma_start3A_595, %dma_start3A_596] : memref<16x104x64xf32, #tpu.memory_space<vmem>> -> memref<1x50x64xf32, #tpu.memory_space<vmem>>
      %dma_start3A_598 = tpu.memref_squeeze %dma_start3A_597 : memref<1x50x64xf32, #tpu.memory_space<vmem>> -> memref<50x64xf32, #tpu.memory_space<vmem>>
      tpu.enqueue_dma source(%dma_start3A_598 : memref<50x64xf32, #tpu.memory_space<vmem>>) target(%dma_start3A_594 : memref<50x64xf32, #tpu.memory_space<hbm>>) target_semaphore(%run_scoped3A_582 : memref<!tpu.dma_semaphore, #tpu.memory_space<semaphore_mem>>)
      %dma_wait3A_599 = arith.constant 0 : i32
      %dma_wait3A_600 = arith.constant 0 : i32
      %dma_wait3A_601 = tpu.memref_slice %arg6[%run_scoped3A_305, %dma_wait3A_599, %dma_wait3A_600] : memref<16x104x64xf32, #tpu.memory_space<vmem>> -> memref<1x50x64xf32, #tpu.memory_space<vmem>>
      %dma_wait3A_602 = tpu.memref_squeeze %dma_wait3A_601 : memref<1x50x64xf32, #tpu.memory_space<vmem>> -> memref<50x64xf32, #tpu.memory_space<vmem>>
      %dma_wait3A_603 = arith.constant 0 : i32
      %dma_wait3A_604 = arith.constant 0 : i32
      %dma_wait3A_605 = tpu.memref_slice %arg4[%add3A_304, %dma_wait3A_603, %dma_wait3A_604] : memref<4096x56x128xf32, #tpu.memory_space<hbm>> -> memref<1x50x64xf32, #tpu.memory_space<hbm>>
      %dma_wait3A_606 = tpu.memref_squeeze %dma_wait3A_605 : memref<1x50x64xf32, #tpu.memory_space<hbm>> -> memref<50x64xf32, #tpu.memory_space<hbm>>
      %dma_wait3A_607 = arith.constant 0 : i32
      %dma_wait3A_608 = arith.constant 0 : i32
      %dma_wait3A_609 = tpu.memref_slice %arg4[%add3A_304, %dma_wait3A_607, %dma_wait3A_608] : memref<4096x56x128xf32, #tpu.memory_space<hbm>> -> memref<1x50x64xf32, #tpu.memory_space<hbm>>
      %dma_wait3A_610 = tpu.memref_squeeze %dma_wait3A_609 : memref<1x50x64xf32, #tpu.memory_space<hbm>> -> memref<50x64xf32, #tpu.memory_space<hbm>>
      %dma_wait3A_611 = arith.constant 0 : i32
      %dma_wait3A_612 = arith.constant 0 : i32
      %dma_wait3A_613 = tpu.memref_slice %arg6[%run_scoped3A_305, %dma_wait3A_611, %dma_wait3A_612] : memref<16x104x64xf32, #tpu.memory_space<vmem>> -> memref<1x50x64xf32, #tpu.memory_space<vmem>>
      %dma_wait3A_614 = tpu.memref_squeeze %dma_wait3A_613 : memref<1x50x64xf32, #tpu.memory_space<vmem>> -> memref<50x64xf32, #tpu.memory_space<vmem>>
      tpu.wait_dma2 semaphore(%run_scoped3A_582 : memref<!tpu.dma_semaphore, #tpu.memory_space<semaphore_mem>>) src(%dma_wait3A_614 : memref<50x64xf32, #tpu.memory_space<vmem>>) dst(%dma_wait3A_610 : memref<50x64xf32, #tpu.memory_space<hbm>>)
      tpu.yield
    }) : () -> ()
    %add3A_306 = arith.constant 1 : i32
    %add3A_307 = arith.addi %add3A_304, %add3A_306 : i32
    %run_scoped3A_308 = arith.constant 2 : i32
    "tpu.region"() ({
      %run_scoped3A_582 = tpu.sem_alloc : memref<!tpu.dma_semaphore, #tpu.memory_space<semaphore_mem>>
      %dma_start3A_583 = arith.constant 50 : i32
      %dma_start3A_584 = arith.constant 0 : i32
      %dma_start3A_585 = tpu.memref_slice %arg6[%run_scoped3A_308, %dma_start3A_583, %dma_start3A_584] : memref<16x104x64xf32, #tpu.memory_space<vmem>> -> memref<1x50x64xf32, #tpu.memory_space<vmem>>
      %dma_start3A_586 = tpu.memref_squeeze %dma_start3A_585 : memref<1x50x64xf32, #tpu.memory_space<vmem>> -> memref<50x64xf32, #tpu.memory_space<vmem>>
      %dma_start3A_587 = arith.constant 0 : i32
      %dma_start3A_588 = arith.constant 0 : i32
      %dma_start3A_589 = tpu.memref_slice %arg4[%add3A_307, %dma_start3A_587, %dma_start3A_588] : memref<4096x56x128xf32, #tpu.memory_space<hbm>> -> memref<1x50x64xf32, #tpu.memory_space<hbm>>
      %dma_start3A_590 = tpu.memref_squeeze %dma_start3A_589 : memref<1x50x64xf32, #tpu.memory_space<hbm>> -> memref<50x64xf32, #tpu.memory_space<hbm>>
      %dma_start3A_591 = arith.constant 0 : i32
      %dma_start3A_592 = arith.constant 0 : i32
      %dma_start3A_593 = tpu.memref_slice %arg4[%add3A_307, %dma_start3A_591, %dma_start3A_592] : memref<4096x56x128xf32, #tpu.memory_space<hbm>> -> memref<1x50x64xf32, #tpu.memory_space<hbm>>
      %dma_start3A_594 = tpu.memref_squeeze %dma_start3A_593 : memref<1x50x64xf32, #tpu.memory_space<hbm>> -> memref<50x64xf32, #tpu.memory_space<hbm>>
      %dma_start3A_595 = arith.constant 50 : i32
      %dma_start3A_596 = arith.constant 0 : i32
      %dma_start3A_597 = tpu.memref_slice %arg6[%run_scoped3A_308, %dma_start3A_595, %dma_start3A_596] : memref<16x104x64xf32, #tpu.memory_space<vmem>> -> memref<1x50x64xf32, #tpu.memory_space<vmem>>
      %dma_start3A_598 = tpu.memref_squeeze %dma_start3A_597 : memref<1x50x64xf32, #tpu.memory_space<vmem>> -> memref<50x64xf32, #tpu.memory_space<vmem>>
      tpu.enqueue_dma source(%dma_start3A_598 : memref<50x64xf32, #tpu.memory_space<vmem>>) target(%dma_start3A_594 : memref<50x64xf32, #tpu.memory_space<hbm>>) target_semaphore(%run_scoped3A_582 : memref<!tpu.dma_semaphore, #tpu.memory_space<semaphore_mem>>)
      %dma_wait3A_599 = arith.constant 50 : i32
      %dma_wait3A_600 = arith.constant 0 : i32
      %dma_wait3A_601 = tpu.memref_slice %arg6[%run_scoped3A_308, %dma_wait3A_599, %dma_wait3A_600] : memref<16x104x64xf32, #tpu.memory_space<vmem>> -> memref<1x50x64xf32, #tpu.memory_space<vmem>>
      %dma_wait3A_602 = tpu.memref_squeeze %dma_wait3A_601 : memref<1x50x64xf32, #tpu.memory_space<vmem>> -> memref<50x64xf32, #tpu.memory_space<vmem>>
      %dma_wait3A_603 = arith.constant 0 : i32
      %dma_wait3A_604 = arith.constant 0 : i32
      %dma_wait3A_605 = tpu.memref_slice %arg4[%add3A_307, %dma_wait3A_603, %dma_wait3A_604] : memref<4096x56x128xf32, #tpu.memory_space<hbm>> -> memref<1x50x64xf32, #tpu.memory_space<hbm>>
      %dma_wait3A_606 = tpu.memref_squeeze %dma_wait3A_605 : memref<1x50x64xf32, #tpu.memory_space<hbm>> -> memref<50x64xf32, #tpu.memory_space<hbm>>
      %dma_wait3A_607 = arith.constant 0 : i32
      %dma_wait3A_608 = arith.constant 0 : i32
      %dma_wait3A_609 = tpu.memref_slice %arg4[%add3A_307, %dma_wait3A_607, %dma_wait3A_608] : memref<4096x56x128xf32, #tpu.memory_space<hbm>> -> memref<1x50x64xf32, #tpu.memory_space<hbm>>
      %dma_wait3A_610 = tpu.memref_squeeze %dma_wait3A_609 : memref<1x50x64xf32, #tpu.memory_space<hbm>> -> memref<50x64xf32, #tpu.memory_space<hbm>>
      %dma_wait3A_611 = arith.constant 50 : i32
      %dma_wait3A_612 = arith.constant 0 : i32
      %dma_wait3A_613 = tpu.memref_slice %arg6[%run_scoped3A_308, %dma_wait3A_611, %dma_wait3A_612] : memref<16x104x64xf32, #tpu.memory_space<vmem>> -> memref<1x50x64xf32, #tpu.memory_space<vmem>>
      %dma_wait3A_614 = tpu.memref_squeeze %dma_wait3A_613 : memref<1x50x64xf32, #tpu.memory_space<vmem>> -> memref<50x64xf32, #tpu.memory_space<vmem>>
      tpu.wait_dma2 semaphore(%run_scoped3A_582 : memref<!tpu.dma_semaphore, #tpu.memory_space<semaphore_mem>>) src(%dma_wait3A_614 : memref<50x64xf32, #tpu.memory_space<vmem>>) dst(%dma_wait3A_610 : memref<50x64xf32, #tpu.memory_space<hbm>>)
      tpu.yield
    }) : () -> ()
    %dma_wait3A_309 = arith.constant 0 : i32
    %dma_wait3A_310 = arith.constant 3 : i32
    %dma_wait3A_311 = arith.constant 3 : i32
    %dma_wait3A_312 = arith.constant 0 : i32
    %dma_wait3A_313 = arith.constant 0 : i32
    %dma_wait3A_314 = tpu.memref_slice %arg6[%dma_wait3A_310, %dma_wait3A_312, %dma_wait3A_313] : memref<16x104x64xf32, #tpu.memory_space<vmem>> -> memref<1x104x64xf32, #tpu.memory_space<vmem>>
    %dma_wait3A_315 = tpu.memref_squeeze %dma_wait3A_314 : memref<1x104x64xf32, #tpu.memory_space<vmem>> -> memref<104x64xf32, #tpu.memory_space<vmem>>
    %dma_wait3A_316 = arith.constant 0 : i32
    %dma_wait3A_317 = tpu.memref_slice %arg5[%dma_wait3A_309, %dma_wait3A_316] : memref<64x104xi32, #tpu.memory_space<vmem>> -> memref<1x104xi32, #tpu.memory_space<vmem>>
    %dma_wait3A_318 = tpu.memref_squeeze %dma_wait3A_317 : memref<1x104xi32, #tpu.memory_space<vmem>> -> memref<104xi32, #tpu.memory_space<vmem>>
    %dma_wait3A_319 = arith.constant 0 : i32
    %dma_wait3A_320 = arith.constant 0 : i32
    %dma_wait3A_321 = tpu.memref_slice %arg3[%dma_wait3A_319, %dma_wait3A_320] : memref<1000000x64xf32, #tpu.memory_space<hbm>> -> memref<1000000x64xf32, #tpu.memory_space<hbm>>
    %dma_wait3A_322 = tpu.memref_slice %arg7[%dma_wait3A_311] : memref<16x!tpu.dma_semaphore, #tpu.memory_space<semaphore_mem>> -> memref<1x!tpu.dma_semaphore, #tpu.memory_space<semaphore_mem>>
    %dma_wait3A_323 = tpu.memref_squeeze %dma_wait3A_322 : memref<1x!tpu.dma_semaphore, #tpu.memory_space<semaphore_mem>> -> memref<!tpu.dma_semaphore, #tpu.memory_space<semaphore_mem>>
    tpu.wait_indirect_dma semaphore(%dma_wait3A_323 : memref<!tpu.dma_semaphore, #tpu.memory_space<semaphore_mem>>) src(%dma_wait3A_321 : memref<1000000x64xf32, #tpu.memory_space<hbm>>) dst(%dma_wait3A_315 : memref<104x64xf32, #tpu.memory_space<vmem>>)
    %add3A_324 = arith.constant 102 : i32
    %add3A_325 = arith.addi %mul3A_2, %add3A_324 : i32
    %run_scoped3A_326 = arith.constant 3 : i32
    "tpu.region"() ({
      %run_scoped3A_582 = tpu.sem_alloc : memref<!tpu.dma_semaphore, #tpu.memory_space<semaphore_mem>>
      %dma_start3A_583 = arith.constant 0 : i32
      %dma_start3A_584 = arith.constant 0 : i32
      %dma_start3A_585 = tpu.memref_slice %arg6[%run_scoped3A_326, %dma_start3A_583, %dma_start3A_584] : memref<16x104x64xf32, #tpu.memory_space<vmem>> -> memref<1x50x64xf32, #tpu.memory_space<vmem>>
      %dma_start3A_586 = tpu.memref_squeeze %dma_start3A_585 : memref<1x50x64xf32, #tpu.memory_space<vmem>> -> memref<50x64xf32, #tpu.memory_space<vmem>>
      %dma_start3A_587 = arith.constant 0 : i32
      %dma_start3A_588 = arith.constant 0 : i32
      %dma_start3A_589 = tpu.memref_slice %arg4[%add3A_325, %dma_start3A_587, %dma_start3A_588] : memref<4096x56x128xf32, #tpu.memory_space<hbm>> -> memref<1x50x64xf32, #tpu.memory_space<hbm>>
      %dma_start3A_590 = tpu.memref_squeeze %dma_start3A_589 : memref<1x50x64xf32, #tpu.memory_space<hbm>> -> memref<50x64xf32, #tpu.memory_space<hbm>>
      %dma_start3A_591 = arith.constant 0 : i32
      %dma_start3A_592 = arith.constant 0 : i32
      %dma_start3A_593 = tpu.memref_slice %arg4[%add3A_325, %dma_start3A_591, %dma_start3A_592] : memref<4096x56x128xf32, #tpu.memory_space<hbm>> -> memref<1x50x64xf32, #tpu.memory_space<hbm>>
      %dma_start3A_594 = tpu.memref_squeeze %dma_start3A_593 : memref<1x50x64xf32, #tpu.memory_space<hbm>> -> memref<50x64xf32, #tpu.memory_space<hbm>>
      %dma_start3A_595 = arith.constant 0 : i32
      %dma_start3A_596 = arith.constant 0 : i32
      %dma_start3A_597 = tpu.memref_slice %arg6[%run_scoped3A_326, %dma_start3A_595, %dma_start3A_596] : memref<16x104x64xf32, #tpu.memory_space<vmem>> -> memref<1x50x64xf32, #tpu.memory_space<vmem>>
      %dma_start3A_598 = tpu.memref_squeeze %dma_start3A_597 : memref<1x50x64xf32, #tpu.memory_space<vmem>> -> memref<50x64xf32, #tpu.memory_space<vmem>>
      tpu.enqueue_dma source(%dma_start3A_598 : memref<50x64xf32, #tpu.memory_space<vmem>>) target(%dma_start3A_594 : memref<50x64xf32, #tpu.memory_space<hbm>>) target_semaphore(%run_scoped3A_582 : memref<!tpu.dma_semaphore, #tpu.memory_space<semaphore_mem>>)
      %dma_wait3A_599 = arith.constant 0 : i32
      %dma_wait3A_600 = arith.constant 0 : i32
      %dma_wait3A_601 = tpu.memref_slice %arg6[%run_scoped3A_326, %dma_wait3A_599, %dma_wait3A_600] : memref<16x104x64xf32, #tpu.memory_space<vmem>> -> memref<1x50x64xf32, #tpu.memory_space<vmem>>
      %dma_wait3A_602 = tpu.memref_squeeze %dma_wait3A_601 : memref<1x50x64xf32, #tpu.memory_space<vmem>> -> memref<50x64xf32, #tpu.memory_space<vmem>>
      %dma_wait3A_603 = arith.constant 0 : i32
      %dma_wait3A_604 = arith.constant 0 : i32
      %dma_wait3A_605 = tpu.memref_slice %arg4[%add3A_325, %dma_wait3A_603, %dma_wait3A_604] : memref<4096x56x128xf32, #tpu.memory_space<hbm>> -> memref<1x50x64xf32, #tpu.memory_space<hbm>>
      %dma_wait3A_606 = tpu.memref_squeeze %dma_wait3A_605 : memref<1x50x64xf32, #tpu.memory_space<hbm>> -> memref<50x64xf32, #tpu.memory_space<hbm>>
      %dma_wait3A_607 = arith.constant 0 : i32
      %dma_wait3A_608 = arith.constant 0 : i32
      %dma_wait3A_609 = tpu.memref_slice %arg4[%add3A_325, %dma_wait3A_607, %dma_wait3A_608] : memref<4096x56x128xf32, #tpu.memory_space<hbm>> -> memref<1x50x64xf32, #tpu.memory_space<hbm>>
      %dma_wait3A_610 = tpu.memref_squeeze %dma_wait3A_609 : memref<1x50x64xf32, #tpu.memory_space<hbm>> -> memref<50x64xf32, #tpu.memory_space<hbm>>
      %dma_wait3A_611 = arith.constant 0 : i32
      %dma_wait3A_612 = arith.constant 0 : i32
      %dma_wait3A_613 = tpu.memref_slice %arg6[%run_scoped3A_326, %dma_wait3A_611, %dma_wait3A_612] : memref<16x104x64xf32, #tpu.memory_space<vmem>> -> memref<1x50x64xf32, #tpu.memory_space<vmem>>
      %dma_wait3A_614 = tpu.memref_squeeze %dma_wait3A_613 : memref<1x50x64xf32, #tpu.memory_space<vmem>> -> memref<50x64xf32, #tpu.memory_space<vmem>>
      tpu.wait_dma2 semaphore(%run_scoped3A_582 : memref<!tpu.dma_semaphore, #tpu.memory_space<semaphore_mem>>) src(%dma_wait3A_614 : memref<50x64xf32, #tpu.memory_space<vmem>>) dst(%dma_wait3A_610 : memref<50x64xf32, #tpu.memory_space<hbm>>)
      tpu.yield
    }) : () -> ()
    %add3A_327 = arith.constant 1 : i32
    %add3A_328 = arith.addi %add3A_325, %add3A_327 : i32
    %run_scoped3A_329 = arith.constant 3 : i32
    "tpu.region"() ({
      %run_scoped3A_582 = tpu.sem_alloc : memref<!tpu.dma_semaphore, #tpu.memory_space<semaphore_mem>>
      %dma_start3A_583 = arith.constant 50 : i32
      %dma_start3A_584 = arith.constant 0 : i32
      %dma_start3A_585 = tpu.memref_slice %arg6[%run_scoped3A_329, %dma_start3A_583, %dma_start3A_584] : memref<16x104x64xf32, #tpu.memory_space<vmem>> -> memref<1x50x64xf32, #tpu.memory_space<vmem>>
      %dma_start3A_586 = tpu.memref_squeeze %dma_start3A_585 : memref<1x50x64xf32, #tpu.memory_space<vmem>> -> memref<50x64xf32, #tpu.memory_space<vmem>>
      %dma_start3A_587 = arith.constant 0 : i32
      %dma_start3A_588 = arith.constant 0 : i32
      %dma_start3A_589 = tpu.memref_slice %arg4[%add3A_328, %dma_start3A_587, %dma_start3A_588] : memref<4096x56x128xf32, #tpu.memory_space<hbm>> -> memref<1x50x64xf32, #tpu.memory_space<hbm>>
      %dma_start3A_590 = tpu.memref_squeeze %dma_start3A_589 : memref<1x50x64xf32, #tpu.memory_space<hbm>> -> memref<50x64xf32, #tpu.memory_space<hbm>>
      %dma_start3A_591 = arith.constant 0 : i32
      %dma_start3A_592 = arith.constant 0 : i32
      %dma_start3A_593 = tpu.memref_slice %arg4[%add3A_328, %dma_start3A_591, %dma_start3A_592] : memref<4096x56x128xf32, #tpu.memory_space<hbm>> -> memref<1x50x64xf32, #tpu.memory_space<hbm>>
      %dma_start3A_594 = tpu.memref_squeeze %dma_start3A_593 : memref<1x50x64xf32, #tpu.memory_space<hbm>> -> memref<50x64xf32, #tpu.memory_space<hbm>>
      %dma_start3A_595 = arith.constant 50 : i32
      %dma_start3A_596 = arith.constant 0 : i32
      %dma_start3A_597 = tpu.memref_slice %arg6[%run_scoped3A_329, %dma_start3A_595, %dma_start3A_596] : memref<16x104x64xf32, #tpu.memory_space<vmem>> -> memref<1x50x64xf32, #tpu.memory_space<vmem>>
      %dma_start3A_598 = tpu.memref_squeeze %dma_start3A_597 : memref<1x50x64xf32, #tpu.memory_space<vmem>> -> memref<50x64xf32, #tpu.memory_space<vmem>>
      tpu.enqueue_dma source(%dma_start3A_598 : memref<50x64xf32, #tpu.memory_space<vmem>>) target(%dma_start3A_594 : memref<50x64xf32, #tpu.memory_space<hbm>>) target_semaphore(%run_scoped3A_582 : memref<!tpu.dma_semaphore, #tpu.memory_space<semaphore_mem>>)
      %dma_wait3A_599 = arith.constant 50 : i32
      %dma_wait3A_600 = arith.constant 0 : i32
      %dma_wait3A_601 = tpu.memref_slice %arg6[%run_scoped3A_329, %dma_wait3A_599, %dma_wait3A_600] : memref<16x104x64xf32, #tpu.memory_space<vmem>> -> memref<1x50x64xf32, #tpu.memory_space<vmem>>
      %dma_wait3A_602 = tpu.memref_squeeze %dma_wait3A_601 : memref<1x50x64xf32, #tpu.memory_space<vmem>> -> memref<50x64xf32, #tpu.memory_space<vmem>>
      %dma_wait3A_603 = arith.constant 0 : i32
      %dma_wait3A_604 = arith.constant 0 : i32
      %dma_wait3A_605 = tpu.memref_slice %arg4[%add3A_328, %dma_wait3A_603, %dma_wait3A_604] : memref<4096x56x128xf32, #tpu.memory_space<hbm>> -> memref<1x50x64xf32, #tpu.memory_space<hbm>>
      %dma_wait3A_606 = tpu.memref_squeeze %dma_wait3A_605 : memref<1x50x64xf32, #tpu.memory_space<hbm>> -> memref<50x64xf32, #tpu.memory_space<hbm>>
      %dma_wait3A_607 = arith.constant 0 : i32
      %dma_wait3A_608 = arith.constant 0 : i32
      %dma_wait3A_609 = tpu.memref_slice %arg4[%add3A_328, %dma_wait3A_607, %dma_wait3A_608] : memref<4096x56x128xf32, #tpu.memory_space<hbm>> -> memref<1x50x64xf32, #tpu.memory_space<hbm>>
      %dma_wait3A_610 = tpu.memref_squeeze %dma_wait3A_609 : memref<1x50x64xf32, #tpu.memory_space<hbm>> -> memref<50x64xf32, #tpu.memory_space<hbm>>
      %dma_wait3A_611 = arith.constant 50 : i32
      %dma_wait3A_612 = arith.constant 0 : i32
      %dma_wait3A_613 = tpu.memref_slice %arg6[%run_scoped3A_329, %dma_wait3A_611, %dma_wait3A_612] : memref<16x104x64xf32, #tpu.memory_space<vmem>> -> memref<1x50x64xf32, #tpu.memory_space<vmem>>
      %dma_wait3A_614 = tpu.memref_squeeze %dma_wait3A_613 : memref<1x50x64xf32, #tpu.memory_space<vmem>> -> memref<50x64xf32, #tpu.memory_space<vmem>>
      tpu.wait_dma2 semaphore(%run_scoped3A_582 : memref<!tpu.dma_semaphore, #tpu.memory_space<semaphore_mem>>) src(%dma_wait3A_614 : memref<50x64xf32, #tpu.memory_space<vmem>>) dst(%dma_wait3A_610 : memref<50x64xf32, #tpu.memory_space<hbm>>)
      tpu.yield
    }) : () -> ()
    %dma_wait3A_330 = arith.constant 0 : i32
    %dma_wait3A_331 = arith.constant 4 : i32
    %dma_wait3A_332 = arith.constant 4 : i32
    %dma_wait3A_333 = arith.constant 0 : i32
    %dma_wait3A_334 = arith.constant 0 : i32
    %dma_wait3A_335 = tpu.memref_slice %arg6[%dma_wait3A_331, %dma_wait3A_333, %dma_wait3A_334] : memref<16x104x64xf32, #tpu.memory_space<vmem>> -> memref<1x104x64xf32, #tpu.memory_space<vmem>>
    %dma_wait3A_336 = tpu.memref_squeeze %dma_wait3A_335 : memref<1x104x64xf32, #tpu.memory_space<vmem>> -> memref<104x64xf32, #tpu.memory_space<vmem>>
    %dma_wait3A_337 = arith.constant 0 : i32
    %dma_wait3A_338 = tpu.memref_slice %arg5[%dma_wait3A_330, %dma_wait3A_337] : memref<64x104xi32, #tpu.memory_space<vmem>> -> memref<1x104xi32, #tpu.memory_space<vmem>>
    %dma_wait3A_339 = tpu.memref_squeeze %dma_wait3A_338 : memref<1x104xi32, #tpu.memory_space<vmem>> -> memref<104xi32, #tpu.memory_space<vmem>>
    %dma_wait3A_340 = arith.constant 0 : i32
    %dma_wait3A_341 = arith.constant 0 : i32
    %dma_wait3A_342 = tpu.memref_slice %arg3[%dma_wait3A_340, %dma_wait3A_341] : memref<1000000x64xf32, #tpu.memory_space<hbm>> -> memref<1000000x64xf32, #tpu.memory_space<hbm>>
    %dma_wait3A_343 = tpu.memref_slice %arg7[%dma_wait3A_332] : memref<16x!tpu.dma_semaphore, #tpu.memory_space<semaphore_mem>> -> memref<1x!tpu.dma_semaphore, #tpu.memory_space<semaphore_mem>>
    %dma_wait3A_344 = tpu.memref_squeeze %dma_wait3A_343 : memref<1x!tpu.dma_semaphore, #tpu.memory_space<semaphore_mem>> -> memref<!tpu.dma_semaphore, #tpu.memory_space<semaphore_mem>>
    tpu.wait_indirect_dma semaphore(%dma_wait3A_344 : memref<!tpu.dma_semaphore, #tpu.memory_space<semaphore_mem>>) src(%dma_wait3A_342 : memref<1000000x64xf32, #tpu.memory_space<hbm>>) dst(%dma_wait3A_336 : memref<104x64xf32, #tpu.memory_space<vmem>>)
    %add3A_345 = arith.constant 104 : i32
    %add3A_346 = arith.addi %mul3A_2, %add3A_345 : i32
    %run_scoped3A_347 = arith.constant 4 : i32
    "tpu.region"() ({
      %run_scoped3A_582 = tpu.sem_alloc : memref<!tpu.dma_semaphore, #tpu.memory_space<semaphore_mem>>
      %dma_start3A_583 = arith.constant 0 : i32
      %dma_start3A_584 = arith.constant 0 : i32
      %dma_start3A_585 = tpu.memref_slice %arg6[%run_scoped3A_347, %dma_start3A_583, %dma_start3A_584] : memref<16x104x64xf32, #tpu.memory_space<vmem>> -> memref<1x50x64xf32, #tpu.memory_space<vmem>>
      %dma_start3A_586 = tpu.memref_squeeze %dma_start3A_585 : memref<1x50x64xf32, #tpu.memory_space<vmem>> -> memref<50x64xf32, #tpu.memory_space<vmem>>
      %dma_start3A_587 = arith.constant 0 : i32
      %dma_start3A_588 = arith.constant 0 : i32
      %dma_start3A_589 = tpu.memref_slice %arg4[%add3A_346, %dma_start3A_587, %dma_start3A_588] : memref<4096x56x128xf32, #tpu.memory_space<hbm>> -> memref<1x50x64xf32, #tpu.memory_space<hbm>>
      %dma_start3A_590 = tpu.memref_squeeze %dma_start3A_589 : memref<1x50x64xf32, #tpu.memory_space<hbm>> -> memref<50x64xf32, #tpu.memory_space<hbm>>
      %dma_start3A_591 = arith.constant 0 : i32
      %dma_start3A_592 = arith.constant 0 : i32
      %dma_start3A_593 = tpu.memref_slice %arg4[%add3A_346, %dma_start3A_591, %dma_start3A_592] : memref<4096x56x128xf32, #tpu.memory_space<hbm>> -> memref<1x50x64xf32, #tpu.memory_space<hbm>>
      %dma_start3A_594 = tpu.memref_squeeze %dma_start3A_593 : memref<1x50x64xf32, #tpu.memory_space<hbm>> -> memref<50x64xf32, #tpu.memory_space<hbm>>
      %dma_start3A_595 = arith.constant 0 : i32
      %dma_start3A_596 = arith.constant 0 : i32
      %dma_start3A_597 = tpu.memref_slice %arg6[%run_scoped3A_347, %dma_start3A_595, %dma_start3A_596] : memref<16x104x64xf32, #tpu.memory_space<vmem>> -> memref<1x50x64xf32, #tpu.memory_space<vmem>>
      %dma_start3A_598 = tpu.memref_squeeze %dma_start3A_597 : memref<1x50x64xf32, #tpu.memory_space<vmem>> -> memref<50x64xf32, #tpu.memory_space<vmem>>
      tpu.enqueue_dma source(%dma_start3A_598 : memref<50x64xf32, #tpu.memory_space<vmem>>) target(%dma_start3A_594 : memref<50x64xf32, #tpu.memory_space<hbm>>) target_semaphore(%run_scoped3A_582 : memref<!tpu.dma_semaphore, #tpu.memory_space<semaphore_mem>>)
      %dma_wait3A_599 = arith.constant 0 : i32
      %dma_wait3A_600 = arith.constant 0 : i32
      %dma_wait3A_601 = tpu.memref_slice %arg6[%run_scoped3A_347, %dma_wait3A_599, %dma_wait3A_600] : memref<16x104x64xf32, #tpu.memory_space<vmem>> -> memref<1x50x64xf32, #tpu.memory_space<vmem>>
      %dma_wait3A_602 = tpu.memref_squeeze %dma_wait3A_601 : memref<1x50x64xf32, #tpu.memory_space<vmem>> -> memref<50x64xf32, #tpu.memory_space<vmem>>
      %dma_wait3A_603 = arith.constant 0 : i32
      %dma_wait3A_604 = arith.constant 0 : i32
      %dma_wait3A_605 = tpu.memref_slice %arg4[%add3A_346, %dma_wait3A_603, %dma_wait3A_604] : memref<4096x56x128xf32, #tpu.memory_space<hbm>> -> memref<1x50x64xf32, #tpu.memory_space<hbm>>
      %dma_wait3A_606 = tpu.memref_squeeze %dma_wait3A_605 : memref<1x50x64xf32, #tpu.memory_space<hbm>> -> memref<50x64xf32, #tpu.memory_space<hbm>>
      %dma_wait3A_607 = arith.constant 0 : i32
      %dma_wait3A_608 = arith.constant 0 : i32
      %dma_wait3A_609 = tpu.memref_slice %arg4[%add3A_346, %dma_wait3A_607, %dma_wait3A_608] : memref<4096x56x128xf32, #tpu.memory_space<hbm>> -> memref<1x50x64xf32, #tpu.memory_space<hbm>>
      %dma_wait3A_610 = tpu.memref_squeeze %dma_wait3A_609 : memref<1x50x64xf32, #tpu.memory_space<hbm>> -> memref<50x64xf32, #tpu.memory_space<hbm>>
      %dma_wait3A_611 = arith.constant 0 : i32
      %dma_wait3A_612 = arith.constant 0 : i32
      %dma_wait3A_613 = tpu.memref_slice %arg6[%run_scoped3A_347, %dma_wait3A_611, %dma_wait3A_612] : memref<16x104x64xf32, #tpu.memory_space<vmem>> -> memref<1x50x64xf32, #tpu.memory_space<vmem>>
      %dma_wait3A_614 = tpu.memref_squeeze %dma_wait3A_613 : memref<1x50x64xf32, #tpu.memory_space<vmem>> -> memref<50x64xf32, #tpu.memory_space<vmem>>
      tpu.wait_dma2 semaphore(%run_scoped3A_582 : memref<!tpu.dma_semaphore, #tpu.memory_space<semaphore_mem>>) src(%dma_wait3A_614 : memref<50x64xf32, #tpu.memory_space<vmem>>) dst(%dma_wait3A_610 : memref<50x64xf32, #tpu.memory_space<hbm>>)
      tpu.yield
    }) : () -> ()
    %add3A_348 = arith.constant 1 : i32
    %add3A_349 = arith.addi %add3A_346, %add3A_348 : i32
    %run_scoped3A_350 = arith.constant 4 : i32
    "tpu.region"() ({
      %run_scoped3A_582 = tpu.sem_alloc : memref<!tpu.dma_semaphore, #tpu.memory_space<semaphore_mem>>
      %dma_start3A_583 = arith.constant 50 : i32
      %dma_start3A_584 = arith.constant 0 : i32
      %dma_start3A_585 = tpu.memref_slice %arg6[%run_scoped3A_350, %dma_start3A_583, %dma_start3A_584] : memref<16x104x64xf32, #tpu.memory_space<vmem>> -> memref<1x50x64xf32, #tpu.memory_space<vmem>>
      %dma_start3A_586 = tpu.memref_squeeze %dma_start3A_585 : memref<1x50x64xf32, #tpu.memory_space<vmem>> -> memref<50x64xf32, #tpu.memory_space<vmem>>
      %dma_start3A_587 = arith.constant 0 : i32
      %dma_start3A_588 = arith.constant 0 : i32
      %dma_start3A_589 = tpu.memref_slice %arg4[%add3A_349, %dma_start3A_587, %dma_start3A_588] : memref<4096x56x128xf32, #tpu.memory_space<hbm>> -> memref<1x50x64xf32, #tpu.memory_space<hbm>>
      %dma_start3A_590 = tpu.memref_squeeze %dma_start3A_589 : memref<1x50x64xf32, #tpu.memory_space<hbm>> -> memref<50x64xf32, #tpu.memory_space<hbm>>
      %dma_start3A_591 = arith.constant 0 : i32
      %dma_start3A_592 = arith.constant 0 : i32
      %dma_start3A_593 = tpu.memref_slice %arg4[%add3A_349, %dma_start3A_591, %dma_start3A_592] : memref<4096x56x128xf32, #tpu.memory_space<hbm>> -> memref<1x50x64xf32, #tpu.memory_space<hbm>>
      %dma_start3A_594 = tpu.memref_squeeze %dma_start3A_593 : memref<1x50x64xf32, #tpu.memory_space<hbm>> -> memref<50x64xf32, #tpu.memory_space<hbm>>
      %dma_start3A_595 = arith.constant 50 : i32
      %dma_start3A_596 = arith.constant 0 : i32
      %dma_start3A_597 = tpu.memref_slice %arg6[%run_scoped3A_350, %dma_start3A_595, %dma_start3A_596] : memref<16x104x64xf32, #tpu.memory_space<vmem>> -> memref<1x50x64xf32, #tpu.memory_space<vmem>>
      %dma_start3A_598 = tpu.memref_squeeze %dma_start3A_597 : memref<1x50x64xf32, #tpu.memory_space<vmem>> -> memref<50x64xf32, #tpu.memory_space<vmem>>
      tpu.enqueue_dma source(%dma_start3A_598 : memref<50x64xf32, #tpu.memory_space<vmem>>) target(%dma_start3A_594 : memref<50x64xf32, #tpu.memory_space<hbm>>) target_semaphore(%run_scoped3A_582 : memref<!tpu.dma_semaphore, #tpu.memory_space<semaphore_mem>>)
      %dma_wait3A_599 = arith.constant 50 : i32
      %dma_wait3A_600 = arith.constant 0 : i32
      %dma_wait3A_601 = tpu.memref_slice %arg6[%run_scoped3A_350, %dma_wait3A_599, %dma_wait3A_600] : memref<16x104x64xf32, #tpu.memory_space<vmem>> -> memref<1x50x64xf32, #tpu.memory_space<vmem>>
      %dma_wait3A_602 = tpu.memref_squeeze %dma_wait3A_601 : memref<1x50x64xf32, #tpu.memory_space<vmem>> -> memref<50x64xf32, #tpu.memory_space<vmem>>
      %dma_wait3A_603 = arith.constant 0 : i32
      %dma_wait3A_604 = arith.constant 0 : i32
      %dma_wait3A_605 = tpu.memref_slice %arg4[%add3A_349, %dma_wait3A_603, %dma_wait3A_604] : memref<4096x56x128xf32, #tpu.memory_space<hbm>> -> memref<1x50x64xf32, #tpu.memory_space<hbm>>
      %dma_wait3A_606 = tpu.memref_squeeze %dma_wait3A_605 : memref<1x50x64xf32, #tpu.memory_space<hbm>> -> memref<50x64xf32, #tpu.memory_space<hbm>>
      %dma_wait3A_607 = arith.constant 0 : i32
      %dma_wait3A_608 = arith.constant 0 : i32
      %dma_wait3A_609 = tpu.memref_slice %arg4[%add3A_349, %dma_wait3A_607, %dma_wait3A_608] : memref<4096x56x128xf32, #tpu.memory_space<hbm>> -> memref<1x50x64xf32, #tpu.memory_space<hbm>>
      %dma_wait3A_610 = tpu.memref_squeeze %dma_wait3A_609 : memref<1x50x64xf32, #tpu.memory_space<hbm>> -> memref<50x64xf32, #tpu.memory_space<hbm>>
      %dma_wait3A_611 = arith.constant 50 : i32
      %dma_wait3A_612 = arith.constant 0 : i32
      %dma_wait3A_613 = tpu.memref_slice %arg6[%run_scoped3A_350, %dma_wait3A_611, %dma_wait3A_612] : memref<16x104x64xf32, #tpu.memory_space<vmem>> -> memref<1x50x64xf32, #tpu.memory_space<vmem>>
      %dma_wait3A_614 = tpu.memref_squeeze %dma_wait3A_613 : memref<1x50x64xf32, #tpu.memory_space<vmem>> -> memref<50x64xf32, #tpu.memory_space<vmem>>
      tpu.wait_dma2 semaphore(%run_scoped3A_582 : memref<!tpu.dma_semaphore, #tpu.memory_space<semaphore_mem>>) src(%dma_wait3A_614 : memref<50x64xf32, #tpu.memory_space<vmem>>) dst(%dma_wait3A_610 : memref<50x64xf32, #tpu.memory_space<hbm>>)
      tpu.yield
    }) : () -> ()
    %dma_wait3A_351 = arith.constant 0 : i32
    %dma_wait3A_352 = arith.constant 5 : i32
    %dma_wait3A_353 = arith.constant 5 : i32
    %dma_wait3A_354 = arith.constant 0 : i32
    %dma_wait3A_355 = arith.constant 0 : i32
    %dma_wait3A_356 = tpu.memref_slice %arg6[%dma_wait3A_352, %dma_wait3A_354, %dma_wait3A_355] : memref<16x104x64xf32, #tpu.memory_space<vmem>> -> memref<1x104x64xf32, #tpu.memory_space<vmem>>
    %dma_wait3A_357 = tpu.memref_squeeze %dma_wait3A_356 : memref<1x104x64xf32, #tpu.memory_space<vmem>> -> memref<104x64xf32, #tpu.memory_space<vmem>>
    %dma_wait3A_358 = arith.constant 0 : i32
    %dma_wait3A_359 = tpu.memref_slice %arg5[%dma_wait3A_351, %dma_wait3A_358] : memref<64x104xi32, #tpu.memory_space<vmem>> -> memref<1x104xi32, #tpu.memory_space<vmem>>
    %dma_wait3A_360 = tpu.memref_squeeze %dma_wait3A_359 : memref<1x104xi32, #tpu.memory_space<vmem>> -> memref<104xi32, #tpu.memory_space<vmem>>
    %dma_wait3A_361 = arith.constant 0 : i32
    %dma_wait3A_362 = arith.constant 0 : i32
    %dma_wait3A_363 = tpu.memref_slice %arg3[%dma_wait3A_361, %dma_wait3A_362] : memref<1000000x64xf32, #tpu.memory_space<hbm>> -> memref<1000000x64xf32, #tpu.memory_space<hbm>>
    %dma_wait3A_364 = tpu.memref_slice %arg7[%dma_wait3A_353] : memref<16x!tpu.dma_semaphore, #tpu.memory_space<semaphore_mem>> -> memref<1x!tpu.dma_semaphore, #tpu.memory_space<semaphore_mem>>
    %dma_wait3A_365 = tpu.memref_squeeze %dma_wait3A_364 : memref<1x!tpu.dma_semaphore, #tpu.memory_space<semaphore_mem>> -> memref<!tpu.dma_semaphore, #tpu.memory_space<semaphore_mem>>
    tpu.wait_indirect_dma semaphore(%dma_wait3A_365 : memref<!tpu.dma_semaphore, #tpu.memory_space<semaphore_mem>>) src(%dma_wait3A_363 : memref<1000000x64xf32, #tpu.memory_space<hbm>>) dst(%dma_wait3A_357 : memref<104x64xf32, #tpu.memory_space<vmem>>)
    %add3A_366 = arith.constant 106 : i32
    %add3A_367 = arith.addi %mul3A_2, %add3A_366 : i32
    %run_scoped3A_368 = arith.constant 5 : i32
    "tpu.region"() ({
      %run_scoped3A_582 = tpu.sem_alloc : memref<!tpu.dma_semaphore, #tpu.memory_space<semaphore_mem>>
      %dma_start3A_583 = arith.constant 0 : i32
      %dma_start3A_584 = arith.constant 0 : i32
      %dma_start3A_585 = tpu.memref_slice %arg6[%run_scoped3A_368, %dma_start3A_583, %dma_start3A_584] : memref<16x104x64xf32, #tpu.memory_space<vmem>> -> memref<1x50x64xf32, #tpu.memory_space<vmem>>
      %dma_start3A_586 = tpu.memref_squeeze %dma_start3A_585 : memref<1x50x64xf32, #tpu.memory_space<vmem>> -> memref<50x64xf32, #tpu.memory_space<vmem>>
      %dma_start3A_587 = arith.constant 0 : i32
      %dma_start3A_588 = arith.constant 0 : i32
      %dma_start3A_589 = tpu.memref_slice %arg4[%add3A_367, %dma_start3A_587, %dma_start3A_588] : memref<4096x56x128xf32, #tpu.memory_space<hbm>> -> memref<1x50x64xf32, #tpu.memory_space<hbm>>
      %dma_start3A_590 = tpu.memref_squeeze %dma_start3A_589 : memref<1x50x64xf32, #tpu.memory_space<hbm>> -> memref<50x64xf32, #tpu.memory_space<hbm>>
      %dma_start3A_591 = arith.constant 0 : i32
      %dma_start3A_592 = arith.constant 0 : i32
      %dma_start3A_593 = tpu.memref_slice %arg4[%add3A_367, %dma_start3A_591, %dma_start3A_592] : memref<4096x56x128xf32, #tpu.memory_space<hbm>> -> memref<1x50x64xf32, #tpu.memory_space<hbm>>
      %dma_start3A_594 = tpu.memref_squeeze %dma_start3A_593 : memref<1x50x64xf32, #tpu.memory_space<hbm>> -> memref<50x64xf32, #tpu.memory_space<hbm>>
      %dma_start3A_595 = arith.constant 0 : i32
      %dma_start3A_596 = arith.constant 0 : i32
      %dma_start3A_597 = tpu.memref_slice %arg6[%run_scoped3A_368, %dma_start3A_595, %dma_start3A_596] : memref<16x104x64xf32, #tpu.memory_space<vmem>> -> memref<1x50x64xf32, #tpu.memory_space<vmem>>
      %dma_start3A_598 = tpu.memref_squeeze %dma_start3A_597 : memref<1x50x64xf32, #tpu.memory_space<vmem>> -> memref<50x64xf32, #tpu.memory_space<vmem>>
      tpu.enqueue_dma source(%dma_start3A_598 : memref<50x64xf32, #tpu.memory_space<vmem>>) target(%dma_start3A_594 : memref<50x64xf32, #tpu.memory_space<hbm>>) target_semaphore(%run_scoped3A_582 : memref<!tpu.dma_semaphore, #tpu.memory_space<semaphore_mem>>)
      %dma_wait3A_599 = arith.constant 0 : i32
      %dma_wait3A_600 = arith.constant 0 : i32
      %dma_wait3A_601 = tpu.memref_slice %arg6[%run_scoped3A_368, %dma_wait3A_599, %dma_wait3A_600] : memref<16x104x64xf32, #tpu.memory_space<vmem>> -> memref<1x50x64xf32, #tpu.memory_space<vmem>>
      %dma_wait3A_602 = tpu.memref_squeeze %dma_wait3A_601 : memref<1x50x64xf32, #tpu.memory_space<vmem>> -> memref<50x64xf32, #tpu.memory_space<vmem>>
      %dma_wait3A_603 = arith.constant 0 : i32
      %dma_wait3A_604 = arith.constant 0 : i32
      %dma_wait3A_605 = tpu.memref_slice %arg4[%add3A_367, %dma_wait3A_603, %dma_wait3A_604] : memref<4096x56x128xf32, #tpu.memory_space<hbm>> -> memref<1x50x64xf32, #tpu.memory_space<hbm>>
      %dma_wait3A_606 = tpu.memref_squeeze %dma_wait3A_605 : memref<1x50x64xf32, #tpu.memory_space<hbm>> -> memref<50x64xf32, #tpu.memory_space<hbm>>
      %dma_wait3A_607 = arith.constant 0 : i32
      %dma_wait3A_608 = arith.constant 0 : i32
      %dma_wait3A_609 = tpu.memref_slice %arg4[%add3A_367, %dma_wait3A_607, %dma_wait3A_608] : memref<4096x56x128xf32, #tpu.memory_space<hbm>> -> memref<1x50x64xf32, #tpu.memory_space<hbm>>
      %dma_wait3A_610 = tpu.memref_squeeze %dma_wait3A_609 : memref<1x50x64xf32, #tpu.memory_space<hbm>> -> memref<50x64xf32, #tpu.memory_space<hbm>>
      %dma_wait3A_611 = arith.constant 0 : i32
      %dma_wait3A_612 = arith.constant 0 : i32
      %dma_wait3A_613 = tpu.memref_slice %arg6[%run_scoped3A_368, %dma_wait3A_611, %dma_wait3A_612] : memref<16x104x64xf32, #tpu.memory_space<vmem>> -> memref<1x50x64xf32, #tpu.memory_space<vmem>>
      %dma_wait3A_614 = tpu.memref_squeeze %dma_wait3A_613 : memref<1x50x64xf32, #tpu.memory_space<vmem>> -> memref<50x64xf32, #tpu.memory_space<vmem>>
      tpu.wait_dma2 semaphore(%run_scoped3A_582 : memref<!tpu.dma_semaphore, #tpu.memory_space<semaphore_mem>>) src(%dma_wait3A_614 : memref<50x64xf32, #tpu.memory_space<vmem>>) dst(%dma_wait3A_610 : memref<50x64xf32, #tpu.memory_space<hbm>>)
      tpu.yield
    }) : () -> ()
    %add3A_369 = arith.constant 1 : i32
    %add3A_370 = arith.addi %add3A_367, %add3A_369 : i32
    %run_scoped3A_371 = arith.constant 5 : i32
    "tpu.region"() ({
      %run_scoped3A_582 = tpu.sem_alloc : memref<!tpu.dma_semaphore, #tpu.memory_space<semaphore_mem>>
      %dma_start3A_583 = arith.constant 50 : i32
      %dma_start3A_584 = arith.constant 0 : i32
      %dma_start3A_585 = tpu.memref_slice %arg6[%run_scoped3A_371, %dma_start3A_583, %dma_start3A_584] : memref<16x104x64xf32, #tpu.memory_space<vmem>> -> memref<1x50x64xf32, #tpu.memory_space<vmem>>
      %dma_start3A_586 = tpu.memref_squeeze %dma_start3A_585 : memref<1x50x64xf32, #tpu.memory_space<vmem>> -> memref<50x64xf32, #tpu.memory_space<vmem>>
      %dma_start3A_587 = arith.constant 0 : i32
      %dma_start3A_588 = arith.constant 0 : i32
      %dma_start3A_589 = tpu.memref_slice %arg4[%add3A_370, %dma_start3A_587, %dma_start3A_588] : memref<4096x56x128xf32, #tpu.memory_space<hbm>> -> memref<1x50x64xf32, #tpu.memory_space<hbm>>
      %dma_start3A_590 = tpu.memref_squeeze %dma_start3A_589 : memref<1x50x64xf32, #tpu.memory_space<hbm>> -> memref<50x64xf32, #tpu.memory_space<hbm>>
      %dma_start3A_591 = arith.constant 0 : i32
      %dma_start3A_592 = arith.constant 0 : i32
      %dma_start3A_593 = tpu.memref_slice %arg4[%add3A_370, %dma_start3A_591, %dma_start3A_592] : memref<4096x56x128xf32, #tpu.memory_space<hbm>> -> memref<1x50x64xf32, #tpu.memory_space<hbm>>
      %dma_start3A_594 = tpu.memref_squeeze %dma_start3A_593 : memref<1x50x64xf32, #tpu.memory_space<hbm>> -> memref<50x64xf32, #tpu.memory_space<hbm>>
      %dma_start3A_595 = arith.constant 50 : i32
      %dma_start3A_596 = arith.constant 0 : i32
      %dma_start3A_597 = tpu.memref_slice %arg6[%run_scoped3A_371, %dma_start3A_595, %dma_start3A_596] : memref<16x104x64xf32, #tpu.memory_space<vmem>> -> memref<1x50x64xf32, #tpu.memory_space<vmem>>
      %dma_start3A_598 = tpu.memref_squeeze %dma_start3A_597 : memref<1x50x64xf32, #tpu.memory_space<vmem>> -> memref<50x64xf32, #tpu.memory_space<vmem>>
      tpu.enqueue_dma source(%dma_start3A_598 : memref<50x64xf32, #tpu.memory_space<vmem>>) target(%dma_start3A_594 : memref<50x64xf32, #tpu.memory_space<hbm>>) target_semaphore(%run_scoped3A_582 : memref<!tpu.dma_semaphore, #tpu.memory_space<semaphore_mem>>)
      %dma_wait3A_599 = arith.constant 50 : i32
      %dma_wait3A_600 = arith.constant 0 : i32
      %dma_wait3A_601 = tpu.memref_slice %arg6[%run_scoped3A_371, %dma_wait3A_599, %dma_wait3A_600] : memref<16x104x64xf32, #tpu.memory_space<vmem>> -> memref<1x50x64xf32, #tpu.memory_space<vmem>>
      %dma_wait3A_602 = tpu.memref_squeeze %dma_wait3A_601 : memref<1x50x64xf32, #tpu.memory_space<vmem>> -> memref<50x64xf32, #tpu.memory_space<vmem>>
      %dma_wait3A_603 = arith.constant 0 : i32
      %dma_wait3A_604 = arith.constant 0 : i32
      %dma_wait3A_605 = tpu.memref_slice %arg4[%add3A_370, %dma_wait3A_603, %dma_wait3A_604] : memref<4096x56x128xf32, #tpu.memory_space<hbm>> -> memref<1x50x64xf32, #tpu.memory_space<hbm>>
      %dma_wait3A_606 = tpu.memref_squeeze %dma_wait3A_605 : memref<1x50x64xf32, #tpu.memory_space<hbm>> -> memref<50x64xf32, #tpu.memory_space<hbm>>
      %dma_wait3A_607 = arith.constant 0 : i32
      %dma_wait3A_608 = arith.constant 0 : i32
      %dma_wait3A_609 = tpu.memref_slice %arg4[%add3A_370, %dma_wait3A_607, %dma_wait3A_608] : memref<4096x56x128xf32, #tpu.memory_space<hbm>> -> memref<1x50x64xf32, #tpu.memory_space<hbm>>
      %dma_wait3A_610 = tpu.memref_squeeze %dma_wait3A_609 : memref<1x50x64xf32, #tpu.memory_space<hbm>> -> memref<50x64xf32, #tpu.memory_space<hbm>>
      %dma_wait3A_611 = arith.constant 50 : i32
      %dma_wait3A_612 = arith.constant 0 : i32
      %dma_wait3A_613 = tpu.memref_slice %arg6[%run_scoped3A_371, %dma_wait3A_611, %dma_wait3A_612] : memref<16x104x64xf32, #tpu.memory_space<vmem>> -> memref<1x50x64xf32, #tpu.memory_space<vmem>>
      %dma_wait3A_614 = tpu.memref_squeeze %dma_wait3A_613 : memref<1x50x64xf32, #tpu.memory_space<vmem>> -> memref<50x64xf32, #tpu.memory_space<vmem>>
      tpu.wait_dma2 semaphore(%run_scoped3A_582 : memref<!tpu.dma_semaphore, #tpu.memory_space<semaphore_mem>>) src(%dma_wait3A_614 : memref<50x64xf32, #tpu.memory_space<vmem>>) dst(%dma_wait3A_610 : memref<50x64xf32, #tpu.memory_space<hbm>>)
      tpu.yield
    }) : () -> ()
    %dma_wait3A_372 = arith.constant 0 : i32
    %dma_wait3A_373 = arith.constant 6 : i32
    %dma_wait3A_374 = arith.constant 6 : i32
    %dma_wait3A_375 = arith.constant 0 : i32
    %dma_wait3A_376 = arith.constant 0 : i32
    %dma_wait3A_377 = tpu.memref_slice %arg6[%dma_wait3A_373, %dma_wait3A_375, %dma_wait3A_376] : memref<16x104x64xf32, #tpu.memory_space<vmem>> -> memref<1x104x64xf32, #tpu.memory_space<vmem>>
    %dma_wait3A_378 = tpu.memref_squeeze %dma_wait3A_377 : memref<1x104x64xf32, #tpu.memory_space<vmem>> -> memref<104x64xf32, #tpu.memory_space<vmem>>
    %dma_wait3A_379 = arith.constant 0 : i32
    %dma_wait3A_380 = tpu.memref_slice %arg5[%dma_wait3A_372, %dma_wait3A_379] : memref<64x104xi32, #tpu.memory_space<vmem>> -> memref<1x104xi32, #tpu.memory_space<vmem>>
    %dma_wait3A_381 = tpu.memref_squeeze %dma_wait3A_380 : memref<1x104xi32, #tpu.memory_space<vmem>> -> memref<104xi32, #tpu.memory_space<vmem>>
    %dma_wait3A_382 = arith.constant 0 : i32
    %dma_wait3A_383 = arith.constant 0 : i32
    %dma_wait3A_384 = tpu.memref_slice %arg3[%dma_wait3A_382, %dma_wait3A_383] : memref<1000000x64xf32, #tpu.memory_space<hbm>> -> memref<1000000x64xf32, #tpu.memory_space<hbm>>
    %dma_wait3A_385 = tpu.memref_slice %arg7[%dma_wait3A_374] : memref<16x!tpu.dma_semaphore, #tpu.memory_space<semaphore_mem>> -> memref<1x!tpu.dma_semaphore, #tpu.memory_space<semaphore_mem>>
    %dma_wait3A_386 = tpu.memref_squeeze %dma_wait3A_385 : memref<1x!tpu.dma_semaphore, #tpu.memory_space<semaphore_mem>> -> memref<!tpu.dma_semaphore, #tpu.memory_space<semaphore_mem>>
    tpu.wait_indirect_dma semaphore(%dma_wait3A_386 : memref<!tpu.dma_semaphore, #tpu.memory_space<semaphore_mem>>) src(%dma_wait3A_384 : memref<1000000x64xf32, #tpu.memory_space<hbm>>) dst(%dma_wait3A_378 : memref<104x64xf32, #tpu.memory_space<vmem>>)
    %add3A_387 = arith.constant 108 : i32
    %add3A_388 = arith.addi %mul3A_2, %add3A_387 : i32
    %run_scoped3A_389 = arith.constant 6 : i32
    "tpu.region"() ({
      %run_scoped3A_582 = tpu.sem_alloc : memref<!tpu.dma_semaphore, #tpu.memory_space<semaphore_mem>>
      %dma_start3A_583 = arith.constant 0 : i32
      %dma_start3A_584 = arith.constant 0 : i32
      %dma_start3A_585 = tpu.memref_slice %arg6[%run_scoped3A_389, %dma_start3A_583, %dma_start3A_584] : memref<16x104x64xf32, #tpu.memory_space<vmem>> -> memref<1x50x64xf32, #tpu.memory_space<vmem>>
      %dma_start3A_586 = tpu.memref_squeeze %dma_start3A_585 : memref<1x50x64xf32, #tpu.memory_space<vmem>> -> memref<50x64xf32, #tpu.memory_space<vmem>>
      %dma_start3A_587 = arith.constant 0 : i32
      %dma_start3A_588 = arith.constant 0 : i32
      %dma_start3A_589 = tpu.memref_slice %arg4[%add3A_388, %dma_start3A_587, %dma_start3A_588] : memref<4096x56x128xf32, #tpu.memory_space<hbm>> -> memref<1x50x64xf32, #tpu.memory_space<hbm>>
      %dma_start3A_590 = tpu.memref_squeeze %dma_start3A_589 : memref<1x50x64xf32, #tpu.memory_space<hbm>> -> memref<50x64xf32, #tpu.memory_space<hbm>>
      %dma_start3A_591 = arith.constant 0 : i32
      %dma_start3A_592 = arith.constant 0 : i32
      %dma_start3A_593 = tpu.memref_slice %arg4[%add3A_388, %dma_start3A_591, %dma_start3A_592] : memref<4096x56x128xf32, #tpu.memory_space<hbm>> -> memref<1x50x64xf32, #tpu.memory_space<hbm>>
      %dma_start3A_594 = tpu.memref_squeeze %dma_start3A_593 : memref<1x50x64xf32, #tpu.memory_space<hbm>> -> memref<50x64xf32, #tpu.memory_space<hbm>>
      %dma_start3A_595 = arith.constant 0 : i32
      %dma_start3A_596 = arith.constant 0 : i32
      %dma_start3A_597 = tpu.memref_slice %arg6[%run_scoped3A_389, %dma_start3A_595, %dma_start3A_596] : memref<16x104x64xf32, #tpu.memory_space<vmem>> -> memref<1x50x64xf32, #tpu.memory_space<vmem>>
      %dma_start3A_598 = tpu.memref_squeeze %dma_start3A_597 : memref<1x50x64xf32, #tpu.memory_space<vmem>> -> memref<50x64xf32, #tpu.memory_space<vmem>>
      tpu.enqueue_dma source(%dma_start3A_598 : memref<50x64xf32, #tpu.memory_space<vmem>>) target(%dma_start3A_594 : memref<50x64xf32, #tpu.memory_space<hbm>>) target_semaphore(%run_scoped3A_582 : memref<!tpu.dma_semaphore, #tpu.memory_space<semaphore_mem>>)
      %dma_wait3A_599 = arith.constant 0 : i32
      %dma_wait3A_600 = arith.constant 0 : i32
      %dma_wait3A_601 = tpu.memref_slice %arg6[%run_scoped3A_389, %dma_wait3A_599, %dma_wait3A_600] : memref<16x104x64xf32, #tpu.memory_space<vmem>> -> memref<1x50x64xf32, #tpu.memory_space<vmem>>
      %dma_wait3A_602 = tpu.memref_squeeze %dma_wait3A_601 : memref<1x50x64xf32, #tpu.memory_space<vmem>> -> memref<50x64xf32, #tpu.memory_space<vmem>>
      %dma_wait3A_603 = arith.constant 0 : i32
      %dma_wait3A_604 = arith.constant 0 : i32
      %dma_wait3A_605 = tpu.memref_slice %arg4[%add3A_388, %dma_wait3A_603, %dma_wait3A_604] : memref<4096x56x128xf32, #tpu.memory_space<hbm>> -> memref<1x50x64xf32, #tpu.memory_space<hbm>>
      %dma_wait3A_606 = tpu.memref_squeeze %dma_wait3A_605 : memref<1x50x64xf32, #tpu.memory_space<hbm>> -> memref<50x64xf32, #tpu.memory_space<hbm>>
      %dma_wait3A_607 = arith.constant 0 : i32
      %dma_wait3A_608 = arith.constant 0 : i32
      %dma_wait3A_609 = tpu.memref_slice %arg4[%add3A_388, %dma_wait3A_607, %dma_wait3A_608] : memref<4096x56x128xf32, #tpu.memory_space<hbm>> -> memref<1x50x64xf32, #tpu.memory_space<hbm>>
      %dma_wait3A_610 = tpu.memref_squeeze %dma_wait3A_609 : memref<1x50x64xf32, #tpu.memory_space<hbm>> -> memref<50x64xf32, #tpu.memory_space<hbm>>
      %dma_wait3A_611 = arith.constant 0 : i32
      %dma_wait3A_612 = arith.constant 0 : i32
      %dma_wait3A_613 = tpu.memref_slice %arg6[%run_scoped3A_389, %dma_wait3A_611, %dma_wait3A_612] : memref<16x104x64xf32, #tpu.memory_space<vmem>> -> memref<1x50x64xf32, #tpu.memory_space<vmem>>
      %dma_wait3A_614 = tpu.memref_squeeze %dma_wait3A_613 : memref<1x50x64xf32, #tpu.memory_space<vmem>> -> memref<50x64xf32, #tpu.memory_space<vmem>>
      tpu.wait_dma2 semaphore(%run_scoped3A_582 : memref<!tpu.dma_semaphore, #tpu.memory_space<semaphore_mem>>) src(%dma_wait3A_614 : memref<50x64xf32, #tpu.memory_space<vmem>>) dst(%dma_wait3A_610 : memref<50x64xf32, #tpu.memory_space<hbm>>)
      tpu.yield
    }) : () -> ()
    %add3A_390 = arith.constant 1 : i32
    %add3A_391 = arith.addi %add3A_388, %add3A_390 : i32
    %run_scoped3A_392 = arith.constant 6 : i32
    "tpu.region"() ({
      %run_scoped3A_582 = tpu.sem_alloc : memref<!tpu.dma_semaphore, #tpu.memory_space<semaphore_mem>>
      %dma_start3A_583 = arith.constant 50 : i32
      %dma_start3A_584 = arith.constant 0 : i32
      %dma_start3A_585 = tpu.memref_slice %arg6[%run_scoped3A_392, %dma_start3A_583, %dma_start3A_584] : memref<16x104x64xf32, #tpu.memory_space<vmem>> -> memref<1x50x64xf32, #tpu.memory_space<vmem>>
      %dma_start3A_586 = tpu.memref_squeeze %dma_start3A_585 : memref<1x50x64xf32, #tpu.memory_space<vmem>> -> memref<50x64xf32, #tpu.memory_space<vmem>>
      %dma_start3A_587 = arith.constant 0 : i32
      %dma_start3A_588 = arith.constant 0 : i32
      %dma_start3A_589 = tpu.memref_slice %arg4[%add3A_391, %dma_start3A_587, %dma_start3A_588] : memref<4096x56x128xf32, #tpu.memory_space<hbm>> -> memref<1x50x64xf32, #tpu.memory_space<hbm>>
      %dma_start3A_590 = tpu.memref_squeeze %dma_start3A_589 : memref<1x50x64xf32, #tpu.memory_space<hbm>> -> memref<50x64xf32, #tpu.memory_space<hbm>>
      %dma_start3A_591 = arith.constant 0 : i32
      %dma_start3A_592 = arith.constant 0 : i32
      %dma_start3A_593 = tpu.memref_slice %arg4[%add3A_391, %dma_start3A_591, %dma_start3A_592] : memref<4096x56x128xf32, #tpu.memory_space<hbm>> -> memref<1x50x64xf32, #tpu.memory_space<hbm>>
      %dma_start3A_594 = tpu.memref_squeeze %dma_start3A_593 : memref<1x50x64xf32, #tpu.memory_space<hbm>> -> memref<50x64xf32, #tpu.memory_space<hbm>>
      %dma_start3A_595 = arith.constant 50 : i32
      %dma_start3A_596 = arith.constant 0 : i32
      %dma_start3A_597 = tpu.memref_slice %arg6[%run_scoped3A_392, %dma_start3A_595, %dma_start3A_596] : memref<16x104x64xf32, #tpu.memory_space<vmem>> -> memref<1x50x64xf32, #tpu.memory_space<vmem>>
      %dma_start3A_598 = tpu.memref_squeeze %dma_start3A_597 : memref<1x50x64xf32, #tpu.memory_space<vmem>> -> memref<50x64xf32, #tpu.memory_space<vmem>>
      tpu.enqueue_dma source(%dma_start3A_598 : memref<50x64xf32, #tpu.memory_space<vmem>>) target(%dma_start3A_594 : memref<50x64xf32, #tpu.memory_space<hbm>>) target_semaphore(%run_scoped3A_582 : memref<!tpu.dma_semaphore, #tpu.memory_space<semaphore_mem>>)
      %dma_wait3A_599 = arith.constant 50 : i32
      %dma_wait3A_600 = arith.constant 0 : i32
      %dma_wait3A_601 = tpu.memref_slice %arg6[%run_scoped3A_392, %dma_wait3A_599, %dma_wait3A_600] : memref<16x104x64xf32, #tpu.memory_space<vmem>> -> memref<1x50x64xf32, #tpu.memory_space<vmem>>
      %dma_wait3A_602 = tpu.memref_squeeze %dma_wait3A_601 : memref<1x50x64xf32, #tpu.memory_space<vmem>> -> memref<50x64xf32, #tpu.memory_space<vmem>>
      %dma_wait3A_603 = arith.constant 0 : i32
      %dma_wait3A_604 = arith.constant 0 : i32
      %dma_wait3A_605 = tpu.memref_slice %arg4[%add3A_391, %dma_wait3A_603, %dma_wait3A_604] : memref<4096x56x128xf32, #tpu.memory_space<hbm>> -> memref<1x50x64xf32, #tpu.memory_space<hbm>>
      %dma_wait3A_606 = tpu.memref_squeeze %dma_wait3A_605 : memref<1x50x64xf32, #tpu.memory_space<hbm>> -> memref<50x64xf32, #tpu.memory_space<hbm>>
      %dma_wait3A_607 = arith.constant 0 : i32
      %dma_wait3A_608 = arith.constant 0 : i32
      %dma_wait3A_609 = tpu.memref_slice %arg4[%add3A_391, %dma_wait3A_607, %dma_wait3A_608] : memref<4096x56x128xf32, #tpu.memory_space<hbm>> -> memref<1x50x64xf32, #tpu.memory_space<hbm>>
      %dma_wait3A_610 = tpu.memref_squeeze %dma_wait3A_609 : memref<1x50x64xf32, #tpu.memory_space<hbm>> -> memref<50x64xf32, #tpu.memory_space<hbm>>
      %dma_wait3A_611 = arith.constant 50 : i32
      %dma_wait3A_612 = arith.constant 0 : i32
      %dma_wait3A_613 = tpu.memref_slice %arg6[%run_scoped3A_392, %dma_wait3A_611, %dma_wait3A_612] : memref<16x104x64xf32, #tpu.memory_space<vmem>> -> memref<1x50x64xf32, #tpu.memory_space<vmem>>
      %dma_wait3A_614 = tpu.memref_squeeze %dma_wait3A_613 : memref<1x50x64xf32, #tpu.memory_space<vmem>> -> memref<50x64xf32, #tpu.memory_space<vmem>>
      tpu.wait_dma2 semaphore(%run_scoped3A_582 : memref<!tpu.dma_semaphore, #tpu.memory_space<semaphore_mem>>) src(%dma_wait3A_614 : memref<50x64xf32, #tpu.memory_space<vmem>>) dst(%dma_wait3A_610 : memref<50x64xf32, #tpu.memory_space<hbm>>)
      tpu.yield
    }) : () -> ()
    %dma_wait3A_393 = arith.constant 0 : i32
    %dma_wait3A_394 = arith.constant 7 : i32
    %dma_wait3A_395 = arith.constant 7 : i32
    %dma_wait3A_396 = arith.constant 0 : i32
    %dma_wait3A_397 = arith.constant 0 : i32
    %dma_wait3A_398 = tpu.memref_slice %arg6[%dma_wait3A_394, %dma_wait3A_396, %dma_wait3A_397] : memref<16x104x64xf32, #tpu.memory_space<vmem>> -> memref<1x104x64xf32, #tpu.memory_space<vmem>>
    %dma_wait3A_399 = tpu.memref_squeeze %dma_wait3A_398 : memref<1x104x64xf32, #tpu.memory_space<vmem>> -> memref<104x64xf32, #tpu.memory_space<vmem>>
    %dma_wait3A_400 = arith.constant 0 : i32
    %dma_wait3A_401 = tpu.memref_slice %arg5[%dma_wait3A_393, %dma_wait3A_400] : memref<64x104xi32, #tpu.memory_space<vmem>> -> memref<1x104xi32, #tpu.memory_space<vmem>>
    %dma_wait3A_402 = tpu.memref_squeeze %dma_wait3A_401 : memref<1x104xi32, #tpu.memory_space<vmem>> -> memref<104xi32, #tpu.memory_space<vmem>>
    %dma_wait3A_403 = arith.constant 0 : i32
    %dma_wait3A_404 = arith.constant 0 : i32
    %dma_wait3A_405 = tpu.memref_slice %arg3[%dma_wait3A_403, %dma_wait3A_404] : memref<1000000x64xf32, #tpu.memory_space<hbm>> -> memref<1000000x64xf32, #tpu.memory_space<hbm>>
    %dma_wait3A_406 = tpu.memref_slice %arg7[%dma_wait3A_395] : memref<16x!tpu.dma_semaphore, #tpu.memory_space<semaphore_mem>> -> memref<1x!tpu.dma_semaphore, #tpu.memory_space<semaphore_mem>>
    %dma_wait3A_407 = tpu.memref_squeeze %dma_wait3A_406 : memref<1x!tpu.dma_semaphore, #tpu.memory_space<semaphore_mem>> -> memref<!tpu.dma_semaphore, #tpu.memory_space<semaphore_mem>>
    tpu.wait_indirect_dma semaphore(%dma_wait3A_407 : memref<!tpu.dma_semaphore, #tpu.memory_space<semaphore_mem>>) src(%dma_wait3A_405 : memref<1000000x64xf32, #tpu.memory_space<hbm>>) dst(%dma_wait3A_399 : memref<104x64xf32, #tpu.memory_space<vmem>>)
    %add3A_408 = arith.constant 110 : i32
    %add3A_409 = arith.addi %mul3A_2, %add3A_408 : i32
    %run_scoped3A_410 = arith.constant 7 : i32
    "tpu.region"() ({
      %run_scoped3A_582 = tpu.sem_alloc : memref<!tpu.dma_semaphore, #tpu.memory_space<semaphore_mem>>
      %dma_start3A_583 = arith.constant 0 : i32
      %dma_start3A_584 = arith.constant 0 : i32
      %dma_start3A_585 = tpu.memref_slice %arg6[%run_scoped3A_410, %dma_start3A_583, %dma_start3A_584] : memref<16x104x64xf32, #tpu.memory_space<vmem>> -> memref<1x50x64xf32, #tpu.memory_space<vmem>>
      %dma_start3A_586 = tpu.memref_squeeze %dma_start3A_585 : memref<1x50x64xf32, #tpu.memory_space<vmem>> -> memref<50x64xf32, #tpu.memory_space<vmem>>
      %dma_start3A_587 = arith.constant 0 : i32
      %dma_start3A_588 = arith.constant 0 : i32
      %dma_start3A_589 = tpu.memref_slice %arg4[%add3A_409, %dma_start3A_587, %dma_start3A_588] : memref<4096x56x128xf32, #tpu.memory_space<hbm>> -> memref<1x50x64xf32, #tpu.memory_space<hbm>>
      %dma_start3A_590 = tpu.memref_squeeze %dma_start3A_589 : memref<1x50x64xf32, #tpu.memory_space<hbm>> -> memref<50x64xf32, #tpu.memory_space<hbm>>
      %dma_start3A_591 = arith.constant 0 : i32
      %dma_start3A_592 = arith.constant 0 : i32
      %dma_start3A_593 = tpu.memref_slice %arg4[%add3A_409, %dma_start3A_591, %dma_start3A_592] : memref<4096x56x128xf32, #tpu.memory_space<hbm>> -> memref<1x50x64xf32, #tpu.memory_space<hbm>>
      %dma_start3A_594 = tpu.memref_squeeze %dma_start3A_593 : memref<1x50x64xf32, #tpu.memory_space<hbm>> -> memref<50x64xf32, #tpu.memory_space<hbm>>
      %dma_start3A_595 = arith.constant 0 : i32
      %dma_start3A_596 = arith.constant 0 : i32
      %dma_start3A_597 = tpu.memref_slice %arg6[%run_scoped3A_410, %dma_start3A_595, %dma_start3A_596] : memref<16x104x64xf32, #tpu.memory_space<vmem>> -> memref<1x50x64xf32, #tpu.memory_space<vmem>>
      %dma_start3A_598 = tpu.memref_squeeze %dma_start3A_597 : memref<1x50x64xf32, #tpu.memory_space<vmem>> -> memref<50x64xf32, #tpu.memory_space<vmem>>
      tpu.enqueue_dma source(%dma_start3A_598 : memref<50x64xf32, #tpu.memory_space<vmem>>) target(%dma_start3A_594 : memref<50x64xf32, #tpu.memory_space<hbm>>) target_semaphore(%run_scoped3A_582 : memref<!tpu.dma_semaphore, #tpu.memory_space<semaphore_mem>>)
      %dma_wait3A_599 = arith.constant 0 : i32
      %dma_wait3A_600 = arith.constant 0 : i32
      %dma_wait3A_601 = tpu.memref_slice %arg6[%run_scoped3A_410, %dma_wait3A_599, %dma_wait3A_600] : memref<16x104x64xf32, #tpu.memory_space<vmem>> -> memref<1x50x64xf32, #tpu.memory_space<vmem>>
      %dma_wait3A_602 = tpu.memref_squeeze %dma_wait3A_601 : memref<1x50x64xf32, #tpu.memory_space<vmem>> -> memref<50x64xf32, #tpu.memory_space<vmem>>
      %dma_wait3A_603 = arith.constant 0 : i32
      %dma_wait3A_604 = arith.constant 0 : i32
      %dma_wait3A_605 = tpu.memref_slice %arg4[%add3A_409, %dma_wait3A_603, %dma_wait3A_604] : memref<4096x56x128xf32, #tpu.memory_space<hbm>> -> memref<1x50x64xf32, #tpu.memory_space<hbm>>
      %dma_wait3A_606 = tpu.memref_squeeze %dma_wait3A_605 : memref<1x50x64xf32, #tpu.memory_space<hbm>> -> memref<50x64xf32, #tpu.memory_space<hbm>>
      %dma_wait3A_607 = arith.constant 0 : i32
      %dma_wait3A_608 = arith.constant 0 : i32
      %dma_wait3A_609 = tpu.memref_slice %arg4[%add3A_409, %dma_wait3A_607, %dma_wait3A_608] : memref<4096x56x128xf32, #tpu.memory_space<hbm>> -> memref<1x50x64xf32, #tpu.memory_space<hbm>>
      %dma_wait3A_610 = tpu.memref_squeeze %dma_wait3A_609 : memref<1x50x64xf32, #tpu.memory_space<hbm>> -> memref<50x64xf32, #tpu.memory_space<hbm>>
      %dma_wait3A_611 = arith.constant 0 : i32
      %dma_wait3A_612 = arith.constant 0 : i32
      %dma_wait3A_613 = tpu.memref_slice %arg6[%run_scoped3A_410, %dma_wait3A_611, %dma_wait3A_612] : memref<16x104x64xf32, #tpu.memory_space<vmem>> -> memref<1x50x64xf32, #tpu.memory_space<vmem>>
      %dma_wait3A_614 = tpu.memref_squeeze %dma_wait3A_613 : memref<1x50x64xf32, #tpu.memory_space<vmem>> -> memref<50x64xf32, #tpu.memory_space<vmem>>
      tpu.wait_dma2 semaphore(%run_scoped3A_582 : memref<!tpu.dma_semaphore, #tpu.memory_space<semaphore_mem>>) src(%dma_wait3A_614 : memref<50x64xf32, #tpu.memory_space<vmem>>) dst(%dma_wait3A_610 : memref<50x64xf32, #tpu.memory_space<hbm>>)
      tpu.yield
    }) : () -> ()
    %add3A_411 = arith.constant 1 : i32
    %add3A_412 = arith.addi %add3A_409, %add3A_411 : i32
    %run_scoped3A_413 = arith.constant 7 : i32
    "tpu.region"() ({
      %run_scoped3A_582 = tpu.sem_alloc : memref<!tpu.dma_semaphore, #tpu.memory_space<semaphore_mem>>
      %dma_start3A_583 = arith.constant 50 : i32
      %dma_start3A_584 = arith.constant 0 : i32
      %dma_start3A_585 = tpu.memref_slice %arg6[%run_scoped3A_413, %dma_start3A_583, %dma_start3A_584] : memref<16x104x64xf32, #tpu.memory_space<vmem>> -> memref<1x50x64xf32, #tpu.memory_space<vmem>>
      %dma_start3A_586 = tpu.memref_squeeze %dma_start3A_585 : memref<1x50x64xf32, #tpu.memory_space<vmem>> -> memref<50x64xf32, #tpu.memory_space<vmem>>
      %dma_start3A_587 = arith.constant 0 : i32
      %dma_start3A_588 = arith.constant 0 : i32
      %dma_start3A_589 = tpu.memref_slice %arg4[%add3A_412, %dma_start3A_587, %dma_start3A_588] : memref<4096x56x128xf32, #tpu.memory_space<hbm>> -> memref<1x50x64xf32, #tpu.memory_space<hbm>>
      %dma_start3A_590 = tpu.memref_squeeze %dma_start3A_589 : memref<1x50x64xf32, #tpu.memory_space<hbm>> -> memref<50x64xf32, #tpu.memory_space<hbm>>
      %dma_start3A_591 = arith.constant 0 : i32
      %dma_start3A_592 = arith.constant 0 : i32
      %dma_start3A_593 = tpu.memref_slice %arg4[%add3A_412, %dma_start3A_591, %dma_start3A_592] : memref<4096x56x128xf32, #tpu.memory_space<hbm>> -> memref<1x50x64xf32, #tpu.memory_space<hbm>>
      %dma_start3A_594 = tpu.memref_squeeze %dma_start3A_593 : memref<1x50x64xf32, #tpu.memory_space<hbm>> -> memref<50x64xf32, #tpu.memory_space<hbm>>
      %dma_start3A_595 = arith.constant 50 : i32
      %dma_start3A_596 = arith.constant 0 : i32
      %dma_start3A_597 = tpu.memref_slice %arg6[%run_scoped3A_413, %dma_start3A_595, %dma_start3A_596] : memref<16x104x64xf32, #tpu.memory_space<vmem>> -> memref<1x50x64xf32, #tpu.memory_space<vmem>>
      %dma_start3A_598 = tpu.memref_squeeze %dma_start3A_597 : memref<1x50x64xf32, #tpu.memory_space<vmem>> -> memref<50x64xf32, #tpu.memory_space<vmem>>
      tpu.enqueue_dma source(%dma_start3A_598 : memref<50x64xf32, #tpu.memory_space<vmem>>) target(%dma_start3A_594 : memref<50x64xf32, #tpu.memory_space<hbm>>) target_semaphore(%run_scoped3A_582 : memref<!tpu.dma_semaphore, #tpu.memory_space<semaphore_mem>>)
      %dma_wait3A_599 = arith.constant 50 : i32
      %dma_wait3A_600 = arith.constant 0 : i32
      %dma_wait3A_601 = tpu.memref_slice %arg6[%run_scoped3A_413, %dma_wait3A_599, %dma_wait3A_600] : memref<16x104x64xf32, #tpu.memory_space<vmem>> -> memref<1x50x64xf32, #tpu.memory_space<vmem>>
      %dma_wait3A_602 = tpu.memref_squeeze %dma_wait3A_601 : memref<1x50x64xf32, #tpu.memory_space<vmem>> -> memref<50x64xf32, #tpu.memory_space<vmem>>
      %dma_wait3A_603 = arith.constant 0 : i32
      %dma_wait3A_604 = arith.constant 0 : i32
      %dma_wait3A_605 = tpu.memref_slice %arg4[%add3A_412, %dma_wait3A_603, %dma_wait3A_604] : memref<4096x56x128xf32, #tpu.memory_space<hbm>> -> memref<1x50x64xf32, #tpu.memory_space<hbm>>
      %dma_wait3A_606 = tpu.memref_squeeze %dma_wait3A_605 : memref<1x50x64xf32, #tpu.memory_space<hbm>> -> memref<50x64xf32, #tpu.memory_space<hbm>>
      %dma_wait3A_607 = arith.constant 0 : i32
      %dma_wait3A_608 = arith.constant 0 : i32
      %dma_wait3A_609 = tpu.memref_slice %arg4[%add3A_412, %dma_wait3A_607, %dma_wait3A_608] : memref<4096x56x128xf32, #tpu.memory_space<hbm>> -> memref<1x50x64xf32, #tpu.memory_space<hbm>>
      %dma_wait3A_610 = tpu.memref_squeeze %dma_wait3A_609 : memref<1x50x64xf32, #tpu.memory_space<hbm>> -> memref<50x64xf32, #tpu.memory_space<hbm>>
      %dma_wait3A_611 = arith.constant 50 : i32
      %dma_wait3A_612 = arith.constant 0 : i32
      %dma_wait3A_613 = tpu.memref_slice %arg6[%run_scoped3A_413, %dma_wait3A_611, %dma_wait3A_612] : memref<16x104x64xf32, #tpu.memory_space<vmem>> -> memref<1x50x64xf32, #tpu.memory_space<vmem>>
      %dma_wait3A_614 = tpu.memref_squeeze %dma_wait3A_613 : memref<1x50x64xf32, #tpu.memory_space<vmem>> -> memref<50x64xf32, #tpu.memory_space<vmem>>
      tpu.wait_dma2 semaphore(%run_scoped3A_582 : memref<!tpu.dma_semaphore, #tpu.memory_space<semaphore_mem>>) src(%dma_wait3A_614 : memref<50x64xf32, #tpu.memory_space<vmem>>) dst(%dma_wait3A_610 : memref<50x64xf32, #tpu.memory_space<hbm>>)
      tpu.yield
    }) : () -> ()
    %dma_wait3A_414 = arith.constant 0 : i32
    %dma_wait3A_415 = arith.constant 8 : i32
    %dma_wait3A_416 = arith.constant 8 : i32
    %dma_wait3A_417 = arith.constant 0 : i32
    %dma_wait3A_418 = arith.constant 0 : i32
    %dma_wait3A_419 = tpu.memref_slice %arg6[%dma_wait3A_415, %dma_wait3A_417, %dma_wait3A_418] : memref<16x104x64xf32, #tpu.memory_space<vmem>> -> memref<1x104x64xf32, #tpu.memory_space<vmem>>
    %dma_wait3A_420 = tpu.memref_squeeze %dma_wait3A_419 : memref<1x104x64xf32, #tpu.memory_space<vmem>> -> memref<104x64xf32, #tpu.memory_space<vmem>>
    %dma_wait3A_421 = arith.constant 0 : i32
    %dma_wait3A_422 = tpu.memref_slice %arg5[%dma_wait3A_414, %dma_wait3A_421] : memref<64x104xi32, #tpu.memory_space<vmem>> -> memref<1x104xi32, #tpu.memory_space<vmem>>
    %dma_wait3A_423 = tpu.memref_squeeze %dma_wait3A_422 : memref<1x104xi32, #tpu.memory_space<vmem>> -> memref<104xi32, #tpu.memory_space<vmem>>
    %dma_wait3A_424 = arith.constant 0 : i32
    %dma_wait3A_425 = arith.constant 0 : i32
    %dma_wait3A_426 = tpu.memref_slice %arg3[%dma_wait3A_424, %dma_wait3A_425] : memref<1000000x64xf32, #tpu.memory_space<hbm>> -> memref<1000000x64xf32, #tpu.memory_space<hbm>>
    %dma_wait3A_427 = tpu.memref_slice %arg7[%dma_wait3A_416] : memref<16x!tpu.dma_semaphore, #tpu.memory_space<semaphore_mem>> -> memref<1x!tpu.dma_semaphore, #tpu.memory_space<semaphore_mem>>
    %dma_wait3A_428 = tpu.memref_squeeze %dma_wait3A_427 : memref<1x!tpu.dma_semaphore, #tpu.memory_space<semaphore_mem>> -> memref<!tpu.dma_semaphore, #tpu.memory_space<semaphore_mem>>
    tpu.wait_indirect_dma semaphore(%dma_wait3A_428 : memref<!tpu.dma_semaphore, #tpu.memory_space<semaphore_mem>>) src(%dma_wait3A_426 : memref<1000000x64xf32, #tpu.memory_space<hbm>>) dst(%dma_wait3A_420 : memref<104x64xf32, #tpu.memory_space<vmem>>)
    %add3A_429 = arith.constant 112 : i32
    %add3A_430 = arith.addi %mul3A_2, %add3A_429 : i32
    %run_scoped3A_431 = arith.constant 8 : i32
    "tpu.region"() ({
      %run_scoped3A_582 = tpu.sem_alloc : memref<!tpu.dma_semaphore, #tpu.memory_space<semaphore_mem>>
      %dma_start3A_583 = arith.constant 0 : i32
      %dma_start3A_584 = arith.constant 0 : i32
      %dma_start3A_585 = tpu.memref_slice %arg6[%run_scoped3A_431, %dma_start3A_583, %dma_start3A_584] : memref<16x104x64xf32, #tpu.memory_space<vmem>> -> memref<1x50x64xf32, #tpu.memory_space<vmem>>
      %dma_start3A_586 = tpu.memref_squeeze %dma_start3A_585 : memref<1x50x64xf32, #tpu.memory_space<vmem>> -> memref<50x64xf32, #tpu.memory_space<vmem>>
      %dma_start3A_587 = arith.constant 0 : i32
      %dma_start3A_588 = arith.constant 0 : i32
      %dma_start3A_589 = tpu.memref_slice %arg4[%add3A_430, %dma_start3A_587, %dma_start3A_588] : memref<4096x56x128xf32, #tpu.memory_space<hbm>> -> memref<1x50x64xf32, #tpu.memory_space<hbm>>
      %dma_start3A_590 = tpu.memref_squeeze %dma_start3A_589 : memref<1x50x64xf32, #tpu.memory_space<hbm>> -> memref<50x64xf32, #tpu.memory_space<hbm>>
      %dma_start3A_591 = arith.constant 0 : i32
      %dma_start3A_592 = arith.constant 0 : i32
      %dma_start3A_593 = tpu.memref_slice %arg4[%add3A_430, %dma_start3A_591, %dma_start3A_592] : memref<4096x56x128xf32, #tpu.memory_space<hbm>> -> memref<1x50x64xf32, #tpu.memory_space<hbm>>
      %dma_start3A_594 = tpu.memref_squeeze %dma_start3A_593 : memref<1x50x64xf32, #tpu.memory_space<hbm>> -> memref<50x64xf32, #tpu.memory_space<hbm>>
      %dma_start3A_595 = arith.constant 0 : i32
      %dma_start3A_596 = arith.constant 0 : i32
      %dma_start3A_597 = tpu.memref_slice %arg6[%run_scoped3A_431, %dma_start3A_595, %dma_start3A_596] : memref<16x104x64xf32, #tpu.memory_space<vmem>> -> memref<1x50x64xf32, #tpu.memory_space<vmem>>
      %dma_start3A_598 = tpu.memref_squeeze %dma_start3A_597 : memref<1x50x64xf32, #tpu.memory_space<vmem>> -> memref<50x64xf32, #tpu.memory_space<vmem>>
      tpu.enqueue_dma source(%dma_start3A_598 : memref<50x64xf32, #tpu.memory_space<vmem>>) target(%dma_start3A_594 : memref<50x64xf32, #tpu.memory_space<hbm>>) target_semaphore(%run_scoped3A_582 : memref<!tpu.dma_semaphore, #tpu.memory_space<semaphore_mem>>)
      %dma_wait3A_599 = arith.constant 0 : i32
      %dma_wait3A_600 = arith.constant 0 : i32
      %dma_wait3A_601 = tpu.memref_slice %arg6[%run_scoped3A_431, %dma_wait3A_599, %dma_wait3A_600] : memref<16x104x64xf32, #tpu.memory_space<vmem>> -> memref<1x50x64xf32, #tpu.memory_space<vmem>>
      %dma_wait3A_602 = tpu.memref_squeeze %dma_wait3A_601 : memref<1x50x64xf32, #tpu.memory_space<vmem>> -> memref<50x64xf32, #tpu.memory_space<vmem>>
      %dma_wait3A_603 = arith.constant 0 : i32
      %dma_wait3A_604 = arith.constant 0 : i32
      %dma_wait3A_605 = tpu.memref_slice %arg4[%add3A_430, %dma_wait3A_603, %dma_wait3A_604] : memref<4096x56x128xf32, #tpu.memory_space<hbm>> -> memref<1x50x64xf32, #tpu.memory_space<hbm>>
      %dma_wait3A_606 = tpu.memref_squeeze %dma_wait3A_605 : memref<1x50x64xf32, #tpu.memory_space<hbm>> -> memref<50x64xf32, #tpu.memory_space<hbm>>
      %dma_wait3A_607 = arith.constant 0 : i32
      %dma_wait3A_608 = arith.constant 0 : i32
      %dma_wait3A_609 = tpu.memref_slice %arg4[%add3A_430, %dma_wait3A_607, %dma_wait3A_608] : memref<4096x56x128xf32, #tpu.memory_space<hbm>> -> memref<1x50x64xf32, #tpu.memory_space<hbm>>
      %dma_wait3A_610 = tpu.memref_squeeze %dma_wait3A_609 : memref<1x50x64xf32, #tpu.memory_space<hbm>> -> memref<50x64xf32, #tpu.memory_space<hbm>>
      %dma_wait3A_611 = arith.constant 0 : i32
      %dma_wait3A_612 = arith.constant 0 : i32
      %dma_wait3A_613 = tpu.memref_slice %arg6[%run_scoped3A_431, %dma_wait3A_611, %dma_wait3A_612] : memref<16x104x64xf32, #tpu.memory_space<vmem>> -> memref<1x50x64xf32, #tpu.memory_space<vmem>>
      %dma_wait3A_614 = tpu.memref_squeeze %dma_wait3A_613 : memref<1x50x64xf32, #tpu.memory_space<vmem>> -> memref<50x64xf32, #tpu.memory_space<vmem>>
      tpu.wait_dma2 semaphore(%run_scoped3A_582 : memref<!tpu.dma_semaphore, #tpu.memory_space<semaphore_mem>>) src(%dma_wait3A_614 : memref<50x64xf32, #tpu.memory_space<vmem>>) dst(%dma_wait3A_610 : memref<50x64xf32, #tpu.memory_space<hbm>>)
      tpu.yield
    }) : () -> ()
    %add3A_432 = arith.constant 1 : i32
    %add3A_433 = arith.addi %add3A_430, %add3A_432 : i32
    %run_scoped3A_434 = arith.constant 8 : i32
    "tpu.region"() ({
      %run_scoped3A_582 = tpu.sem_alloc : memref<!tpu.dma_semaphore, #tpu.memory_space<semaphore_mem>>
      %dma_start3A_583 = arith.constant 50 : i32
      %dma_start3A_584 = arith.constant 0 : i32
      %dma_start3A_585 = tpu.memref_slice %arg6[%run_scoped3A_434, %dma_start3A_583, %dma_start3A_584] : memref<16x104x64xf32, #tpu.memory_space<vmem>> -> memref<1x50x64xf32, #tpu.memory_space<vmem>>
      %dma_start3A_586 = tpu.memref_squeeze %dma_start3A_585 : memref<1x50x64xf32, #tpu.memory_space<vmem>> -> memref<50x64xf32, #tpu.memory_space<vmem>>
      %dma_start3A_587 = arith.constant 0 : i32
      %dma_start3A_588 = arith.constant 0 : i32
      %dma_start3A_589 = tpu.memref_slice %arg4[%add3A_433, %dma_start3A_587, %dma_start3A_588] : memref<4096x56x128xf32, #tpu.memory_space<hbm>> -> memref<1x50x64xf32, #tpu.memory_space<hbm>>
      %dma_start3A_590 = tpu.memref_squeeze %dma_start3A_589 : memref<1x50x64xf32, #tpu.memory_space<hbm>> -> memref<50x64xf32, #tpu.memory_space<hbm>>
      %dma_start3A_591 = arith.constant 0 : i32
      %dma_start3A_592 = arith.constant 0 : i32
      %dma_start3A_593 = tpu.memref_slice %arg4[%add3A_433, %dma_start3A_591, %dma_start3A_592] : memref<4096x56x128xf32, #tpu.memory_space<hbm>> -> memref<1x50x64xf32, #tpu.memory_space<hbm>>
      %dma_start3A_594 = tpu.memref_squeeze %dma_start3A_593 : memref<1x50x64xf32, #tpu.memory_space<hbm>> -> memref<50x64xf32, #tpu.memory_space<hbm>>
      %dma_start3A_595 = arith.constant 50 : i32
      %dma_start3A_596 = arith.constant 0 : i32
      %dma_start3A_597 = tpu.memref_slice %arg6[%run_scoped3A_434, %dma_start3A_595, %dma_start3A_596] : memref<16x104x64xf32, #tpu.memory_space<vmem>> -> memref<1x50x64xf32, #tpu.memory_space<vmem>>
      %dma_start3A_598 = tpu.memref_squeeze %dma_start3A_597 : memref<1x50x64xf32, #tpu.memory_space<vmem>> -> memref<50x64xf32, #tpu.memory_space<vmem>>
      tpu.enqueue_dma source(%dma_start3A_598 : memref<50x64xf32, #tpu.memory_space<vmem>>) target(%dma_start3A_594 : memref<50x64xf32, #tpu.memory_space<hbm>>) target_semaphore(%run_scoped3A_582 : memref<!tpu.dma_semaphore, #tpu.memory_space<semaphore_mem>>)
      %dma_wait3A_599 = arith.constant 50 : i32
      %dma_wait3A_600 = arith.constant 0 : i32
      %dma_wait3A_601 = tpu.memref_slice %arg6[%run_scoped3A_434, %dma_wait3A_599, %dma_wait3A_600] : memref<16x104x64xf32, #tpu.memory_space<vmem>> -> memref<1x50x64xf32, #tpu.memory_space<vmem>>
      %dma_wait3A_602 = tpu.memref_squeeze %dma_wait3A_601 : memref<1x50x64xf32, #tpu.memory_space<vmem>> -> memref<50x64xf32, #tpu.memory_space<vmem>>
      %dma_wait3A_603 = arith.constant 0 : i32
      %dma_wait3A_604 = arith.constant 0 : i32
      %dma_wait3A_605 = tpu.memref_slice %arg4[%add3A_433, %dma_wait3A_603, %dma_wait3A_604] : memref<4096x56x128xf32, #tpu.memory_space<hbm>> -> memref<1x50x64xf32, #tpu.memory_space<hbm>>
      %dma_wait3A_606 = tpu.memref_squeeze %dma_wait3A_605 : memref<1x50x64xf32, #tpu.memory_space<hbm>> -> memref<50x64xf32, #tpu.memory_space<hbm>>
      %dma_wait3A_607 = arith.constant 0 : i32
      %dma_wait3A_608 = arith.constant 0 : i32
      %dma_wait3A_609 = tpu.memref_slice %arg4[%add3A_433, %dma_wait3A_607, %dma_wait3A_608] : memref<4096x56x128xf32, #tpu.memory_space<hbm>> -> memref<1x50x64xf32, #tpu.memory_space<hbm>>
      %dma_wait3A_610 = tpu.memref_squeeze %dma_wait3A_609 : memref<1x50x64xf32, #tpu.memory_space<hbm>> -> memref<50x64xf32, #tpu.memory_space<hbm>>
      %dma_wait3A_611 = arith.constant 50 : i32
      %dma_wait3A_612 = arith.constant 0 : i32
      %dma_wait3A_613 = tpu.memref_slice %arg6[%run_scoped3A_434, %dma_wait3A_611, %dma_wait3A_612] : memref<16x104x64xf32, #tpu.memory_space<vmem>> -> memref<1x50x64xf32, #tpu.memory_space<vmem>>
      %dma_wait3A_614 = tpu.memref_squeeze %dma_wait3A_613 : memref<1x50x64xf32, #tpu.memory_space<vmem>> -> memref<50x64xf32, #tpu.memory_space<vmem>>
      tpu.wait_dma2 semaphore(%run_scoped3A_582 : memref<!tpu.dma_semaphore, #tpu.memory_space<semaphore_mem>>) src(%dma_wait3A_614 : memref<50x64xf32, #tpu.memory_space<vmem>>) dst(%dma_wait3A_610 : memref<50x64xf32, #tpu.memory_space<hbm>>)
      tpu.yield
    }) : () -> ()
    %dma_wait3A_435 = arith.constant 0 : i32
    %dma_wait3A_436 = arith.constant 9 : i32
    %dma_wait3A_437 = arith.constant 9 : i32
    %dma_wait3A_438 = arith.constant 0 : i32
    %dma_wait3A_439 = arith.constant 0 : i32
    %dma_wait3A_440 = tpu.memref_slice %arg6[%dma_wait3A_436, %dma_wait3A_438, %dma_wait3A_439] : memref<16x104x64xf32, #tpu.memory_space<vmem>> -> memref<1x104x64xf32, #tpu.memory_space<vmem>>
    %dma_wait3A_441 = tpu.memref_squeeze %dma_wait3A_440 : memref<1x104x64xf32, #tpu.memory_space<vmem>> -> memref<104x64xf32, #tpu.memory_space<vmem>>
    %dma_wait3A_442 = arith.constant 0 : i32
    %dma_wait3A_443 = tpu.memref_slice %arg5[%dma_wait3A_435, %dma_wait3A_442] : memref<64x104xi32, #tpu.memory_space<vmem>> -> memref<1x104xi32, #tpu.memory_space<vmem>>
    %dma_wait3A_444 = tpu.memref_squeeze %dma_wait3A_443 : memref<1x104xi32, #tpu.memory_space<vmem>> -> memref<104xi32, #tpu.memory_space<vmem>>
    %dma_wait3A_445 = arith.constant 0 : i32
    %dma_wait3A_446 = arith.constant 0 : i32
    %dma_wait3A_447 = tpu.memref_slice %arg3[%dma_wait3A_445, %dma_wait3A_446] : memref<1000000x64xf32, #tpu.memory_space<hbm>> -> memref<1000000x64xf32, #tpu.memory_space<hbm>>
    %dma_wait3A_448 = tpu.memref_slice %arg7[%dma_wait3A_437] : memref<16x!tpu.dma_semaphore, #tpu.memory_space<semaphore_mem>> -> memref<1x!tpu.dma_semaphore, #tpu.memory_space<semaphore_mem>>
    %dma_wait3A_449 = tpu.memref_squeeze %dma_wait3A_448 : memref<1x!tpu.dma_semaphore, #tpu.memory_space<semaphore_mem>> -> memref<!tpu.dma_semaphore, #tpu.memory_space<semaphore_mem>>
    tpu.wait_indirect_dma semaphore(%dma_wait3A_449 : memref<!tpu.dma_semaphore, #tpu.memory_space<semaphore_mem>>) src(%dma_wait3A_447 : memref<1000000x64xf32, #tpu.memory_space<hbm>>) dst(%dma_wait3A_441 : memref<104x64xf32, #tpu.memory_space<vmem>>)
    %add3A_450 = arith.constant 114 : i32
    %add3A_451 = arith.addi %mul3A_2, %add3A_450 : i32
    %run_scoped3A_452 = arith.constant 9 : i32
    "tpu.region"() ({
      %run_scoped3A_582 = tpu.sem_alloc : memref<!tpu.dma_semaphore, #tpu.memory_space<semaphore_mem>>
      %dma_start3A_583 = arith.constant 0 : i32
      %dma_start3A_584 = arith.constant 0 : i32
      %dma_start3A_585 = tpu.memref_slice %arg6[%run_scoped3A_452, %dma_start3A_583, %dma_start3A_584] : memref<16x104x64xf32, #tpu.memory_space<vmem>> -> memref<1x50x64xf32, #tpu.memory_space<vmem>>
      %dma_start3A_586 = tpu.memref_squeeze %dma_start3A_585 : memref<1x50x64xf32, #tpu.memory_space<vmem>> -> memref<50x64xf32, #tpu.memory_space<vmem>>
      %dma_start3A_587 = arith.constant 0 : i32
      %dma_start3A_588 = arith.constant 0 : i32
      %dma_start3A_589 = tpu.memref_slice %arg4[%add3A_451, %dma_start3A_587, %dma_start3A_588] : memref<4096x56x128xf32, #tpu.memory_space<hbm>> -> memref<1x50x64xf32, #tpu.memory_space<hbm>>
      %dma_start3A_590 = tpu.memref_squeeze %dma_start3A_589 : memref<1x50x64xf32, #tpu.memory_space<hbm>> -> memref<50x64xf32, #tpu.memory_space<hbm>>
      %dma_start3A_591 = arith.constant 0 : i32
      %dma_start3A_592 = arith.constant 0 : i32
      %dma_start3A_593 = tpu.memref_slice %arg4[%add3A_451, %dma_start3A_591, %dma_start3A_592] : memref<4096x56x128xf32, #tpu.memory_space<hbm>> -> memref<1x50x64xf32, #tpu.memory_space<hbm>>
      %dma_start3A_594 = tpu.memref_squeeze %dma_start3A_593 : memref<1x50x64xf32, #tpu.memory_space<hbm>> -> memref<50x64xf32, #tpu.memory_space<hbm>>
      %dma_start3A_595 = arith.constant 0 : i32
      %dma_start3A_596 = arith.constant 0 : i32
      %dma_start3A_597 = tpu.memref_slice %arg6[%run_scoped3A_452, %dma_start3A_595, %dma_start3A_596] : memref<16x104x64xf32, #tpu.memory_space<vmem>> -> memref<1x50x64xf32, #tpu.memory_space<vmem>>
      %dma_start3A_598 = tpu.memref_squeeze %dma_start3A_597 : memref<1x50x64xf32, #tpu.memory_space<vmem>> -> memref<50x64xf32, #tpu.memory_space<vmem>>
      tpu.enqueue_dma source(%dma_start3A_598 : memref<50x64xf32, #tpu.memory_space<vmem>>) target(%dma_start3A_594 : memref<50x64xf32, #tpu.memory_space<hbm>>) target_semaphore(%run_scoped3A_582 : memref<!tpu.dma_semaphore, #tpu.memory_space<semaphore_mem>>)
      %dma_wait3A_599 = arith.constant 0 : i32
      %dma_wait3A_600 = arith.constant 0 : i32
      %dma_wait3A_601 = tpu.memref_slice %arg6[%run_scoped3A_452, %dma_wait3A_599, %dma_wait3A_600] : memref<16x104x64xf32, #tpu.memory_space<vmem>> -> memref<1x50x64xf32, #tpu.memory_space<vmem>>
      %dma_wait3A_602 = tpu.memref_squeeze %dma_wait3A_601 : memref<1x50x64xf32, #tpu.memory_space<vmem>> -> memref<50x64xf32, #tpu.memory_space<vmem>>
      %dma_wait3A_603 = arith.constant 0 : i32
      %dma_wait3A_604 = arith.constant 0 : i32
      %dma_wait3A_605 = tpu.memref_slice %arg4[%add3A_451, %dma_wait3A_603, %dma_wait3A_604] : memref<4096x56x128xf32, #tpu.memory_space<hbm>> -> memref<1x50x64xf32, #tpu.memory_space<hbm>>
      %dma_wait3A_606 = tpu.memref_squeeze %dma_wait3A_605 : memref<1x50x64xf32, #tpu.memory_space<hbm>> -> memref<50x64xf32, #tpu.memory_space<hbm>>
      %dma_wait3A_607 = arith.constant 0 : i32
      %dma_wait3A_608 = arith.constant 0 : i32
      %dma_wait3A_609 = tpu.memref_slice %arg4[%add3A_451, %dma_wait3A_607, %dma_wait3A_608] : memref<4096x56x128xf32, #tpu.memory_space<hbm>> -> memref<1x50x64xf32, #tpu.memory_space<hbm>>
      %dma_wait3A_610 = tpu.memref_squeeze %dma_wait3A_609 : memref<1x50x64xf32, #tpu.memory_space<hbm>> -> memref<50x64xf32, #tpu.memory_space<hbm>>
      %dma_wait3A_611 = arith.constant 0 : i32
      %dma_wait3A_612 = arith.constant 0 : i32
      %dma_wait3A_613 = tpu.memref_slice %arg6[%run_scoped3A_452, %dma_wait3A_611, %dma_wait3A_612] : memref<16x104x64xf32, #tpu.memory_space<vmem>> -> memref<1x50x64xf32, #tpu.memory_space<vmem>>
      %dma_wait3A_614 = tpu.memref_squeeze %dma_wait3A_613 : memref<1x50x64xf32, #tpu.memory_space<vmem>> -> memref<50x64xf32, #tpu.memory_space<vmem>>
      tpu.wait_dma2 semaphore(%run_scoped3A_582 : memref<!tpu.dma_semaphore, #tpu.memory_space<semaphore_mem>>) src(%dma_wait3A_614 : memref<50x64xf32, #tpu.memory_space<vmem>>) dst(%dma_wait3A_610 : memref<50x64xf32, #tpu.memory_space<hbm>>)
      tpu.yield
    }) : () -> ()
    %add3A_453 = arith.constant 1 : i32
    %add3A_454 = arith.addi %add3A_451, %add3A_453 : i32
    %run_scoped3A_455 = arith.constant 9 : i32
    "tpu.region"() ({
      %run_scoped3A_582 = tpu.sem_alloc : memref<!tpu.dma_semaphore, #tpu.memory_space<semaphore_mem>>
      %dma_start3A_583 = arith.constant 50 : i32
      %dma_start3A_584 = arith.constant 0 : i32
      %dma_start3A_585 = tpu.memref_slice %arg6[%run_scoped3A_455, %dma_start3A_583, %dma_start3A_584] : memref<16x104x64xf32, #tpu.memory_space<vmem>> -> memref<1x50x64xf32, #tpu.memory_space<vmem>>
      %dma_start3A_586 = tpu.memref_squeeze %dma_start3A_585 : memref<1x50x64xf32, #tpu.memory_space<vmem>> -> memref<50x64xf32, #tpu.memory_space<vmem>>
      %dma_start3A_587 = arith.constant 0 : i32
      %dma_start3A_588 = arith.constant 0 : i32
      %dma_start3A_589 = tpu.memref_slice %arg4[%add3A_454, %dma_start3A_587, %dma_start3A_588] : memref<4096x56x128xf32, #tpu.memory_space<hbm>> -> memref<1x50x64xf32, #tpu.memory_space<hbm>>
      %dma_start3A_590 = tpu.memref_squeeze %dma_start3A_589 : memref<1x50x64xf32, #tpu.memory_space<hbm>> -> memref<50x64xf32, #tpu.memory_space<hbm>>
      %dma_start3A_591 = arith.constant 0 : i32
      %dma_start3A_592 = arith.constant 0 : i32
      %dma_start3A_593 = tpu.memref_slice %arg4[%add3A_454, %dma_start3A_591, %dma_start3A_592] : memref<4096x56x128xf32, #tpu.memory_space<hbm>> -> memref<1x50x64xf32, #tpu.memory_space<hbm>>
      %dma_start3A_594 = tpu.memref_squeeze %dma_start3A_593 : memref<1x50x64xf32, #tpu.memory_space<hbm>> -> memref<50x64xf32, #tpu.memory_space<hbm>>
      %dma_start3A_595 = arith.constant 50 : i32
      %dma_start3A_596 = arith.constant 0 : i32
      %dma_start3A_597 = tpu.memref_slice %arg6[%run_scoped3A_455, %dma_start3A_595, %dma_start3A_596] : memref<16x104x64xf32, #tpu.memory_space<vmem>> -> memref<1x50x64xf32, #tpu.memory_space<vmem>>
      %dma_start3A_598 = tpu.memref_squeeze %dma_start3A_597 : memref<1x50x64xf32, #tpu.memory_space<vmem>> -> memref<50x64xf32, #tpu.memory_space<vmem>>
      tpu.enqueue_dma source(%dma_start3A_598 : memref<50x64xf32, #tpu.memory_space<vmem>>) target(%dma_start3A_594 : memref<50x64xf32, #tpu.memory_space<hbm>>) target_semaphore(%run_scoped3A_582 : memref<!tpu.dma_semaphore, #tpu.memory_space<semaphore_mem>>)
      %dma_wait3A_599 = arith.constant 50 : i32
      %dma_wait3A_600 = arith.constant 0 : i32
      %dma_wait3A_601 = tpu.memref_slice %arg6[%run_scoped3A_455, %dma_wait3A_599, %dma_wait3A_600] : memref<16x104x64xf32, #tpu.memory_space<vmem>> -> memref<1x50x64xf32, #tpu.memory_space<vmem>>
      %dma_wait3A_602 = tpu.memref_squeeze %dma_wait3A_601 : memref<1x50x64xf32, #tpu.memory_space<vmem>> -> memref<50x64xf32, #tpu.memory_space<vmem>>
      %dma_wait3A_603 = arith.constant 0 : i32
      %dma_wait3A_604 = arith.constant 0 : i32
      %dma_wait3A_605 = tpu.memref_slice %arg4[%add3A_454, %dma_wait3A_603, %dma_wait3A_604] : memref<4096x56x128xf32, #tpu.memory_space<hbm>> -> memref<1x50x64xf32, #tpu.memory_space<hbm>>
      %dma_wait3A_606 = tpu.memref_squeeze %dma_wait3A_605 : memref<1x50x64xf32, #tpu.memory_space<hbm>> -> memref<50x64xf32, #tpu.memory_space<hbm>>
      %dma_wait3A_607 = arith.constant 0 : i32
      %dma_wait3A_608 = arith.constant 0 : i32
      %dma_wait3A_609 = tpu.memref_slice %arg4[%add3A_454, %dma_wait3A_607, %dma_wait3A_608] : memref<4096x56x128xf32, #tpu.memory_space<hbm>> -> memref<1x50x64xf32, #tpu.memory_space<hbm>>
      %dma_wait3A_610 = tpu.memref_squeeze %dma_wait3A_609 : memref<1x50x64xf32, #tpu.memory_space<hbm>> -> memref<50x64xf32, #tpu.memory_space<hbm>>
      %dma_wait3A_611 = arith.constant 50 : i32
      %dma_wait3A_612 = arith.constant 0 : i32
      %dma_wait3A_613 = tpu.memref_slice %arg6[%run_scoped3A_455, %dma_wait3A_611, %dma_wait3A_612] : memref<16x104x64xf32, #tpu.memory_space<vmem>> -> memref<1x50x64xf32, #tpu.memory_space<vmem>>
      %dma_wait3A_614 = tpu.memref_squeeze %dma_wait3A_613 : memref<1x50x64xf32, #tpu.memory_space<vmem>> -> memref<50x64xf32, #tpu.memory_space<vmem>>
      tpu.wait_dma2 semaphore(%run_scoped3A_582 : memref<!tpu.dma_semaphore, #tpu.memory_space<semaphore_mem>>) src(%dma_wait3A_614 : memref<50x64xf32, #tpu.memory_space<vmem>>) dst(%dma_wait3A_610 : memref<50x64xf32, #tpu.memory_space<hbm>>)
      tpu.yield
    }) : () -> ()
    %dma_wait3A_456 = arith.constant 0 : i32
    %dma_wait3A_457 = arith.constant 10 : i32
    %dma_wait3A_458 = arith.constant 10 : i32
    %dma_wait3A_459 = arith.constant 0 : i32
    %dma_wait3A_460 = arith.constant 0 : i32
    %dma_wait3A_461 = tpu.memref_slice %arg6[%dma_wait3A_457, %dma_wait3A_459, %dma_wait3A_460] : memref<16x104x64xf32, #tpu.memory_space<vmem>> -> memref<1x104x64xf32, #tpu.memory_space<vmem>>
    %dma_wait3A_462 = tpu.memref_squeeze %dma_wait3A_461 : memref<1x104x64xf32, #tpu.memory_space<vmem>> -> memref<104x64xf32, #tpu.memory_space<vmem>>
    %dma_wait3A_463 = arith.constant 0 : i32
    %dma_wait3A_464 = tpu.memref_slice %arg5[%dma_wait3A_456, %dma_wait3A_463] : memref<64x104xi32, #tpu.memory_space<vmem>> -> memref<1x104xi32, #tpu.memory_space<vmem>>
    %dma_wait3A_465 = tpu.memref_squeeze %dma_wait3A_464 : memref<1x104xi32, #tpu.memory_space<vmem>> -> memref<104xi32, #tpu.memory_space<vmem>>
    %dma_wait3A_466 = arith.constant 0 : i32
    %dma_wait3A_467 = arith.constant 0 : i32
    %dma_wait3A_468 = tpu.memref_slice %arg3[%dma_wait3A_466, %dma_wait3A_467] : memref<1000000x64xf32, #tpu.memory_space<hbm>> -> memref<1000000x64xf32, #tpu.memory_space<hbm>>
    %dma_wait3A_469 = tpu.memref_slice %arg7[%dma_wait3A_458] : memref<16x!tpu.dma_semaphore, #tpu.memory_space<semaphore_mem>> -> memref<1x!tpu.dma_semaphore, #tpu.memory_space<semaphore_mem>>
    %dma_wait3A_470 = tpu.memref_squeeze %dma_wait3A_469 : memref<1x!tpu.dma_semaphore, #tpu.memory_space<semaphore_mem>> -> memref<!tpu.dma_semaphore, #tpu.memory_space<semaphore_mem>>
    tpu.wait_indirect_dma semaphore(%dma_wait3A_470 : memref<!tpu.dma_semaphore, #tpu.memory_space<semaphore_mem>>) src(%dma_wait3A_468 : memref<1000000x64xf32, #tpu.memory_space<hbm>>) dst(%dma_wait3A_462 : memref<104x64xf32, #tpu.memory_space<vmem>>)
    %add3A_471 = arith.constant 116 : i32
    %add3A_472 = arith.addi %mul3A_2, %add3A_471 : i32
    %run_scoped3A_473 = arith.constant 10 : i32
    "tpu.region"() ({
      %run_scoped3A_582 = tpu.sem_alloc : memref<!tpu.dma_semaphore, #tpu.memory_space<semaphore_mem>>
      %dma_start3A_583 = arith.constant 0 : i32
      %dma_start3A_584 = arith.constant 0 : i32
      %dma_start3A_585 = tpu.memref_slice %arg6[%run_scoped3A_473, %dma_start3A_583, %dma_start3A_584] : memref<16x104x64xf32, #tpu.memory_space<vmem>> -> memref<1x50x64xf32, #tpu.memory_space<vmem>>
      %dma_start3A_586 = tpu.memref_squeeze %dma_start3A_585 : memref<1x50x64xf32, #tpu.memory_space<vmem>> -> memref<50x64xf32, #tpu.memory_space<vmem>>
      %dma_start3A_587 = arith.constant 0 : i32
      %dma_start3A_588 = arith.constant 0 : i32
      %dma_start3A_589 = tpu.memref_slice %arg4[%add3A_472, %dma_start3A_587, %dma_start3A_588] : memref<4096x56x128xf32, #tpu.memory_space<hbm>> -> memref<1x50x64xf32, #tpu.memory_space<hbm>>
      %dma_start3A_590 = tpu.memref_squeeze %dma_start3A_589 : memref<1x50x64xf32, #tpu.memory_space<hbm>> -> memref<50x64xf32, #tpu.memory_space<hbm>>
      %dma_start3A_591 = arith.constant 0 : i32
      %dma_start3A_592 = arith.constant 0 : i32
      %dma_start3A_593 = tpu.memref_slice %arg4[%add3A_472, %dma_start3A_591, %dma_start3A_592] : memref<4096x56x128xf32, #tpu.memory_space<hbm>> -> memref<1x50x64xf32, #tpu.memory_space<hbm>>
      %dma_start3A_594 = tpu.memref_squeeze %dma_start3A_593 : memref<1x50x64xf32, #tpu.memory_space<hbm>> -> memref<50x64xf32, #tpu.memory_space<hbm>>
      %dma_start3A_595 = arith.constant 0 : i32
      %dma_start3A_596 = arith.constant 0 : i32
      %dma_start3A_597 = tpu.memref_slice %arg6[%run_scoped3A_473, %dma_start3A_595, %dma_start3A_596] : memref<16x104x64xf32, #tpu.memory_space<vmem>> -> memref<1x50x64xf32, #tpu.memory_space<vmem>>
      %dma_start3A_598 = tpu.memref_squeeze %dma_start3A_597 : memref<1x50x64xf32, #tpu.memory_space<vmem>> -> memref<50x64xf32, #tpu.memory_space<vmem>>
      tpu.enqueue_dma source(%dma_start3A_598 : memref<50x64xf32, #tpu.memory_space<vmem>>) target(%dma_start3A_594 : memref<50x64xf32, #tpu.memory_space<hbm>>) target_semaphore(%run_scoped3A_582 : memref<!tpu.dma_semaphore, #tpu.memory_space<semaphore_mem>>)
      %dma_wait3A_599 = arith.constant 0 : i32
      %dma_wait3A_600 = arith.constant 0 : i32
      %dma_wait3A_601 = tpu.memref_slice %arg6[%run_scoped3A_473, %dma_wait3A_599, %dma_wait3A_600] : memref<16x104x64xf32, #tpu.memory_space<vmem>> -> memref<1x50x64xf32, #tpu.memory_space<vmem>>
      %dma_wait3A_602 = tpu.memref_squeeze %dma_wait3A_601 : memref<1x50x64xf32, #tpu.memory_space<vmem>> -> memref<50x64xf32, #tpu.memory_space<vmem>>
      %dma_wait3A_603 = arith.constant 0 : i32
      %dma_wait3A_604 = arith.constant 0 : i32
      %dma_wait3A_605 = tpu.memref_slice %arg4[%add3A_472, %dma_wait3A_603, %dma_wait3A_604] : memref<4096x56x128xf32, #tpu.memory_space<hbm>> -> memref<1x50x64xf32, #tpu.memory_space<hbm>>
      %dma_wait3A_606 = tpu.memref_squeeze %dma_wait3A_605 : memref<1x50x64xf32, #tpu.memory_space<hbm>> -> memref<50x64xf32, #tpu.memory_space<hbm>>
      %dma_wait3A_607 = arith.constant 0 : i32
      %dma_wait3A_608 = arith.constant 0 : i32
      %dma_wait3A_609 = tpu.memref_slice %arg4[%add3A_472, %dma_wait3A_607, %dma_wait3A_608] : memref<4096x56x128xf32, #tpu.memory_space<hbm>> -> memref<1x50x64xf32, #tpu.memory_space<hbm>>
      %dma_wait3A_610 = tpu.memref_squeeze %dma_wait3A_609 : memref<1x50x64xf32, #tpu.memory_space<hbm>> -> memref<50x64xf32, #tpu.memory_space<hbm>>
      %dma_wait3A_611 = arith.constant 0 : i32
      %dma_wait3A_612 = arith.constant 0 : i32
      %dma_wait3A_613 = tpu.memref_slice %arg6[%run_scoped3A_473, %dma_wait3A_611, %dma_wait3A_612] : memref<16x104x64xf32, #tpu.memory_space<vmem>> -> memref<1x50x64xf32, #tpu.memory_space<vmem>>
      %dma_wait3A_614 = tpu.memref_squeeze %dma_wait3A_613 : memref<1x50x64xf32, #tpu.memory_space<vmem>> -> memref<50x64xf32, #tpu.memory_space<vmem>>
      tpu.wait_dma2 semaphore(%run_scoped3A_582 : memref<!tpu.dma_semaphore, #tpu.memory_space<semaphore_mem>>) src(%dma_wait3A_614 : memref<50x64xf32, #tpu.memory_space<vmem>>) dst(%dma_wait3A_610 : memref<50x64xf32, #tpu.memory_space<hbm>>)
      tpu.yield
    }) : () -> ()
    %add3A_474 = arith.constant 1 : i32
    %add3A_475 = arith.addi %add3A_472, %add3A_474 : i32
    %run_scoped3A_476 = arith.constant 10 : i32
    "tpu.region"() ({
      %run_scoped3A_582 = tpu.sem_alloc : memref<!tpu.dma_semaphore, #tpu.memory_space<semaphore_mem>>
      %dma_start3A_583 = arith.constant 50 : i32
      %dma_start3A_584 = arith.constant 0 : i32
      %dma_start3A_585 = tpu.memref_slice %arg6[%run_scoped3A_476, %dma_start3A_583, %dma_start3A_584] : memref<16x104x64xf32, #tpu.memory_space<vmem>> -> memref<1x50x64xf32, #tpu.memory_space<vmem>>
      %dma_start3A_586 = tpu.memref_squeeze %dma_start3A_585 : memref<1x50x64xf32, #tpu.memory_space<vmem>> -> memref<50x64xf32, #tpu.memory_space<vmem>>
      %dma_start3A_587 = arith.constant 0 : i32
      %dma_start3A_588 = arith.constant 0 : i32
      %dma_start3A_589 = tpu.memref_slice %arg4[%add3A_475, %dma_start3A_587, %dma_start3A_588] : memref<4096x56x128xf32, #tpu.memory_space<hbm>> -> memref<1x50x64xf32, #tpu.memory_space<hbm>>
      %dma_start3A_590 = tpu.memref_squeeze %dma_start3A_589 : memref<1x50x64xf32, #tpu.memory_space<hbm>> -> memref<50x64xf32, #tpu.memory_space<hbm>>
      %dma_start3A_591 = arith.constant 0 : i32
      %dma_start3A_592 = arith.constant 0 : i32
      %dma_start3A_593 = tpu.memref_slice %arg4[%add3A_475, %dma_start3A_591, %dma_start3A_592] : memref<4096x56x128xf32, #tpu.memory_space<hbm>> -> memref<1x50x64xf32, #tpu.memory_space<hbm>>
      %dma_start3A_594 = tpu.memref_squeeze %dma_start3A_593 : memref<1x50x64xf32, #tpu.memory_space<hbm>> -> memref<50x64xf32, #tpu.memory_space<hbm>>
      %dma_start3A_595 = arith.constant 50 : i32
      %dma_start3A_596 = arith.constant 0 : i32
      %dma_start3A_597 = tpu.memref_slice %arg6[%run_scoped3A_476, %dma_start3A_595, %dma_start3A_596] : memref<16x104x64xf32, #tpu.memory_space<vmem>> -> memref<1x50x64xf32, #tpu.memory_space<vmem>>
      %dma_start3A_598 = tpu.memref_squeeze %dma_start3A_597 : memref<1x50x64xf32, #tpu.memory_space<vmem>> -> memref<50x64xf32, #tpu.memory_space<vmem>>
      tpu.enqueue_dma source(%dma_start3A_598 : memref<50x64xf32, #tpu.memory_space<vmem>>) target(%dma_start3A_594 : memref<50x64xf32, #tpu.memory_space<hbm>>) target_semaphore(%run_scoped3A_582 : memref<!tpu.dma_semaphore, #tpu.memory_space<semaphore_mem>>)
      %dma_wait3A_599 = arith.constant 50 : i32
      %dma_wait3A_600 = arith.constant 0 : i32
      %dma_wait3A_601 = tpu.memref_slice %arg6[%run_scoped3A_476, %dma_wait3A_599, %dma_wait3A_600] : memref<16x104x64xf32, #tpu.memory_space<vmem>> -> memref<1x50x64xf32, #tpu.memory_space<vmem>>
      %dma_wait3A_602 = tpu.memref_squeeze %dma_wait3A_601 : memref<1x50x64xf32, #tpu.memory_space<vmem>> -> memref<50x64xf32, #tpu.memory_space<vmem>>
      %dma_wait3A_603 = arith.constant 0 : i32
      %dma_wait3A_604 = arith.constant 0 : i32
      %dma_wait3A_605 = tpu.memref_slice %arg4[%add3A_475, %dma_wait3A_603, %dma_wait3A_604] : memref<4096x56x128xf32, #tpu.memory_space<hbm>> -> memref<1x50x64xf32, #tpu.memory_space<hbm>>
      %dma_wait3A_606 = tpu.memref_squeeze %dma_wait3A_605 : memref<1x50x64xf32, #tpu.memory_space<hbm>> -> memref<50x64xf32, #tpu.memory_space<hbm>>
      %dma_wait3A_607 = arith.constant 0 : i32
      %dma_wait3A_608 = arith.constant 0 : i32
      %dma_wait3A_609 = tpu.memref_slice %arg4[%add3A_475, %dma_wait3A_607, %dma_wait3A_608] : memref<4096x56x128xf32, #tpu.memory_space<hbm>> -> memref<1x50x64xf32, #tpu.memory_space<hbm>>
      %dma_wait3A_610 = tpu.memref_squeeze %dma_wait3A_609 : memref<1x50x64xf32, #tpu.memory_space<hbm>> -> memref<50x64xf32, #tpu.memory_space<hbm>>
      %dma_wait3A_611 = arith.constant 50 : i32
      %dma_wait3A_612 = arith.constant 0 : i32
      %dma_wait3A_613 = tpu.memref_slice %arg6[%run_scoped3A_476, %dma_wait3A_611, %dma_wait3A_612] : memref<16x104x64xf32, #tpu.memory_space<vmem>> -> memref<1x50x64xf32, #tpu.memory_space<vmem>>
      %dma_wait3A_614 = tpu.memref_squeeze %dma_wait3A_613 : memref<1x50x64xf32, #tpu.memory_space<vmem>> -> memref<50x64xf32, #tpu.memory_space<vmem>>
      tpu.wait_dma2 semaphore(%run_scoped3A_582 : memref<!tpu.dma_semaphore, #tpu.memory_space<semaphore_mem>>) src(%dma_wait3A_614 : memref<50x64xf32, #tpu.memory_space<vmem>>) dst(%dma_wait3A_610 : memref<50x64xf32, #tpu.memory_space<hbm>>)
      tpu.yield
    }) : () -> ()
    %dma_wait3A_477 = arith.constant 0 : i32
    %dma_wait3A_478 = arith.constant 11 : i32
    %dma_wait3A_479 = arith.constant 11 : i32
    %dma_wait3A_480 = arith.constant 0 : i32
    %dma_wait3A_481 = arith.constant 0 : i32
    %dma_wait3A_482 = tpu.memref_slice %arg6[%dma_wait3A_478, %dma_wait3A_480, %dma_wait3A_481] : memref<16x104x64xf32, #tpu.memory_space<vmem>> -> memref<1x104x64xf32, #tpu.memory_space<vmem>>
    %dma_wait3A_483 = tpu.memref_squeeze %dma_wait3A_482 : memref<1x104x64xf32, #tpu.memory_space<vmem>> -> memref<104x64xf32, #tpu.memory_space<vmem>>
    %dma_wait3A_484 = arith.constant 0 : i32
    %dma_wait3A_485 = tpu.memref_slice %arg5[%dma_wait3A_477, %dma_wait3A_484] : memref<64x104xi32, #tpu.memory_space<vmem>> -> memref<1x104xi32, #tpu.memory_space<vmem>>
    %dma_wait3A_486 = tpu.memref_squeeze %dma_wait3A_485 : memref<1x104xi32, #tpu.memory_space<vmem>> -> memref<104xi32, #tpu.memory_space<vmem>>
    %dma_wait3A_487 = arith.constant 0 : i32
    %dma_wait3A_488 = arith.constant 0 : i32
    %dma_wait3A_489 = tpu.memref_slice %arg3[%dma_wait3A_487, %dma_wait3A_488] : memref<1000000x64xf32, #tpu.memory_space<hbm>> -> memref<1000000x64xf32, #tpu.memory_space<hbm>>
    %dma_wait3A_490 = tpu.memref_slice %arg7[%dma_wait3A_479] : memref<16x!tpu.dma_semaphore, #tpu.memory_space<semaphore_mem>> -> memref<1x!tpu.dma_semaphore, #tpu.memory_space<semaphore_mem>>
    %dma_wait3A_491 = tpu.memref_squeeze %dma_wait3A_490 : memref<1x!tpu.dma_semaphore, #tpu.memory_space<semaphore_mem>> -> memref<!tpu.dma_semaphore, #tpu.memory_space<semaphore_mem>>
    tpu.wait_indirect_dma semaphore(%dma_wait3A_491 : memref<!tpu.dma_semaphore, #tpu.memory_space<semaphore_mem>>) src(%dma_wait3A_489 : memref<1000000x64xf32, #tpu.memory_space<hbm>>) dst(%dma_wait3A_483 : memref<104x64xf32, #tpu.memory_space<vmem>>)
    %add3A_492 = arith.constant 118 : i32
    %add3A_493 = arith.addi %mul3A_2, %add3A_492 : i32
    %run_scoped3A_494 = arith.constant 11 : i32
    "tpu.region"() ({
      %run_scoped3A_582 = tpu.sem_alloc : memref<!tpu.dma_semaphore, #tpu.memory_space<semaphore_mem>>
      %dma_start3A_583 = arith.constant 0 : i32
      %dma_start3A_584 = arith.constant 0 : i32
      %dma_start3A_585 = tpu.memref_slice %arg6[%run_scoped3A_494, %dma_start3A_583, %dma_start3A_584] : memref<16x104x64xf32, #tpu.memory_space<vmem>> -> memref<1x50x64xf32, #tpu.memory_space<vmem>>
      %dma_start3A_586 = tpu.memref_squeeze %dma_start3A_585 : memref<1x50x64xf32, #tpu.memory_space<vmem>> -> memref<50x64xf32, #tpu.memory_space<vmem>>
      %dma_start3A_587 = arith.constant 0 : i32
      %dma_start3A_588 = arith.constant 0 : i32
      %dma_start3A_589 = tpu.memref_slice %arg4[%add3A_493, %dma_start3A_587, %dma_start3A_588] : memref<4096x56x128xf32, #tpu.memory_space<hbm>> -> memref<1x50x64xf32, #tpu.memory_space<hbm>>
      %dma_start3A_590 = tpu.memref_squeeze %dma_start3A_589 : memref<1x50x64xf32, #tpu.memory_space<hbm>> -> memref<50x64xf32, #tpu.memory_space<hbm>>
      %dma_start3A_591 = arith.constant 0 : i32
      %dma_start3A_592 = arith.constant 0 : i32
      %dma_start3A_593 = tpu.memref_slice %arg4[%add3A_493, %dma_start3A_591, %dma_start3A_592] : memref<4096x56x128xf32, #tpu.memory_space<hbm>> -> memref<1x50x64xf32, #tpu.memory_space<hbm>>
      %dma_start3A_594 = tpu.memref_squeeze %dma_start3A_593 : memref<1x50x64xf32, #tpu.memory_space<hbm>> -> memref<50x64xf32, #tpu.memory_space<hbm>>
      %dma_start3A_595 = arith.constant 0 : i32
      %dma_start3A_596 = arith.constant 0 : i32
      %dma_start3A_597 = tpu.memref_slice %arg6[%run_scoped3A_494, %dma_start3A_595, %dma_start3A_596] : memref<16x104x64xf32, #tpu.memory_space<vmem>> -> memref<1x50x64xf32, #tpu.memory_space<vmem>>
      %dma_start3A_598 = tpu.memref_squeeze %dma_start3A_597 : memref<1x50x64xf32, #tpu.memory_space<vmem>> -> memref<50x64xf32, #tpu.memory_space<vmem>>
      tpu.enqueue_dma source(%dma_start3A_598 : memref<50x64xf32, #tpu.memory_space<vmem>>) target(%dma_start3A_594 : memref<50x64xf32, #tpu.memory_space<hbm>>) target_semaphore(%run_scoped3A_582 : memref<!tpu.dma_semaphore, #tpu.memory_space<semaphore_mem>>)
      %dma_wait3A_599 = arith.constant 0 : i32
      %dma_wait3A_600 = arith.constant 0 : i32
      %dma_wait3A_601 = tpu.memref_slice %arg6[%run_scoped3A_494, %dma_wait3A_599, %dma_wait3A_600] : memref<16x104x64xf32, #tpu.memory_space<vmem>> -> memref<1x50x64xf32, #tpu.memory_space<vmem>>
      %dma_wait3A_602 = tpu.memref_squeeze %dma_wait3A_601 : memref<1x50x64xf32, #tpu.memory_space<vmem>> -> memref<50x64xf32, #tpu.memory_space<vmem>>
      %dma_wait3A_603 = arith.constant 0 : i32
      %dma_wait3A_604 = arith.constant 0 : i32
      %dma_wait3A_605 = tpu.memref_slice %arg4[%add3A_493, %dma_wait3A_603, %dma_wait3A_604] : memref<4096x56x128xf32, #tpu.memory_space<hbm>> -> memref<1x50x64xf32, #tpu.memory_space<hbm>>
      %dma_wait3A_606 = tpu.memref_squeeze %dma_wait3A_605 : memref<1x50x64xf32, #tpu.memory_space<hbm>> -> memref<50x64xf32, #tpu.memory_space<hbm>>
      %dma_wait3A_607 = arith.constant 0 : i32
      %dma_wait3A_608 = arith.constant 0 : i32
      %dma_wait3A_609 = tpu.memref_slice %arg4[%add3A_493, %dma_wait3A_607, %dma_wait3A_608] : memref<4096x56x128xf32, #tpu.memory_space<hbm>> -> memref<1x50x64xf32, #tpu.memory_space<hbm>>
      %dma_wait3A_610 = tpu.memref_squeeze %dma_wait3A_609 : memref<1x50x64xf32, #tpu.memory_space<hbm>> -> memref<50x64xf32, #tpu.memory_space<hbm>>
      %dma_wait3A_611 = arith.constant 0 : i32
      %dma_wait3A_612 = arith.constant 0 : i32
      %dma_wait3A_613 = tpu.memref_slice %arg6[%run_scoped3A_494, %dma_wait3A_611, %dma_wait3A_612] : memref<16x104x64xf32, #tpu.memory_space<vmem>> -> memref<1x50x64xf32, #tpu.memory_space<vmem>>
      %dma_wait3A_614 = tpu.memref_squeeze %dma_wait3A_613 : memref<1x50x64xf32, #tpu.memory_space<vmem>> -> memref<50x64xf32, #tpu.memory_space<vmem>>
      tpu.wait_dma2 semaphore(%run_scoped3A_582 : memref<!tpu.dma_semaphore, #tpu.memory_space<semaphore_mem>>) src(%dma_wait3A_614 : memref<50x64xf32, #tpu.memory_space<vmem>>) dst(%dma_wait3A_610 : memref<50x64xf32, #tpu.memory_space<hbm>>)
      tpu.yield
    }) : () -> ()
    %add3A_495 = arith.constant 1 : i32
    %add3A_496 = arith.addi %add3A_493, %add3A_495 : i32
    %run_scoped3A_497 = arith.constant 11 : i32
    "tpu.region"() ({
      %run_scoped3A_582 = tpu.sem_alloc : memref<!tpu.dma_semaphore, #tpu.memory_space<semaphore_mem>>
      %dma_start3A_583 = arith.constant 50 : i32
      %dma_start3A_584 = arith.constant 0 : i32
      %dma_start3A_585 = tpu.memref_slice %arg6[%run_scoped3A_497, %dma_start3A_583, %dma_start3A_584] : memref<16x104x64xf32, #tpu.memory_space<vmem>> -> memref<1x50x64xf32, #tpu.memory_space<vmem>>
      %dma_start3A_586 = tpu.memref_squeeze %dma_start3A_585 : memref<1x50x64xf32, #tpu.memory_space<vmem>> -> memref<50x64xf32, #tpu.memory_space<vmem>>
      %dma_start3A_587 = arith.constant 0 : i32
      %dma_start3A_588 = arith.constant 0 : i32
      %dma_start3A_589 = tpu.memref_slice %arg4[%add3A_496, %dma_start3A_587, %dma_start3A_588] : memref<4096x56x128xf32, #tpu.memory_space<hbm>> -> memref<1x50x64xf32, #tpu.memory_space<hbm>>
      %dma_start3A_590 = tpu.memref_squeeze %dma_start3A_589 : memref<1x50x64xf32, #tpu.memory_space<hbm>> -> memref<50x64xf32, #tpu.memory_space<hbm>>
      %dma_start3A_591 = arith.constant 0 : i32
      %dma_start3A_592 = arith.constant 0 : i32
      %dma_start3A_593 = tpu.memref_slice %arg4[%add3A_496, %dma_start3A_591, %dma_start3A_592] : memref<4096x56x128xf32, #tpu.memory_space<hbm>> -> memref<1x50x64xf32, #tpu.memory_space<hbm>>
      %dma_start3A_594 = tpu.memref_squeeze %dma_start3A_593 : memref<1x50x64xf32, #tpu.memory_space<hbm>> -> memref<50x64xf32, #tpu.memory_space<hbm>>
      %dma_start3A_595 = arith.constant 50 : i32
      %dma_start3A_596 = arith.constant 0 : i32
      %dma_start3A_597 = tpu.memref_slice %arg6[%run_scoped3A_497, %dma_start3A_595, %dma_start3A_596] : memref<16x104x64xf32, #tpu.memory_space<vmem>> -> memref<1x50x64xf32, #tpu.memory_space<vmem>>
      %dma_start3A_598 = tpu.memref_squeeze %dma_start3A_597 : memref<1x50x64xf32, #tpu.memory_space<vmem>> -> memref<50x64xf32, #tpu.memory_space<vmem>>
      tpu.enqueue_dma source(%dma_start3A_598 : memref<50x64xf32, #tpu.memory_space<vmem>>) target(%dma_start3A_594 : memref<50x64xf32, #tpu.memory_space<hbm>>) target_semaphore(%run_scoped3A_582 : memref<!tpu.dma_semaphore, #tpu.memory_space<semaphore_mem>>)
      %dma_wait3A_599 = arith.constant 50 : i32
      %dma_wait3A_600 = arith.constant 0 : i32
      %dma_wait3A_601 = tpu.memref_slice %arg6[%run_scoped3A_497, %dma_wait3A_599, %dma_wait3A_600] : memref<16x104x64xf32, #tpu.memory_space<vmem>> -> memref<1x50x64xf32, #tpu.memory_space<vmem>>
      %dma_wait3A_602 = tpu.memref_squeeze %dma_wait3A_601 : memref<1x50x64xf32, #tpu.memory_space<vmem>> -> memref<50x64xf32, #tpu.memory_space<vmem>>
      %dma_wait3A_603 = arith.constant 0 : i32
      %dma_wait3A_604 = arith.constant 0 : i32
      %dma_wait3A_605 = tpu.memref_slice %arg4[%add3A_496, %dma_wait3A_603, %dma_wait3A_604] : memref<4096x56x128xf32, #tpu.memory_space<hbm>> -> memref<1x50x64xf32, #tpu.memory_space<hbm>>
      %dma_wait3A_606 = tpu.memref_squeeze %dma_wait3A_605 : memref<1x50x64xf32, #tpu.memory_space<hbm>> -> memref<50x64xf32, #tpu.memory_space<hbm>>
      %dma_wait3A_607 = arith.constant 0 : i32
      %dma_wait3A_608 = arith.constant 0 : i32
      %dma_wait3A_609 = tpu.memref_slice %arg4[%add3A_496, %dma_wait3A_607, %dma_wait3A_608] : memref<4096x56x128xf32, #tpu.memory_space<hbm>> -> memref<1x50x64xf32, #tpu.memory_space<hbm>>
      %dma_wait3A_610 = tpu.memref_squeeze %dma_wait3A_609 : memref<1x50x64xf32, #tpu.memory_space<hbm>> -> memref<50x64xf32, #tpu.memory_space<hbm>>
      %dma_wait3A_611 = arith.constant 50 : i32
      %dma_wait3A_612 = arith.constant 0 : i32
      %dma_wait3A_613 = tpu.memref_slice %arg6[%run_scoped3A_497, %dma_wait3A_611, %dma_wait3A_612] : memref<16x104x64xf32, #tpu.memory_space<vmem>> -> memref<1x50x64xf32, #tpu.memory_space<vmem>>
      %dma_wait3A_614 = tpu.memref_squeeze %dma_wait3A_613 : memref<1x50x64xf32, #tpu.memory_space<vmem>> -> memref<50x64xf32, #tpu.memory_space<vmem>>
      tpu.wait_dma2 semaphore(%run_scoped3A_582 : memref<!tpu.dma_semaphore, #tpu.memory_space<semaphore_mem>>) src(%dma_wait3A_614 : memref<50x64xf32, #tpu.memory_space<vmem>>) dst(%dma_wait3A_610 : memref<50x64xf32, #tpu.memory_space<hbm>>)
      tpu.yield
    }) : () -> ()
    %dma_wait3A_498 = arith.constant 0 : i32
    %dma_wait3A_499 = arith.constant 12 : i32
    %dma_wait3A_500 = arith.constant 12 : i32
    %dma_wait3A_501 = arith.constant 0 : i32
    %dma_wait3A_502 = arith.constant 0 : i32
    %dma_wait3A_503 = tpu.memref_slice %arg6[%dma_wait3A_499, %dma_wait3A_501, %dma_wait3A_502] : memref<16x104x64xf32, #tpu.memory_space<vmem>> -> memref<1x104x64xf32, #tpu.memory_space<vmem>>
    %dma_wait3A_504 = tpu.memref_squeeze %dma_wait3A_503 : memref<1x104x64xf32, #tpu.memory_space<vmem>> -> memref<104x64xf32, #tpu.memory_space<vmem>>
    %dma_wait3A_505 = arith.constant 0 : i32
    %dma_wait3A_506 = tpu.memref_slice %arg5[%dma_wait3A_498, %dma_wait3A_505] : memref<64x104xi32, #tpu.memory_space<vmem>> -> memref<1x104xi32, #tpu.memory_space<vmem>>
    %dma_wait3A_507 = tpu.memref_squeeze %dma_wait3A_506 : memref<1x104xi32, #tpu.memory_space<vmem>> -> memref<104xi32, #tpu.memory_space<vmem>>
    %dma_wait3A_508 = arith.constant 0 : i32
    %dma_wait3A_509 = arith.constant 0 : i32
    %dma_wait3A_510 = tpu.memref_slice %arg3[%dma_wait3A_508, %dma_wait3A_509] : memref<1000000x64xf32, #tpu.memory_space<hbm>> -> memref<1000000x64xf32, #tpu.memory_space<hbm>>
    %dma_wait3A_511 = tpu.memref_slice %arg7[%dma_wait3A_500] : memref<16x!tpu.dma_semaphore, #tpu.memory_space<semaphore_mem>> -> memref<1x!tpu.dma_semaphore, #tpu.memory_space<semaphore_mem>>
    %dma_wait3A_512 = tpu.memref_squeeze %dma_wait3A_511 : memref<1x!tpu.dma_semaphore, #tpu.memory_space<semaphore_mem>> -> memref<!tpu.dma_semaphore, #tpu.memory_space<semaphore_mem>>
    tpu.wait_indirect_dma semaphore(%dma_wait3A_512 : memref<!tpu.dma_semaphore, #tpu.memory_space<semaphore_mem>>) src(%dma_wait3A_510 : memref<1000000x64xf32, #tpu.memory_space<hbm>>) dst(%dma_wait3A_504 : memref<104x64xf32, #tpu.memory_space<vmem>>)
    %add3A_513 = arith.constant 120 : i32
    %add3A_514 = arith.addi %mul3A_2, %add3A_513 : i32
    %run_scoped3A_515 = arith.constant 12 : i32
    "tpu.region"() ({
      %run_scoped3A_582 = tpu.sem_alloc : memref<!tpu.dma_semaphore, #tpu.memory_space<semaphore_mem>>
      %dma_start3A_583 = arith.constant 0 : i32
      %dma_start3A_584 = arith.constant 0 : i32
      %dma_start3A_585 = tpu.memref_slice %arg6[%run_scoped3A_515, %dma_start3A_583, %dma_start3A_584] : memref<16x104x64xf32, #tpu.memory_space<vmem>> -> memref<1x50x64xf32, #tpu.memory_space<vmem>>
      %dma_start3A_586 = tpu.memref_squeeze %dma_start3A_585 : memref<1x50x64xf32, #tpu.memory_space<vmem>> -> memref<50x64xf32, #tpu.memory_space<vmem>>
      %dma_start3A_587 = arith.constant 0 : i32
      %dma_start3A_588 = arith.constant 0 : i32
      %dma_start3A_589 = tpu.memref_slice %arg4[%add3A_514, %dma_start3A_587, %dma_start3A_588] : memref<4096x56x128xf32, #tpu.memory_space<hbm>> -> memref<1x50x64xf32, #tpu.memory_space<hbm>>
      %dma_start3A_590 = tpu.memref_squeeze %dma_start3A_589 : memref<1x50x64xf32, #tpu.memory_space<hbm>> -> memref<50x64xf32, #tpu.memory_space<hbm>>
      %dma_start3A_591 = arith.constant 0 : i32
      %dma_start3A_592 = arith.constant 0 : i32
      %dma_start3A_593 = tpu.memref_slice %arg4[%add3A_514, %dma_start3A_591, %dma_start3A_592] : memref<4096x56x128xf32, #tpu.memory_space<hbm>> -> memref<1x50x64xf32, #tpu.memory_space<hbm>>
      %dma_start3A_594 = tpu.memref_squeeze %dma_start3A_593 : memref<1x50x64xf32, #tpu.memory_space<hbm>> -> memref<50x64xf32, #tpu.memory_space<hbm>>
      %dma_start3A_595 = arith.constant 0 : i32
      %dma_start3A_596 = arith.constant 0 : i32
      %dma_start3A_597 = tpu.memref_slice %arg6[%run_scoped3A_515, %dma_start3A_595, %dma_start3A_596] : memref<16x104x64xf32, #tpu.memory_space<vmem>> -> memref<1x50x64xf32, #tpu.memory_space<vmem>>
      %dma_start3A_598 = tpu.memref_squeeze %dma_start3A_597 : memref<1x50x64xf32, #tpu.memory_space<vmem>> -> memref<50x64xf32, #tpu.memory_space<vmem>>
      tpu.enqueue_dma source(%dma_start3A_598 : memref<50x64xf32, #tpu.memory_space<vmem>>) target(%dma_start3A_594 : memref<50x64xf32, #tpu.memory_space<hbm>>) target_semaphore(%run_scoped3A_582 : memref<!tpu.dma_semaphore, #tpu.memory_space<semaphore_mem>>)
      %dma_wait3A_599 = arith.constant 0 : i32
      %dma_wait3A_600 = arith.constant 0 : i32
      %dma_wait3A_601 = tpu.memref_slice %arg6[%run_scoped3A_515, %dma_wait3A_599, %dma_wait3A_600] : memref<16x104x64xf32, #tpu.memory_space<vmem>> -> memref<1x50x64xf32, #tpu.memory_space<vmem>>
      %dma_wait3A_602 = tpu.memref_squeeze %dma_wait3A_601 : memref<1x50x64xf32, #tpu.memory_space<vmem>> -> memref<50x64xf32, #tpu.memory_space<vmem>>
      %dma_wait3A_603 = arith.constant 0 : i32
      %dma_wait3A_604 = arith.constant 0 : i32
      %dma_wait3A_605 = tpu.memref_slice %arg4[%add3A_514, %dma_wait3A_603, %dma_wait3A_604] : memref<4096x56x128xf32, #tpu.memory_space<hbm>> -> memref<1x50x64xf32, #tpu.memory_space<hbm>>
      %dma_wait3A_606 = tpu.memref_squeeze %dma_wait3A_605 : memref<1x50x64xf32, #tpu.memory_space<hbm>> -> memref<50x64xf32, #tpu.memory_space<hbm>>
      %dma_wait3A_607 = arith.constant 0 : i32
      %dma_wait3A_608 = arith.constant 0 : i32
      %dma_wait3A_609 = tpu.memref_slice %arg4[%add3A_514, %dma_wait3A_607, %dma_wait3A_608] : memref<4096x56x128xf32, #tpu.memory_space<hbm>> -> memref<1x50x64xf32, #tpu.memory_space<hbm>>
      %dma_wait3A_610 = tpu.memref_squeeze %dma_wait3A_609 : memref<1x50x64xf32, #tpu.memory_space<hbm>> -> memref<50x64xf32, #tpu.memory_space<hbm>>
      %dma_wait3A_611 = arith.constant 0 : i32
      %dma_wait3A_612 = arith.constant 0 : i32
      %dma_wait3A_613 = tpu.memref_slice %arg6[%run_scoped3A_515, %dma_wait3A_611, %dma_wait3A_612] : memref<16x104x64xf32, #tpu.memory_space<vmem>> -> memref<1x50x64xf32, #tpu.memory_space<vmem>>
      %dma_wait3A_614 = tpu.memref_squeeze %dma_wait3A_613 : memref<1x50x64xf32, #tpu.memory_space<vmem>> -> memref<50x64xf32, #tpu.memory_space<vmem>>
      tpu.wait_dma2 semaphore(%run_scoped3A_582 : memref<!tpu.dma_semaphore, #tpu.memory_space<semaphore_mem>>) src(%dma_wait3A_614 : memref<50x64xf32, #tpu.memory_space<vmem>>) dst(%dma_wait3A_610 : memref<50x64xf32, #tpu.memory_space<hbm>>)
      tpu.yield
    }) : () -> ()
    %add3A_516 = arith.constant 1 : i32
    %add3A_517 = arith.addi %add3A_514, %add3A_516 : i32
    %run_scoped3A_518 = arith.constant 12 : i32
    "tpu.region"() ({
      %run_scoped3A_582 = tpu.sem_alloc : memref<!tpu.dma_semaphore, #tpu.memory_space<semaphore_mem>>
      %dma_start3A_583 = arith.constant 50 : i32
      %dma_start3A_584 = arith.constant 0 : i32
      %dma_start3A_585 = tpu.memref_slice %arg6[%run_scoped3A_518, %dma_start3A_583, %dma_start3A_584] : memref<16x104x64xf32, #tpu.memory_space<vmem>> -> memref<1x50x64xf32, #tpu.memory_space<vmem>>
      %dma_start3A_586 = tpu.memref_squeeze %dma_start3A_585 : memref<1x50x64xf32, #tpu.memory_space<vmem>> -> memref<50x64xf32, #tpu.memory_space<vmem>>
      %dma_start3A_587 = arith.constant 0 : i32
      %dma_start3A_588 = arith.constant 0 : i32
      %dma_start3A_589 = tpu.memref_slice %arg4[%add3A_517, %dma_start3A_587, %dma_start3A_588] : memref<4096x56x128xf32, #tpu.memory_space<hbm>> -> memref<1x50x64xf32, #tpu.memory_space<hbm>>
      %dma_start3A_590 = tpu.memref_squeeze %dma_start3A_589 : memref<1x50x64xf32, #tpu.memory_space<hbm>> -> memref<50x64xf32, #tpu.memory_space<hbm>>
      %dma_start3A_591 = arith.constant 0 : i32
      %dma_start3A_592 = arith.constant 0 : i32
      %dma_start3A_593 = tpu.memref_slice %arg4[%add3A_517, %dma_start3A_591, %dma_start3A_592] : memref<4096x56x128xf32, #tpu.memory_space<hbm>> -> memref<1x50x64xf32, #tpu.memory_space<hbm>>
      %dma_start3A_594 = tpu.memref_squeeze %dma_start3A_593 : memref<1x50x64xf32, #tpu.memory_space<hbm>> -> memref<50x64xf32, #tpu.memory_space<hbm>>
      %dma_start3A_595 = arith.constant 50 : i32
      %dma_start3A_596 = arith.constant 0 : i32
      %dma_start3A_597 = tpu.memref_slice %arg6[%run_scoped3A_518, %dma_start3A_595, %dma_start3A_596] : memref<16x104x64xf32, #tpu.memory_space<vmem>> -> memref<1x50x64xf32, #tpu.memory_space<vmem>>
      %dma_start3A_598 = tpu.memref_squeeze %dma_start3A_597 : memref<1x50x64xf32, #tpu.memory_space<vmem>> -> memref<50x64xf32, #tpu.memory_space<vmem>>
      tpu.enqueue_dma source(%dma_start3A_598 : memref<50x64xf32, #tpu.memory_space<vmem>>) target(%dma_start3A_594 : memref<50x64xf32, #tpu.memory_space<hbm>>) target_semaphore(%run_scoped3A_582 : memref<!tpu.dma_semaphore, #tpu.memory_space<semaphore_mem>>)
      %dma_wait3A_599 = arith.constant 50 : i32
      %dma_wait3A_600 = arith.constant 0 : i32
      %dma_wait3A_601 = tpu.memref_slice %arg6[%run_scoped3A_518, %dma_wait3A_599, %dma_wait3A_600] : memref<16x104x64xf32, #tpu.memory_space<vmem>> -> memref<1x50x64xf32, #tpu.memory_space<vmem>>
      %dma_wait3A_602 = tpu.memref_squeeze %dma_wait3A_601 : memref<1x50x64xf32, #tpu.memory_space<vmem>> -> memref<50x64xf32, #tpu.memory_space<vmem>>
      %dma_wait3A_603 = arith.constant 0 : i32
      %dma_wait3A_604 = arith.constant 0 : i32
      %dma_wait3A_605 = tpu.memref_slice %arg4[%add3A_517, %dma_wait3A_603, %dma_wait3A_604] : memref<4096x56x128xf32, #tpu.memory_space<hbm>> -> memref<1x50x64xf32, #tpu.memory_space<hbm>>
      %dma_wait3A_606 = tpu.memref_squeeze %dma_wait3A_605 : memref<1x50x64xf32, #tpu.memory_space<hbm>> -> memref<50x64xf32, #tpu.memory_space<hbm>>
      %dma_wait3A_607 = arith.constant 0 : i32
      %dma_wait3A_608 = arith.constant 0 : i32
      %dma_wait3A_609 = tpu.memref_slice %arg4[%add3A_517, %dma_wait3A_607, %dma_wait3A_608] : memref<4096x56x128xf32, #tpu.memory_space<hbm>> -> memref<1x50x64xf32, #tpu.memory_space<hbm>>
      %dma_wait3A_610 = tpu.memref_squeeze %dma_wait3A_609 : memref<1x50x64xf32, #tpu.memory_space<hbm>> -> memref<50x64xf32, #tpu.memory_space<hbm>>
      %dma_wait3A_611 = arith.constant 50 : i32
      %dma_wait3A_612 = arith.constant 0 : i32
      %dma_wait3A_613 = tpu.memref_slice %arg6[%run_scoped3A_518, %dma_wait3A_611, %dma_wait3A_612] : memref<16x104x64xf32, #tpu.memory_space<vmem>> -> memref<1x50x64xf32, #tpu.memory_space<vmem>>
      %dma_wait3A_614 = tpu.memref_squeeze %dma_wait3A_613 : memref<1x50x64xf32, #tpu.memory_space<vmem>> -> memref<50x64xf32, #tpu.memory_space<vmem>>
      tpu.wait_dma2 semaphore(%run_scoped3A_582 : memref<!tpu.dma_semaphore, #tpu.memory_space<semaphore_mem>>) src(%dma_wait3A_614 : memref<50x64xf32, #tpu.memory_space<vmem>>) dst(%dma_wait3A_610 : memref<50x64xf32, #tpu.memory_space<hbm>>)
      tpu.yield
    }) : () -> ()
    %dma_wait3A_519 = arith.constant 0 : i32
    %dma_wait3A_520 = arith.constant 13 : i32
    %dma_wait3A_521 = arith.constant 13 : i32
    %dma_wait3A_522 = arith.constant 0 : i32
    %dma_wait3A_523 = arith.constant 0 : i32
    %dma_wait3A_524 = tpu.memref_slice %arg6[%dma_wait3A_520, %dma_wait3A_522, %dma_wait3A_523] : memref<16x104x64xf32, #tpu.memory_space<vmem>> -> memref<1x104x64xf32, #tpu.memory_space<vmem>>
    %dma_wait3A_525 = tpu.memref_squeeze %dma_wait3A_524 : memref<1x104x64xf32, #tpu.memory_space<vmem>> -> memref<104x64xf32, #tpu.memory_space<vmem>>
    %dma_wait3A_526 = arith.constant 0 : i32
    %dma_wait3A_527 = tpu.memref_slice %arg5[%dma_wait3A_519, %dma_wait3A_526] : memref<64x104xi32, #tpu.memory_space<vmem>> -> memref<1x104xi32, #tpu.memory_space<vmem>>
    %dma_wait3A_528 = tpu.memref_squeeze %dma_wait3A_527 : memref<1x104xi32, #tpu.memory_space<vmem>> -> memref<104xi32, #tpu.memory_space<vmem>>
    %dma_wait3A_529 = arith.constant 0 : i32
    %dma_wait3A_530 = arith.constant 0 : i32
    %dma_wait3A_531 = tpu.memref_slice %arg3[%dma_wait3A_529, %dma_wait3A_530] : memref<1000000x64xf32, #tpu.memory_space<hbm>> -> memref<1000000x64xf32, #tpu.memory_space<hbm>>
    %dma_wait3A_532 = tpu.memref_slice %arg7[%dma_wait3A_521] : memref<16x!tpu.dma_semaphore, #tpu.memory_space<semaphore_mem>> -> memref<1x!tpu.dma_semaphore, #tpu.memory_space<semaphore_mem>>
    %dma_wait3A_533 = tpu.memref_squeeze %dma_wait3A_532 : memref<1x!tpu.dma_semaphore, #tpu.memory_space<semaphore_mem>> -> memref<!tpu.dma_semaphore, #tpu.memory_space<semaphore_mem>>
    tpu.wait_indirect_dma semaphore(%dma_wait3A_533 : memref<!tpu.dma_semaphore, #tpu.memory_space<semaphore_mem>>) src(%dma_wait3A_531 : memref<1000000x64xf32, #tpu.memory_space<hbm>>) dst(%dma_wait3A_525 : memref<104x64xf32, #tpu.memory_space<vmem>>)
    %add3A_534 = arith.constant 122 : i32
    %add3A_535 = arith.addi %mul3A_2, %add3A_534 : i32
    %run_scoped3A_536 = arith.constant 13 : i32
    "tpu.region"() ({
      %run_scoped3A_582 = tpu.sem_alloc : memref<!tpu.dma_semaphore, #tpu.memory_space<semaphore_mem>>
      %dma_start3A_583 = arith.constant 0 : i32
      %dma_start3A_584 = arith.constant 0 : i32
      %dma_start3A_585 = tpu.memref_slice %arg6[%run_scoped3A_536, %dma_start3A_583, %dma_start3A_584] : memref<16x104x64xf32, #tpu.memory_space<vmem>> -> memref<1x50x64xf32, #tpu.memory_space<vmem>>
      %dma_start3A_586 = tpu.memref_squeeze %dma_start3A_585 : memref<1x50x64xf32, #tpu.memory_space<vmem>> -> memref<50x64xf32, #tpu.memory_space<vmem>>
      %dma_start3A_587 = arith.constant 0 : i32
      %dma_start3A_588 = arith.constant 0 : i32
      %dma_start3A_589 = tpu.memref_slice %arg4[%add3A_535, %dma_start3A_587, %dma_start3A_588] : memref<4096x56x128xf32, #tpu.memory_space<hbm>> -> memref<1x50x64xf32, #tpu.memory_space<hbm>>
      %dma_start3A_590 = tpu.memref_squeeze %dma_start3A_589 : memref<1x50x64xf32, #tpu.memory_space<hbm>> -> memref<50x64xf32, #tpu.memory_space<hbm>>
      %dma_start3A_591 = arith.constant 0 : i32
      %dma_start3A_592 = arith.constant 0 : i32
      %dma_start3A_593 = tpu.memref_slice %arg4[%add3A_535, %dma_start3A_591, %dma_start3A_592] : memref<4096x56x128xf32, #tpu.memory_space<hbm>> -> memref<1x50x64xf32, #tpu.memory_space<hbm>>
      %dma_start3A_594 = tpu.memref_squeeze %dma_start3A_593 : memref<1x50x64xf32, #tpu.memory_space<hbm>> -> memref<50x64xf32, #tpu.memory_space<hbm>>
      %dma_start3A_595 = arith.constant 0 : i32
      %dma_start3A_596 = arith.constant 0 : i32
      %dma_start3A_597 = tpu.memref_slice %arg6[%run_scoped3A_536, %dma_start3A_595, %dma_start3A_596] : memref<16x104x64xf32, #tpu.memory_space<vmem>> -> memref<1x50x64xf32, #tpu.memory_space<vmem>>
      %dma_start3A_598 = tpu.memref_squeeze %dma_start3A_597 : memref<1x50x64xf32, #tpu.memory_space<vmem>> -> memref<50x64xf32, #tpu.memory_space<vmem>>
      tpu.enqueue_dma source(%dma_start3A_598 : memref<50x64xf32, #tpu.memory_space<vmem>>) target(%dma_start3A_594 : memref<50x64xf32, #tpu.memory_space<hbm>>) target_semaphore(%run_scoped3A_582 : memref<!tpu.dma_semaphore, #tpu.memory_space<semaphore_mem>>)
      %dma_wait3A_599 = arith.constant 0 : i32
      %dma_wait3A_600 = arith.constant 0 : i32
      %dma_wait3A_601 = tpu.memref_slice %arg6[%run_scoped3A_536, %dma_wait3A_599, %dma_wait3A_600] : memref<16x104x64xf32, #tpu.memory_space<vmem>> -> memref<1x50x64xf32, #tpu.memory_space<vmem>>
      %dma_wait3A_602 = tpu.memref_squeeze %dma_wait3A_601 : memref<1x50x64xf32, #tpu.memory_space<vmem>> -> memref<50x64xf32, #tpu.memory_space<vmem>>
      %dma_wait3A_603 = arith.constant 0 : i32
      %dma_wait3A_604 = arith.constant 0 : i32
      %dma_wait3A_605 = tpu.memref_slice %arg4[%add3A_535, %dma_wait3A_603, %dma_wait3A_604] : memref<4096x56x128xf32, #tpu.memory_space<hbm>> -> memref<1x50x64xf32, #tpu.memory_space<hbm>>
      %dma_wait3A_606 = tpu.memref_squeeze %dma_wait3A_605 : memref<1x50x64xf32, #tpu.memory_space<hbm>> -> memref<50x64xf32, #tpu.memory_space<hbm>>
      %dma_wait3A_607 = arith.constant 0 : i32
      %dma_wait3A_608 = arith.constant 0 : i32
      %dma_wait3A_609 = tpu.memref_slice %arg4[%add3A_535, %dma_wait3A_607, %dma_wait3A_608] : memref<4096x56x128xf32, #tpu.memory_space<hbm>> -> memref<1x50x64xf32, #tpu.memory_space<hbm>>
      %dma_wait3A_610 = tpu.memref_squeeze %dma_wait3A_609 : memref<1x50x64xf32, #tpu.memory_space<hbm>> -> memref<50x64xf32, #tpu.memory_space<hbm>>
      %dma_wait3A_611 = arith.constant 0 : i32
      %dma_wait3A_612 = arith.constant 0 : i32
      %dma_wait3A_613 = tpu.memref_slice %arg6[%run_scoped3A_536, %dma_wait3A_611, %dma_wait3A_612] : memref<16x104x64xf32, #tpu.memory_space<vmem>> -> memref<1x50x64xf32, #tpu.memory_space<vmem>>
      %dma_wait3A_614 = tpu.memref_squeeze %dma_wait3A_613 : memref<1x50x64xf32, #tpu.memory_space<vmem>> -> memref<50x64xf32, #tpu.memory_space<vmem>>
      tpu.wait_dma2 semaphore(%run_scoped3A_582 : memref<!tpu.dma_semaphore, #tpu.memory_space<semaphore_mem>>) src(%dma_wait3A_614 : memref<50x64xf32, #tpu.memory_space<vmem>>) dst(%dma_wait3A_610 : memref<50x64xf32, #tpu.memory_space<hbm>>)
      tpu.yield
    }) : () -> ()
    %add3A_537 = arith.constant 1 : i32
    %add3A_538 = arith.addi %add3A_535, %add3A_537 : i32
    %run_scoped3A_539 = arith.constant 13 : i32
    "tpu.region"() ({
      %run_scoped3A_582 = tpu.sem_alloc : memref<!tpu.dma_semaphore, #tpu.memory_space<semaphore_mem>>
      %dma_start3A_583 = arith.constant 50 : i32
      %dma_start3A_584 = arith.constant 0 : i32
      %dma_start3A_585 = tpu.memref_slice %arg6[%run_scoped3A_539, %dma_start3A_583, %dma_start3A_584] : memref<16x104x64xf32, #tpu.memory_space<vmem>> -> memref<1x50x64xf32, #tpu.memory_space<vmem>>
      %dma_start3A_586 = tpu.memref_squeeze %dma_start3A_585 : memref<1x50x64xf32, #tpu.memory_space<vmem>> -> memref<50x64xf32, #tpu.memory_space<vmem>>
      %dma_start3A_587 = arith.constant 0 : i32
      %dma_start3A_588 = arith.constant 0 : i32
      %dma_start3A_589 = tpu.memref_slice %arg4[%add3A_538, %dma_start3A_587, %dma_start3A_588] : memref<4096x56x128xf32, #tpu.memory_space<hbm>> -> memref<1x50x64xf32, #tpu.memory_space<hbm>>
      %dma_start3A_590 = tpu.memref_squeeze %dma_start3A_589 : memref<1x50x64xf32, #tpu.memory_space<hbm>> -> memref<50x64xf32, #tpu.memory_space<hbm>>
      %dma_start3A_591 = arith.constant 0 : i32
      %dma_start3A_592 = arith.constant 0 : i32
      %dma_start3A_593 = tpu.memref_slice %arg4[%add3A_538, %dma_start3A_591, %dma_start3A_592] : memref<4096x56x128xf32, #tpu.memory_space<hbm>> -> memref<1x50x64xf32, #tpu.memory_space<hbm>>
      %dma_start3A_594 = tpu.memref_squeeze %dma_start3A_593 : memref<1x50x64xf32, #tpu.memory_space<hbm>> -> memref<50x64xf32, #tpu.memory_space<hbm>>
      %dma_start3A_595 = arith.constant 50 : i32
      %dma_start3A_596 = arith.constant 0 : i32
      %dma_start3A_597 = tpu.memref_slice %arg6[%run_scoped3A_539, %dma_start3A_595, %dma_start3A_596] : memref<16x104x64xf32, #tpu.memory_space<vmem>> -> memref<1x50x64xf32, #tpu.memory_space<vmem>>
      %dma_start3A_598 = tpu.memref_squeeze %dma_start3A_597 : memref<1x50x64xf32, #tpu.memory_space<vmem>> -> memref<50x64xf32, #tpu.memory_space<vmem>>
      tpu.enqueue_dma source(%dma_start3A_598 : memref<50x64xf32, #tpu.memory_space<vmem>>) target(%dma_start3A_594 : memref<50x64xf32, #tpu.memory_space<hbm>>) target_semaphore(%run_scoped3A_582 : memref<!tpu.dma_semaphore, #tpu.memory_space<semaphore_mem>>)
      %dma_wait3A_599 = arith.constant 50 : i32
      %dma_wait3A_600 = arith.constant 0 : i32
      %dma_wait3A_601 = tpu.memref_slice %arg6[%run_scoped3A_539, %dma_wait3A_599, %dma_wait3A_600] : memref<16x104x64xf32, #tpu.memory_space<vmem>> -> memref<1x50x64xf32, #tpu.memory_space<vmem>>
      %dma_wait3A_602 = tpu.memref_squeeze %dma_wait3A_601 : memref<1x50x64xf32, #tpu.memory_space<vmem>> -> memref<50x64xf32, #tpu.memory_space<vmem>>
      %dma_wait3A_603 = arith.constant 0 : i32
      %dma_wait3A_604 = arith.constant 0 : i32
      %dma_wait3A_605 = tpu.memref_slice %arg4[%add3A_538, %dma_wait3A_603, %dma_wait3A_604] : memref<4096x56x128xf32, #tpu.memory_space<hbm>> -> memref<1x50x64xf32, #tpu.memory_space<hbm>>
      %dma_wait3A_606 = tpu.memref_squeeze %dma_wait3A_605 : memref<1x50x64xf32, #tpu.memory_space<hbm>> -> memref<50x64xf32, #tpu.memory_space<hbm>>
      %dma_wait3A_607 = arith.constant 0 : i32
      %dma_wait3A_608 = arith.constant 0 : i32
      %dma_wait3A_609 = tpu.memref_slice %arg4[%add3A_538, %dma_wait3A_607, %dma_wait3A_608] : memref<4096x56x128xf32, #tpu.memory_space<hbm>> -> memref<1x50x64xf32, #tpu.memory_space<hbm>>
      %dma_wait3A_610 = tpu.memref_squeeze %dma_wait3A_609 : memref<1x50x64xf32, #tpu.memory_space<hbm>> -> memref<50x64xf32, #tpu.memory_space<hbm>>
      %dma_wait3A_611 = arith.constant 50 : i32
      %dma_wait3A_612 = arith.constant 0 : i32
      %dma_wait3A_613 = tpu.memref_slice %arg6[%run_scoped3A_539, %dma_wait3A_611, %dma_wait3A_612] : memref<16x104x64xf32, #tpu.memory_space<vmem>> -> memref<1x50x64xf32, #tpu.memory_space<vmem>>
      %dma_wait3A_614 = tpu.memref_squeeze %dma_wait3A_613 : memref<1x50x64xf32, #tpu.memory_space<vmem>> -> memref<50x64xf32, #tpu.memory_space<vmem>>
      tpu.wait_dma2 semaphore(%run_scoped3A_582 : memref<!tpu.dma_semaphore, #tpu.memory_space<semaphore_mem>>) src(%dma_wait3A_614 : memref<50x64xf32, #tpu.memory_space<vmem>>) dst(%dma_wait3A_610 : memref<50x64xf32, #tpu.memory_space<hbm>>)
      tpu.yield
    }) : () -> ()
    %dma_wait3A_540 = arith.constant 0 : i32
    %dma_wait3A_541 = arith.constant 14 : i32
    %dma_wait3A_542 = arith.constant 14 : i32
    %dma_wait3A_543 = arith.constant 0 : i32
    %dma_wait3A_544 = arith.constant 0 : i32
    %dma_wait3A_545 = tpu.memref_slice %arg6[%dma_wait3A_541, %dma_wait3A_543, %dma_wait3A_544] : memref<16x104x64xf32, #tpu.memory_space<vmem>> -> memref<1x104x64xf32, #tpu.memory_space<vmem>>
    %dma_wait3A_546 = tpu.memref_squeeze %dma_wait3A_545 : memref<1x104x64xf32, #tpu.memory_space<vmem>> -> memref<104x64xf32, #tpu.memory_space<vmem>>
    %dma_wait3A_547 = arith.constant 0 : i32
    %dma_wait3A_548 = tpu.memref_slice %arg5[%dma_wait3A_540, %dma_wait3A_547] : memref<64x104xi32, #tpu.memory_space<vmem>> -> memref<1x104xi32, #tpu.memory_space<vmem>>
    %dma_wait3A_549 = tpu.memref_squeeze %dma_wait3A_548 : memref<1x104xi32, #tpu.memory_space<vmem>> -> memref<104xi32, #tpu.memory_space<vmem>>
    %dma_wait3A_550 = arith.constant 0 : i32
    %dma_wait3A_551 = arith.constant 0 : i32
    %dma_wait3A_552 = tpu.memref_slice %arg3[%dma_wait3A_550, %dma_wait3A_551] : memref<1000000x64xf32, #tpu.memory_space<hbm>> -> memref<1000000x64xf32, #tpu.memory_space<hbm>>
    %dma_wait3A_553 = tpu.memref_slice %arg7[%dma_wait3A_542] : memref<16x!tpu.dma_semaphore, #tpu.memory_space<semaphore_mem>> -> memref<1x!tpu.dma_semaphore, #tpu.memory_space<semaphore_mem>>
    %dma_wait3A_554 = tpu.memref_squeeze %dma_wait3A_553 : memref<1x!tpu.dma_semaphore, #tpu.memory_space<semaphore_mem>> -> memref<!tpu.dma_semaphore, #tpu.memory_space<semaphore_mem>>
    tpu.wait_indirect_dma semaphore(%dma_wait3A_554 : memref<!tpu.dma_semaphore, #tpu.memory_space<semaphore_mem>>) src(%dma_wait3A_552 : memref<1000000x64xf32, #tpu.memory_space<hbm>>) dst(%dma_wait3A_546 : memref<104x64xf32, #tpu.memory_space<vmem>>)
    %add3A_555 = arith.constant 124 : i32
    %add3A_556 = arith.addi %mul3A_2, %add3A_555 : i32
    %run_scoped3A_557 = arith.constant 14 : i32
    "tpu.region"() ({
      %run_scoped3A_582 = tpu.sem_alloc : memref<!tpu.dma_semaphore, #tpu.memory_space<semaphore_mem>>
      %dma_start3A_583 = arith.constant 0 : i32
      %dma_start3A_584 = arith.constant 0 : i32
      %dma_start3A_585 = tpu.memref_slice %arg6[%run_scoped3A_557, %dma_start3A_583, %dma_start3A_584] : memref<16x104x64xf32, #tpu.memory_space<vmem>> -> memref<1x50x64xf32, #tpu.memory_space<vmem>>
      %dma_start3A_586 = tpu.memref_squeeze %dma_start3A_585 : memref<1x50x64xf32, #tpu.memory_space<vmem>> -> memref<50x64xf32, #tpu.memory_space<vmem>>
      %dma_start3A_587 = arith.constant 0 : i32
      %dma_start3A_588 = arith.constant 0 : i32
      %dma_start3A_589 = tpu.memref_slice %arg4[%add3A_556, %dma_start3A_587, %dma_start3A_588] : memref<4096x56x128xf32, #tpu.memory_space<hbm>> -> memref<1x50x64xf32, #tpu.memory_space<hbm>>
      %dma_start3A_590 = tpu.memref_squeeze %dma_start3A_589 : memref<1x50x64xf32, #tpu.memory_space<hbm>> -> memref<50x64xf32, #tpu.memory_space<hbm>>
      %dma_start3A_591 = arith.constant 0 : i32
      %dma_start3A_592 = arith.constant 0 : i32
      %dma_start3A_593 = tpu.memref_slice %arg4[%add3A_556, %dma_start3A_591, %dma_start3A_592] : memref<4096x56x128xf32, #tpu.memory_space<hbm>> -> memref<1x50x64xf32, #tpu.memory_space<hbm>>
      %dma_start3A_594 = tpu.memref_squeeze %dma_start3A_593 : memref<1x50x64xf32, #tpu.memory_space<hbm>> -> memref<50x64xf32, #tpu.memory_space<hbm>>
      %dma_start3A_595 = arith.constant 0 : i32
      %dma_start3A_596 = arith.constant 0 : i32
      %dma_start3A_597 = tpu.memref_slice %arg6[%run_scoped3A_557, %dma_start3A_595, %dma_start3A_596] : memref<16x104x64xf32, #tpu.memory_space<vmem>> -> memref<1x50x64xf32, #tpu.memory_space<vmem>>
      %dma_start3A_598 = tpu.memref_squeeze %dma_start3A_597 : memref<1x50x64xf32, #tpu.memory_space<vmem>> -> memref<50x64xf32, #tpu.memory_space<vmem>>
      tpu.enqueue_dma source(%dma_start3A_598 : memref<50x64xf32, #tpu.memory_space<vmem>>) target(%dma_start3A_594 : memref<50x64xf32, #tpu.memory_space<hbm>>) target_semaphore(%run_scoped3A_582 : memref<!tpu.dma_semaphore, #tpu.memory_space<semaphore_mem>>)
      %dma_wait3A_599 = arith.constant 0 : i32
      %dma_wait3A_600 = arith.constant 0 : i32
      %dma_wait3A_601 = tpu.memref_slice %arg6[%run_scoped3A_557, %dma_wait3A_599, %dma_wait3A_600] : memref<16x104x64xf32, #tpu.memory_space<vmem>> -> memref<1x50x64xf32, #tpu.memory_space<vmem>>
      %dma_wait3A_602 = tpu.memref_squeeze %dma_wait3A_601 : memref<1x50x64xf32, #tpu.memory_space<vmem>> -> memref<50x64xf32, #tpu.memory_space<vmem>>
      %dma_wait3A_603 = arith.constant 0 : i32
      %dma_wait3A_604 = arith.constant 0 : i32
      %dma_wait3A_605 = tpu.memref_slice %arg4[%add3A_556, %dma_wait3A_603, %dma_wait3A_604] : memref<4096x56x128xf32, #tpu.memory_space<hbm>> -> memref<1x50x64xf32, #tpu.memory_space<hbm>>
      %dma_wait3A_606 = tpu.memref_squeeze %dma_wait3A_605 : memref<1x50x64xf32, #tpu.memory_space<hbm>> -> memref<50x64xf32, #tpu.memory_space<hbm>>
      %dma_wait3A_607 = arith.constant 0 : i32
      %dma_wait3A_608 = arith.constant 0 : i32
      %dma_wait3A_609 = tpu.memref_slice %arg4[%add3A_556, %dma_wait3A_607, %dma_wait3A_608] : memref<4096x56x128xf32, #tpu.memory_space<hbm>> -> memref<1x50x64xf32, #tpu.memory_space<hbm>>
      %dma_wait3A_610 = tpu.memref_squeeze %dma_wait3A_609 : memref<1x50x64xf32, #tpu.memory_space<hbm>> -> memref<50x64xf32, #tpu.memory_space<hbm>>
      %dma_wait3A_611 = arith.constant 0 : i32
      %dma_wait3A_612 = arith.constant 0 : i32
      %dma_wait3A_613 = tpu.memref_slice %arg6[%run_scoped3A_557, %dma_wait3A_611, %dma_wait3A_612] : memref<16x104x64xf32, #tpu.memory_space<vmem>> -> memref<1x50x64xf32, #tpu.memory_space<vmem>>
      %dma_wait3A_614 = tpu.memref_squeeze %dma_wait3A_613 : memref<1x50x64xf32, #tpu.memory_space<vmem>> -> memref<50x64xf32, #tpu.memory_space<vmem>>
      tpu.wait_dma2 semaphore(%run_scoped3A_582 : memref<!tpu.dma_semaphore, #tpu.memory_space<semaphore_mem>>) src(%dma_wait3A_614 : memref<50x64xf32, #tpu.memory_space<vmem>>) dst(%dma_wait3A_610 : memref<50x64xf32, #tpu.memory_space<hbm>>)
      tpu.yield
    }) : () -> ()
    %add3A_558 = arith.constant 1 : i32
    %add3A_559 = arith.addi %add3A_556, %add3A_558 : i32
    %run_scoped3A_560 = arith.constant 14 : i32
    "tpu.region"() ({
      %run_scoped3A_582 = tpu.sem_alloc : memref<!tpu.dma_semaphore, #tpu.memory_space<semaphore_mem>>
      %dma_start3A_583 = arith.constant 50 : i32
      %dma_start3A_584 = arith.constant 0 : i32
      %dma_start3A_585 = tpu.memref_slice %arg6[%run_scoped3A_560, %dma_start3A_583, %dma_start3A_584] : memref<16x104x64xf32, #tpu.memory_space<vmem>> -> memref<1x50x64xf32, #tpu.memory_space<vmem>>
      %dma_start3A_586 = tpu.memref_squeeze %dma_start3A_585 : memref<1x50x64xf32, #tpu.memory_space<vmem>> -> memref<50x64xf32, #tpu.memory_space<vmem>>
      %dma_start3A_587 = arith.constant 0 : i32
      %dma_start3A_588 = arith.constant 0 : i32
      %dma_start3A_589 = tpu.memref_slice %arg4[%add3A_559, %dma_start3A_587, %dma_start3A_588] : memref<4096x56x128xf32, #tpu.memory_space<hbm>> -> memref<1x50x64xf32, #tpu.memory_space<hbm>>
      %dma_start3A_590 = tpu.memref_squeeze %dma_start3A_589 : memref<1x50x64xf32, #tpu.memory_space<hbm>> -> memref<50x64xf32, #tpu.memory_space<hbm>>
      %dma_start3A_591 = arith.constant 0 : i32
      %dma_start3A_592 = arith.constant 0 : i32
      %dma_start3A_593 = tpu.memref_slice %arg4[%add3A_559, %dma_start3A_591, %dma_start3A_592] : memref<4096x56x128xf32, #tpu.memory_space<hbm>> -> memref<1x50x64xf32, #tpu.memory_space<hbm>>
      %dma_start3A_594 = tpu.memref_squeeze %dma_start3A_593 : memref<1x50x64xf32, #tpu.memory_space<hbm>> -> memref<50x64xf32, #tpu.memory_space<hbm>>
      %dma_start3A_595 = arith.constant 50 : i32
      %dma_start3A_596 = arith.constant 0 : i32
      %dma_start3A_597 = tpu.memref_slice %arg6[%run_scoped3A_560, %dma_start3A_595, %dma_start3A_596] : memref<16x104x64xf32, #tpu.memory_space<vmem>> -> memref<1x50x64xf32, #tpu.memory_space<vmem>>
      %dma_start3A_598 = tpu.memref_squeeze %dma_start3A_597 : memref<1x50x64xf32, #tpu.memory_space<vmem>> -> memref<50x64xf32, #tpu.memory_space<vmem>>
      tpu.enqueue_dma source(%dma_start3A_598 : memref<50x64xf32, #tpu.memory_space<vmem>>) target(%dma_start3A_594 : memref<50x64xf32, #tpu.memory_space<hbm>>) target_semaphore(%run_scoped3A_582 : memref<!tpu.dma_semaphore, #tpu.memory_space<semaphore_mem>>)
      %dma_wait3A_599 = arith.constant 50 : i32
      %dma_wait3A_600 = arith.constant 0 : i32
      %dma_wait3A_601 = tpu.memref_slice %arg6[%run_scoped3A_560, %dma_wait3A_599, %dma_wait3A_600] : memref<16x104x64xf32, #tpu.memory_space<vmem>> -> memref<1x50x64xf32, #tpu.memory_space<vmem>>
      %dma_wait3A_602 = tpu.memref_squeeze %dma_wait3A_601 : memref<1x50x64xf32, #tpu.memory_space<vmem>> -> memref<50x64xf32, #tpu.memory_space<vmem>>
      %dma_wait3A_603 = arith.constant 0 : i32
      %dma_wait3A_604 = arith.constant 0 : i32
      %dma_wait3A_605 = tpu.memref_slice %arg4[%add3A_559, %dma_wait3A_603, %dma_wait3A_604] : memref<4096x56x128xf32, #tpu.memory_space<hbm>> -> memref<1x50x64xf32, #tpu.memory_space<hbm>>
      %dma_wait3A_606 = tpu.memref_squeeze %dma_wait3A_605 : memref<1x50x64xf32, #tpu.memory_space<hbm>> -> memref<50x64xf32, #tpu.memory_space<hbm>>
      %dma_wait3A_607 = arith.constant 0 : i32
      %dma_wait3A_608 = arith.constant 0 : i32
      %dma_wait3A_609 = tpu.memref_slice %arg4[%add3A_559, %dma_wait3A_607, %dma_wait3A_608] : memref<4096x56x128xf32, #tpu.memory_space<hbm>> -> memref<1x50x64xf32, #tpu.memory_space<hbm>>
      %dma_wait3A_610 = tpu.memref_squeeze %dma_wait3A_609 : memref<1x50x64xf32, #tpu.memory_space<hbm>> -> memref<50x64xf32, #tpu.memory_space<hbm>>
      %dma_wait3A_611 = arith.constant 50 : i32
      %dma_wait3A_612 = arith.constant 0 : i32
      %dma_wait3A_613 = tpu.memref_slice %arg6[%run_scoped3A_560, %dma_wait3A_611, %dma_wait3A_612] : memref<16x104x64xf32, #tpu.memory_space<vmem>> -> memref<1x50x64xf32, #tpu.memory_space<vmem>>
      %dma_wait3A_614 = tpu.memref_squeeze %dma_wait3A_613 : memref<1x50x64xf32, #tpu.memory_space<vmem>> -> memref<50x64xf32, #tpu.memory_space<vmem>>
      tpu.wait_dma2 semaphore(%run_scoped3A_582 : memref<!tpu.dma_semaphore, #tpu.memory_space<semaphore_mem>>) src(%dma_wait3A_614 : memref<50x64xf32, #tpu.memory_space<vmem>>) dst(%dma_wait3A_610 : memref<50x64xf32, #tpu.memory_space<hbm>>)
      tpu.yield
    }) : () -> ()
    %dma_wait3A_561 = arith.constant 0 : i32
    %dma_wait3A_562 = arith.constant 15 : i32
    %dma_wait3A_563 = arith.constant 15 : i32
    %dma_wait3A_564 = arith.constant 0 : i32
    %dma_wait3A_565 = arith.constant 0 : i32
    %dma_wait3A_566 = tpu.memref_slice %arg6[%dma_wait3A_562, %dma_wait3A_564, %dma_wait3A_565] : memref<16x104x64xf32, #tpu.memory_space<vmem>> -> memref<1x104x64xf32, #tpu.memory_space<vmem>>
    %dma_wait3A_567 = tpu.memref_squeeze %dma_wait3A_566 : memref<1x104x64xf32, #tpu.memory_space<vmem>> -> memref<104x64xf32, #tpu.memory_space<vmem>>
    %dma_wait3A_568 = arith.constant 0 : i32
    %dma_wait3A_569 = tpu.memref_slice %arg5[%dma_wait3A_561, %dma_wait3A_568] : memref<64x104xi32, #tpu.memory_space<vmem>> -> memref<1x104xi32, #tpu.memory_space<vmem>>
    %dma_wait3A_570 = tpu.memref_squeeze %dma_wait3A_569 : memref<1x104xi32, #tpu.memory_space<vmem>> -> memref<104xi32, #tpu.memory_space<vmem>>
    %dma_wait3A_571 = arith.constant 0 : i32
    %dma_wait3A_572 = arith.constant 0 : i32
    %dma_wait3A_573 = tpu.memref_slice %arg3[%dma_wait3A_571, %dma_wait3A_572] : memref<1000000x64xf32, #tpu.memory_space<hbm>> -> memref<1000000x64xf32, #tpu.memory_space<hbm>>
    %dma_wait3A_574 = tpu.memref_slice %arg7[%dma_wait3A_563] : memref<16x!tpu.dma_semaphore, #tpu.memory_space<semaphore_mem>> -> memref<1x!tpu.dma_semaphore, #tpu.memory_space<semaphore_mem>>
    %dma_wait3A_575 = tpu.memref_squeeze %dma_wait3A_574 : memref<1x!tpu.dma_semaphore, #tpu.memory_space<semaphore_mem>> -> memref<!tpu.dma_semaphore, #tpu.memory_space<semaphore_mem>>
    tpu.wait_indirect_dma semaphore(%dma_wait3A_575 : memref<!tpu.dma_semaphore, #tpu.memory_space<semaphore_mem>>) src(%dma_wait3A_573 : memref<1000000x64xf32, #tpu.memory_space<hbm>>) dst(%dma_wait3A_567 : memref<104x64xf32, #tpu.memory_space<vmem>>)
    %add3A_576 = arith.constant 126 : i32
    %add3A_577 = arith.addi %mul3A_2, %add3A_576 : i32
    %run_scoped3A_578 = arith.constant 15 : i32
    "tpu.region"() ({
      %run_scoped3A_582 = tpu.sem_alloc : memref<!tpu.dma_semaphore, #tpu.memory_space<semaphore_mem>>
      %dma_start3A_583 = arith.constant 0 : i32
      %dma_start3A_584 = arith.constant 0 : i32
      %dma_start3A_585 = tpu.memref_slice %arg6[%run_scoped3A_578, %dma_start3A_583, %dma_start3A_584] : memref<16x104x64xf32, #tpu.memory_space<vmem>> -> memref<1x50x64xf32, #tpu.memory_space<vmem>>
      %dma_start3A_586 = tpu.memref_squeeze %dma_start3A_585 : memref<1x50x64xf32, #tpu.memory_space<vmem>> -> memref<50x64xf32, #tpu.memory_space<vmem>>
      %dma_start3A_587 = arith.constant 0 : i32
      %dma_start3A_588 = arith.constant 0 : i32
      %dma_start3A_589 = tpu.memref_slice %arg4[%add3A_577, %dma_start3A_587, %dma_start3A_588] : memref<4096x56x128xf32, #tpu.memory_space<hbm>> -> memref<1x50x64xf32, #tpu.memory_space<hbm>>
      %dma_start3A_590 = tpu.memref_squeeze %dma_start3A_589 : memref<1x50x64xf32, #tpu.memory_space<hbm>> -> memref<50x64xf32, #tpu.memory_space<hbm>>
      %dma_start3A_591 = arith.constant 0 : i32
      %dma_start3A_592 = arith.constant 0 : i32
      %dma_start3A_593 = tpu.memref_slice %arg4[%add3A_577, %dma_start3A_591, %dma_start3A_592] : memref<4096x56x128xf32, #tpu.memory_space<hbm>> -> memref<1x50x64xf32, #tpu.memory_space<hbm>>
      %dma_start3A_594 = tpu.memref_squeeze %dma_start3A_593 : memref<1x50x64xf32, #tpu.memory_space<hbm>> -> memref<50x64xf32, #tpu.memory_space<hbm>>
      %dma_start3A_595 = arith.constant 0 : i32
      %dma_start3A_596 = arith.constant 0 : i32
      %dma_start3A_597 = tpu.memref_slice %arg6[%run_scoped3A_578, %dma_start3A_595, %dma_start3A_596] : memref<16x104x64xf32, #tpu.memory_space<vmem>> -> memref<1x50x64xf32, #tpu.memory_space<vmem>>
      %dma_start3A_598 = tpu.memref_squeeze %dma_start3A_597 : memref<1x50x64xf32, #tpu.memory_space<vmem>> -> memref<50x64xf32, #tpu.memory_space<vmem>>
      tpu.enqueue_dma source(%dma_start3A_598 : memref<50x64xf32, #tpu.memory_space<vmem>>) target(%dma_start3A_594 : memref<50x64xf32, #tpu.memory_space<hbm>>) target_semaphore(%run_scoped3A_582 : memref<!tpu.dma_semaphore, #tpu.memory_space<semaphore_mem>>)
      %dma_wait3A_599 = arith.constant 0 : i32
      %dma_wait3A_600 = arith.constant 0 : i32
      %dma_wait3A_601 = tpu.memref_slice %arg6[%run_scoped3A_578, %dma_wait3A_599, %dma_wait3A_600] : memref<16x104x64xf32, #tpu.memory_space<vmem>> -> memref<1x50x64xf32, #tpu.memory_space<vmem>>
      %dma_wait3A_602 = tpu.memref_squeeze %dma_wait3A_601 : memref<1x50x64xf32, #tpu.memory_space<vmem>> -> memref<50x64xf32, #tpu.memory_space<vmem>>
      %dma_wait3A_603 = arith.constant 0 : i32
      %dma_wait3A_604 = arith.constant 0 : i32
      %dma_wait3A_605 = tpu.memref_slice %arg4[%add3A_577, %dma_wait3A_603, %dma_wait3A_604] : memref<4096x56x128xf32, #tpu.memory_space<hbm>> -> memref<1x50x64xf32, #tpu.memory_space<hbm>>
      %dma_wait3A_606 = tpu.memref_squeeze %dma_wait3A_605 : memref<1x50x64xf32, #tpu.memory_space<hbm>> -> memref<50x64xf32, #tpu.memory_space<hbm>>
      %dma_wait3A_607 = arith.constant 0 : i32
      %dma_wait3A_608 = arith.constant 0 : i32
      %dma_wait3A_609 = tpu.memref_slice %arg4[%add3A_577, %dma_wait3A_607, %dma_wait3A_608] : memref<4096x56x128xf32, #tpu.memory_space<hbm>> -> memref<1x50x64xf32, #tpu.memory_space<hbm>>
      %dma_wait3A_610 = tpu.memref_squeeze %dma_wait3A_609 : memref<1x50x64xf32, #tpu.memory_space<hbm>> -> memref<50x64xf32, #tpu.memory_space<hbm>>
      %dma_wait3A_611 = arith.constant 0 : i32
      %dma_wait3A_612 = arith.constant 0 : i32
      %dma_wait3A_613 = tpu.memref_slice %arg6[%run_scoped3A_578, %dma_wait3A_611, %dma_wait3A_612] : memref<16x104x64xf32, #tpu.memory_space<vmem>> -> memref<1x50x64xf32, #tpu.memory_space<vmem>>
      %dma_wait3A_614 = tpu.memref_squeeze %dma_wait3A_613 : memref<1x50x64xf32, #tpu.memory_space<vmem>> -> memref<50x64xf32, #tpu.memory_space<vmem>>
      tpu.wait_dma2 semaphore(%run_scoped3A_582 : memref<!tpu.dma_semaphore, #tpu.memory_space<semaphore_mem>>) src(%dma_wait3A_614 : memref<50x64xf32, #tpu.memory_space<vmem>>) dst(%dma_wait3A_610 : memref<50x64xf32, #tpu.memory_space<hbm>>)
      tpu.yield
    }) : () -> ()
    %add3A_579 = arith.constant 1 : i32
    %add3A_580 = arith.addi %add3A_577, %add3A_579 : i32
    %run_scoped3A_581 = arith.constant 15 : i32
    "tpu.region"() ({
      %run_scoped3A_582 = tpu.sem_alloc : memref<!tpu.dma_semaphore, #tpu.memory_space<semaphore_mem>>
      %dma_start3A_583 = arith.constant 50 : i32
      %dma_start3A_584 = arith.constant 0 : i32
      %dma_start3A_585 = tpu.memref_slice %arg6[%run_scoped3A_581, %dma_start3A_583, %dma_start3A_584] : memref<16x104x64xf32, #tpu.memory_space<vmem>> -> memref<1x50x64xf32, #tpu.memory_space<vmem>>
      %dma_start3A_586 = tpu.memref_squeeze %dma_start3A_585 : memref<1x50x64xf32, #tpu.memory_space<vmem>> -> memref<50x64xf32, #tpu.memory_space<vmem>>
      %dma_start3A_587 = arith.constant 0 : i32
      %dma_start3A_588 = arith.constant 0 : i32
      %dma_start3A_589 = tpu.memref_slice %arg4[%add3A_580, %dma_start3A_587, %dma_start3A_588] : memref<4096x56x128xf32, #tpu.memory_space<hbm>> -> memref<1x50x64xf32, #tpu.memory_space<hbm>>
      %dma_start3A_590 = tpu.memref_squeeze %dma_start3A_589 : memref<1x50x64xf32, #tpu.memory_space<hbm>> -> memref<50x64xf32, #tpu.memory_space<hbm>>
      %dma_start3A_591 = arith.constant 0 : i32
      %dma_start3A_592 = arith.constant 0 : i32
      %dma_start3A_593 = tpu.memref_slice %arg4[%add3A_580, %dma_start3A_591, %dma_start3A_592] : memref<4096x56x128xf32, #tpu.memory_space<hbm>> -> memref<1x50x64xf32, #tpu.memory_space<hbm>>
      %dma_start3A_594 = tpu.memref_squeeze %dma_start3A_593 : memref<1x50x64xf32, #tpu.memory_space<hbm>> -> memref<50x64xf32, #tpu.memory_space<hbm>>
      %dma_start3A_595 = arith.constant 50 : i32
      %dma_start3A_596 = arith.constant 0 : i32
      %dma_start3A_597 = tpu.memref_slice %arg6[%run_scoped3A_581, %dma_start3A_595, %dma_start3A_596] : memref<16x104x64xf32, #tpu.memory_space<vmem>> -> memref<1x50x64xf32, #tpu.memory_space<vmem>>
      %dma_start3A_598 = tpu.memref_squeeze %dma_start3A_597 : memref<1x50x64xf32, #tpu.memory_space<vmem>> -> memref<50x64xf32, #tpu.memory_space<vmem>>
      tpu.enqueue_dma source(%dma_start3A_598 : memref<50x64xf32, #tpu.memory_space<vmem>>) target(%dma_start3A_594 : memref<50x64xf32, #tpu.memory_space<hbm>>) target_semaphore(%run_scoped3A_582 : memref<!tpu.dma_semaphore, #tpu.memory_space<semaphore_mem>>)
      %dma_wait3A_599 = arith.constant 50 : i32
      %dma_wait3A_600 = arith.constant 0 : i32
      %dma_wait3A_601 = tpu.memref_slice %arg6[%run_scoped3A_581, %dma_wait3A_599, %dma_wait3A_600] : memref<16x104x64xf32, #tpu.memory_space<vmem>> -> memref<1x50x64xf32, #tpu.memory_space<vmem>>
      %dma_wait3A_602 = tpu.memref_squeeze %dma_wait3A_601 : memref<1x50x64xf32, #tpu.memory_space<vmem>> -> memref<50x64xf32, #tpu.memory_space<vmem>>
      %dma_wait3A_603 = arith.constant 0 : i32
      %dma_wait3A_604 = arith.constant 0 : i32
      %dma_wait3A_605 = tpu.memref_slice %arg4[%add3A_580, %dma_wait3A_603, %dma_wait3A_604] : memref<4096x56x128xf32, #tpu.memory_space<hbm>> -> memref<1x50x64xf32, #tpu.memory_space<hbm>>
      %dma_wait3A_606 = tpu.memref_squeeze %dma_wait3A_605 : memref<1x50x64xf32, #tpu.memory_space<hbm>> -> memref<50x64xf32, #tpu.memory_space<hbm>>
      %dma_wait3A_607 = arith.constant 0 : i32
      %dma_wait3A_608 = arith.constant 0 : i32
      %dma_wait3A_609 = tpu.memref_slice %arg4[%add3A_580, %dma_wait3A_607, %dma_wait3A_608] : memref<4096x56x128xf32, #tpu.memory_space<hbm>> -> memref<1x50x64xf32, #tpu.memory_space<hbm>>
      %dma_wait3A_610 = tpu.memref_squeeze %dma_wait3A_609 : memref<1x50x64xf32, #tpu.memory_space<hbm>> -> memref<50x64xf32, #tpu.memory_space<hbm>>
      %dma_wait3A_611 = arith.constant 50 : i32
      %dma_wait3A_612 = arith.constant 0 : i32
      %dma_wait3A_613 = tpu.memref_slice %arg6[%run_scoped3A_581, %dma_wait3A_611, %dma_wait3A_612] : memref<16x104x64xf32, #tpu.memory_space<vmem>> -> memref<1x50x64xf32, #tpu.memory_space<vmem>>
      %dma_wait3A_614 = tpu.memref_squeeze %dma_wait3A_613 : memref<1x50x64xf32, #tpu.memory_space<vmem>> -> memref<50x64xf32, #tpu.memory_space<vmem>>
      tpu.wait_dma2 semaphore(%run_scoped3A_582 : memref<!tpu.dma_semaphore, #tpu.memory_space<semaphore_mem>>) src(%dma_wait3A_614 : memref<50x64xf32, #tpu.memory_space<vmem>>) dst(%dma_wait3A_610 : memref<50x64xf32, #tpu.memory_space<hbm>>)
      tpu.yield
    }) : () -> ()
    return
  }
}

</mosaic_0001>

<sc_bundles>
// kernel: kernel.3.cloned.1.call-start
scs
__scs_entry_jumppad:
0x0: {  	(pc) =	sbr.rel $0x88, $3  }
0x1: {  	(tag) =	ssettag $0x0;
	lr =	simm.s32 $0x1  }
0x2: {  	[smem:$0x3F9F] =	sst lr;
	_ =	strace $0xD0000000  }
0x3: {  	_ = 	snop  }
0x4: {  	_ = 	snop  }
0x5: {  	_ = 	snop  }
0x6: {  	_ = 	snop  }
0x7: {  	_ = 	snop  }
__scs_overlays_trampoline_lowered:
0x8: {  	[smem:$0x3FAE] =	sst s0  }
0x9: {  	[smem:$0x3FAF] =	sst s1  }
0xa: {  	[smem:$0x3FB0] =	sst s2  }
0xb: {  	[smem:$0x3FB1] =	sst s3  }
0xc: {  	[smem:$0x3FB2] =	sst s4  }
0xd: {  	[smem:$0x3FB3] =	sst s5  }
0xe: {  	[smem:$0x3FB4] =	sst s6  }
0xf: {  	[smem:$0x3FB5] =	sst s7  }
0x10: {  	[smem:$0x3FB6] =	sst s8  }
0x11: {  	[smem:$0x3FB7] =	sst s9;
	s0 =	simm.s32 @!p0 $0x0  }
0x12: {  	s1 =	sld [smem:$0x3F9D];
	s0 =	simm.s32 @p0 $0x1  }
0x13: {  	[smem:$0x3FB8] =	sst s0;
	s0 =	simm.s32 @!p1 $0x0  }
0x14: {  	s2 =	sld [smem:$0x3F9C];
	s0 =	simm.s32 @p1 $0x1  }
0x15: {  	[smem:$0x3FB9] =	sst s0;
	s0 =	simm.s32 @!p2 $0x0  }
0x16: {  	s3 =	sld [smem:$0x3FDB];
	s0 =	simm.s32 @p2 $0x1  }
0x17: {  	s4 =	simm.s32 $0x1BF5;
	[smem:$0x3FBB] =	sst s0  }
0x18: {  	s0 =	sld [smem:$0x3F9E];
	_ =	swait.ge [sflag:s4], $0x0  }
0x19: {  	s7 =	sld [smem:$0x3F9F]  }
0x1a: {  	s8 =	sadd.s32 $0xFFFFE003, lr  }
0x1b: {  	s9 =	sadd.s32 $0xFFFFFEF7, lr;
	s5 =	simm.s32 $0xFFFFFFFF;
	p2 =	slt.u32 s8, $0xFFFFF086  }
0x1c: {  	p1 =	slt.u32 s9, $0xF7A;
	s5 =	simm.s32 @!p2 $0x0  }
0x1d: {  	s5 =	simm.s32 @p1 $0x1;
	p0 =	seq.s32 s7, s2  }
0x1e: {  	s7 =	smul.u32 @!p0 $0xF7A, s2;
	p2 =	seq.s32 @!p0 s5, $0x0  }
0x1f: {  	s9 =	smul.u32 $0xF7A, s1;
	s8 =	simm.s32 @!p0 $0x1BF5;
	p2 =	por !p2, p0  }
0x20: {  	[sflag:s8] =	ssyncset.s32 @!p0 $0xFFFFF086;
	s6 =	sadd.s32 @!p0 s3, s7;
	s7 =	simm.s32 @!p0 $0x108  }
0x21: {  	s3 =	sadd.s32 s3, s9;
	s6 =	sadd.s32 @!p0 $0x88, s6;
	s7 =	simm.s32 @p2 $0x1082  }
0x22: {  	[simem:s7], [sflag:s8] =	dma.local @!p0 [hbm:s6], $0xF7A  }
0x23: {  	s9 =	sor.u32 $0xD0000000, s2;
	s6 =	simm.s32 $0x108;
	_ =	swait.ge @!p0 [sflag:s8], $0x0  }
0x24: {  	s3 =	sadd.s32 $0x88, s3;
	s6 =	simm.s32 @!p1 $0x1082;
	[sflag:s4] =	ssyncset.s32 $0xFFFFF086  }
0x25: {  	[simem:s6], [sflag:s4] =	dma.local [hbm:s3], $0xF7A  }
0x26: {  	[smem:$0x3F9F] =	sst s1;
	(tag) =	ssettag s2;
	_ =	strace s9  }
0x27: {  	s1 =	sld [smem:$0x3FAF]  }
0x28: {  	s2 =	sld [smem:$0x3FB0]  }
0x29: {  	s4 =	sld [smem:$0x3FB2]  }
0x2a: {  	p0 =	seq.s32 s5, $0x0;
	s5 =	sld [smem:$0x3FB3]  }
0x2b: {  	s6 =	sld [smem:$0x3FB4]  }
0x2c: {  	s7 =	sld [smem:$0x3FB5]  }
0x2d: {  	s3 =	simm.s32 $0x108;
	s8 =	sld [smem:$0x3FB6]  }
0x2e: {  	s3 =	simm.s32 @!p0 $0x1082;
	s9 =	sld [smem:$0x3FB7]  }
0x2f: {  	lr =	sadd.s32 s0, s3;
	s0 =	sld [smem:$0x3FAE]  }
0x30: {  	s3 =	sld [smem:$0x3FB1]  }
0x31: {  	[smem:$0x3FBA] =	sst s10  }
0x32: {  	s10 =	sld [smem:$0x3FB8];
	_ =	sdelay $0x3  }
0x33: {  	p0 =	seq.s32 s10, $0x1;
	s10 =	sld [smem:$0x3FBA];
	_ =	sdelay $0x3  }
0x34: {  	[smem:$0x3FBA] =	sst s10  }
0x35: {  	s10 =	sld [smem:$0x3FB9];
	_ =	sdelay $0x3  }
0x36: {  	p1 =	seq.s32 s10, $0x1;
	s10 =	sld [smem:$0x3FBA];
	_ =	sdelay $0x3  }
0x37: {  	[smem:$0x3FBA] =	sst s10  }
0x38: {  	s10 =	sld [smem:$0x3FBB]  }
0x39: {  	_ = 	snop;
	(pc) =	sbr.ind lr, $3  }
0x3a: {  	_ = 	snop  }
0x3b: {  	_ = 	snop  }
0x3c: {  	p2 =	seq.s32 s10, $0x1;
	s10 =	sld [smem:$0x3FBA]  }
0x3d: {  	_ =	shalt  }
0x3e: {  	_ =	shalt  }
0x3f: {  	_ =	shalt  }
0x40: {  	_ =	shalt  }
0x41: {  	_ =	shalt  }
0x42: {  	_ =	shalt  }
0x43: {  	_ =	shalt  }
0x44: {  	_ =	shalt  }
0x45: {  	_ =	shalt  }
0x46: {  	_ =	shalt  }
0x47: {  	_ =	shalt  }
0x48: {  	_ =	shalt  }
0x49: {  	_ =	shalt  }
0x4a: {  	_ =	shalt  }
0x4b: {  	_ =	shalt  }
0x4c: {  	_ =	shalt  }
0x4d: {  	_ =	shalt  }
0x4e: {  	_ =	shalt  }
0x4f: {  	_ =	shalt  }
0x50: {  	_ =	shalt  }
0x51: {  	_ =	shalt  }
0x52: {  	_ =	shalt  }
0x53: {  	_ =	shalt  }
0x54: {  	_ =	shalt  }
0x55: {  	_ =	shalt  }
0x56: {  	_ =	shalt  }
0x57: {  	_ =	shalt  }
0x58: {  	_ =	shalt  }
0x59: {  	_ =	shalt  }
0x5a: {  	_ =	shalt  }
0x5b: {  	_ =	shalt  }
0x5c: {  	_ =	shalt  }
0x5d: {  	_ =	shalt  }
0x5e: {  	_ =	shalt  }
0x5f: {  	_ =	shalt  }
0x60: {  	_ =	shalt  }
0x61: {  	_ =	shalt  }
0x62: {  	_ =	shalt  }
0x63: {  	_ =	shalt  }
0x64: {  	_ =	shalt  }
0x65: {  	_ =	shalt  }
0x66: {  	_ =	shalt  }
0x67: {  	_ =	shalt  }
0x68: {  	_ =	shalt  }
0x69: {  	_ =	shalt  }
0x6a: {  	_ =	shalt  }
0x6b: {  	_ =	shalt  }
0x6c: {  	_ =	shalt  }
0x6d: {  	_ =	shalt  }
0x6e: {  	_ =	shalt  }
0x6f: {  	_ =	shalt  }
0x70: {  	_ =	shalt  }
0x71: {  	_ =	shalt  }
0x72: {  	_ =	shalt  }
0x73: {  	_ =	shalt  }
0x74: {  	_ =	shalt  }
0x75: {  	_ =	shalt  }
0x76: {  	_ =	shalt  }
0x77: {  	_ =	shalt  }
0x78: {  	_ =	shalt  }
0x79: {  	_ =	shalt  }
0x7a: {  	_ =	shalt  }
0x7b: {  	_ =	shalt  }
0x7c: {  	_ =	shalt  }
0x7d: {  	_ =	shalt  }
0x7e: {  	_ =	shalt  }
0x7f: {  	_ =	shalt  }
0x80: {  	_ =	shalt  }
0x81: {  	_ =	shalt  }
0x82: {  	_ =	shalt  }
0x83: {  	_ =	shalt  }
0x84: {  	_ =	shalt  }
0x85: {  	_ =	shalt  }
0x86: {  	_ =	shalt  }
0x87: {  	_ =	shalt  }
.Lfunc_end0:
.L_simem_size_0:
called_computation.1_lowered:
.L_overlay_start_0:
0x88: {  	s2 =	sld [smem:$0x3FD9]  }
0x89: {  	s3 =	sld [smem:$0x3FFE];
	_ =	sdelay $0x1  }
0x8a: {  	s1 =	srdreg.scid  }
0x8b: {  	s0 =	sand.u32 $0x1, s1  }
0x8c: {  	s17 =	sshll.u32 s0, $0xA;
	s2 =	sadd.s32 s3, s2  }
0x8d: {  	s2 =	sadd.s32 s2, s17  }
0x8e: {  	[smem:$0x3FC6] =	sst s2  }
0x8f: {  	_ = 	snop  }
0x90: {  	s2 =	sld [smem:$0x3FD0];
	(tm) =	ssettm $0x1  }
0x91: {  	s18 =	sld [smem:$0x3FFB];
	_ =	sdelay $0x3  }
0x92: {  	_ =	strace s18  }
0x93: {  	s3 =	sld [smem:$0x3FFC];
	_ =	sdelay $0x3  }
0x94: {  	_ =	strace s3  }
0x95: {  	s3 =	sld [smem:$0x3FFD];
	_ =	sdelay $0x3  }
0x96: {  	_ =	strace s3  }
0x97: {  	_ =	strace $0x8FFFFFFF  }
0x98: {  	s19 =	sld [smem:$0x3FDB];
	_ =	sdelay $0x1  }
0x99: {  	s4 =	simm.s32 $_scs_section_size  }
0x9a: {  	s5 =	simm.s32 $_size__tile_overlayer_lowered;
	s6 =	simm.s32 $_tile_overlayer_lowered  }
0x9b: {  	s22 =	simm.s32 $0x1BFF;
	s21 =	sshll.u32 s6, $0x1;
	s3 =	sadd.s32 s4, s19  }
0x9c: {  	s7 =	simm.s32 $0x0;
	s20 =	sshll.u32 s5, $0x1;
	s5 =	sadd.s32 s21, s3  }
0x9d: {  	[timem:s7], [sflag:s22] =	dma.local [hbm:s5], s20  }
0x9e: {  	_ =	swait.ge [sflag:s22], s20  }
0x9f: {  	s4 =	ssub.s32 $0x0, s20;
	[sflag:s22] =	ssyncset.done $0x0  }
0xa0: {  	[sflag:s22] =	ssyncadd.s32 s4;
	_ =	sdelay $0x1  }
0xa1: {  	s23 =	simm.s32 $0x1B8B  }
0xa2: {  	_ =	swait.ge [sflag:s23], $0x1  }
0xa3: {  	[sflag:s23] =	ssyncset.done $0x0  }
0xa4: {  	s25 =	simm.s32 $0x1B8E;
	s24 =	sld [smem:$0x3FFE];
	[sflag:s23] =	ssyncadd.s32 $0xFFFFFFFF  }
0xa5: {  	s26 =	simm.s32 $execute0_lowered;
	[smem:$0x3FD2] =	sst s25  }
0xa6: {  	s5 =	sshll.u32 s26, $0x1;
	_ =	strace $0x80000046;
	[dreg:$0x1] =	wrdreg $0xFFFFFFFF  }
0xa7: {  	s28 =	simm.s32 $_size_execute0_lowered;
	s3 =	sadd.s32 s3, s5;
	[dreg:$0x0] =	wrdreg $0x0  }
0xa8: {  	s5 =	sshll.u32 s28, $0x1;
	[dreg:$0x2] =	wrdreg s3  }
0xa9: {  	[dreg:$0x3] =	wrdreg s5  }
0xaa: {  	[dreg:$0x4] =	wrdreg $0xC0  }
0xab: {  	_ =	task [dreg:s7], $0x5FFFF  }
0xac: {  	[dreg:$0x1] =	wrdreg $0xFFFFFFFF  }
0xad: {  	[dreg:$0x0] =	wrdreg $0x60  }
0xae: {  	[dreg:$0x2] =	wrdreg s2  }
0xaf: {  	[dreg:$0x3] =	wrdreg s24  }
0xb0: {  	[dreg:$0x4] =	wrdreg $0x9  }
0xb1: {  	_ =	task.clear_ibuf [dreg:s7], $0x5FFFF;
	_ =	strace $0x90000046  }
0xb2: {  	s29 =	simm.s32 $0x9;
	_ =	strace $0x80000048  }
0xb3: {  	_ =	swait.ge [sflag:s29], $0x1  }
0xb4: {  	[sflag:s29] =	ssyncadd.s32 $0xFFFFFFFF  }
0xb5: {  	_ =	strace $0x90000048  }
0xb6: {  	_ =	sfence  }
0xb7: {  	s30 =	sld [smem:$0x0];
	_ =	sdelay $0x2  }
0xb8: {  	s31 =	sshll.u32 s1, $0xD;
	s1 =	sshrl.u32 s1, $0x2  }
0xb9: {  	s3 =	sand.u32 $0x4000, s31;
	s1 =	sadd.s32 s1, s30  }
0xba: {  	s0 =	sor.u32 s3, s0;
	s1 =	sshll.u32 s1, $0x11  }
0xbb: {  	s0 =	sor.u32 s1, s0  }
0xbc: {  	s0 =	sadd.s32 $0x8F2B, s0  }
0xbd: {  	[sflag:s0] =	ssyncadd.remote.s32 $0x1  }
0xbe: {  	_ =	sfence.sel $0xFFFF  }
0xbf: {  	[dreg:$0x0] =	wrdreg $0xFFFFFFFF;
	(pc) =	sbr.abs _section_cstart, $3  }
0xc0: {  	[dreg:$0x1] =	wrdreg $0xFFFFFFFF  }
0xc1: {  	_ =	task.clear_ibuf [dreg:s7], $0x2FFFF;
	_ =	strace $0x9FFFFFFF  }
0xc2: {  	(tm) =	ssettm $0x7FFFFFFF  }
0xc3: {  	_ =	shalt  }
tec
execute0_lowered:
.L_overlay_start_1:
0x0: {  	(tag) =	ssettag $0x1  }
0x1: {  	s1 =	rddreg [dreg:$0x0]  }
0x2: {  	s0 =	rddreg [dreg:$0x1]  }
0x3: {  	s2 =	srdreg.scid;
	s8 =	stileid.u32  }
0x4: {  	s3 =	simm.s32 $0x0;
	s4 =	sand.u32 $0x1, s2;
	s30 =	smul.u32 $0x38000, s8  }
0x5: {  	s11 =	sshll.u32 s8, $0x1;
	[smem:$0x7FF] =	sst s3;
	s17 =	smul.u32 $0xE0000, s4  }
0x6: {  	s2 =	sor.u32 s4, s11;
	s6 =	ssub.s32 $0x2, s4;
	s4 =	smul.u32 $0x1C000, s4  }
0x7: {  	s3 =	sadd.s32 $0xF43000, s0;
	_ =	strace $0x80000047;
	s7 =	smul.u32 $0x340, s2  }
0x8: {  	s5 =	smul.u32 $0xE0000, s2;
	s2 =	sadd.s32 $0xC00, s0;
	s12 =	sshrl.u32 s6, $0x1  }
0x9: {  	s0 =	ssub.s32 s6, s12;
	s9 =	sadd.s32 s30, s2;
	s1 =	sadd.s32 s1, s7  }
0xa: {  	s5 =	sshrl.u32 s5, $0x3;
	s4 =	sadd.s32 s4, s9;
	[dreg:$0x10] =	wrdreg s1  }
0xb: {  	s0 =	smax.u32 s0, $0x1;
	s1 =	sadd.s32 s2, s5;
	[dreg:$0x4] =	wrdreg s4  }
0xc: {  	[smem:$0x7FD] =	sst s0;
	s5 =	sadd.s32 $0x15000, s1  }
0xd: {  	s13 =	sadd.s32 $0x15380, s1;
	[dreg:$0x11] =	wrdreg s5  }
0xe: {  	s15 =	sadd.s32 $0x15700, s1;
	[dreg:$0x12] =	wrdreg s13  }
0xf: {  	s16 =	sadd.s32 $0x15A80, s1;
	[dreg:$0x13] =	wrdreg s15  }
0x10: {  	s18 =	sadd.s32 $0x15E00, s1;
	[dreg:$0x14] =	wrdreg s16  }
0x11: {  	s19 =	sadd.s32 $0x16180, s1;
	[dreg:$0x15] =	wrdreg s18  }
0x12: {  	s20 =	sadd.s32 $0x16500, s1;
	[dreg:$0x16] =	wrdreg s19  }
0x13: {  	s21 =	sadd.s32 $0x16880, s1;
	[dreg:$0x17] =	wrdreg s20  }
0x14: {  	s22 =	sadd.s32 $0x16C00, s1;
	[dreg:$0x18] =	wrdreg s21  }
0x15: {  	s23 =	sadd.s32 $0x16F80, s1;
	[dreg:$0x19] =	wrdreg s22  }
0x16: {  	s24 =	sadd.s32 $0x17300, s1;
	[dreg:$0x1a] =	wrdreg s23  }
0x17: {  	s26 =	sadd.s32 $0x17680, s1;
	[dreg:$0x1b] =	wrdreg s24  }
0x18: {  	s31 =	sadd.s32 $0x17A00, s1;
	[dreg:$0x1c] =	wrdreg s26  }
0x19: {  	s14 =	smul.u32 $0x1C0000, s8;
	s11 =	sadd.s32 $0x17D80, s1;
	[dreg:$0x1d] =	wrdreg s31  }
0x1a: {  	s9 =	sadd.s32 $0x18100, s1;
	[dreg:$0x1e] =	wrdreg s11  }
0x1b: {  	s5 =	sadd.s32 s17, s14;
	[dreg:$0x1f] =	wrdreg s9  }
0x1c: {  	s25 =	sadd.s32 $0x36400, s5;
	s10 =	sadd.s32 $0x32C00, s5;
	s14 =	sadd.s32 $0x2F400, s5  }
0x1d: {  	s17 =	sadd.s32 $0x24C00, s5;
	s21 =	sadd.s32 $0x21400, s5;
	s24 =	sor.u32 $0x16C00, s5  }
0x1e: {  	s6 =	sshrl.u32 s25, $0x3;
	s15 =	sshrl.u32 s14, $0x3;
	s14 =	sadd.s32 $0x18800, s1  }
0x1f: {  	s19 =	sshrl.u32 s17, $0x3;
	s17 =	sadd.s32 $0x19280, s1;
	[smem:$0x7ED] =	sst s14  }
0x20: {  	s22 =	sshrl.u32 s21, $0x3;
	s21 =	sadd.s32 $0x1A080, s1;
	[smem:$0x7F0] =	sst s17  }
0x21: {  	s26 =	sshrl.u32 s24, $0x3;
	s24 =	sadd.s32 $0x1AB00, s1;
	[smem:$0x7F4] =	sst s21  }
0x22: {  	s12 =	sshrl.u32 s10, $0x3;
	s6 =	sadd.s32 s6, s2;
	[smem:$0x7F7] =	sst s24  }
0x23: {  	s13 =	sadd.s32 s12, s2;
	[dreg:$0x3] =	wrdreg s6  }
0x24: {  	s4 =	sadd.s32 s15, s2;
	[dreg:$0x5] =	wrdreg s13  }
0x25: {  	s20 =	sadd.s32 s19, s2;
	[dreg:$0x6] =	wrdreg s4  }
0x26: {  	s30 =	sadd.s32 s26, s2;
	[dreg:$0x8] =	wrdreg s20  }
0x27: {  	s15 =	sadd.s32 $0x18B80, s1;
	[dreg:$0xb] =	wrdreg s30  }
0x28: {  	s19 =	sadd.s32 $0x19980, s1;
	[smem:$0x7EE] =	sst s15  }
0x29: {  	s28 =	simm.s32 $0x40;
	s26 =	sadd.s32 $0x1B200, s1;
	[smem:$0x7F2] =	sst s19  }
0x2a: {  	s29 =	simm.s32 $0x80;
	s4 =	sadd.s32 s22, s2;
	[smem:$0x7F9] =	sst s26  }
0x2b: {  	s16 =	sadd.s32 $0x28400, s5;
	s13 =	sadd.s32 $0x18480, s1;
	[dreg:$0x9] =	wrdreg s4  }
0x2c: {  	s6 =	sshrl.u32 s16, $0x3;
	s16 =	sadd.s32 $0x18F00, s1;
	[smem:$0x7EC] =	sst s13  }
0x2d: {  	s0 =	simm.s32 $0x0;
	s20 =	sadd.s32 $0x19D00, s1;
	[smem:$0x7EF] =	sst s16  }
0x2e: {  	s9 =	simm.s32 $0x68;
	s22 =	sadd.s32 $0x1A400, s1;
	[smem:$0x7F3] =	sst s20  }
0x2f: {  	s23 =	sor.u32 $0x1A400, s5;
	s30 =	sadd.s32 $0x1B580, s1;
	[smem:$0x7F5] =	sst s22  }
0x30: {  	s31 =	sor.u32 $0x13400, s5;
	s18 =	sadd.s32 s6, s2;
	[smem:$0x7FA] =	sst s30  }
0x31: {  	s6 =	sshrl.u32 s23, $0x3;
	s23 =	sadd.s32 $0x1A780, s1;
	[dreg:$0x7] =	wrdreg s18  }
0x32: {  	s8 =	sor.u32 $0xC400, s5;
	s25 =	sadd.s32 s6, s2;
	[smem:$0x7F6] =	sst s23  }
0x33: {  	s11 =	sor.u32 $0x8C00, s5;
	s18 =	sadd.s32 $0x19600, s1;
	[dreg:$0xa] =	wrdreg s25  }
0x34: {  	s6 =	sshrl.u32 s31, $0x3;
	s31 =	sadd.s32 $0x1B900, s1;
	[smem:$0x7F1] =	sst s18  }
0x35: {  	s5 =	sor.u32 $0x5400, s5;
	s4 =	sadd.s32 s6, s2;
	[smem:$0x7FB] =	sst s31  }
0x36: {  	s5 =	sshrl.u32 s5, $0x3;
	s25 =	sadd.s32 $0x1AE80, s1;
	[dreg:$0xc] =	wrdreg s4  }
0x37: {  	s6 =	sshrl.u32 s8, $0x3;
	s1 =	sadd.s32 $0x1BC80, s1;
	[smem:$0x7F8] =	sst s25  }
0x38: {  	s12 =	sshrl.u32 s11, $0x3;
	s10 =	sadd.s32 s6, s2;
	[smem:$0x7FC] =	sst s1  }
0x39: {  	s14 =	simm.s32 $0xF;
	s4 =	sadd.s32 s12, s2;
	[dreg:$0xd] =	wrdreg s10  }
0x3a: {  	s15 =	simm.s32 $0x10;
	s2 =	sadd.s32 s5, s2;
	[dreg:$0xe] =	wrdreg s4  }
0x3b: {  	s13 =	simm.s32 $0xE;
	s8 =	simm.s32 $0x11;
	[dreg:$0xf] =	wrdreg s2  }
.LBB2_1:
0x3c: {  	[smem:$0x7EB] =	sst s0  }
0x3d: {  	s16 =	simm.s32 $0x0;
	s17 =	rddreg [dreg:$0x10]  }
0x3e: {  	[tilespmem:s16], [sflag:$0x11] =	stream.linear.gather [hbm4b:s17+s16], $0x1A00, $0x38;
	[tilespmem:$0x1BA00] =	vst v63  }
0x3f: {  	_ =	swait.ge [sflag:s8], $0x1A00  }
0x40: {  	[sflag:s8] =	ssyncset.done $0x0  }
0x41: {  	s18 =	simm.s32 $0x1A00;
	[sflag:s8] =	ssyncadd.s32 $0xFFFFE600  }
0x42: {  	[tilespmem:s18], [sflag:$0x1] =	stream.indirect.gather [hbm4b:s3+s9], $0x40, s16, s9, $0xb8;
	[tilespmem:$0x1BA00] =	vst v63  }
0x43: {  	s19 =	simm.s32 $0x3400  }
0x44: {  	[tilespmem:s19], [sflag:$0x2] =	stream.indirect.gather [hbm4b:s3+s9], $0x40, s9, s9, $0xb8;
	[tilespmem:$0x1BA00] =	vst v63  }
0x45: {  	s30 =	simm.s32 $0xD0;
	s20 =	simm.s32 $0x4E00  }
0x46: {  	[tilespmem:s20], [sflag:$0x3] =	stream.indirect.gather [hbm4b:s3+s9], $0x40, s30, s9, $0xb8;
	[tilespmem:$0x1BA00] =	vst v63  }
0x47: {  	s31 =	simm.s32 $0x138;
	s21 =	simm.s32 $0x6800  }
0x48: {  	[tilespmem:s21], [sflag:$0x4] =	stream.indirect.gather [hbm4b:s3+s9], $0x40, s31, s9, $0xb8;
	[tilespmem:$0x1BA00] =	vst v63  }
0x49: {  	s0 =	simm.s32 $0x1A0;
	s22 =	simm.s32 $0x8200  }
0x4a: {  	[tilespmem:s22], [sflag:$0x5] =	stream.indirect.gather [hbm4b:s3+s9], $0x40, s0, s9, $0xb8;
	[tilespmem:$0x1BA00] =	vst v63  }
0x4b: {  	s1 =	simm.s32 $0x208;
	s23 =	simm.s32 $0x9C00  }
0x4c: {  	[tilespmem:s23], [sflag:$0x6] =	stream.indirect.gather [hbm4b:s3+s9], $0x40, s1, s9, $0xb8;
	[tilespmem:$0x1BA00] =	vst v63  }
0x4d: {  	s24 =	simm.s32 $0xB600;
	s1 =	simm.s32 $0x270  }
0x4e: {  	[tilespmem:s24], [sflag:$0x7] =	stream.indirect.gather [hbm4b:s3+s9], $0x40, s1, s9, $0xb8;
	[tilespmem:$0x1BA00] =	vst v63  }
0x4f: {  	s2 =	simm.s32 $0x2D8;
	s4 =	simm.s32 $0xD000  }
0x50: {  	[tilespmem:s4], [sflag:$0x8] =	stream.indirect.gather [hbm4b:s3+s9], $0x40, s2, s9, $0xb8;
	[tilespmem:$0x1BA00] =	vst v63  }
0x51: {  	s5 =	simm.s32 $0x340;
	s6 =	simm.s32 $0xEA00  }
0x52: {  	[tilespmem:s6], [sflag:$0x9] =	stream.indirect.gather [hbm4b:s3+s9], $0x40, s5, s9, $0xb8;
	[tilespmem:$0x1BA00] =	vst v63  }
0x53: {  	s7 =	simm.s32 $0x3A8;
	s25 =	simm.s32 $0x10400  }
0x54: {  	[tilespmem:s25], [sflag:$0xA] =	stream.indirect.gather [hbm4b:s3+s9], $0x40, s7, s9, $0xb8;
	[tilespmem:$0x1BA00] =	vst v63  }
0x55: {  	s10 =	simm.s32 $0x410;
	s2 =	simm.s32 $0x11E00  }
0x56: {  	[tilespmem:s2], [sflag:$0xB] =	stream.indirect.gather [hbm4b:s3+s9], $0x40, s10, s9, $0xb8;
	[tilespmem:$0x1BA00] =	vst v63  }
0x57: {  	s11 =	simm.s32 $0x478;
	s7 =	simm.s32 $0x13800  }
0x58: {  	[tilespmem:s7], [sflag:$0xC] =	stream.indirect.gather [hbm4b:s3+s9], $0x40, s11, s9, $0xb8;
	[tilespmem:$0x1BA00] =	vst v63  }
0x59: {  	s12 =	simm.s32 $0x4E0;
	s5 =	simm.s32 $0x15200  }
0x5a: {  	[tilespmem:s5], [sflag:$0xD] =	stream.indirect.gather [hbm4b:s3+s9], $0x40, s12, s9, $0xb8;
	[tilespmem:$0x1BA00] =	vst v63  }
0x5b: {  	s16 =	simm.s32 $0x548;
	s1 =	simm.s32 $0x16C00  }
0x5c: {  	[tilespmem:s1], [sflag:$0xE] =	stream.indirect.gather [hbm4b:s3+s9], $0x40, s16, s9, $0xb8;
	[tilespmem:$0x1BA00] =	vst v63  }
0x5d: {  	s17 =	simm.s32 $0x5B0;
	s10 =	simm.s32 $0x18600  }
0x5e: {  	[tilespmem:s10], [sflag:$0xF] =	stream.indirect.gather [hbm4b:s3+s9], $0x40, s17, s9, $0xb8;
	[tilespmem:$0x1BA00] =	vst v63  }
0x5f: {  	s26 =	simm.s32 $0x618;
	s30 =	simm.s32 $0x1;
	s11 =	simm.s32 $0x1A000  }
0x60: {  	[tilespmem:s11], [sflag:$0x10] =	stream.indirect.gather [hbm4b:s3+s9], $0x40, s26, s9, $0xb8;
	[tilespmem:$0x1BA00] =	vst v63  }
0x61: {  	_ =	swait.ge [sflag:s30], $0x1A00  }
0x62: {  	s31 =	rddreg [dreg:$0x4];
	[sflag:s30] =	ssyncset.done $0x0  }
0x63: {  	[sflag:s30] =	ssyncadd.s32 $0xFFFFE600;
	s16 =	sadd.s32 $0x0, s31  }
0x64: {  	[hbm4b:s16+s28] =	stream.strided.scatter [tilespmem:s18], [sflag:$0x11], $0xC80, s29, s28, $0x38;
	[tilespmem:$0x1BA00] =	vst v63  }
0x65: {  	_ =	swait.ge [sflag:s8], $0xC80  }
0x66: {  	[sflag:s8] =	ssyncset.done $0x0  }
0x67: {  	s12 =	simm.s32 $0x2680;
	s0 =	sadd.s32 $0x380, s16;
	[sflag:s8] =	ssyncadd.s32 $0xFFFFF380  }
0x68: {  	[hbm4b:s0+s28] =	stream.strided.scatter [tilespmem:s12], [sflag:$0x11], $0xC80, s29, s28, $0x38;
	[tilespmem:$0x1BA00] =	vst v63  }
0x69: {  	_ =	swait.ge [sflag:s8], $0xC80  }
0x6a: {  	[sflag:s8] =	ssyncset.done $0x0  }
0x6b: {  	s26 =	simm.s32 $0x680;
	s30 =	simm.s32 $0x2;
	[sflag:s8] =	ssyncadd.s32 $0xFFFFF380  }
0x6c: {  	[tilespmem:s18], [sflag:$0x1] =	stream.indirect.gather [hbm4b:s3+s9], $0x40, s26, s9, $0xb8;
	[tilespmem:$0x1BA00] =	vst v63  }
0x6d: {  	_ =	swait.ge [sflag:s30], $0x1A00  }
0x6e: {  	[sflag:s30] =	ssyncset.done $0x0  }
0x6f: {  	s31 =	sadd.s32 $0x700, s16;
	[sflag:s30] =	ssyncadd.s32 $0xFFFFE600  }
0x70: {  	[hbm4b:s31+s28] =	stream.strided.scatter [tilespmem:s19], [sflag:$0x11], $0xC80, s29, s28, $0x38;
	[tilespmem:$0x1BA00] =	vst v63  }
0x71: {  	_ =	swait.ge [sflag:s8], $0xC80  }
0x72: {  	s0 =	rddreg [dreg:$0xf];
	[sflag:s8] =	ssyncset.done $0x0  }
0x73: {  	s12 =	simm.s32 $0x4080;
	[sflag:s8] =	ssyncadd.s32 $0xFFFFF380;
	s17 =	sadd.s32 $0x0, s0  }
0x74: {  	[hbm4b:s17+s28] =	stream.strided.scatter [tilespmem:s12], [sflag:$0x11], $0xC80, s29, s28, $0x38;
	[tilespmem:$0x1BA00] =	vst v63  }
0x75: {  	_ =	swait.ge [sflag:s8], $0xC80  }
0x76: {  	[sflag:s8] =	ssyncset.done $0x0  }
0x77: {  	s18 =	simm.s32 $0x6E8;
	[sflag:s8] =	ssyncadd.s32 $0xFFFFF380  }
0x78: {  	[tilespmem:s19], [sflag:$0x2] =	stream.indirect.gather [hbm4b:s3+s9], $0x40, s18, s9, $0xb8;
	[tilespmem:$0x1BA00] =	vst v63  }
0x79: {  	s19 =	simm.s32 $0x3  }
0x7a: {  	_ =	swait.ge [sflag:s19], $0x1A00  }
0x7b: {  	[sflag:s19] =	ssyncset.done $0x0  }
0x7c: {  	s26 =	sadd.s32 $0xE00, s16;
	[sflag:s19] =	ssyncadd.s32 $0xFFFFE600  }
0x7d: {  	[hbm4b:s26+s28] =	stream.strided.scatter [tilespmem:s20], [sflag:$0x11], $0xC80, s29, s28, $0x38;
	[tilespmem:$0x1BA00] =	vst v63  }
0x7e: {  	_ =	swait.ge [sflag:s8], $0xC80  }
0x7f: {  	s30 =	rddreg [dreg:$0xe];
	[sflag:s8] =	ssyncset.done $0x0  }
0x80: {  	s31 =	simm.s32 $0x5A80;
	[sflag:s8] =	ssyncadd.s32 $0xFFFFF380;
	s17 =	sadd.s32 $0x0, s30  }
0x81: {  	[hbm4b:s17+s28] =	stream.strided.scatter [tilespmem:s31], [sflag:$0x11], $0xC80, s29, s28, $0x38;
	[tilespmem:$0x1BA00] =	vst v63  }
0x82: {  	_ =	swait.ge [sflag:s8], $0xC80  }
0x83: {  	[sflag:s8] =	ssyncset.done $0x0  }
0x84: {  	s12 =	simm.s32 $0x750;
	s17 =	simm.s32 $0x4;
	[sflag:s8] =	ssyncadd.s32 $0xFFFFF380  }
0x85: {  	[tilespmem:s20], [sflag:$0x3] =	stream.indirect.gather [hbm4b:s3+s9], $0x40, s12, s9, $0xb8;
	[tilespmem:$0x1BA00] =	vst v63  }
0x86: {  	_ =	swait.ge [sflag:s17], $0x1A00  }
0x87: {  	[sflag:s17] =	ssyncset.done $0x0  }
0x88: {  	s18 =	sadd.s32 $0x1500, s16;
	[sflag:s17] =	ssyncadd.s32 $0xFFFFE600  }
0x89: {  	[hbm4b:s18+s28] =	stream.strided.scatter [tilespmem:s21], [sflag:$0x11], $0xC80, s29, s28, $0x38;
	[tilespmem:$0x1BA00] =	vst v63  }
0x8a: {  	_ =	swait.ge [sflag:s8], $0xC80  }
0x8b: {  	s19 =	rddreg [dreg:$0xd];
	[sflag:s8] =	ssyncset.done $0x0  }
0x8c: {  	s20 =	simm.s32 $0x7480;
	[sflag:s8] =	ssyncadd.s32 $0xFFFFF380;
	s17 =	sadd.s32 $0x0, s19  }
0x8d: {  	[hbm4b:s17+s28] =	stream.strided.scatter [tilespmem:s20], [sflag:$0x11], $0xC80, s29, s28, $0x38;
	[tilespmem:$0x1BA00] =	vst v63  }
0x8e: {  	_ =	swait.ge [sflag:s8], $0xC80  }
0x8f: {  	[sflag:s8] =	ssyncset.done $0x0  }
0x90: {  	s26 =	simm.s32 $0x7B8;
	s30 =	simm.s32 $0x5;
	[sflag:s8] =	ssyncadd.s32 $0xFFFFF380  }
0x91: {  	[tilespmem:s21], [sflag:$0x4] =	stream.indirect.gather [hbm4b:s3+s9], $0x40, s26, s9, $0xb8;
	[tilespmem:$0x1BA00] =	vst v63  }
0x92: {  	_ =	swait.ge [sflag:s30], $0x1A00  }
0x93: {  	[sflag:s30] =	ssyncset.done $0x0  }
0x94: {  	s31 =	sadd.s32 $0x1C00, s16;
	[sflag:s30] =	ssyncadd.s32 $0xFFFFE600  }
0x95: {  	[hbm4b:s31+s28] =	stream.strided.scatter [tilespmem:s22], [sflag:$0x11], $0xC80, s29, s28, $0x38;
	[tilespmem:$0x1BA00] =	vst v63  }
0x96: {  	_ =	swait.ge [sflag:s8], $0xC80  }
0x97: {  	[sflag:s8] =	ssyncset.done $0x0  }
0x98: {  	s0 =	sadd.s32 $0x1F80, s16;
	s12 =	simm.s32 $0x8E80;
	[sflag:s8] =	ssyncadd.s32 $0xFFFFF380  }
0x99: {  	[hbm4b:s0+s28] =	stream.strided.scatter [tilespmem:s12], [sflag:$0x11], $0xC80, s29, s28, $0x38;
	[tilespmem:$0x1BA00] =	vst v63  }
0x9a: {  	_ =	swait.ge [sflag:s8], $0xC80  }
0x9b: {  	[sflag:s8] =	ssyncset.done $0x0  }
0x9c: {  	s18 =	simm.s32 $0x820;
	s19 =	simm.s32 $0x6;
	[sflag:s8] =	ssyncadd.s32 $0xFFFFF380  }
0x9d: {  	[tilespmem:s22], [sflag:$0x5] =	stream.indirect.gather [hbm4b:s3+s9], $0x40, s18, s9, $0xb8;
	[tilespmem:$0x1BA00] =	vst v63  }
0x9e: {  	_ =	swait.ge [sflag:s19], $0x1A00  }
0x9f: {  	[sflag:s19] =	ssyncset.done $0x0  }
0xa0: {  	s20 =	sadd.s32 $0x2300, s16;
	[sflag:s19] =	ssyncadd.s32 $0xFFFFE600  }
0xa1: {  	[hbm4b:s20+s28] =	stream.strided.scatter [tilespmem:s23], [sflag:$0x11], $0xC80, s29, s28, $0x38;
	[tilespmem:$0x1BA00] =	vst v63  }
0xa2: {  	_ =	swait.ge [sflag:s8], $0xC80  }
0xa3: {  	s21 =	rddreg [dreg:$0xc];
	[sflag:s8] =	ssyncset.done $0x0  }
0xa4: {  	s22 =	simm.s32 $0xA880;
	[sflag:s8] =	ssyncadd.s32 $0xFFFFF380;
	s17 =	sadd.s32 $0x0, s21  }
0xa5: {  	[hbm4b:s17+s28] =	stream.strided.scatter [tilespmem:s22], [sflag:$0x11], $0xC80, s29, s28, $0x38;
	[tilespmem:$0x1BA00] =	vst v63  }
0xa6: {  	_ =	swait.ge [sflag:s8], $0xC80  }
0xa7: {  	[sflag:s8] =	ssyncset.done $0x0  }
0xa8: {  	s26 =	simm.s32 $0x888;
	s30 =	simm.s32 $0x7;
	[sflag:s8] =	ssyncadd.s32 $0xFFFFF380  }
0xa9: {  	[tilespmem:s23], [sflag:$0x6] =	stream.indirect.gather [hbm4b:s3+s9], $0x40, s26, s9, $0xb8;
	[tilespmem:$0x1BA00] =	vst v63  }
0xaa: {  	_ =	swait.ge [sflag:s30], $0x1A00  }
0xab: {  	[sflag:s30] =	ssyncset.done $0x0  }
0xac: {  	s31 =	sadd.s32 $0x2A00, s16;
	[sflag:s30] =	ssyncadd.s32 $0xFFFFE600  }
0xad: {  	[hbm4b:s31+s28] =	stream.strided.scatter [tilespmem:s24], [sflag:$0x11], $0xC80, s29, s28, $0x38;
	[tilespmem:$0x1BA00] =	vst v63  }
0xae: {  	_ =	swait.ge [sflag:s8], $0xC80  }
0xaf: {  	s0 =	rddreg [dreg:$0xb];
	[sflag:s8] =	ssyncset.done $0x0  }
0xb0: {  	s12 =	simm.s32 $0xC280;
	[sflag:s8] =	ssyncadd.s32 $0xFFFFF380;
	s17 =	sadd.s32 $0x0, s0  }
0xb1: {  	[hbm4b:s17+s28] =	stream.strided.scatter [tilespmem:s12], [sflag:$0x11], $0xC80, s29, s28, $0x38;
	[tilespmem:$0x1BA00] =	vst v63  }
0xb2: {  	_ =	swait.ge [sflag:s8], $0xC80  }
0xb3: {  	[sflag:s8] =	ssyncset.done $0x0  }
0xb4: {  	s18 =	simm.s32 $0x8F0;
	s19 =	simm.s32 $0x8;
	[sflag:s8] =	ssyncadd.s32 $0xFFFFF380  }
0xb5: {  	[tilespmem:s24], [sflag:$0x7] =	stream.indirect.gather [hbm4b:s3+s9], $0x40, s18, s9, $0xb8;
	[tilespmem:$0x1BA00] =	vst v63  }
0xb6: {  	_ =	swait.ge [sflag:s19], $0x1A00  }
0xb7: {  	[sflag:s19] =	ssyncset.done $0x0  }
0xb8: {  	s20 =	sadd.s32 $0x3100, s16;
	[sflag:s19] =	ssyncadd.s32 $0xFFFFE600  }
0xb9: {  	[hbm4b:s20+s28] =	stream.strided.scatter [tilespmem:s4], [sflag:$0x11], $0xC80, s29, s28, $0x38;
	[tilespmem:$0x1BA00] =	vst v63  }
0xba: {  	_ =	swait.ge [sflag:s8], $0xC80  }
0xbb: {  	s21 =	rddreg [dreg:$0xa];
	[sflag:s8] =	ssyncset.done $0x0  }
0xbc: {  	s22 =	simm.s32 $0xDC80;
	[sflag:s8] =	ssyncadd.s32 $0xFFFFF380;
	s17 =	sadd.s32 $0x0, s21  }
0xbd: {  	[hbm4b:s17+s28] =	stream.strided.scatter [tilespmem:s22], [sflag:$0x11], $0xC80, s29, s28, $0x38;
	[tilespmem:$0x1BA00] =	vst v63  }
0xbe: {  	_ =	swait.ge [sflag:s8], $0xC80  }
0xbf: {  	[sflag:s8] =	ssyncset.done $0x0  }
0xc0: {  	s23 =	simm.s32 $0x958;
	s24 =	simm.s32 $0x9;
	[sflag:s8] =	ssyncadd.s32 $0xFFFFF380  }
0xc1: {  	[tilespmem:s4], [sflag:$0x8] =	stream.indirect.gather [hbm4b:s3+s9], $0x40, s23, s9, $0xb8;
	[tilespmem:$0x1BA00] =	vst v63  }
0xc2: {  	_ =	swait.ge [sflag:s24], $0x1A00  }
0xc3: {  	[sflag:s24] =	ssyncset.done $0x0  }
0xc4: {  	s26 =	sadd.s32 $0x3800, s16;
	[sflag:s24] =	ssyncadd.s32 $0xFFFFE600  }
0xc5: {  	[hbm4b:s26+s28] =	stream.strided.scatter [tilespmem:s6], [sflag:$0x11], $0xC80, s29, s28, $0x38;
	[tilespmem:$0x1BA00] =	vst v63  }
0xc6: {  	_ =	swait.ge [sflag:s8], $0xC80  }
0xc7: {  	[sflag:s8] =	ssyncset.done $0x0  }
0xc8: {  	s30 =	sadd.s32 $0x3B80, s16;
	s31 =	simm.s32 $0xF680;
	[sflag:s8] =	ssyncadd.s32 $0xFFFFF380  }
0xc9: {  	[hbm4b:s30+s28] =	stream.strided.scatter [tilespmem:s31], [sflag:$0x11], $0xC80, s29, s28, $0x38;
	[tilespmem:$0x1BA00] =	vst v63  }
0xca: {  	_ =	swait.ge [sflag:s8], $0xC80  }
0xcb: {  	[sflag:s8] =	ssyncset.done $0x0  }
0xcc: {  	s0 =	simm.s32 $0x9C0;
	s4 =	simm.s32 $0xA;
	[sflag:s8] =	ssyncadd.s32 $0xFFFFF380  }
0xcd: {  	[tilespmem:s6], [sflag:$0x9] =	stream.indirect.gather [hbm4b:s3+s9], $0x40, s0, s9, $0xb8;
	[tilespmem:$0x1BA00] =	vst v63  }
0xce: {  	_ =	swait.ge [sflag:s4], $0x1A00  }
0xcf: {  	[sflag:s4] =	ssyncset.done $0x0  }
0xd0: {  	s6 =	sadd.s32 $0x3F00, s16;
	[sflag:s4] =	ssyncadd.s32 $0xFFFFE600  }
0xd1: {  	[hbm4b:s6+s28] =	stream.strided.scatter [tilespmem:s25], [sflag:$0x11], $0xC80, s29, s28, $0x38;
	[tilespmem:$0x1BA00] =	vst v63  }
0xd2: {  	_ =	swait.ge [sflag:s8], $0xC80  }
0xd3: {  	s12 =	rddreg [dreg:$0x9];
	[sflag:s8] =	ssyncset.done $0x0  }
0xd4: {  	s18 =	simm.s32 $0x11080;
	[sflag:s8] =	ssyncadd.s32 $0xFFFFF380;
	s17 =	sadd.s32 $0x0, s12  }
0xd5: {  	[hbm4b:s17+s28] =	stream.strided.scatter [tilespmem:s18], [sflag:$0x11], $0xC80, s29, s28, $0x38;
	[tilespmem:$0x1BA00] =	vst v63  }
0xd6: {  	_ =	swait.ge [sflag:s8], $0xC80  }
0xd7: {  	[sflag:s8] =	ssyncset.done $0x0  }
0xd8: {  	s19 =	simm.s32 $0xA28;
	s20 =	simm.s32 $0xB;
	[sflag:s8] =	ssyncadd.s32 $0xFFFFF380  }
0xd9: {  	[tilespmem:s25], [sflag:$0xA] =	stream.indirect.gather [hbm4b:s3+s9], $0x40, s19, s9, $0xb8;
	[tilespmem:$0x1BA00] =	vst v63  }
0xda: {  	_ =	swait.ge [sflag:s20], $0x1A00  }
0xdb: {  	[sflag:s20] =	ssyncset.done $0x0  }
0xdc: {  	s21 =	sadd.s32 $0x4600, s16;
	[sflag:s20] =	ssyncadd.s32 $0xFFFFE600  }
0xdd: {  	[hbm4b:s21+s28] =	stream.strided.scatter [tilespmem:s2], [sflag:$0x11], $0xC80, s29, s28, $0x38;
	[tilespmem:$0x1BA00] =	vst v63  }
0xde: {  	_ =	swait.ge [sflag:s8], $0xC80  }
0xdf: {  	s22 =	rddreg [dreg:$0x8];
	[sflag:s8] =	ssyncset.done $0x0  }
0xe0: {  	s23 =	simm.s32 $0x12A80;
	[sflag:s8] =	ssyncadd.s32 $0xFFFFF380;
	s17 =	sadd.s32 $0x0, s22  }
0xe1: {  	[hbm4b:s17+s28] =	stream.strided.scatter [tilespmem:s23], [sflag:$0x11], $0xC80, s29, s28, $0x38;
	[tilespmem:$0x1BA00] =	vst v63  }
0xe2: {  	_ =	swait.ge [sflag:s8], $0xC80  }
0xe3: {  	[sflag:s8] =	ssyncset.done $0x0  }
0xe4: {  	s24 =	simm.s32 $0xA90;
	s25 =	simm.s32 $0xC;
	[sflag:s8] =	ssyncadd.s32 $0xFFFFF380  }
0xe5: {  	[tilespmem:s2], [sflag:$0xB] =	stream.indirect.gather [hbm4b:s3+s9], $0x40, s24, s9, $0xb8;
	[tilespmem:$0x1BA00] =	vst v63  }
0xe6: {  	_ =	swait.ge [sflag:s25], $0x1A00  }
0xe7: {  	[sflag:s25] =	ssyncset.done $0x0  }
0xe8: {  	s26 =	sadd.s32 $0x4D00, s16;
	[sflag:s25] =	ssyncadd.s32 $0xFFFFE600  }
0xe9: {  	[hbm4b:s26+s28] =	stream.strided.scatter [tilespmem:s7], [sflag:$0x11], $0xC80, s29, s28, $0x38;
	[tilespmem:$0x1BA00] =	vst v63  }
0xea: {  	_ =	swait.ge [sflag:s8], $0xC80  }
0xeb: {  	s30 =	rddreg [dreg:$0x7];
	[sflag:s8] =	ssyncset.done $0x0  }
0xec: {  	s31 =	simm.s32 $0x14480;
	[sflag:s8] =	ssyncadd.s32 $0xFFFFF380;
	s17 =	sadd.s32 $0x0, s30  }
0xed: {  	[hbm4b:s17+s28] =	stream.strided.scatter [tilespmem:s31], [sflag:$0x11], $0xC80, s29, s28, $0x38;
	[tilespmem:$0x1BA00] =	vst v63  }
0xee: {  	_ =	swait.ge [sflag:s8], $0xC80  }
0xef: {  	[sflag:s8] =	ssyncset.done $0x0  }
0xf0: {  	s4 =	simm.s32 $0xD;
	s2 =	simm.s32 $0xAF8;
	[sflag:s8] =	ssyncadd.s32 $0xFFFFF380  }
0xf1: {  	[tilespmem:s7], [sflag:$0xC] =	stream.indirect.gather [hbm4b:s3+s9], $0x40, s2, s9, $0xb8;
	[tilespmem:$0x1BA00] =	vst v63  }
0xf2: {  	_ =	swait.ge [sflag:s4], $0x1A00  }
0xf3: {  	[sflag:s4] =	ssyncset.done $0x0  }
0xf4: {  	s6 =	sadd.s32 $0x5400, s16;
	[sflag:s4] =	ssyncadd.s32 $0xFFFFE600  }
0xf5: {  	[hbm4b:s6+s28] =	stream.strided.scatter [tilespmem:s5], [sflag:$0x11], $0xC80, s29, s28, $0x38;
	[tilespmem:$0x1BA00] =	vst v63  }
0xf6: {  	_ =	swait.ge [sflag:s8], $0xC80  }
0xf7: {  	[sflag:s8] =	ssyncset.done $0x0  }
0xf8: {  	s12 =	simm.s32 $0x15E80;
	s7 =	sadd.s32 $0x5780, s16;
	[sflag:s8] =	ssyncadd.s32 $0xFFFFF380  }
0xf9: {  	[hbm4b:s7+s28] =	stream.strided.scatter [tilespmem:s12], [sflag:$0x11], $0xC80, s29, s28, $0x38;
	[tilespmem:$0x1BA00] =	vst v63  }
0xfa: {  	_ =	swait.ge [sflag:s8], $0xC80  }
0xfb: {  	[sflag:s8] =	ssyncset.done $0x0  }
0xfc: {  	s18 =	simm.s32 $0xB60;
	[sflag:s8] =	ssyncadd.s32 $0xFFFFF380  }
0xfd: {  	[tilespmem:s5], [sflag:$0xD] =	stream.indirect.gather [hbm4b:s3+s9], $0x40, s18, s9, $0xb8;
	[tilespmem:$0x1BA00] =	vst v63  }
0xfe: {  	_ =	swait.ge [sflag:s13], $0x1A00  }
0xff: {  	[sflag:s13] =	ssyncset.done $0x0  }
0x100: {  	s19 =	sadd.s32 $0x5B00, s16;
	[sflag:s13] =	ssyncadd.s32 $0xFFFFE600  }
0x101: {  	[hbm4b:s19+s28] =	stream.strided.scatter [tilespmem:s1], [sflag:$0x11], $0xC80, s29, s28, $0x38;
	[tilespmem:$0x1BA00] =	vst v63  }
0x102: {  	_ =	swait.ge [sflag:s8], $0xC80  }
0x103: {  	s20 =	rddreg [dreg:$0x6];
	[sflag:s8] =	ssyncset.done $0x0  }
0x104: {  	s21 =	simm.s32 $0x17880;
	[sflag:s8] =	ssyncadd.s32 $0xFFFFF380;
	s17 =	sadd.s32 $0x0, s20  }
0x105: {  	[hbm4b:s17+s28] =	stream.strided.scatter [tilespmem:s21], [sflag:$0x11], $0xC80, s29, s28, $0x38;
	[tilespmem:$0x1BA00] =	vst v63  }
0x106: {  	_ =	swait.ge [sflag:s8], $0xC80  }
0x107: {  	[sflag:s8] =	ssyncset.done $0x0  }
0x108: {  	s22 =	simm.s32 $0xBC8;
	[sflag:s8] =	ssyncadd.s32 $0xFFFFF380  }
0x109: {  	[tilespmem:s1], [sflag:$0xE] =	stream.indirect.gather [hbm4b:s3+s9], $0x40, s22, s9, $0xb8;
	[tilespmem:$0x1BA00] =	vst v63  }
0x10a: {  	_ =	swait.ge [sflag:s14], $0x1A00  }
0x10b: {  	[sflag:s14] =	ssyncset.done $0x0  }
0x10c: {  	s23 =	sadd.s32 $0x6200, s16;
	[sflag:s14] =	ssyncadd.s32 $0xFFFFE600  }
0x10d: {  	[hbm4b:s23+s28] =	stream.strided.scatter [tilespmem:s10], [sflag:$0x11], $0xC80, s29, s28, $0x38;
	[tilespmem:$0x1BA00] =	vst v63  }
0x10e: {  	_ =	swait.ge [sflag:s8], $0xC80  }
0x10f: {  	s24 =	rddreg [dreg:$0x5];
	[sflag:s8] =	ssyncset.done $0x0  }
0x110: {  	s25 =	simm.s32 $0x19280;
	[sflag:s8] =	ssyncadd.s32 $0xFFFFF380;
	s17 =	sadd.s32 $0x0, s24  }
0x111: {  	[hbm4b:s17+s28] =	stream.strided.scatter [tilespmem:s25], [sflag:$0x11], $0xC80, s29, s28, $0x38;
	[tilespmem:$0x1BA00] =	vst v63  }
0x112: {  	_ =	swait.ge [sflag:s8], $0xC80  }
0x113: {  	[sflag:s8] =	ssyncset.done $0x0  }
0x114: {  	s26 =	simm.s32 $0xC30;
	[sflag:s8] =	ssyncadd.s32 $0xFFFFF380  }
0x115: {  	[tilespmem:s10], [sflag:$0xF] =	stream.indirect.gather [hbm4b:s3+s9], $0x40, s26, s9, $0xb8;
	[tilespmem:$0x1BA00] =	vst v63  }
0x116: {  	_ =	swait.ge [sflag:s15], $0x1A00  }
0x117: {  	[sflag:s15] =	ssyncset.done $0x0  }
0x118: {  	s16 =	sadd.s32 $0x6900, s16;
	[sflag:s15] =	ssyncadd.s32 $0xFFFFE600  }
0x119: {  	[hbm4b:s16+s28] =	stream.strided.scatter [tilespmem:s11], [sflag:$0x11], $0xC80, s29, s28, $0x38;
	[tilespmem:$0x1BA00] =	vst v63  }
0x11a: {  	_ =	swait.ge [sflag:s8], $0xC80  }
0x11b: {  	s30 =	rddreg [dreg:$0x3];
	[sflag:s8] =	ssyncset.done $0x0  }
0x11c: {  	s31 =	simm.s32 $0x1AC80;
	[sflag:s8] =	ssyncadd.s32 $0xFFFFF380;
	s16 =	sadd.s32 $0x0, s30  }
0x11d: {  	[hbm4b:s16+s28] =	stream.strided.scatter [tilespmem:s31], [sflag:$0x11], $0xC80, s29, s28, $0x38;
	[tilespmem:$0x1BA00] =	vst v63  }
0x11e: {  	_ =	swait.ge [sflag:s8], $0xC80  }
0x11f: {  	s18 =	simm.s32 $0x1318;
	[sflag:s8] =	ssyncset.done $0x0  }
0x120: {  	s17 =	simm.s32 $0x7000;
	s16 =	simm.s32 $0xC98;
	[sflag:s8] =	ssyncadd.s32 $0xFFFFF380  }
.LBB2_2:
0x121: {  	s12 =	simm.s32 $0x1A000;
	s0 =	simm.s32 $0x1  }
0x122: {  	[tilespmem:s12], [sflag:$0x10] =	stream.indirect.gather [hbm4b:s3+s9], $0x40, s16, s9, $0xb8;
	[tilespmem:$0x1BA00] =	vst v63  }
0x123: {  	_ =	swait.ge [sflag:s0], $0x1A00  }
0x124: {  	s19 =	smov.u32 s17;
	s20 =	rddreg [dreg:$0x4];
	[sflag:s0] =	ssyncset.done $0x0  }
0x125: {  	s23 =	simm.s32 $0x1A00;
	[sflag:s0] =	ssyncadd.s32 $0xFFFFE600;
	s20 =	sadd.s32 s19, s20  }
0x126: {  	[hbm4b:s20+s28] =	stream.strided.scatter [tilespmem:s23], [sflag:$0x11], $0xC80, s29, s28, $0x38;
	[tilespmem:$0x1BA00] =	vst v63  }
0x127: {  	_ =	swait.ge [sflag:s8], $0xC80  }
0x128: {  	[sflag:s8] =	ssyncset.done $0x0  }
0x129: {  	s10 =	simm.s32 $0x2680;
	s21 =	sadd.s32 $0x380, s20;
	[sflag:s8] =	ssyncadd.s32 $0xFFFFF380  }
0x12a: {  	[hbm4b:s21+s28] =	stream.strided.scatter [tilespmem:s10], [sflag:$0x11], $0xC80, s29, s28, $0x38;
	[tilespmem:$0x1BA00] =	vst v63  }
0x12b: {  	_ =	swait.ge [sflag:s8], $0xC80  }
0x12c: {  	[sflag:s8] =	ssyncset.done $0x0  }
0x12d: {  	s11 =	sadd.s32 $0xFFFFF9E8, s18;
	s21 =	simm.s32 $0x2;
	[sflag:s8] =	ssyncadd.s32 $0xFFFFF380  }
0x12e: {  	[tilespmem:s23], [sflag:$0x1] =	stream.indirect.gather [hbm4b:s3+s9], $0x40, s11, s9, $0xb8;
	[tilespmem:$0x1BA00] =	vst v63  }
0x12f: {  	_ =	swait.ge [sflag:s21], $0x1A00  }
0x130: {  	[sflag:s21] =	ssyncset.done $0x0  }
0x131: {  	s24 =	simm.s32 $0x3400;
	s23 =	sadd.s32 $0x700, s20;
	[sflag:s21] =	ssyncadd.s32 $0xFFFFE600  }
0x132: {  	[hbm4b:s23+s28] =	stream.strided.scatter [tilespmem:s24], [sflag:$0x11], $0xC80, s29, s28, $0x38;
	[tilespmem:$0x1BA00] =	vst v63  }
0x133: {  	_ =	swait.ge [sflag:s8], $0xC80  }
0x134: {  	s25 =	rddreg [dreg:$0xf];
	[sflag:s8] =	ssyncset.done $0x0  }
0x135: {  	s26 =	simm.s32 $0x4080;
	[sflag:s8] =	ssyncadd.s32 $0xFFFFF380;
	s21 =	sadd.s32 s19, s25  }
0x136: {  	[hbm4b:s21+s28] =	stream.strided.scatter [tilespmem:s26], [sflag:$0x11], $0xC80, s29, s28, $0x38;
	[tilespmem:$0x1BA00] =	vst v63  }
0x137: {  	_ =	swait.ge [sflag:s8], $0xC80  }
0x138: {  	[sflag:s8] =	ssyncset.done $0x0  }
0x139: {  	s1 =	simm.s32 $0x3;
	s0 =	sadd.s32 $0xFFFFFA50, s18;
	[sflag:s8] =	ssyncadd.s32 $0xFFFFF380  }
0x13a: {  	[tilespmem:s24], [sflag:$0x2] =	stream.indirect.gather [hbm4b:s3+s9], $0x40, s0, s9, $0xb8;
	[tilespmem:$0x1BA00] =	vst v63  }
0x13b: {  	_ =	swait.ge [sflag:s1], $0x1A00  }
0x13c: {  	[sflag:s1] =	ssyncset.done $0x0  }
0x13d: {  	s2 =	sadd.s32 $0xE00, s20;
	s25 =	simm.s32 $0x4E00;
	[sflag:s1] =	ssyncadd.s32 $0xFFFFE600  }
0x13e: {  	[hbm4b:s2+s28] =	stream.strided.scatter [tilespmem:s25], [sflag:$0x11], $0xC80, s29, s28, $0x38;
	[tilespmem:$0x1BA00] =	vst v63  }
0x13f: {  	_ =	swait.ge [sflag:s8], $0xC80  }
0x140: {  	s4 =	rddreg [dreg:$0xe];
	[sflag:s8] =	ssyncset.done $0x0  }
0x141: {  	s5 =	simm.s32 $0x5A80;
	[sflag:s8] =	ssyncadd.s32 $0xFFFFF380;
	s21 =	sadd.s32 s19, s4  }
0x142: {  	[hbm4b:s21+s28] =	stream.strided.scatter [tilespmem:s5], [sflag:$0x11], $0xC80, s29, s28, $0x38;
	[tilespmem:$0x1BA00] =	vst v63  }
0x143: {  	_ =	swait.ge [sflag:s8], $0xC80  }
0x144: {  	[sflag:s8] =	ssyncset.done $0x0  }
0x145: {  	s6 =	sadd.s32 $0xFFFFFAB8, s18;
	s7 =	simm.s32 $0x4;
	[sflag:s8] =	ssyncadd.s32 $0xFFFFF380  }
0x146: {  	[tilespmem:s25], [sflag:$0x3] =	stream.indirect.gather [hbm4b:s3+s9], $0x40, s6, s9, $0xb8;
	[tilespmem:$0x1BA00] =	vst v63  }
0x147: {  	_ =	swait.ge [sflag:s7], $0x1A00  }
0x148: {  	[sflag:s7] =	ssyncset.done $0x0  }
0x149: {  	s10 =	sadd.s32 $0x1500, s20;
	s26 =	simm.s32 $0x6800;
	[sflag:s7] =	ssyncadd.s32 $0xFFFFE600  }
0x14a: {  	[hbm4b:s10+s28] =	stream.strided.scatter [tilespmem:s26], [sflag:$0x11], $0xC80, s29, s28, $0x38;
	[tilespmem:$0x1BA00] =	vst v63  }
0x14b: {  	_ =	swait.ge [sflag:s8], $0xC80  }
0x14c: {  	s11 =	rddreg [dreg:$0xd];
	[sflag:s8] =	ssyncset.done $0x0  }
0x14d: {  	s25 =	simm.s32 $0x7480;
	[sflag:s8] =	ssyncadd.s32 $0xFFFFF380;
	s21 =	sadd.s32 s19, s11  }
0x14e: {  	[hbm4b:s21+s28] =	stream.strided.scatter [tilespmem:s25], [sflag:$0x11], $0xC80, s29, s28, $0x38;
	[tilespmem:$0x1BA00] =	vst v63  }
0x14f: {  	_ =	swait.ge [sflag:s8], $0xC80  }
0x150: {  	[sflag:s8] =	ssyncset.done $0x0  }
0x151: {  	s1 =	sadd.s32 $0xFFFFFB20, s18;
	s2 =	simm.s32 $0x5;
	[sflag:s8] =	ssyncadd.s32 $0xFFFFF380  }
0x152: {  	[tilespmem:s26], [sflag:$0x4] =	stream.indirect.gather [hbm4b:s3+s9], $0x40, s1, s9, $0xb8;
	[tilespmem:$0x1BA00] =	vst v63  }
0x153: {  	_ =	swait.ge [sflag:s2], $0x1A00  }
0x154: {  	[sflag:s2] =	ssyncset.done $0x0  }
0x155: {  	s31 =	simm.s32 $0x8200;
	s4 =	sadd.s32 $0x1C00, s20;
	[sflag:s2] =	ssyncadd.s32 $0xFFFFE600  }
0x156: {  	[hbm4b:s4+s28] =	stream.strided.scatter [tilespmem:s31], [sflag:$0x11], $0xC80, s29, s28, $0x38;
	[tilespmem:$0x1BA00] =	vst v63  }
0x157: {  	_ =	swait.ge [sflag:s8], $0xC80  }
0x158: {  	[sflag:s8] =	ssyncset.done $0x0  }
0x159: {  	s5 =	sadd.s32 $0x1F80, s20;
	s6 =	simm.s32 $0x8E80;
	[sflag:s8] =	ssyncadd.s32 $0xFFFFF380  }
0x15a: {  	[hbm4b:s5+s28] =	stream.strided.scatter [tilespmem:s6], [sflag:$0x11], $0xC80, s29, s28, $0x38;
	[tilespmem:$0x1BA00] =	vst v63  }
0x15b: {  	_ =	swait.ge [sflag:s8], $0xC80  }
0x15c: {  	[sflag:s8] =	ssyncset.done $0x0  }
0x15d: {  	s7 =	sadd.s32 $0xFFFFFB88, s18;
	s10 =	simm.s32 $0x6;
	[sflag:s8] =	ssyncadd.s32 $0xFFFFF380  }
0x15e: {  	[tilespmem:s31], [sflag:$0x5] =	stream.indirect.gather [hbm4b:s3+s9], $0x40, s7, s9, $0xb8;
	[tilespmem:$0x1BA00] =	vst v63  }
0x15f: {  	_ =	swait.ge [sflag:s10], $0x1A00  }
0x160: {  	[sflag:s10] =	ssyncset.done $0x0  }
0x161: {  	s11 =	sadd.s32 $0x2300, s20;
	s1 =	simm.s32 $0x9C00;
	[sflag:s10] =	ssyncadd.s32 $0xFFFFE600  }
0x162: {  	[hbm4b:s11+s28] =	stream.strided.scatter [tilespmem:s1], [sflag:$0x11], $0xC80, s29, s28, $0x38;
	[tilespmem:$0x1BA00] =	vst v63  }
0x163: {  	_ =	swait.ge [sflag:s8], $0xC80  }
0x164: {  	s0 =	rddreg [dreg:$0xc];
	[sflag:s8] =	ssyncset.done $0x0  }
0x165: {  	s2 =	simm.s32 $0xA880;
	[sflag:s8] =	ssyncadd.s32 $0xFFFFF380;
	s21 =	sadd.s32 s19, s0  }
0x166: {  	[hbm4b:s21+s28] =	stream.strided.scatter [tilespmem:s2], [sflag:$0x11], $0xC80, s29, s28, $0x38;
	[tilespmem:$0x1BA00] =	vst v63  }
0x167: {  	_ =	swait.ge [sflag:s8], $0xC80  }
0x168: {  	[sflag:s8] =	ssyncset.done $0x0  }
0x169: {  	s4 =	sadd.s32 $0xFFFFFBF0, s18;
	s5 =	simm.s32 $0x7;
	[sflag:s8] =	ssyncadd.s32 $0xFFFFF380  }
0x16a: {  	[tilespmem:s1], [sflag:$0x6] =	stream.indirect.gather [hbm4b:s3+s9], $0x40, s4, s9, $0xb8;
	[tilespmem:$0x1BA00] =	vst v63  }
0x16b: {  	_ =	swait.ge [sflag:s5], $0x1A00  }
0x16c: {  	[sflag:s5] =	ssyncset.done $0x0  }
0x16d: {  	s6 =	sadd.s32 $0x2A00, s20;
	s4 =	simm.s32 $0xB600;
	[sflag:s5] =	ssyncadd.s32 $0xFFFFE600  }
0x16e: {  	[hbm4b:s6+s28] =	stream.strided.scatter [tilespmem:s4], [sflag:$0x11], $0xC80, s29, s28, $0x38;
	[tilespmem:$0x1BA00] =	vst v63  }
0x16f: {  	_ =	swait.ge [sflag:s8], $0xC80  }
0x170: {  	s7 =	rddreg [dreg:$0xb];
	[sflag:s8] =	ssyncset.done $0x0  }
0x171: {  	s10 =	simm.s32 $0xC280;
	[sflag:s8] =	ssyncadd.s32 $0xFFFFF380;
	s21 =	sadd.s32 s19, s7  }
0x172: {  	[hbm4b:s21+s28] =	stream.strided.scatter [tilespmem:s10], [sflag:$0x11], $0xC80, s29, s28, $0x38;
	[tilespmem:$0x1BA00] =	vst v63  }
0x173: {  	_ =	swait.ge [sflag:s8], $0xC80  }
0x174: {  	[sflag:s8] =	ssyncset.done $0x0  }
0x175: {  	s11 =	sadd.s32 $0xFFFFFC58, s18;
	s21 =	simm.s32 $0x8;
	[sflag:s8] =	ssyncadd.s32 $0xFFFFF380  }
0x176: {  	[tilespmem:s4], [sflag:$0x7] =	stream.indirect.gather [hbm4b:s3+s9], $0x40, s11, s9, $0xb8;
	[tilespmem:$0x1BA00] =	vst v63  }
0x177: {  	_ =	swait.ge [sflag:s21], $0x1A00  }
0x178: {  	[sflag:s21] =	ssyncset.done $0x0  }
0x179: {  	s0 =	sadd.s32 $0x3100, s20;
	s6 =	simm.s32 $0xD000;
	[sflag:s21] =	ssyncadd.s32 $0xFFFFE600  }
0x17a: {  	[hbm4b:s0+s28] =	stream.strided.scatter [tilespmem:s6], [sflag:$0x11], $0xC80, s29, s28, $0x38;
	[tilespmem:$0x1BA00] =	vst v63  }
0x17b: {  	_ =	swait.ge [sflag:s8], $0xC80  }
0x17c: {  	s2 =	rddreg [dreg:$0xa];
	[sflag:s8] =	ssyncset.done $0x0  }
0x17d: {  	s4 =	simm.s32 $0xDC80;
	[sflag:s8] =	ssyncadd.s32 $0xFFFFF380;
	s21 =	sadd.s32 s19, s2  }
0x17e: {  	[hbm4b:s21+s28] =	stream.strided.scatter [tilespmem:s4], [sflag:$0x11], $0xC80, s29, s28, $0x38;
	[tilespmem:$0x1BA00] =	vst v63  }
0x17f: {  	_ =	swait.ge [sflag:s8], $0xC80  }
0x180: {  	[sflag:s8] =	ssyncset.done $0x0  }
0x181: {  	s5 =	sadd.s32 $0xFFFFFCC0, s18;
	[sflag:s8] =	ssyncadd.s32 $0xFFFFF380  }
0x182: {  	[tilespmem:s6], [sflag:$0x8] =	stream.indirect.gather [hbm4b:s3+s9], $0x40, s5, s9, $0xb8;
	[tilespmem:$0x1BA00] =	vst v63  }
0x183: {  	s6 =	simm.s32 $0x9  }
0x184: {  	_ =	swait.ge [sflag:s6], $0x1A00  }
0x185: {  	[sflag:s6] =	ssyncset.done $0x0  }
0x186: {  	s30 =	simm.s32 $0xEA00;
	s7 =	sadd.s32 $0x3800, s20;
	[sflag:s6] =	ssyncadd.s32 $0xFFFFE600  }
0x187: {  	[hbm4b:s7+s28] =	stream.strided.scatter [tilespmem:s30], [sflag:$0x11], $0xC80, s29, s28, $0x38;
	[tilespmem:$0x1BA00] =	vst v63  }
0x188: {  	_ =	swait.ge [sflag:s8], $0xC80  }
0x189: {  	[sflag:s8] =	ssyncset.done $0x0  }
0x18a: {  	s10 =	sadd.s32 $0x3B80, s20;
	s11 =	simm.s32 $0xF680;
	[sflag:s8] =	ssyncadd.s32 $0xFFFFF380  }
0x18b: {  	[hbm4b:s10+s28] =	stream.strided.scatter [tilespmem:s11], [sflag:$0x11], $0xC80, s29, s28, $0x38;
	[tilespmem:$0x1BA00] =	vst v63  }
0x18c: {  	_ =	swait.ge [sflag:s8], $0xC80  }
0x18d: {  	[sflag:s8] =	ssyncset.done $0x0  }
0x18e: {  	s0 =	sadd.s32 $0xFFFFFD28, s18;
	s2 =	simm.s32 $0xA;
	[sflag:s8] =	ssyncadd.s32 $0xFFFFF380  }
0x18f: {  	[tilespmem:s30], [sflag:$0x9] =	stream.indirect.gather [hbm4b:s3+s9], $0x40, s0, s9, $0xb8;
	[tilespmem:$0x1BA00] =	vst v63  }
0x190: {  	_ =	swait.ge [sflag:s2], $0x1A00  }
0x191: {  	[sflag:s2] =	ssyncset.done $0x0  }
0x192: {  	s5 =	sadd.s32 $0x3F00, s20;
	[sflag:s2] =	ssyncadd.s32 $0xFFFFE600;
	s2 =	simm.s32 $0x10400  }
0x193: {  	[hbm4b:s5+s28] =	stream.strided.scatter [tilespmem:s2], [sflag:$0x11], $0xC80, s29, s28, $0x38;
	[tilespmem:$0x1BA00] =	vst v63  }
0x194: {  	_ =	swait.ge [sflag:s8], $0xC80  }
0x195: {  	s7 =	rddreg [dreg:$0x9];
	[sflag:s8] =	ssyncset.done $0x0  }
0x196: {  	s10 =	simm.s32 $0x11080;
	[sflag:s8] =	ssyncadd.s32 $0xFFFFF380;
	s21 =	sadd.s32 s19, s7  }
0x197: {  	[hbm4b:s21+s28] =	stream.strided.scatter [tilespmem:s10], [sflag:$0x11], $0xC80, s29, s28, $0x38;
	[tilespmem:$0x1BA00] =	vst v63  }
0x198: {  	_ =	swait.ge [sflag:s8], $0xC80  }
0x199: {  	[sflag:s8] =	ssyncset.done $0x0  }
0x19a: {  	s11 =	sadd.s32 $0xFFFFFD90, s18;
	s21 =	simm.s32 $0xB;
	[sflag:s8] =	ssyncadd.s32 $0xFFFFF380  }
0x19b: {  	[tilespmem:s2], [sflag:$0xA] =	stream.indirect.gather [hbm4b:s3+s9], $0x40, s11, s9, $0xb8;
	[tilespmem:$0x1BA00] =	vst v63  }
0x19c: {  	_ =	swait.ge [sflag:s21], $0x1A00  }
0x19d: {  	[sflag:s21] =	ssyncset.done $0x0  }
0x19e: {  	s7 =	simm.s32 $0x11E00;
	s2 =	sadd.s32 $0x4600, s20;
	[sflag:s21] =	ssyncadd.s32 $0xFFFFE600  }
0x19f: {  	[hbm4b:s2+s28] =	stream.strided.scatter [tilespmem:s7], [sflag:$0x11], $0xC80, s29, s28, $0x38;
	[tilespmem:$0x1BA00] =	vst v63  }
0x1a0: {  	_ =	swait.ge [sflag:s8], $0xC80  }
0x1a1: {  	s5 =	rddreg [dreg:$0x8];
	[sflag:s8] =	ssyncset.done $0x0  }
0x1a2: {  	s10 =	simm.s32 $0x12A80;
	[sflag:s8] =	ssyncadd.s32 $0xFFFFF380;
	s21 =	sadd.s32 s19, s5  }
0x1a3: {  	[hbm4b:s21+s28] =	stream.strided.scatter [tilespmem:s10], [sflag:$0x11], $0xC80, s29, s28, $0x38;
	[tilespmem:$0x1BA00] =	vst v63  }
0x1a4: {  	_ =	swait.ge [sflag:s8], $0xC80  }
0x1a5: {  	[sflag:s8] =	ssyncset.done $0x0  }
0x1a6: {  	s11 =	sadd.s32 $0xFFFFFDF8, s18;
	s21 =	simm.s32 $0xC;
	[sflag:s8] =	ssyncadd.s32 $0xFFFFF380  }
0x1a7: {  	[tilespmem:s7], [sflag:$0xB] =	stream.indirect.gather [hbm4b:s3+s9], $0x40, s11, s9, $0xb8;
	[tilespmem:$0x1BA00] =	vst v63  }
0x1a8: {  	_ =	swait.ge [sflag:s21], $0x1A00  }
0x1a9: {  	[sflag:s21] =	ssyncset.done $0x0  }
0x1aa: {  	s0 =	sadd.s32 $0x4D00, s20;
	s5 =	simm.s32 $0x13800;
	[sflag:s21] =	ssyncadd.s32 $0xFFFFE600  }
0x1ab: {  	[hbm4b:s0+s28] =	stream.strided.scatter [tilespmem:s5], [sflag:$0x11], $0xC80, s29, s28, $0x38;
	[tilespmem:$0x1BA00] =	vst v63  }
0x1ac: {  	_ =	swait.ge [sflag:s8], $0xC80  }
0x1ad: {  	s7 =	rddreg [dreg:$0x7];
	[sflag:s8] =	ssyncset.done $0x0  }
0x1ae: {  	s10 =	simm.s32 $0x14480;
	[sflag:s8] =	ssyncadd.s32 $0xFFFFF380;
	s21 =	sadd.s32 s19, s7  }
0x1af: {  	[hbm4b:s21+s28] =	stream.strided.scatter [tilespmem:s10], [sflag:$0x11], $0xC80, s29, s28, $0x38;
	[tilespmem:$0x1BA00] =	vst v63  }
0x1b0: {  	_ =	swait.ge [sflag:s8], $0xC80  }
0x1b1: {  	[sflag:s8] =	ssyncset.done $0x0  }
0x1b2: {  	s11 =	sadd.s32 $0xFFFFFE60, s18;
	s21 =	simm.s32 $0xD;
	[sflag:s8] =	ssyncadd.s32 $0xFFFFF380  }
0x1b3: {  	[tilespmem:s5], [sflag:$0xC] =	stream.indirect.gather [hbm4b:s3+s9], $0x40, s11, s9, $0xb8;
	[tilespmem:$0x1BA00] =	vst v63  }
0x1b4: {  	_ =	swait.ge [sflag:s21], $0x1A00  }
0x1b5: {  	[sflag:s21] =	ssyncset.done $0x0  }
0x1b6: {  	s0 =	simm.s32 $0x15200;
	s5 =	sadd.s32 $0x5400, s20;
	[sflag:s21] =	ssyncadd.s32 $0xFFFFE600  }
0x1b7: {  	[hbm4b:s5+s28] =	stream.strided.scatter [tilespmem:s0], [sflag:$0x11], $0xC80, s29, s28, $0x38;
	[tilespmem:$0x1BA00] =	vst v63  }
0x1b8: {  	_ =	swait.ge [sflag:s8], $0xC80  }
0x1b9: {  	[sflag:s8] =	ssyncset.done $0x0  }
0x1ba: {  	s10 =	sadd.s32 $0x5780, s20;
	s11 =	simm.s32 $0x15E80;
	[sflag:s8] =	ssyncadd.s32 $0xFFFFF380  }
0x1bb: {  	[hbm4b:s10+s28] =	stream.strided.scatter [tilespmem:s11], [sflag:$0x11], $0xC80, s29, s28, $0x38;
	[tilespmem:$0x1BA00] =	vst v63  }
0x1bc: {  	_ =	swait.ge [sflag:s8], $0xC80  }
0x1bd: {  	[sflag:s8] =	ssyncset.done $0x0  }
0x1be: {  	s10 =	sadd.s32 $0xFFFFFEC8, s18;
	[sflag:s8] =	ssyncadd.s32 $0xFFFFF380  }
0x1bf: {  	[tilespmem:s0], [sflag:$0xD] =	stream.indirect.gather [hbm4b:s3+s9], $0x40, s10, s9, $0xb8;
	[tilespmem:$0x1BA00] =	vst v63  }
0x1c0: {  	_ =	swait.ge [sflag:s13], $0x1A00  }
0x1c1: {  	[sflag:s13] =	ssyncset.done $0x0  }
0x1c2: {  	s11 =	sadd.s32 $0x5B00, s20;
	s10 =	simm.s32 $0x16C00;
	[sflag:s13] =	ssyncadd.s32 $0xFFFFE600  }
0x1c3: {  	[hbm4b:s11+s28] =	stream.strided.scatter [tilespmem:s10], [sflag:$0x11], $0xC80, s29, s28, $0x38;
	[tilespmem:$0x1BA00] =	vst v63  }
0x1c4: {  	_ =	swait.ge [sflag:s8], $0xC80  }
0x1c5: {  	s0 =	rddreg [dreg:$0x6];
	[sflag:s8] =	ssyncset.done $0x0  }
0x1c6: {  	s11 =	simm.s32 $0x17880;
	[sflag:s8] =	ssyncadd.s32 $0xFFFFF380;
	s21 =	sadd.s32 s19, s0  }
0x1c7: {  	[hbm4b:s21+s28] =	stream.strided.scatter [tilespmem:s11], [sflag:$0x11], $0xC80, s29, s28, $0x38;
	[tilespmem:$0x1BA00] =	vst v63  }
0x1c8: {  	_ =	swait.ge [sflag:s8], $0xC80  }
0x1c9: {  	[sflag:s8] =	ssyncset.done $0x0  }
0x1ca: {  	s11 =	sadd.s32 $0xFFFFFF30, s18;
	[sflag:s8] =	ssyncadd.s32 $0xFFFFF380  }
0x1cb: {  	[tilespmem:s10], [sflag:$0xE] =	stream.indirect.gather [hbm4b:s3+s9], $0x40, s11, s9, $0xb8;
	[tilespmem:$0x1BA00] =	vst v63  }
0x1cc: {  	_ =	swait.ge [sflag:s14], $0x1A00  }
0x1cd: {  	[sflag:s14] =	ssyncset.done $0x0  }
0x1ce: {  	s10 =	sadd.s32 $0x6200, s20;
	s11 =	simm.s32 $0x18600;
	[sflag:s14] =	ssyncadd.s32 $0xFFFFE600  }
0x1cf: {  	[hbm4b:s10+s28] =	stream.strided.scatter [tilespmem:s11], [sflag:$0x11], $0xC80, s29, s28, $0x38;
	[tilespmem:$0x1BA00] =	vst v63  }
0x1d0: {  	_ =	swait.ge [sflag:s8], $0xC80  }
0x1d1: {  	p0 =	sne.s32 s17, $0xE000;
	s10 =	rddreg [dreg:$0x5];
	[sflag:s8] =	ssyncset.done $0x0  }
0x1d2: {  	[sflag:s8] =	ssyncadd.s32 $0xFFFFF380;
	s21 =	sadd.s32 s19, s10;
	s10 =	simm.s32 $0x19280  }
0x1d3: {  	[hbm4b:s21+s28] =	stream.strided.scatter [tilespmem:s10], [sflag:$0x11], $0xC80, s29, s28, $0x38;
	[tilespmem:$0x1BA00] =	vst v63  }
0x1d4: {  	s17 =	sadd.s32 $0x7000, s17;
	s22 =	simm.s32 $0x1A00;
	_ =	swait.ge [sflag:s8], $0xC80  }
0x1d5: {  	s16 =	smov.u32 s18;
	s23 =	simm.s32 $0x3400;
	[sflag:s8] =	ssyncset.done $0x0  }
0x1d6: {  	s24 =	simm.s32 $0x4E00;
	s21 =	sadd.s32 $0xFFFFFF98, s18;
	[sflag:s8] =	ssyncadd.s32 $0xFFFFF380  }
0x1d7: {  	[tilespmem:s11], [sflag:$0xF] =	stream.indirect.gather [hbm4b:s3+s9], $0x40, s21, s9, $0xb8;
	[tilespmem:$0x1BA00] =	vst v63  }
0x1d8: {  	s25 =	simm.s32 $0x6800;
	s26 =	simm.s32 $0x8200;
	_ =	swait.ge [sflag:s15], $0x1A00  }
0x1d9: {  	s31 =	simm.s32 $0x9C00;
	s1 =	simm.s32 $0xB600;
	[sflag:s15] =	ssyncset.done $0x0  }
0x1da: {  	s4 =	simm.s32 $0xD000;
	s20 =	sadd.s32 $0x6900, s20;
	[sflag:s15] =	ssyncadd.s32 $0xFFFFE600  }
0x1db: {  	[hbm4b:s20+s28] =	stream.strided.scatter [tilespmem:s12], [sflag:$0x11], $0xC80, s29, s28, $0x38;
	[tilespmem:$0x1BA00] =	vst v63  }
0x1dc: {  	s6 =	simm.s32 $0xEA00;
	s30 =	simm.s32 $0x10400;
	_ =	swait.ge [sflag:s8], $0xC80  }
0x1dd: {  	s21 =	simm.s32 $0x1AC80;
	s12 =	rddreg [dreg:$0x3];
	[sflag:s8] =	ssyncset.done $0x0  }
.Ltmp0:
0x1de: {  	[sflag:s8] =	ssyncadd.s32 $0xFFFFF380;
	s19 =	sadd.s32 s19, s12;
	(pc) =	sbr.rel @p0 .LBB2_2-.Ltmp0, $4  }
0x1df: {  	[hbm4b:s19+s28] =	stream.strided.scatter [tilespmem:s21], [sflag:$0x11], $0xC80, s29, s28, $0x38;
	[tilespmem:$0x1BA00] =	vst v63  }
0x1e0: {  	s2 =	simm.s32 $0x11E00;
	s7 =	simm.s32 $0x13800;
	_ =	swait.ge [sflag:s8], $0xC80  }
0x1e1: {  	s5 =	simm.s32 $0x15200;
	s0 =	simm.s32 $0x16C00;
	[sflag:s8] =	ssyncset.done $0x0  }
0x1e2: {  	s10 =	simm.s32 $0x18600;
	s18 =	sadd.s32 $0x680, s18;
	[sflag:s8] =	ssyncadd.s32 $0xFFFFF380  }
0x1e3: {  	s11 =	simm.s32 $0x1A000;
	s12 =	simm.s32 $0x1  }
0x1e4: {  	[tilespmem:s11], [sflag:$0x10] =	stream.indirect.gather [hbm4b:s3+s9], $0x40, s16, s9, $0xb8;
	[tilespmem:$0x1BA00] =	vst v63  }
0x1e5: {  	_ =	swait.ge [sflag:s12], $0x1A00  }
0x1e6: {  	[sflag:s12] =	ssyncset.done $0x0  }
0x1e7: {  	s17 =	rddreg [dreg:$0x11];
	[sflag:s12] =	ssyncadd.s32 $0xFFFFE600  }
0x1e8: {  	[hbm4b:s17+s28] =	stream.strided.scatter [tilespmem:s22], [sflag:$0x11], $0xC80, s29, s28, $0x38;
	[tilespmem:$0x1BA00] =	vst v63  }
0x1e9: {  	_ =	swait.ge [sflag:s8], $0xC80  }
0x1ea: {  	[sflag:s8] =	ssyncset.done $0x0  }
0x1eb: {  	s19 =	simm.s32 $0x2680;
	s18 =	rddreg [dreg:$0x12];
	[sflag:s8] =	ssyncadd.s32 $0xFFFFF380  }
0x1ec: {  	[hbm4b:s18+s28] =	stream.strided.scatter [tilespmem:s19], [sflag:$0x11], $0xC80, s29, s28, $0x38;
	[tilespmem:$0x1BA00] =	vst v63  }
0x1ed: {  	_ =	swait.ge [sflag:s8], $0xC80  }
0x1ee: {  	[sflag:s8] =	ssyncset.done $0x0  }
0x1ef: {  	s20 =	simm.s32 $0x2;
	[sflag:s8] =	ssyncadd.s32 $0xFFFFF380  }
0x1f0: {  	_ =	swait.ge [sflag:s20], $0x1A00  }
0x1f1: {  	[sflag:s20] =	ssyncset.done $0x0  }
0x1f2: {  	s21 =	rddreg [dreg:$0x13];
	[sflag:s20] =	ssyncadd.s32 $0xFFFFE600  }
0x1f3: {  	[hbm4b:s21+s28] =	stream.strided.scatter [tilespmem:s23], [sflag:$0x11], $0xC80, s29, s28, $0x38;
	[tilespmem:$0x1BA00] =	vst v63  }
0x1f4: {  	_ =	swait.ge [sflag:s8], $0xC80  }
0x1f5: {  	[sflag:s8] =	ssyncset.done $0x0  }
0x1f6: {  	s23 =	simm.s32 $0x4080;
	s22 =	rddreg [dreg:$0x14];
	[sflag:s8] =	ssyncadd.s32 $0xFFFFF380  }
0x1f7: {  	[hbm4b:s22+s28] =	stream.strided.scatter [tilespmem:s23], [sflag:$0x11], $0xC80, s29, s28, $0x38;
	[tilespmem:$0x1BA00] =	vst v63  }
0x1f8: {  	_ =	swait.ge [sflag:s8], $0xC80  }
0x1f9: {  	[sflag:s8] =	ssyncset.done $0x0  }
0x1fa: {  	s17 =	simm.s32 $0x3;
	[sflag:s8] =	ssyncadd.s32 $0xFFFFF380  }
0x1fb: {  	_ =	swait.ge [sflag:s17], $0x1A00  }
0x1fc: {  	[sflag:s17] =	ssyncset.done $0x0  }
0x1fd: {  	s18 =	rddreg [dreg:$0x15];
	[sflag:s17] =	ssyncadd.s32 $0xFFFFE600  }
0x1fe: {  	[hbm4b:s18+s28] =	stream.strided.scatter [tilespmem:s24], [sflag:$0x11], $0xC80, s29, s28, $0x38;
	[tilespmem:$0x1BA00] =	vst v63  }
0x1ff: {  	_ =	swait.ge [sflag:s8], $0xC80  }
0x200: {  	[sflag:s8] =	ssyncset.done $0x0  }
0x201: {  	s20 =	simm.s32 $0x5A80;
	s19 =	rddreg [dreg:$0x16];
	[sflag:s8] =	ssyncadd.s32 $0xFFFFF380  }
0x202: {  	[hbm4b:s19+s28] =	stream.strided.scatter [tilespmem:s20], [sflag:$0x11], $0xC80, s29, s28, $0x38;
	[tilespmem:$0x1BA00] =	vst v63  }
0x203: {  	_ =	swait.ge [sflag:s8], $0xC80  }
0x204: {  	[sflag:s8] =	ssyncset.done $0x0  }
0x205: {  	s21 =	simm.s32 $0x4;
	[sflag:s8] =	ssyncadd.s32 $0xFFFFF380  }
0x206: {  	_ =	swait.ge [sflag:s21], $0x1A00  }
0x207: {  	[sflag:s21] =	ssyncset.done $0x0  }
0x208: {  	s22 =	rddreg [dreg:$0x17];
	[sflag:s21] =	ssyncadd.s32 $0xFFFFE600  }
0x209: {  	[hbm4b:s22+s28] =	stream.strided.scatter [tilespmem:s25], [sflag:$0x11], $0xC80, s29, s28, $0x38;
	[tilespmem:$0x1BA00] =	vst v63  }
0x20a: {  	_ =	swait.ge [sflag:s8], $0xC80  }
0x20b: {  	[sflag:s8] =	ssyncset.done $0x0  }
0x20c: {  	s24 =	simm.s32 $0x7480;
	s23 =	rddreg [dreg:$0x18];
	[sflag:s8] =	ssyncadd.s32 $0xFFFFF380  }
0x20d: {  	[hbm4b:s23+s28] =	stream.strided.scatter [tilespmem:s24], [sflag:$0x11], $0xC80, s29, s28, $0x38;
	[tilespmem:$0x1BA00] =	vst v63  }
0x20e: {  	_ =	swait.ge [sflag:s8], $0xC80  }
0x20f: {  	[sflag:s8] =	ssyncset.done $0x0  }
0x210: {  	s25 =	simm.s32 $0x5;
	[sflag:s8] =	ssyncadd.s32 $0xFFFFF380  }
0x211: {  	_ =	swait.ge [sflag:s25], $0x1A00  }
0x212: {  	[sflag:s25] =	ssyncset.done $0x0  }
0x213: {  	s12 =	rddreg [dreg:$0x19];
	[sflag:s25] =	ssyncadd.s32 $0xFFFFE600  }
0x214: {  	[hbm4b:s12+s28] =	stream.strided.scatter [tilespmem:s26], [sflag:$0x11], $0xC80, s29, s28, $0x38;
	[tilespmem:$0x1BA00] =	vst v63  }
0x215: {  	_ =	swait.ge [sflag:s8], $0xC80  }
0x216: {  	[sflag:s8] =	ssyncset.done $0x0  }
0x217: {  	s18 =	simm.s32 $0x8E80;
	s17 =	rddreg [dreg:$0x1a];
	[sflag:s8] =	ssyncadd.s32 $0xFFFFF380  }
0x218: {  	[hbm4b:s17+s28] =	stream.strided.scatter [tilespmem:s18], [sflag:$0x11], $0xC80, s29, s28, $0x38;
	[tilespmem:$0x1BA00] =	vst v63  }
0x219: {  	_ =	swait.ge [sflag:s8], $0xC80  }
0x21a: {  	[sflag:s8] =	ssyncset.done $0x0  }
0x21b: {  	s19 =	simm.s32 $0x6;
	[sflag:s8] =	ssyncadd.s32 $0xFFFFF380  }
0x21c: {  	_ =	swait.ge [sflag:s19], $0x1A00  }
0x21d: {  	[sflag:s19] =	ssyncset.done $0x0  }
0x21e: {  	s20 =	rddreg [dreg:$0x1b];
	[sflag:s19] =	ssyncadd.s32 $0xFFFFE600  }
0x21f: {  	[hbm4b:s20+s28] =	stream.strided.scatter [tilespmem:s31], [sflag:$0x11], $0xC80, s29, s28, $0x38;
	[tilespmem:$0x1BA00] =	vst v63  }
0x220: {  	_ =	swait.ge [sflag:s8], $0xC80  }
0x221: {  	[sflag:s8] =	ssyncset.done $0x0  }
0x222: {  	s22 =	simm.s32 $0xA880;
	s21 =	rddreg [dreg:$0x1c];
	[sflag:s8] =	ssyncadd.s32 $0xFFFFF380  }
0x223: {  	[hbm4b:s21+s28] =	stream.strided.scatter [tilespmem:s22], [sflag:$0x11], $0xC80, s29, s28, $0x38;
	[tilespmem:$0x1BA00] =	vst v63  }
0x224: {  	_ =	swait.ge [sflag:s8], $0xC80  }
0x225: {  	[sflag:s8] =	ssyncset.done $0x0  }
0x226: {  	s23 =	simm.s32 $0x7;
	[sflag:s8] =	ssyncadd.s32 $0xFFFFF380  }
0x227: {  	_ =	swait.ge [sflag:s23], $0x1A00  }
0x228: {  	[sflag:s23] =	ssyncset.done $0x0  }
0x229: {  	s24 =	rddreg [dreg:$0x1d];
	[sflag:s23] =	ssyncadd.s32 $0xFFFFE600  }
0x22a: {  	[hbm4b:s24+s28] =	stream.strided.scatter [tilespmem:s1], [sflag:$0x11], $0xC80, s29, s28, $0x38;
	[tilespmem:$0x1BA00] =	vst v63  }
0x22b: {  	_ =	swait.ge [sflag:s8], $0xC80  }
0x22c: {  	[sflag:s8] =	ssyncset.done $0x0  }
0x22d: {  	s26 =	simm.s32 $0xC280;
	s25 =	rddreg [dreg:$0x1e];
	[sflag:s8] =	ssyncadd.s32 $0xFFFFF380  }
0x22e: {  	[hbm4b:s25+s28] =	stream.strided.scatter [tilespmem:s26], [sflag:$0x11], $0xC80, s29, s28, $0x38;
	[tilespmem:$0x1BA00] =	vst v63  }
0x22f: {  	_ =	swait.ge [sflag:s8], $0xC80  }
0x230: {  	[sflag:s8] =	ssyncset.done $0x0  }
0x231: {  	s31 =	simm.s32 $0x8;
	[sflag:s8] =	ssyncadd.s32 $0xFFFFF380  }
0x232: {  	_ =	swait.ge [sflag:s31], $0x1A00  }
0x233: {  	[sflag:s31] =	ssyncset.done $0x0  }
0x234: {  	s1 =	rddreg [dreg:$0x1f];
	[sflag:s31] =	ssyncadd.s32 $0xFFFFE600  }
0x235: {  	[hbm4b:s1+s28] =	stream.strided.scatter [tilespmem:s4], [sflag:$0x11], $0xC80, s29, s28, $0x38;
	[tilespmem:$0x1BA00] =	vst v63  }
0x236: {  	_ =	swait.ge [sflag:s8], $0xC80  }
0x237: {  	s4 =	sld [smem:$0x7EC]  }
0x238: {  	[sflag:s8] =	ssyncset.done $0x0  }
0x239: {  	s12 =	simm.s32 $0xDC80;
	[sflag:s8] =	ssyncadd.s32 $0xFFFFF380  }
0x23a: {  	[hbm4b:s4+s28] =	stream.strided.scatter [tilespmem:s12], [sflag:$0x11], $0xC80, s29, s28, $0x38;
	[tilespmem:$0x1BA00] =	vst v63  }
0x23b: {  	_ =	swait.ge [sflag:s8], $0xC80  }
0x23c: {  	[sflag:s8] =	ssyncset.done $0x0  }
0x23d: {  	s16 =	simm.s32 $0x9;
	[sflag:s8] =	ssyncadd.s32 $0xFFFFF380  }
0x23e: {  	_ =	swait.ge [sflag:s16], $0x1A00  }
0x23f: {  	s17 =	sld [smem:$0x7ED]  }
0x240: {  	[sflag:s16] =	ssyncset.done $0x0  }
0x241: {  	[sflag:s16] =	ssyncadd.s32 $0xFFFFE600  }
0x242: {  	[hbm4b:s17+s28] =	stream.strided.scatter [tilespmem:s6], [sflag:$0x11], $0xC80, s29, s28, $0x38;
	[tilespmem:$0x1BA00] =	vst v63  }
0x243: {  	_ =	swait.ge [sflag:s8], $0xC80  }
0x244: {  	s18 =	sld [smem:$0x7EE]  }
0x245: {  	[sflag:s8] =	ssyncset.done $0x0  }
0x246: {  	s19 =	simm.s32 $0xF680;
	[sflag:s8] =	ssyncadd.s32 $0xFFFFF380  }
0x247: {  	[hbm4b:s18+s28] =	stream.strided.scatter [tilespmem:s19], [sflag:$0x11], $0xC80, s29, s28, $0x38;
	[tilespmem:$0x1BA00] =	vst v63  }
0x248: {  	_ =	swait.ge [sflag:s8], $0xC80  }
0x249: {  	[sflag:s8] =	ssyncset.done $0x0  }
0x24a: {  	s20 =	simm.s32 $0xA;
	[sflag:s8] =	ssyncadd.s32 $0xFFFFF380  }
0x24b: {  	_ =	swait.ge [sflag:s20], $0x1A00  }
0x24c: {  	s21 =	sld [smem:$0x7EF]  }
0x24d: {  	[sflag:s20] =	ssyncset.done $0x0  }
0x24e: {  	[sflag:s20] =	ssyncadd.s32 $0xFFFFE600  }
0x24f: {  	[hbm4b:s21+s28] =	stream.strided.scatter [tilespmem:s30], [sflag:$0x11], $0xC80, s29, s28, $0x38;
	[tilespmem:$0x1BA00] =	vst v63  }
0x250: {  	_ =	swait.ge [sflag:s8], $0xC80  }
0x251: {  	s22 =	sld [smem:$0x7F0]  }
0x252: {  	[sflag:s8] =	ssyncset.done $0x0  }
0x253: {  	s23 =	simm.s32 $0x11080;
	[sflag:s8] =	ssyncadd.s32 $0xFFFFF380  }
0x254: {  	[hbm4b:s22+s28] =	stream.strided.scatter [tilespmem:s23], [sflag:$0x11], $0xC80, s29, s28, $0x38;
	[tilespmem:$0x1BA00] =	vst v63  }
0x255: {  	_ =	swait.ge [sflag:s8], $0xC80  }
0x256: {  	[sflag:s8] =	ssyncset.done $0x0  }
0x257: {  	s24 =	simm.s32 $0xB;
	[sflag:s8] =	ssyncadd.s32 $0xFFFFF380  }
0x258: {  	_ =	swait.ge [sflag:s24], $0x1A00  }
0x259: {  	s25 =	sld [smem:$0x7F1]  }
0x25a: {  	[sflag:s24] =	ssyncset.done $0x0  }
0x25b: {  	[sflag:s24] =	ssyncadd.s32 $0xFFFFE600  }
0x25c: {  	[hbm4b:s25+s28] =	stream.strided.scatter [tilespmem:s2], [sflag:$0x11], $0xC80, s29, s28, $0x38;
	[tilespmem:$0x1BA00] =	vst v63  }
0x25d: {  	_ =	swait.ge [sflag:s8], $0xC80  }
0x25e: {  	s26 =	sld [smem:$0x7F2]  }
0x25f: {  	[sflag:s8] =	ssyncset.done $0x0  }
0x260: {  	s30 =	simm.s32 $0x12A80;
	[sflag:s8] =	ssyncadd.s32 $0xFFFFF380  }
0x261: {  	[hbm4b:s26+s28] =	stream.strided.scatter [tilespmem:s30], [sflag:$0x11], $0xC80, s29, s28, $0x38;
	[tilespmem:$0x1BA00] =	vst v63  }
0x262: {  	_ =	swait.ge [sflag:s8], $0xC80  }
0x263: {  	[sflag:s8] =	ssyncset.done $0x0  }
0x264: {  	s31 =	simm.s32 $0xC;
	[sflag:s8] =	ssyncadd.s32 $0xFFFFF380  }
0x265: {  	_ =	swait.ge [sflag:s31], $0x1A00  }
0x266: {  	s1 =	sld [smem:$0x7F3]  }
0x267: {  	[sflag:s31] =	ssyncset.done $0x0  }
0x268: {  	[sflag:s31] =	ssyncadd.s32 $0xFFFFE600  }
0x269: {  	[hbm4b:s1+s28] =	stream.strided.scatter [tilespmem:s7], [sflag:$0x11], $0xC80, s29, s28, $0x38;
	[tilespmem:$0x1BA00] =	vst v63  }
0x26a: {  	_ =	swait.ge [sflag:s8], $0xC80  }
0x26b: {  	s2 =	sld [smem:$0x7F4]  }
0x26c: {  	[sflag:s8] =	ssyncset.done $0x0  }
0x26d: {  	s4 =	simm.s32 $0x14480;
	[sflag:s8] =	ssyncadd.s32 $0xFFFFF380  }
0x26e: {  	[hbm4b:s2+s28] =	stream.strided.scatter [tilespmem:s4], [sflag:$0x11], $0xC80, s29, s28, $0x38;
	[tilespmem:$0x1BA00] =	vst v63  }
0x26f: {  	_ =	swait.ge [sflag:s8], $0xC80  }
0x270: {  	[sflag:s8] =	ssyncset.done $0x0  }
0x271: {  	s6 =	simm.s32 $0xD;
	[sflag:s8] =	ssyncadd.s32 $0xFFFFF380  }
0x272: {  	_ =	swait.ge [sflag:s6], $0x1A00  }
0x273: {  	s7 =	sld [smem:$0x7F5]  }
0x274: {  	[sflag:s6] =	ssyncset.done $0x0  }
0x275: {  	[sflag:s6] =	ssyncadd.s32 $0xFFFFE600  }
0x276: {  	[hbm4b:s7+s28] =	stream.strided.scatter [tilespmem:s5], [sflag:$0x11], $0xC80, s29, s28, $0x38;
	[tilespmem:$0x1BA00] =	vst v63  }
0x277: {  	_ =	swait.ge [sflag:s8], $0xC80  }
0x278: {  	s12 =	sld [smem:$0x7F6]  }
0x279: {  	[sflag:s8] =	ssyncset.done $0x0  }
0x27a: {  	s17 =	simm.s32 $0x15E80;
	[sflag:s8] =	ssyncadd.s32 $0xFFFFF380  }
0x27b: {  	[hbm4b:s12+s28] =	stream.strided.scatter [tilespmem:s17], [sflag:$0x11], $0xC80, s29, s28, $0x38;
	[tilespmem:$0x1BA00] =	vst v63  }
0x27c: {  	_ =	swait.ge [sflag:s8], $0xC80  }
0x27d: {  	[sflag:s8] =	ssyncset.done $0x0  }
0x27e: {  	[sflag:s8] =	ssyncadd.s32 $0xFFFFF380  }
0x27f: {  	_ =	swait.ge [sflag:s13], $0x1A00  }
0x280: {  	s18 =	sld [smem:$0x7F7]  }
0x281: {  	[sflag:s13] =	ssyncset.done $0x0  }
0x282: {  	[sflag:s13] =	ssyncadd.s32 $0xFFFFE600  }
0x283: {  	[hbm4b:s18+s28] =	stream.strided.scatter [tilespmem:s0], [sflag:$0x11], $0xC80, s29, s28, $0x38;
	[tilespmem:$0x1BA00] =	vst v63  }
0x284: {  	_ =	swait.ge [sflag:s8], $0xC80  }
0x285: {  	s19 =	sld [smem:$0x7F8]  }
0x286: {  	[sflag:s8] =	ssyncset.done $0x0  }
0x287: {  	s20 =	simm.s32 $0x17880;
	[sflag:s8] =	ssyncadd.s32 $0xFFFFF380  }
0x288: {  	[hbm4b:s19+s28] =	stream.strided.scatter [tilespmem:s20], [sflag:$0x11], $0xC80, s29, s28, $0x38;
	[tilespmem:$0x1BA00] =	vst v63  }
0x289: {  	_ =	swait.ge [sflag:s8], $0xC80  }
0x28a: {  	[sflag:s8] =	ssyncset.done $0x0  }
0x28b: {  	[sflag:s8] =	ssyncadd.s32 $0xFFFFF380  }
0x28c: {  	_ =	swait.ge [sflag:s14], $0x1A00  }
0x28d: {  	s21 =	sld [smem:$0x7F9]  }
0x28e: {  	[sflag:s14] =	ssyncset.done $0x0  }
0x28f: {  	[sflag:s14] =	ssyncadd.s32 $0xFFFFE600  }
0x290: {  	[hbm4b:s21+s28] =	stream.strided.scatter [tilespmem:s10], [sflag:$0x11], $0xC80, s29, s28, $0x38;
	[tilespmem:$0x1BA00] =	vst v63  }
0x291: {  	_ =	swait.ge [sflag:s8], $0xC80  }
0x292: {  	s22 =	sld [smem:$0x7FA]  }
0x293: {  	[sflag:s8] =	ssyncset.done $0x0  }
0x294: {  	s23 =	simm.s32 $0x19280;
	[sflag:s8] =	ssyncadd.s32 $0xFFFFF380  }
0x295: {  	[hbm4b:s22+s28] =	stream.strided.scatter [tilespmem:s23], [sflag:$0x11], $0xC80, s29, s28, $0x38;
	[tilespmem:$0x1BA00] =	vst v63  }
0x296: {  	_ =	swait.ge [sflag:s8], $0xC80  }
0x297: {  	[sflag:s8] =	ssyncset.done $0x0  }
0x298: {  	[sflag:s8] =	ssyncadd.s32 $0xFFFFF380  }
0x299: {  	_ =	swait.ge [sflag:s15], $0x1A00  }
0x29a: {  	s24 =	sld [smem:$0x7FB]  }
0x29b: {  	[sflag:s15] =	ssyncset.done $0x0  }
0x29c: {  	[sflag:s15] =	ssyncadd.s32 $0xFFFFE600  }
0x29d: {  	[hbm4b:s24+s28] =	stream.strided.scatter [tilespmem:s11], [sflag:$0x11], $0xC80, s29, s28, $0x38;
	[tilespmem:$0x1BA00] =	vst v63  }
0x29e: {  	_ =	swait.ge [sflag:s8], $0xC80  }
0x29f: {  	s25 =	sld [smem:$0x7FC]  }
0x2a0: {  	[sflag:s8] =	ssyncset.done $0x0  }
0x2a1: {  	s26 =	simm.s32 $0x1AC80;
	[sflag:s8] =	ssyncadd.s32 $0xFFFFF380  }
0x2a2: {  	[hbm4b:s25+s28] =	stream.strided.scatter [tilespmem:s26], [sflag:$0x11], $0xC80, s29, s28, $0x38;
	[tilespmem:$0x1BA00] =	vst v63  }
0x2a3: {  	_ =	swait.ge [sflag:s8], $0xC80  }
0x2a4: {  	s30 =	sld [smem:$0x7EB]  }
0x2a5: {  	s31 =	sld [smem:$0x7FD];
	_ =	sdelay $0x1  }
0x2a6: {  	s0 =	sadd.s32 $0x1, s30  }
0x2a7: {  	p0 =	sne.s32 s0, s31  }
.Ltmp1:
0x2a8: {  	_ = 	snop;
	(pc) =	sbr.rel @p0 .LBB2_1-.Ltmp1, $3  }
0x2a9: {  	_ =	sdelay $0x1  }
0x2aa: {  	[sflag:s8] =	ssyncset.done $0x0  }
0x2ab: {  	[sflag:s8] =	ssyncadd.s32 $0xFFFFF380  }
0x2ac: {  	_ =	sfence.sel $0x180000  }
0x2ad: {  	[bflag:$0x0] =	sbarrier.arrive $0xFFFF  }
0x2ae: {  	_ =	strace $0x90000047  }
0x2af: {  	s0 =	stileid.u32;
	[bflag:$0x2] =	sbarrier.arrive $0xFFFF  }
0x2b0: {  	p0 =	sne.s32 s0, $0x0;
	s0 =	rddreg [dreg:$0x2]  }
0x2b1: {  	s0 =	sadd.s32 @!p0 $0x100000, s0  }
0x2b2: {  	[sflag:s0] =	ssyncadd.tile.s32 @!p0 $0x1;
	_ =	shalt  }
.Lfunc_end2:
_tile_overlayer_lowered:
.L_overlay_start_2:
0x2b3: {  	(tag) =	ssettag $0x2  }
0x2b4: {  	s0 =	rddreg [dreg:$0x0];
	s2 =	stileid.u32  }
0x2b5: {  	s1 =	rddreg [dreg:$0x1];
	p0 =	sne.s32 s2, $0x0  }
0x2b6: {  	s3 =	rddreg [dreg:$0x2];
	[bflag:$0x3] =	sbarrier.arrive $0xFFFF;
	s2 =	simm.s32 @!p0 $0x1C11  }
0x2b7: {  	[timem:s3], [sflag:s2] =	dma.local @!p0 [hbm:s0], s1  }
0x2b8: {  	s0 =	simm.s32 @!p0 $0x11  }
0x2b9: {  	_ =	swait.ge @!p0 [sflag:s0], s1  }
0x2ba: {  	s1 =	ssub.s32 @!p0 $0x0, s1;
	[sflag:s0] =	ssyncset.done @!p0 $0x0  }
0x2bb: {  	[sflag:s0] =	ssyncadd.s32 @!p0 s1  }
0x2bc: {  	[bflag:$0x3] =	sbarrier.arrive $0xFFFF  }
0x2bd: {  	_ =	shalt  }

// kernel: sparse-core-data-format-call.cloned.1.call-start
scs
called_computation_lowered:
.L_overlay_start_0:
0x0: {  	s2 =	sld [smem:$0x3FD9]  }
0x1: {  	s3 =	sld [smem:$0x3FFE];
	_ =	sdelay $0x1  }
0x2: {  	s1 =	srdreg.scid  }
0x3: {  	s0 =	sand.u32 $0x1, s1  }
0x4: {  	s18 =	sshll.u32 s0, $0xA;
	s2 =	sadd.s32 s3, s2  }
0x5: {  	s2 =	sadd.s32 s2, s18  }
0x6: {  	[smem:$0x3FC6] =	sst s2  }
0x7: {  	_ = 	snop  }
0x8: {  	s2 =	sld [smem:$0x3FD0];
	(tm) =	ssettm $0x1  }
0x9: {  	s19 =	sld [smem:$0x3FFB];
	_ =	sdelay $0x3  }
0xa: {  	_ =	strace s19  }
0xb: {  	s3 =	sld [smem:$0x3FFC];
	_ =	sdelay $0x3  }
0xc: {  	_ =	strace s3  }
0xd: {  	s3 =	sld [smem:$0x3FFD];
	_ =	sdelay $0x3  }
0xe: {  	_ =	strace s3  }
0xf: {  	_ =	strace $0x8FFFFFFF  }
0x10: {  	s20 =	sld [smem:$0x3FDB];
	_ =	sdelay $0x1  }
0x11: {  	s4 =	simm.s32 $_scs_section_size  }
0x12: {  	s5 =	simm.s32 $_size__tile_overlayer_lowered;
	s6 =	simm.s32 $_tile_overlayer_lowered  }
0x13: {  	s23 =	simm.s32 $0x1BFF;
	s22 =	sshll.u32 s6, $0x1;
	s3 =	sadd.s32 s4, s20  }
0x14: {  	s7 =	simm.s32 $0x0;
	s21 =	sshll.u32 s5, $0x1;
	s5 =	sadd.s32 s22, s3  }
0x15: {  	[timem:s7], [sflag:s23] =	dma.local [hbm:s5], s21  }
0x16: {  	_ =	swait.ge [sflag:s23], s21  }
0x17: {  	s4 =	ssub.s32 $0x0, s21;
	[sflag:s23] =	ssyncset.done $0x0  }
0x18: {  	[sflag:s23] =	ssyncadd.s32 s4;
	_ =	sdelay $0x1  }
0x19: {  	s24 =	simm.s32 $0x1B8B  }
0x1a: {  	_ =	swait.ge [sflag:s24], $0x1  }
0x1b: {  	[sflag:s24] =	ssyncset.done $0x0  }
0x1c: {  	s26 =	simm.s32 $0x1B8E;
	s25 =	sld [smem:$0x3FFE];
	[sflag:s24] =	ssyncadd.s32 $0xFFFFFFFF  }
0x1d: {  	s27 =	simm.s32 $execute0_lowered;
	[smem:$0x3FD2] =	sst s26  }
0x1e: {  	s5 =	sshll.u32 s27, $0x1;
	_ =	strace $0x80000049;
	[dreg:$0x1] =	wrdreg $0xFFFFFFFF  }
0x1f: {  	s28 =	simm.s32 $_size_execute0_lowered;
	s3 =	sadd.s32 s3, s5;
	[dreg:$0x0] =	wrdreg $0x0  }
0x20: {  	s5 =	sshll.u32 s28, $0x1;
	[dreg:$0x2] =	wrdreg s3  }
0x21: {  	[dreg:$0x3] =	wrdreg s5  }
0x22: {  	[dreg:$0x4] =	wrdreg $0xC0  }
0x23: {  	_ =	task [dreg:s7], $0x5FFFF  }
0x24: {  	[dreg:$0x1] =	wrdreg $0xFFFFFFFF  }
0x25: {  	[dreg:$0x0] =	wrdreg $0x60  }
0x26: {  	[dreg:$0x2] =	wrdreg s25  }
0x27: {  	[dreg:$0x3] =	wrdreg s2  }
0x28: {  	[dreg:$0x4] =	wrdreg $0x9  }
0x29: {  	_ =	task.clear_ibuf [dreg:s7], $0x5FFFF;
	_ =	strace $0x90000049  }
0x2a: {  	s29 =	simm.s32 $0x9;
	_ =	strace $0x8000004B  }
0x2b: {  	_ =	swait.ge [sflag:s29], $0x1  }
0x2c: {  	[sflag:s29] =	ssyncadd.s32 $0xFFFFFFFF  }
0x2d: {  	_ =	strace $0x9000004B  }
0x2e: {  	_ =	sfence  }
0x2f: {  	s30 =	sld [smem:$0x0];
	_ =	sdelay $0x2  }
0x30: {  	s31 =	sshll.u32 s1, $0xD;
	s1 =	sshrl.u32 s1, $0x2  }
0x31: {  	s3 =	sand.u32 $0x4000, s31;
	s1 =	sadd.s32 s1, s30  }
0x32: {  	s0 =	sor.u32 s3, s0;
	s1 =	sshll.u32 s1, $0x11  }
0x33: {  	s0 =	sor.u32 s1, s0  }
0x34: {  	s0 =	sadd.s32 $0x8F2B, s0  }
0x35: {  	[sflag:s0] =	ssyncadd.remote.s32 $0x1  }
0x36: {  	_ =	sfence.sel $0xFFFF  }
0x37: {  	[dreg:$0x0] =	wrdreg $0xFFFFFFFF;
	(pc) =	sbr.abs _section_cstart, $3  }
0x38: {  	[dreg:$0x1] =	wrdreg $0xFFFFFFFF  }
0x39: {  	_ =	task.clear_ibuf [dreg:s7], $0x2FFFF;
	_ =	strace $0x9FFFFFFF  }
0x3a: {  	(tm) =	ssettm $0x7FFFFFFF  }
0x3b: {  	_ =	shalt  }
tec
execute0_lowered:
.L_overlay_start_1:
0x0: {  	(tag) =	ssettag $0x1  }
0x1: {  	s0 =	srdreg.scid  }
0x2: {  	s1 =	sshll.u32 s0, $0x4  }
0x3: {  	s0 =	stileid.u32;
	s1 =	sand.u32 $0x10, s1  }
0x4: {  	s1 =	sor.u32 s0, s1  }
0x5: {  	s6 =	rddreg [dreg:$0x0];
	s4 =	simm.s32 $0x1;
	s2 =	sshll.u32 s1, $0x7  }
0x6: {  	s7 =	simm.s32 $0x2;
	s12 =	simm.s32 $0x0;
	s1 =	ssub.s32 $0x1000, s2  }
0x7: {  	s8 =	simm.s32 $0x8000;
	s13 =	simm.s32 $0x0;
	s3 =	sand.u32 $0xF80, s1  }
0x8: {  	s9 =	simm.s32 $0x0;
	s5 =	sshrl.u32 s1, $0xC;
	p0 =	sne.s32 s3, $0x0  }
.Ltmp0:
0x9: {  	s1 =	rddreg [dreg:$0x2];
	s4 =	simm.s32 @!p0 $0x0;
	(pc) =	sbr.rel .LBB1_1-.Ltmp0, $4  }
0xa: {  	s11 =	simm.s32 $0x0;
	s3 =	rddreg [dreg:$0x1];
	s5 =	sadd.s32 s4, s5  }
0xb: {  	_ =	strace $0x8000004A;
	s4 =	simm.s32 $0x1;
	s5 =	smul.u32 $0x32, s5  }
0xc: {  	s6 =	sadd.s32 $0xC00, s6;
	s10 =	smov.u32 s2;
	[sflag:s4] =	ssyncpa.u1 $0x0  }
0xd: {  	p0 =	por $0x0, $0x0;
	[sflag:s7] =	ssyncpa.u1 $0x0;
	s7 =	sor.u32 $0x1, s5  }
.LBB1_4:
0xe: {  	s16 =	sshll.u32 s13, $0x3;
	s17 =	sand.u32 $0x78, s13  }
0xf: {  	s30 =	sand.u32 $0x7E00, s13;
	s12 =	sshll.u32 s12, $0xF;
	s16 =	sand.u32 $0xC00, s16  }
0x10: {  	[tilespmem:s15+$0x810 ss:$0x81] =	vst.msk $0xffff, v2;
	s31 =	sand.u32 $0x7, s13;
	s16 =	sor.u32 s17, s16;
	s17 =	sadd.s32 s3, s30  }
0x11: {  	[tilespmem:s15+$0x1020 ss:$0x81] =	vst.msk $0xffff, v0;
	s13 =	sshll.u32 s31, $0x12;
	s12 =	sadd.s32 s12, s17;
	s16 =	sshrl.u32 s16, $0x3  }
0x12: {  	[tilespmem:s15+$0x0 ss:$0x81] =	vst.msk $0xffff, v1;
	s13 =	sor.u32 $0x400, s13;
	s12 =	sadd.s32 s16, s12  }
0x13: {  	[hbm4b:s12+s13] =	stream.strided.scatter [tilespmem:s14], [sflag:$0x2], $0x2000, s8, s13, $0x20;
	[tilespmem:$0x8080] =	vst v63  }
.LBB1_5:
0x14: {  	s14 =	sadd.s32 $0x1, s9  }
0x15: {  	s12 =	sadd.s32 $0x1000, s10;
	s16 =	smov.u32 s10;
	p2 =	sgt.s32 s14, $0x31  }
0x16: {  	s16 =	smov.u32 @p2 s12  }
0x17: {  	s14 =	simm.s32 @p2 $0x0;
	p2 =	sgt.s32 s16, $0xFFF  }
0x18: {  	s16 =	smov.u32 @p2 s2;
	p2 =	sne.s32 s11, s7  }
.Ltmp1:
0x19: {  	p1 =	slt.u32 s11, $0x2;
	(pc) =	sbr.rel @!p2 .LBB1_6-.Ltmp1, $4  }
0x1a: {  	s15 =	simm.s32 @!p1 $0x2  }
0x1b: {  	s13 =	smov.u32 s10;
	p0 =	por !p0, !p0;
	_ =	swait.ge @!p1 [sflag:s15], $0x2000  }
0x1c: {  	s12 =	smov.u32 s9;
	[sflag:s15] =	ssyncset.done @!p1 $0x0;
	s9 =	smov.u32 s14  }
0x1d: {  	s11 =	sadd.s32 $0x1, s11;
	[sflag:s15] =	ssyncadd.s32 @!p1 $0xFFFFE000;
	s10 =	smov.u32 s16  }
.LBB1_1:
0x1e: {  	p1 =	sge.u32 s11, s5  }
0x1f: {  	s14 =	sand.u32 @!p1 $0x1FFFFFF, s9  }
0x20: {  	s15 =	smulhi.u32 @!p1 $0x4924925, s14;
	_ =	sdelay $0x1  }
0x21: {  	s15 =	smul.u32 @!p1 $0x38, s15  }
0x22: {  	s16 =	sxor.u32 @!p1 $0xFFFFFFFF, s11;
	s17 =	smul.u32 @!p1 $0x380, s10  }
0x23: {  	s31 =	sadd.s32 $0xFFFFFFFF, s11;
	s16 =	sshll.u32 @!p1 s16, $0xD;
	s14 =	ssub.s32 @!p1 s14, s15  }
0x24: {  	s15 =	sand.u32 @!p1 $0x2000, s16;
	s16 =	sadd.s32 @!p1 s6, s17;
	s14 =	sshll.u32 @!p1 s14, $0x4  }
0x25: {  	s17 =	simm.s32 @!p1 $0x1C00;
	s14 =	sadd.s32 @!p1 s14, s16;
	s16 =	simm.s32 @!p1 $0x40  }
0x26: {  	[tilespmem:s15], [sflag:$0x1] =	stream.strided.gather @!p1 [hbm4b:s14+s16], $0x2000, s17, s16, $0x38;
	[tilespmem:$0x8080] =	vst v63  }
0x27: {  	p1 =	sge.u32 s31, s5  }
.Ltmp2:
0x28: {  	_ = 	snop;
	(pc) =	sbr.rel @p1 .LBB1_5-.Ltmp2, $1  }
0x29: {  	_ =	sdelay $0x3  }
0x2a: {  	s14 =	simm.s32 $0x1  }
0x2b: {  	_ =	swait.ge [sflag:s4], $0x2000;
	s14 =	simm.s32 @!p0 $0x0  }
0x2c: {  	[sflag:s4] =	ssyncset.done $0x0;
	s15 =	sshll.u32 s14, $0xD  }
0x2d: {  	[sflag:s4] =	ssyncadd.s32 $0xFFFFE000;
	s18 =	sor.u32 $0x20, s15  }
0x2e: {  	s14 =	smul.u32 $0x8100, s14;
	v3 =	vld [tilespmem:s18+$0x10]  }
0x2f: {  	s30 =	sand.u32 $0x1, s11;
	v2 =	vld [tilespmem:s18+$0xFFFFFFF0]  }
0x30: {  	s15 =	smul.u32 $0x8100, s30;
	s14 =	sshrl.u32 s14, $0x2;
	v0 =	vld [tilespmem:s18+$0x0]  }
0x31: {  	v1 =	vld [tilespmem:s18+$0xFFFFFFE0];
	s16 =	sor.u32 $0x4000, s14  }
0x32: {  	s31 =	sshrl.u32 s15, $0x2;
	s15 =	sadd.s32 $0x0, s16  }
0x33: {  	s17 =	simm.s32 $0x4;
	s18 =	sadd.s32 $0x40, s18;
	s14 =	sor.u32 $0x4000, s31;
	[tilespmem:s15+$0x1830 ss:$0x81] =	vst.msk $0xffff, v3  }
.LBB1_3:
0x34: {  	v3 =	vld [tilespmem:s18+$0x10];
	p1 =	sne.s32 s17, $0x1FC;
	[tilespmem:s15+$0x810 ss:$0x81] =	vst.msk $0xffff, v2;
	s19 =	smov.u32 s17;
	s17 =	sadd.s32 $0x4, s17  }
.Ltmp3:
0x35: {  	v2 =	vld [tilespmem:s18+$0xFFFFFFF0];
	[tilespmem:s15+$0x1020 ss:$0x81] =	vst.msk $0xffff, v0;
	(pc) =	sbr.rel @p1 .LBB1_3-.Ltmp3, $4  }
0x36: {  	v0 =	vld [tilespmem:s18+$0x0];
	[tilespmem:s15+$0x0 ss:$0x81] =	vst.msk $0xffff, v1  }
0x37: {  	s15 =	sshra.s32 s19, $0x2;
	v1 =	vld [tilespmem:s18+$0xFFFFFFE0]  }
0x38: {  	s15 =	sadd.s32 s15, s16  }
0x39: {  	s18 =	sadd.s32 $0x40, s18;
	[tilespmem:s15+$0x1830 ss:$0x81] =	vst.msk $0xffff, v3  }
.Ltmp4:
0x3a: {  	_ = 	snop;
	(pc) =	sbr.rel .LBB1_4-.Ltmp4, $1  }
0x3b: {  	_ =	sdelay $0x3  }
.LBB1_6:
0x3c: {  	_ =	sfence.sel $0x180000  }
0x3d: {  	s2 =	simm.s32 $0x1;
	[bflag:$0x0] =	sbarrier.arrive $0xFFFF  }
0x3e: {  	s31 =	simm.s32 $0x2;
	[sflag:s2] =	ssyncpa.u1 $0x1  }
0x3f: {  	[sflag:s31] =	ssyncpa.u1 $0x1  }
0x40: {  	p0 =	sne.s32 s0, $0x0;
	_ =	strace $0x9000004A  }
0x41: {  	s0 =	sadd.s32 @!p0 $0x100000, s1;
	[bflag:$0x2] =	sbarrier.arrive $0xFFFF  }
0x42: {  	[sflag:s0] =	ssyncadd.tile.s32 @!p0 $0x1;
	_ =	shalt  }
.Lfunc_end1:
_tile_overlayer_lowered:
.L_overlay_start_2:
0x43: {  	(tag) =	ssettag $0x2  }
0x44: {  	s0 =	rddreg [dreg:$0x0];
	s2 =	stileid.u32  }
0x45: {  	s1 =	rddreg [dreg:$0x1];
	p0 =	sne.s32 s2, $0x0  }
0x46: {  	s3 =	rddreg [dreg:$0x2];
	[bflag:$0x3] =	sbarrier.arrive $0xFFFF;
	s2 =	simm.s32 @!p0 $0x1C01  }
0x47: {  	[timem:s3], [sflag:s2] =	dma.local @!p0 [hbm:s0], s1  }
0x48: {  	s0 =	simm.s32 @!p0 $0x1  }
0x49: {  	_ =	swait.ge @!p0 [sflag:s0], s1  }
0x4a: {  	s1 =	ssub.s32 @!p0 $0x0, s1;
	[sflag:s0] =	ssyncset.done @!p0 $0x0  }
0x4b: {  	[sflag:s0] =	ssyncadd.s32 @!p0 s1  }
0x4c: {  	[bflag:$0x3] =	sbarrier.arrive $0xFFFF  }
0x4d: {  	_ =	shalt  }

</sc_bundles>
